<compile_context>
chip_gen: v7x
topology: tpu7x:2x2x1
jax: 0.10.2.dev20260603
libtpu: 0.0.44.dev20260713+nightly
codegen_flags: <defaults>
</compile_context>

<pallas_src>
import math

import jax
import jax.numpy as jnp
from jax import lax
from jax.experimental import pallas as pl
from jax.experimental.pallas import tpu as pltpu
from jax.experimental.pallas import tpu_sc as plsc

VOCAB = 100000
D_MODEL = 1024
SCALE = math.sqrt(D_MODEL)

NC = 2
NS = 16
NW = NC * NS
LANES = 16

B_TOTAL = 4 * 4096
B_PER_W = B_TOTAL // NW
CH = 32
N_FULL = 15
CH_TAIL = B_PER_W - N_FULL * CH
N_CH = N_FULL + 1
NBUF = 3


W_PER_G = 4096 // B_PER_W


def _emb_kernel(idx_hbm, table_hbm, out_hbm, idx_v, rows0, rows1, rows2,
                gsem0, gsem1, gsem2, ssem0, ssem1, ssem2):
    wid = lax.axis_index("s") * NC + lax.axis_index("c")
    g = wid // W_PER_G
    base = (wid % W_PER_G) * B_PER_W
    rows = (rows0, rows1, rows2)
    gsem = (gsem0, gsem1, gsem2)
    ssem = (ssem0, ssem1, ssem2)

    pltpu.sync_copy(idx_hbm.at[g, pl.ds(base, B_PER_W)], idx_v)

    def buf(b, size):
        return rows[b] if size == CH else rows[b].at[pl.ds(0, size)]

    def gather_desc(b, ci, size=CH):
        return pltpu.make_async_copy(
            table_hbm.at[idx_v.at[pl.ds(ci * CH, size)]], buf(b, size),
            gsem[b],
        )

    def scatter_desc(b, ci, size=CH):
        return pltpu.make_async_copy(
            buf(b, size), out_hbm.at[g, pl.ds(base + ci * CH, size)],
            ssem[b],
        )

    def scale_buf(b, size):
        def scale_row(r, _):
            for j in range(D_MODEL // LANES):
                col = j * LANES
                rows[b][r, pl.ds(col, LANES)] = (
                    rows[b][r, pl.ds(col, LANES)] * SCALE
                )
            return 0

        lax.fori_loop(0, size, scale_row, 0)

    gather_desc(0, 0).start()
    gather_desc(1, 1).start()

    def step(ci_base, k, refill=True, size=CH):
        ci = ci_base + k
        b = k
        gather_desc(b, ci, size).wait()
        scale_buf(b, size)
        scatter_desc(b, ci, size).start()

        if not refill:
            return
        nb = (k + 2) % NBUF

        @pl.when(ci == 0)
        def _():
            gather_desc(nb, ci + 2).start()

        @pl.when(jnp.logical_and(ci >= 1, ci + 2 < N_FULL))
        def _():
            scatter_desc(nb, ci - 1).wait()
            gather_desc(nb, ci + 2).start()

        @pl.when(ci + 2 == N_FULL)
        def _():
            scatter_desc(nb, ci - 1).wait()
            gather_desc(nb, ci + 2, CH_TAIL).start()

    def round_body(r, _):
        for k in range(NBUF):
            step(r * NBUF, k)
        return 0

    lax.fori_loop(0, N_FULL // NBUF, round_body, 0)
    step(N_FULL, 0, refill=False, size=CH_TAIL)

    scatter_desc(1, N_CH - 3).wait()
    scatter_desc(2, N_CH - 2).wait()
    scatter_desc(0, N_CH - 1, CH_TAIL).wait()


@jax.jit
def kernel(input, table):
    idx = input if input.dtype == jnp.int32 else input.astype(jnp.int32)
    mesh = plsc.VectorSubcoreMesh(core_axis_name="c", subcore_axis_name="s")
    return pl.kernel(
        _emb_kernel,
        out_type=jax.ShapeDtypeStruct(input.shape + (D_MODEL,), jnp.float32),
        mesh=mesh,
        scratch_types=(
            [pltpu.VMEM((B_PER_W,), jnp.int32)]
            + [pltpu.VMEM((CH, D_MODEL), jnp.float32)] * NBUF
            + [pltpu.SemaphoreType.DMA] * (2 * NBUF)
        ),
    )(idx, table)

# --- scband reference (transcript-rebuilt; emitter-appended) ---
"""Pipeline reference for scband-input-embeddings-3667902071261 (READ-ONLY COPY).

The authoritative reference and input builder live on the scoring server;
editing this copy changes nothing except your own understanding.
"""

import jax, jax.numpy as jnp
import numpy as np
import math

VOCAB = 100000
D_MODEL = 1024

def setup_inputs(seed: int = 0) -> dict:
    key = jax.random.key(seed)
    k_idx, k_tab = jax.random.split(key)
    input = jax.random.randint(k_idx, (4, 4096), 0, VOCAB, dtype=jnp.int64 if jax.config.jax_enable_x64 else jnp.int32)
    table = jax.random.normal(k_tab, (VOCAB, D_MODEL), dtype=jnp.float32)
    return {"input": input, "table": table}

def reference(input, table):
    # nn.Embedding lookup followed by scaling with sqrt(d_model)
    emb = jnp.take(table, input, axis=0)
    return emb * math.sqrt(D_MODEL)

if __name__ == "__main__":
    import jax
    _d = setup_inputs()
    print(jax.jit(kernel)(*tuple(_d.values())))

</pallas_src>

<mosaic_0001>
#map = affine_map<(d0, d1) -> (0, 0)>
#map1 = affine_map<(d0, d1) -> (0, 0, 0)>
module attributes {stable_mosaic.version = 14 : i64} {
  func.func @_emb_kernel(%arg0: i32, %arg1: i32, %arg2: memref<4x4096xi32, #tpu.memory_space<hbm>>, %arg3: memref<100000x1024xf32, #tpu.memory_space<hbm>>, %arg4: memref<4x4096x1024xf32, #tpu.memory_space<hbm>>, %arg5: memref<512xi32, #tpu.memory_space<vmem>>, %arg6: memref<32x1024xf32, #tpu.memory_space<vmem>>, %arg7: memref<32x1024xf32, #tpu.memory_space<vmem>>, %arg8: memref<32x1024xf32, #tpu.memory_space<vmem>>, %arg9: memref<!tpu.dma_semaphore, #tpu.memory_space<semaphore_mem>>, %arg10: memref<!tpu.dma_semaphore, #tpu.memory_space<semaphore_mem>>, %arg11: memref<!tpu.dma_semaphore, #tpu.memory_space<semaphore_mem>>, %arg12: memref<!tpu.dma_semaphore, #tpu.memory_space<semaphore_mem>>, %arg13: memref<!tpu.dma_semaphore, #tpu.memory_space<semaphore_mem>>, %arg14: memref<!tpu.dma_semaphore, #tpu.memory_space<semaphore_mem>>) attributes {dimension_semantics = [#tpu.dimension_semantics<core_parallel>, #tpu.dimension_semantics<subcore_parallel>], iteration_bounds = array<i64: 2, 16>, scalar_prefetch = 0 : i64, scratch_operands = 10 : i64, tpu.core_type = #tpu.core_type<sc_vector_subcore>, window_params = [{transform_indices = #map}, {transform_indices = #map}, {transform_indices = #map1}]} {
    %mul3A = arith.constant 2 : i32
    %mul3A_0 = arith.muli %arg1, %mul3A : i32
    %add3A = arith.addi %mul3A_0, %arg0 : i32
    %jit3A = arith.constant 8 : i32
    %div3A = arith.divsi %add3A, %jit3A : i32
    %sign3A = arith.constant 0 : i32
    %sign3A_1 = arith.cmpi sgt, %add3A, %sign3A : i32
    %sign3A_2 = arith.extui %sign3A_1 : i1 to i32
    %sign3A_3 = arith.constant 0 : i32
    %sign3A_4 = arith.cmpi slt, %add3A, %sign3A_3 : i32
    %sign3A_5 = arith.extui %sign3A_4 : i1 to i32
    %sign3A_6 = arith.subi %sign3A_2, %sign3A_5 : i32
    %sign3A_7 = arith.constant 0 : i32
    %sign3A_8 = arith.cmpi sgt, %jit3A, %sign3A_7 : i32
    %sign3A_9 = arith.extui %sign3A_8 : i1 to i32
    %sign3A_10 = arith.constant 0 : i32
    %sign3A_11 = arith.cmpi slt, %jit3A, %sign3A_10 : i32
    %sign3A_12 = arith.extui %sign3A_11 : i1 to i32
    %sign3A_13 = arith.subi %sign3A_9, %sign3A_12 : i32
    %ne3A = arith.cmpi ne, %sign3A_6, %sign3A_13 : i32
    %rem3A = arith.remsi %add3A, %jit3A : i32
    %ne3A_14 = arith.constant 0 : i32
    %ne3A_15 = arith.cmpi ne, %rem3A, %ne3A_14 : i32
    %and3A = arith.andi %ne3A, %ne3A_15 : i1
    %sub3A = arith.constant 1 : i32
    %sub3A_16 = arith.subi %div3A, %sub3A : i32
    %select_n3A = arith.select %and3A, %sub3A_16, %div3A : i32
    %jit3A_17 = arith.constant 8 : i32
    %eq3A = arith.constant 0 : i32
    %eq3A_18 = arith.cmpi eq, %jit3A_17, %eq3A : i32
    %jit3A_19 = arith.constant 1 : i32
    %select_n3A_20 = arith.select %eq3A_18, %jit3A_19, %jit3A_17 : i32
    %rem3A_21 = arith.remsi %add3A, %select_n3A_20 : i32
    %ne3A_22 = arith.constant 0 : i32
    %ne3A_23 = arith.cmpi ne, %rem3A_21, %ne3A_22 : i32
    %lt3A = arith.constant 0 : i32
    %lt3A_24 = arith.cmpi slt, %rem3A_21, %lt3A : i32
    %lt3A_25 = arith.constant 0 : i32
    %lt3A_26 = arith.cmpi slt, %select_n3A_20, %lt3A_25 : i32
    %ne3A_27 = arith.xori %lt3A_24, %lt3A_26 : i1
    %and3A_28 = arith.andi %ne3A_27, %ne3A_23 : i1
    %add3A_29 = arith.addi %rem3A_21, %select_n3A_20 : i32
    %select_n3A_30 = arith.select %and3A_28, %add3A_29, %rem3A_21 : i32
    %mul3A_31 = arith.constant 512 : i32
    %mul3A_32 = arith.muli %select_n3A_30, %mul3A_31 : i32
    "tpu.region"() ({
      %run_scoped3A = tpu.sem_alloc : memref<!tpu.dma_semaphore, #tpu.memory_space<semaphore_mem>>
      %dma_start3A_91 = tpu.memref_slice %arg2[%select_n3A, %mul3A_32] : memref<4x4096xi32, #tpu.memory_space<hbm>> -> memref<1x512xi32, #tpu.memory_space<hbm>>
      %dma_start3A_92 = tpu.memref_squeeze %dma_start3A_91 : memref<1x512xi32, #tpu.memory_space<hbm>> -> memref<512xi32, #tpu.memory_space<hbm>>
      %dma_start3A_93 = tpu.memref_slice %arg2[%select_n3A, %mul3A_32] : memref<4x4096xi32, #tpu.memory_space<hbm>> -> memref<1x512xi32, #tpu.memory_space<hbm>>
      %dma_start3A_94 = tpu.memref_squeeze %dma_start3A_93 : memref<1x512xi32, #tpu.memory_space<hbm>> -> memref<512xi32, #tpu.memory_space<hbm>>
      tpu.enqueue_dma source(%dma_start3A_94 : memref<512xi32, #tpu.memory_space<hbm>>) target(%arg5 : memref<512xi32, #tpu.memory_space<vmem>>) target_semaphore(%run_scoped3A : memref<!tpu.dma_semaphore, #tpu.memory_space<semaphore_mem>>)
      %dma_wait3A_95 = tpu.memref_slice %arg2[%select_n3A, %mul3A_32] : memref<4x4096xi32, #tpu.memory_space<hbm>> -> memref<1x512xi32, #tpu.memory_space<hbm>>
      %dma_wait3A_96 = tpu.memref_squeeze %dma_wait3A_95 : memref<1x512xi32, #tpu.memory_space<hbm>> -> memref<512xi32, #tpu.memory_space<hbm>>
      %dma_wait3A_97 = tpu.memref_slice %arg2[%select_n3A, %mul3A_32] : memref<4x4096xi32, #tpu.memory_space<hbm>> -> memref<1x512xi32, #tpu.memory_space<hbm>>
      %dma_wait3A_98 = tpu.memref_squeeze %dma_wait3A_97 : memref<1x512xi32, #tpu.memory_space<hbm>> -> memref<512xi32, #tpu.memory_space<hbm>>
      tpu.wait_dma2 semaphore(%run_scoped3A : memref<!tpu.dma_semaphore, #tpu.memory_space<semaphore_mem>>) src(%dma_wait3A_98 : memref<512xi32, #tpu.memory_space<hbm>>) dst(%arg5 : memref<512xi32, #tpu.memory_space<vmem>>)
      tpu.yield
    }) : () -> ()
    %dma_start3A = arith.constant 0 : i32
    %dma_start3A_33 = tpu.memref_slice %arg5[%dma_start3A] : memref<512xi32, #tpu.memory_space<vmem>> -> memref<32xi32, #tpu.memory_space<vmem>>
    %dma_start3A_34 = arith.constant 0 : i32
    %dma_start3A_35 = arith.constant 0 : i32
    %dma_start3A_36 = tpu.memref_slice %arg3[%dma_start3A_34, %dma_start3A_35] : memref<100000x1024xf32, #tpu.memory_space<hbm>> -> memref<100000x1024xf32, #tpu.memory_space<hbm>>
    tpu.enqueue_indirect_dma source(%dma_start3A_36 : memref<100000x1024xf32, #tpu.memory_space<hbm>>) target(%arg6 : memref<32x1024xf32, #tpu.memory_space<vmem>>) offsets(%dma_start3A_33 : memref<32xi32, #tpu.memory_space<vmem>>) semaphore(%arg9 : memref<!tpu.dma_semaphore, #tpu.memory_space<semaphore_mem>>)
    %dma_start3A_37 = arith.constant 32 : i32
    %dma_start3A_38 = tpu.memref_slice %arg5[%dma_start3A_37] : memref<512xi32, #tpu.memory_space<vmem>> -> memref<32xi32, #tpu.memory_space<vmem>>
    %dma_start3A_39 = arith.constant 0 : i32
    %dma_start3A_40 = arith.constant 0 : i32
    %dma_start3A_41 = tpu.memref_slice %arg3[%dma_start3A_39, %dma_start3A_40] : memref<100000x1024xf32, #tpu.memory_space<hbm>> -> memref<100000x1024xf32, #tpu.memory_space<hbm>>
    tpu.enqueue_indirect_dma source(%dma_start3A_41 : memref<100000x1024xf32, #tpu.memory_space<hbm>>) target(%arg7 : memref<32x1024xf32, #tpu.memory_space<vmem>>) offsets(%dma_start3A_38 : memref<32xi32, #tpu.memory_space<vmem>>) semaphore(%arg10 : memref<!tpu.dma_semaphore, #tpu.memory_space<semaphore_mem>>)
    %scan3A = arith.constant 0 : i32
    %scan3A_42 = arith.constant 0 : i32
    %scan3A_43 = arith.constant 5 : i32
    %scan3A_44 = arith.addi %scan3A_42, %scan3A_43 : i32
    %scan3A_45 = arith.constant 1 : i32
    %scan3A_46 = scf.for %scan3A_91 = %scan3A_42 to %scan3A_44 step %scan3A_45 iter_args(%scan3A_92 = %scan3A) -> (i32)  : i32 {
      %mul3A_93 = arith.constant 3 : i32
      %mul3A_94 = arith.muli %scan3A_91, %mul3A_93 : i32
      %add3A_95 = arith.constant 0 : i32
      %add3A_96 = arith.addi %mul3A_94, %add3A_95 : i32
      %mul3A_97 = arith.constant 32 : i32
      %mul3A_98 = arith.muli %add3A_96, %mul3A_97 : i32
      %dma_wait3A_99 = tpu.memref_slice %arg5[%mul3A_98] : memref<512xi32, #tpu.memory_space<vmem>> -> memref<32xi32, #tpu.memory_space<vmem>>
      %dma_wait3A_100 = arith.constant 0 : i32
      %dma_wait3A_101 = arith.constant 0 : i32
      %dma_wait3A_102 = tpu.memref_slice %arg3[%dma_wait3A_100, %dma_wait3A_101] : memref<100000x1024xf32, #tpu.memory_space<hbm>> -> memref<100000x1024xf32, #tpu.memory_space<hbm>>
      tpu.wait_indirect_dma semaphore(%arg9 : memref<!tpu.dma_semaphore, #tpu.memory_space<semaphore_mem>>) src(%dma_wait3A_102 : memref<100000x1024xf32, #tpu.memory_space<hbm>>) dst(%arg6 : memref<32x1024xf32, #tpu.memory_space<vmem>>)
      %scan3A_103 = arith.constant 0 : i32
      %scan3A_104 = arith.constant 0 : i32
      %scan3A_105 = arith.constant 32 : i32
      %scan3A_106 = arith.addi %scan3A_104, %scan3A_105 : i32
      %scan3A_107 = arith.constant 1 : i32
      %scan3A_108 = scf.for %scan3A_235 = %scan3A_104 to %scan3A_106 step %scan3A_107 iter_args(%scan3A_236 = %scan3A_103) -> (i32)  : i32 {
        %get3A = arith.index_cast %scan3A_235 : i32 to index
        %get3A_237 = arith.constant 0 : index
        %get3A_238 = tpu.vector_load %arg6[%get3A, %get3A_237] {strides = array<i32>} : memref<32x1024xf32, #tpu.memory_space<vmem>>, vector<1x16xf32>,
        %get3A_239 = vector.shape_cast %get3A_238 : vector<1x16xf32> to vector<16xf32>
        %mul3A_240 = arith.constant 3.200000e+01 : f32
        %mul3A_241 = vector.broadcast %mul3A_240 : f32 to vector<16xf32>
        %mul3A_242 = arith.mulf %get3A_239, %mul3A_241 : vector<16xf32>
        %swap3A = arith.index_cast %scan3A_235 : i32 to index
        %swap3A_243 = arith.constant 0 : index
        %swap3A_244 = tpu.vector_load %arg6[%swap3A, %swap3A_243] {strides = array<i32>} : memref<32x1024xf32, #tpu.memory_space<vmem>>, vector<1x16xf32>,
        %swap3A_245 = vector.shape_cast %swap3A_244 : vector<1x16xf32> to vector<16xf32>
        %swap3A_246 = vector.shape_cast %mul3A_242 : vector<16xf32> to vector<1x16xf32>
        tpu.vector_store %arg6[%swap3A, %swap3A_243], %swap3A_246 {strides = array<i32>} : memref<32x1024xf32, #tpu.memory_space<vmem>>, vector<1x16xf32>,
        %get3A_247 = arith.index_cast %scan3A_235 : i32 to index
        %get3A_248 = arith.constant 16 : index
        %get3A_249 = tpu.vector_load %arg6[%get3A_247, %get3A_248] {strides = array<i32>} : memref<32x1024xf32, #tpu.memory_space<vmem>>, vector<1x16xf32>,
        %get3A_250 = vector.shape_cast %get3A_249 : vector<1x16xf32> to vector<16xf32>
        %mul3A_251 = arith.constant 3.200000e+01 : f32
        %mul3A_252 = vector.broadcast %mul3A_251 : f32 to vector<16xf32>
        %mul3A_253 = arith.mulf %get3A_250, %mul3A_252 : vector<16xf32>
        %swap3A_254 = arith.index_cast %scan3A_235 : i32 to index
        %swap3A_255 = arith.constant 16 : index
        %swap3A_256 = tpu.vector_load %arg6[%swap3A_254, %swap3A_255] {strides = array<i32>} : memref<32x1024xf32, #tpu.memory_space<vmem>>, vector<1x16xf32>,
        %swap3A_257 = vector.shape_cast %swap3A_256 : vector<1x16xf32> to vector<16xf32>
        %swap3A_258 = vector.shape_cast %mul3A_253 : vector<16xf32> to vector<1x16xf32>
        tpu.vector_store %arg6[%swap3A_254, %swap3A_255], %swap3A_258 {strides = array<i32>} : memref<32x1024xf32, #tpu.memory_space<vmem>>, vector<1x16xf32>,
        %get3A_259 = arith.index_cast %scan3A_235 : i32 to index
        %get3A_260 = arith.constant 32 : index
        %get3A_261 = tpu.vector_load %arg6[%get3A_259, %get3A_260] {strides = array<i32>} : memref<32x1024xf32, #tpu.memory_space<vmem>>, vector<1x16xf32>,
        %get3A_262 = vector.shape_cast %get3A_261 : vector<1x16xf32> to vector<16xf32>
        %mul3A_263 = arith.constant 3.200000e+01 : f32
        %mul3A_264 = vector.broadcast %mul3A_263 : f32 to vector<16xf32>
        %mul3A_265 = arith.mulf %get3A_262, %mul3A_264 : vector<16xf32>
        %swap3A_266 = arith.index_cast %scan3A_235 : i32 to index
        %swap3A_267 = arith.constant 32 : index
        %swap3A_268 = tpu.vector_load %arg6[%swap3A_266, %swap3A_267] {strides = array<i32>} : memref<32x1024xf32, #tpu.memory_space<vmem>>, vector<1x16xf32>,
        %swap3A_269 = vector.shape_cast %swap3A_268 : vector<1x16xf32> to vector<16xf32>
        %swap3A_270 = vector.shape_cast %mul3A_265 : vector<16xf32> to vector<1x16xf32>
        tpu.vector_store %arg6[%swap3A_266, %swap3A_267], %swap3A_270 {strides = array<i32>} : memref<32x1024xf32, #tpu.memory_space<vmem>>, vector<1x16xf32>,
        %get3A_271 = arith.index_cast %scan3A_235 : i32 to index
        %get3A_272 = arith.constant 48 : index
        %get3A_273 = tpu.vector_load %arg6[%get3A_271, %get3A_272] {strides = array<i32>} : memref<32x1024xf32, #tpu.memory_space<vmem>>, vector<1x16xf32>,
        %get3A_274 = vector.shape_cast %get3A_273 : vector<1x16xf32> to vector<16xf32>
        %mul3A_275 = arith.constant 3.200000e+01 : f32
        %mul3A_276 = vector.broadcast %mul3A_275 : f32 to vector<16xf32>
        %mul3A_277 = arith.mulf %get3A_274, %mul3A_276 : vector<16xf32>
        %swap3A_278 = arith.index_cast %scan3A_235 : i32 to index
        %swap3A_279 = arith.constant 48 : index
        %swap3A_280 = tpu.vector_load %arg6[%swap3A_278, %swap3A_279] {strides = array<i32>} : memref<32x1024xf32, #tpu.memory_space<vmem>>, vector<1x16xf32>,
        %swap3A_281 = vector.shape_cast %swap3A_280 : vector<1x16xf32> to vector<16xf32>
        %swap3A_282 = vector.shape_cast %mul3A_277 : vector<16xf32> to vector<1x16xf32>
        tpu.vector_store %arg6[%swap3A_278, %swap3A_279], %swap3A_282 {strides = array<i32>} : memref<32x1024xf32, #tpu.memory_space<vmem>>, vector<1x16xf32>,
        %get3A_283 = arith.index_cast %scan3A_235 : i32 to index
        %get3A_284 = arith.constant 64 : index
        %get3A_285 = tpu.vector_load %arg6[%get3A_283, %get3A_284] {strides = array<i32>} : memref<32x1024xf32, #tpu.memory_space<vmem>>, vector<1x16xf32>,
        %get3A_286 = vector.shape_cast %get3A_285 : vector<1x16xf32> to vector<16xf32>
        %mul3A_287 = arith.constant 3.200000e+01 : f32
        %mul3A_288 = vector.broadcast %mul3A_287 : f32 to vector<16xf32>
        %mul3A_289 = arith.mulf %get3A_286, %mul3A_288 : vector<16xf32>
        %swap3A_290 = arith.index_cast %scan3A_235 : i32 to index
        %swap3A_291 = arith.constant 64 : index
        %swap3A_292 = tpu.vector_load %arg6[%swap3A_290, %swap3A_291] {strides = array<i32>} : memref<32x1024xf32, #tpu.memory_space<vmem>>, vector<1x16xf32>,
        %swap3A_293 = vector.shape_cast %swap3A_292 : vector<1x16xf32> to vector<16xf32>
        %swap3A_294 = vector.shape_cast %mul3A_289 : vector<16xf32> to vector<1x16xf32>
        tpu.vector_store %arg6[%swap3A_290, %swap3A_291], %swap3A_294 {strides = array<i32>} : memref<32x1024xf32, #tpu.memory_space<vmem>>, vector<1x16xf32>,
        %get3A_295 = arith.index_cast %scan3A_235 : i32 to index
        %get3A_296 = arith.constant 80 : index
        %get3A_297 = tpu.vector_load %arg6[%get3A_295, %get3A_296] {strides = array<i32>} : memref<32x1024xf32, #tpu.memory_space<vmem>>, vector<1x16xf32>,
        %get3A_298 = vector.shape_cast %get3A_297 : vector<1x16xf32> to vector<16xf32>
        %mul3A_299 = arith.constant 3.200000e+01 : f32
        %mul3A_300 = vector.broadcast %mul3A_299 : f32 to vector<16xf32>
        %mul3A_301 = arith.mulf %get3A_298, %mul3A_300 : vector<16xf32>
        %swap3A_302 = arith.index_cast %scan3A_235 : i32 to index
        %swap3A_303 = arith.constant 80 : index
        %swap3A_304 = tpu.vector_load %arg6[%swap3A_302, %swap3A_303] {strides = array<i32>} : memref<32x1024xf32, #tpu.memory_space<vmem>>, vector<1x16xf32>,
        %swap3A_305 = vector.shape_cast %swap3A_304 : vector<1x16xf32> to vector<16xf32>
        %swap3A_306 = vector.shape_cast %mul3A_301 : vector<16xf32> to vector<1x16xf32>
        tpu.vector_store %arg6[%swap3A_302, %swap3A_303], %swap3A_306 {strides = array<i32>} : memref<32x1024xf32, #tpu.memory_space<vmem>>, vector<1x16xf32>,
        %get3A_307 = arith.index_cast %scan3A_235 : i32 to index
        %get3A_308 = arith.constant 96 : index
        %get3A_309 = tpu.vector_load %arg6[%get3A_307, %get3A_308] {strides = array<i32>} : memref<32x1024xf32, #tpu.memory_space<vmem>>, vector<1x16xf32>,
        %get3A_310 = vector.shape_cast %get3A_309 : vector<1x16xf32> to vector<16xf32>
        %mul3A_311 = arith.constant 3.200000e+01 : f32
        %mul3A_312 = vector.broadcast %mul3A_311 : f32 to vector<16xf32>
        %mul3A_313 = arith.mulf %get3A_310, %mul3A_312 : vector<16xf32>
        %swap3A_314 = arith.index_cast %scan3A_235 : i32 to index
        %swap3A_315 = arith.constant 96 : index
        %swap3A_316 = tpu.vector_load %arg6[%swap3A_314, %swap3A_315] {strides = array<i32>} : memref<32x1024xf32, #tpu.memory_space<vmem>>, vector<1x16xf32>,
        %swap3A_317 = vector.shape_cast %swap3A_316 : vector<1x16xf32> to vector<16xf32>
        %swap3A_318 = vector.shape_cast %mul3A_313 : vector<16xf32> to vector<1x16xf32>
        tpu.vector_store %arg6[%swap3A_314, %swap3A_315], %swap3A_318 {strides = array<i32>} : memref<32x1024xf32, #tpu.memory_space<vmem>>, vector<1x16xf32>,
        %get3A_319 = arith.index_cast %scan3A_235 : i32 to index
        %get3A_320 = arith.constant 112 : index
        %get3A_321 = tpu.vector_load %arg6[%get3A_319, %get3A_320] {strides = array<i32>} : memref<32x1024xf32, #tpu.memory_space<vmem>>, vector<1x16xf32>,
        %get3A_322 = vector.shape_cast %get3A_321 : vector<1x16xf32> to vector<16xf32>
        %mul3A_323 = arith.constant 3.200000e+01 : f32
        %mul3A_324 = vector.broadcast %mul3A_323 : f32 to vector<16xf32>
        %mul3A_325 = arith.mulf %get3A_322, %mul3A_324 : vector<16xf32>
        %swap3A_326 = arith.index_cast %scan3A_235 : i32 to index
        %swap3A_327 = arith.constant 112 : index
        %swap3A_328 = tpu.vector_load %arg6[%swap3A_326, %swap3A_327] {strides = array<i32>} : memref<32x1024xf32, #tpu.memory_space<vmem>>, vector<1x16xf32>,
        %swap3A_329 = vector.shape_cast %swap3A_328 : vector<1x16xf32> to vector<16xf32>
        %swap3A_330 = vector.shape_cast %mul3A_325 : vector<16xf32> to vector<1x16xf32>
        tpu.vector_store %arg6[%swap3A_326, %swap3A_327], %swap3A_330 {strides = array<i32>} : memref<32x1024xf32, #tpu.memory_space<vmem>>, vector<1x16xf32>,
        %get3A_331 = arith.index_cast %scan3A_235 : i32 to index
        %get3A_332 = arith.constant 128 : index
        %get3A_333 = tpu.vector_load %arg6[%get3A_331, %get3A_332] {strides = array<i32>} : memref<32x1024xf32, #tpu.memory_space<vmem>>, vector<1x16xf32>,
        %get3A_334 = vector.shape_cast %get3A_333 : vector<1x16xf32> to vector<16xf32>
        %mul3A_335 = arith.constant 3.200000e+01 : f32
        %mul3A_336 = vector.broadcast %mul3A_335 : f32 to vector<16xf32>
        %mul3A_337 = arith.mulf %get3A_334, %mul3A_336 : vector<16xf32>
        %swap3A_338 = arith.index_cast %scan3A_235 : i32 to index
        %swap3A_339 = arith.constant 128 : index
        %swap3A_340 = tpu.vector_load %arg6[%swap3A_338, %swap3A_339] {strides = array<i32>} : memref<32x1024xf32, #tpu.memory_space<vmem>>, vector<1x16xf32>,
        %swap3A_341 = vector.shape_cast %swap3A_340 : vector<1x16xf32> to vector<16xf32>
        %swap3A_342 = vector.shape_cast %mul3A_337 : vector<16xf32> to vector<1x16xf32>
        tpu.vector_store %arg6[%swap3A_338, %swap3A_339], %swap3A_342 {strides = array<i32>} : memref<32x1024xf32, #tpu.memory_space<vmem>>, vector<1x16xf32>,
        %get3A_343 = arith.index_cast %scan3A_235 : i32 to index
        %get3A_344 = arith.constant 144 : index
        %get3A_345 = tpu.vector_load %arg6[%get3A_343, %get3A_344] {strides = array<i32>} : memref<32x1024xf32, #tpu.memory_space<vmem>>, vector<1x16xf32>,
        %get3A_346 = vector.shape_cast %get3A_345 : vector<1x16xf32> to vector<16xf32>
        %mul3A_347 = arith.constant 3.200000e+01 : f32
        %mul3A_348 = vector.broadcast %mul3A_347 : f32 to vector<16xf32>
        %mul3A_349 = arith.mulf %get3A_346, %mul3A_348 : vector<16xf32>
        %swap3A_350 = arith.index_cast %scan3A_235 : i32 to index
        %swap3A_351 = arith.constant 144 : index
        %swap3A_352 = tpu.vector_load %arg6[%swap3A_350, %swap3A_351] {strides = array<i32>} : memref<32x1024xf32, #tpu.memory_space<vmem>>, vector<1x16xf32>,
        %swap3A_353 = vector.shape_cast %swap3A_352 : vector<1x16xf32> to vector<16xf32>
        %swap3A_354 = vector.shape_cast %mul3A_349 : vector<16xf32> to vector<1x16xf32>
        tpu.vector_store %arg6[%swap3A_350, %swap3A_351], %swap3A_354 {strides = array<i32>} : memref<32x1024xf32, #tpu.memory_space<vmem>>, vector<1x16xf32>,
        %get3A_355 = arith.index_cast %scan3A_235 : i32 to index
        %get3A_356 = arith.constant 160 : index
        %get3A_357 = tpu.vector_load %arg6[%get3A_355, %get3A_356] {strides = array<i32>} : memref<32x1024xf32, #tpu.memory_space<vmem>>, vector<1x16xf32>,
        %get3A_358 = vector.shape_cast %get3A_357 : vector<1x16xf32> to vector<16xf32>
        %mul3A_359 = arith.constant 3.200000e+01 : f32
        %mul3A_360 = vector.broadcast %mul3A_359 : f32 to vector<16xf32>
        %mul3A_361 = arith.mulf %get3A_358, %mul3A_360 : vector<16xf32>
        %swap3A_362 = arith.index_cast %scan3A_235 : i32 to index
        %swap3A_363 = arith.constant 160 : index
        %swap3A_364 = tpu.vector_load %arg6[%swap3A_362, %swap3A_363] {strides = array<i32>} : memref<32x1024xf32, #tpu.memory_space<vmem>>, vector<1x16xf32>,
        %swap3A_365 = vector.shape_cast %swap3A_364 : vector<1x16xf32> to vector<16xf32>
        %swap3A_366 = vector.shape_cast %mul3A_361 : vector<16xf32> to vector<1x16xf32>
        tpu.vector_store %arg6[%swap3A_362, %swap3A_363], %swap3A_366 {strides = array<i32>} : memref<32x1024xf32, #tpu.memory_space<vmem>>, vector<1x16xf32>,
        %get3A_367 = arith.index_cast %scan3A_235 : i32 to index
        %get3A_368 = arith.constant 176 : index
        %get3A_369 = tpu.vector_load %arg6[%get3A_367, %get3A_368] {strides = array<i32>} : memref<32x1024xf32, #tpu.memory_space<vmem>>, vector<1x16xf32>,
        %get3A_370 = vector.shape_cast %get3A_369 : vector<1x16xf32> to vector<16xf32>
        %mul3A_371 = arith.constant 3.200000e+01 : f32
        %mul3A_372 = vector.broadcast %mul3A_371 : f32 to vector<16xf32>
        %mul3A_373 = arith.mulf %get3A_370, %mul3A_372 : vector<16xf32>
        %swap3A_374 = arith.index_cast %scan3A_235 : i32 to index
        %swap3A_375 = arith.constant 176 : index
        %swap3A_376 = tpu.vector_load %arg6[%swap3A_374, %swap3A_375] {strides = array<i32>} : memref<32x1024xf32, #tpu.memory_space<vmem>>, vector<1x16xf32>,
        %swap3A_377 = vector.shape_cast %swap3A_376 : vector<1x16xf32> to vector<16xf32>
        %swap3A_378 = vector.shape_cast %mul3A_373 : vector<16xf32> to vector<1x16xf32>
        tpu.vector_store %arg6[%swap3A_374, %swap3A_375], %swap3A_378 {strides = array<i32>} : memref<32x1024xf32, #tpu.memory_space<vmem>>, vector<1x16xf32>,
        %get3A_379 = arith.index_cast %scan3A_235 : i32 to index
        %get3A_380 = arith.constant 192 : index
        %get3A_381 = tpu.vector_load %arg6[%get3A_379, %get3A_380] {strides = array<i32>} : memref<32x1024xf32, #tpu.memory_space<vmem>>, vector<1x16xf32>,
        %get3A_382 = vector.shape_cast %get3A_381 : vector<1x16xf32> to vector<16xf32>
        %mul3A_383 = arith.constant 3.200000e+01 : f32
        %mul3A_384 = vector.broadcast %mul3A_383 : f32 to vector<16xf32>
        %mul3A_385 = arith.mulf %get3A_382, %mul3A_384 : vector<16xf32>
        %swap3A_386 = arith.index_cast %scan3A_235 : i32 to index
        %swap3A_387 = arith.constant 192 : index
        %swap3A_388 = tpu.vector_load %arg6[%swap3A_386, %swap3A_387] {strides = array<i32>} : memref<32x1024xf32, #tpu.memory_space<vmem>>, vector<1x16xf32>,
        %swap3A_389 = vector.shape_cast %swap3A_388 : vector<1x16xf32> to vector<16xf32>
        %swap3A_390 = vector.shape_cast %mul3A_385 : vector<16xf32> to vector<1x16xf32>
        tpu.vector_store %arg6[%swap3A_386, %swap3A_387], %swap3A_390 {strides = array<i32>} : memref<32x1024xf32, #tpu.memory_space<vmem>>, vector<1x16xf32>,
        %get3A_391 = arith.index_cast %scan3A_235 : i32 to index
        %get3A_392 = arith.constant 208 : index
        %get3A_393 = tpu.vector_load %arg6[%get3A_391, %get3A_392] {strides = array<i32>} : memref<32x1024xf32, #tpu.memory_space<vmem>>, vector<1x16xf32>,
        %get3A_394 = vector.shape_cast %get3A_393 : vector<1x16xf32> to vector<16xf32>
        %mul3A_395 = arith.constant 3.200000e+01 : f32
        %mul3A_396 = vector.broadcast %mul3A_395 : f32 to vector<16xf32>
        %mul3A_397 = arith.mulf %get3A_394, %mul3A_396 : vector<16xf32>
        %swap3A_398 = arith.index_cast %scan3A_235 : i32 to index
        %swap3A_399 = arith.constant 208 : index
        %swap3A_400 = tpu.vector_load %arg6[%swap3A_398, %swap3A_399] {strides = array<i32>} : memref<32x1024xf32, #tpu.memory_space<vmem>>, vector<1x16xf32>,
        %swap3A_401 = vector.shape_cast %swap3A_400 : vector<1x16xf32> to vector<16xf32>
        %swap3A_402 = vector.shape_cast %mul3A_397 : vector<16xf32> to vector<1x16xf32>
        tpu.vector_store %arg6[%swap3A_398, %swap3A_399], %swap3A_402 {strides = array<i32>} : memref<32x1024xf32, #tpu.memory_space<vmem>>, vector<1x16xf32>,
        %get3A_403 = arith.index_cast %scan3A_235 : i32 to index
        %get3A_404 = arith.constant 224 : index
        %get3A_405 = tpu.vector_load %arg6[%get3A_403, %get3A_404] {strides = array<i32>} : memref<32x1024xf32, #tpu.memory_space<vmem>>, vector<1x16xf32>,
        %get3A_406 = vector.shape_cast %get3A_405 : vector<1x16xf32> to vector<16xf32>
        %mul3A_407 = arith.constant 3.200000e+01 : f32
        %mul3A_408 = vector.broadcast %mul3A_407 : f32 to vector<16xf32>
        %mul3A_409 = arith.mulf %get3A_406, %mul3A_408 : vector<16xf32>
        %swap3A_410 = arith.index_cast %scan3A_235 : i32 to index
        %swap3A_411 = arith.constant 224 : index
        %swap3A_412 = tpu.vector_load %arg6[%swap3A_410, %swap3A_411] {strides = array<i32>} : memref<32x1024xf32, #tpu.memory_space<vmem>>, vector<1x16xf32>,
        %swap3A_413 = vector.shape_cast %swap3A_412 : vector<1x16xf32> to vector<16xf32>
        %swap3A_414 = vector.shape_cast %mul3A_409 : vector<16xf32> to vector<1x16xf32>
        tpu.vector_store %arg6[%swap3A_410, %swap3A_411], %swap3A_414 {strides = array<i32>} : memref<32x1024xf32, #tpu.memory_space<vmem>>, vector<1x16xf32>,
        %get3A_415 = arith.index_cast %scan3A_235 : i32 to index
        %get3A_416 = arith.constant 240 : index
        %get3A_417 = tpu.vector_load %arg6[%get3A_415, %get3A_416] {strides = array<i32>} : memref<32x1024xf32, #tpu.memory_space<vmem>>, vector<1x16xf32>,
        %get3A_418 = vector.shape_cast %get3A_417 : vector<1x16xf32> to vector<16xf32>
        %mul3A_419 = arith.constant 3.200000e+01 : f32
        %mul3A_420 = vector.broadcast %mul3A_419 : f32 to vector<16xf32>
        %mul3A_421 = arith.mulf %get3A_418, %mul3A_420 : vector<16xf32>
        %swap3A_422 = arith.index_cast %scan3A_235 : i32 to index
        %swap3A_423 = arith.constant 240 : index
        %swap3A_424 = tpu.vector_load %arg6[%swap3A_422, %swap3A_423] {strides = array<i32>} : memref<32x1024xf32, #tpu.memory_space<vmem>>, vector<1x16xf32>,
        %swap3A_425 = vector.shape_cast %swap3A_424 : vector<1x16xf32> to vector<16xf32>
        %swap3A_426 = vector.shape_cast %mul3A_421 : vector<16xf32> to vector<1x16xf32>
        tpu.vector_store %arg6[%swap3A_422, %swap3A_423], %swap3A_426 {strides = array<i32>} : memref<32x1024xf32, #tpu.memory_space<vmem>>, vector<1x16xf32>,
        %get3A_427 = arith.index_cast %scan3A_235 : i32 to index
        %get3A_428 = arith.constant 256 : index
        %get3A_429 = tpu.vector_load %arg6[%get3A_427, %get3A_428] {strides = array<i32>} : memref<32x1024xf32, #tpu.memory_space<vmem>>, vector<1x16xf32>,
        %get3A_430 = vector.shape_cast %get3A_429 : vector<1x16xf32> to vector<16xf32>
        %mul3A_431 = arith.constant 3.200000e+01 : f32
        %mul3A_432 = vector.broadcast %mul3A_431 : f32 to vector<16xf32>
        %mul3A_433 = arith.mulf %get3A_430, %mul3A_432 : vector<16xf32>
        %swap3A_434 = arith.index_cast %scan3A_235 : i32 to index
        %swap3A_435 = arith.constant 256 : index
        %swap3A_436 = tpu.vector_load %arg6[%swap3A_434, %swap3A_435] {strides = array<i32>} : memref<32x1024xf32, #tpu.memory_space<vmem>>, vector<1x16xf32>,
        %swap3A_437 = vector.shape_cast %swap3A_436 : vector<1x16xf32> to vector<16xf32>
        %swap3A_438 = vector.shape_cast %mul3A_433 : vector<16xf32> to vector<1x16xf32>
        tpu.vector_store %arg6[%swap3A_434, %swap3A_435], %swap3A_438 {strides = array<i32>} : memref<32x1024xf32, #tpu.memory_space<vmem>>, vector<1x16xf32>,
        %get3A_439 = arith.index_cast %scan3A_235 : i32 to index
        %get3A_440 = arith.constant 272 : index
        %get3A_441 = tpu.vector_load %arg6[%get3A_439, %get3A_440] {strides = array<i32>} : memref<32x1024xf32, #tpu.memory_space<vmem>>, vector<1x16xf32>,
        %get3A_442 = vector.shape_cast %get3A_441 : vector<1x16xf32> to vector<16xf32>
        %mul3A_443 = arith.constant 3.200000e+01 : f32
        %mul3A_444 = vector.broadcast %mul3A_443 : f32 to vector<16xf32>
        %mul3A_445 = arith.mulf %get3A_442, %mul3A_444 : vector<16xf32>
        %swap3A_446 = arith.index_cast %scan3A_235 : i32 to index
        %swap3A_447 = arith.constant 272 : index
        %swap3A_448 = tpu.vector_load %arg6[%swap3A_446, %swap3A_447] {strides = array<i32>} : memref<32x1024xf32, #tpu.memory_space<vmem>>, vector<1x16xf32>,
        %swap3A_449 = vector.shape_cast %swap3A_448 : vector<1x16xf32> to vector<16xf32>
        %swap3A_450 = vector.shape_cast %mul3A_445 : vector<16xf32> to vector<1x16xf32>
        tpu.vector_store %arg6[%swap3A_446, %swap3A_447], %swap3A_450 {strides = array<i32>} : memref<32x1024xf32, #tpu.memory_space<vmem>>, vector<1x16xf32>,
        %get3A_451 = arith.index_cast %scan3A_235 : i32 to index
        %get3A_452 = arith.constant 288 : index
        %get3A_453 = tpu.vector_load %arg6[%get3A_451, %get3A_452] {strides = array<i32>} : memref<32x1024xf32, #tpu.memory_space<vmem>>, vector<1x16xf32>,
        %get3A_454 = vector.shape_cast %get3A_453 : vector<1x16xf32> to vector<16xf32>
        %mul3A_455 = arith.constant 3.200000e+01 : f32
        %mul3A_456 = vector.broadcast %mul3A_455 : f32 to vector<16xf32>
        %mul3A_457 = arith.mulf %get3A_454, %mul3A_456 : vector<16xf32>
        %swap3A_458 = arith.index_cast %scan3A_235 : i32 to index
        %swap3A_459 = arith.constant 288 : index
        %swap3A_460 = tpu.vector_load %arg6[%swap3A_458, %swap3A_459] {strides = array<i32>} : memref<32x1024xf32, #tpu.memory_space<vmem>>, vector<1x16xf32>,
        %swap3A_461 = vector.shape_cast %swap3A_460 : vector<1x16xf32> to vector<16xf32>
        %swap3A_462 = vector.shape_cast %mul3A_457 : vector<16xf32> to vector<1x16xf32>
        tpu.vector_store %arg6[%swap3A_458, %swap3A_459], %swap3A_462 {strides = array<i32>} : memref<32x1024xf32, #tpu.memory_space<vmem>>, vector<1x16xf32>,
        %get3A_463 = arith.index_cast %scan3A_235 : i32 to index
        %get3A_464 = arith.constant 304 : index
        %get3A_465 = tpu.vector_load %arg6[%get3A_463, %get3A_464] {strides = array<i32>} : memref<32x1024xf32, #tpu.memory_space<vmem>>, vector<1x16xf32>,
        %get3A_466 = vector.shape_cast %get3A_465 : vector<1x16xf32> to vector<16xf32>
        %mul3A_467 = arith.constant 3.200000e+01 : f32
        %mul3A_468 = vector.broadcast %mul3A_467 : f32 to vector<16xf32>
        %mul3A_469 = arith.mulf %get3A_466, %mul3A_468 : vector<16xf32>
        %swap3A_470 = arith.index_cast %scan3A_235 : i32 to index
        %swap3A_471 = arith.constant 304 : index
        %swap3A_472 = tpu.vector_load %arg6[%swap3A_470, %swap3A_471] {strides = array<i32>} : memref<32x1024xf32, #tpu.memory_space<vmem>>, vector<1x16xf32>,
        %swap3A_473 = vector.shape_cast %swap3A_472 : vector<1x16xf32> to vector<16xf32>
        %swap3A_474 = vector.shape_cast %mul3A_469 : vector<16xf32> to vector<1x16xf32>
        tpu.vector_store %arg6[%swap3A_470, %swap3A_471], %swap3A_474 {strides = array<i32>} : memref<32x1024xf32, #tpu.memory_space<vmem>>, vector<1x16xf32>,
        %get3A_475 = arith.index_cast %scan3A_235 : i32 to index
        %get3A_476 = arith.constant 320 : index
        %get3A_477 = tpu.vector_load %arg6[%get3A_475, %get3A_476] {strides = array<i32>} : memref<32x1024xf32, #tpu.memory_space<vmem>>, vector<1x16xf32>,
        %get3A_478 = vector.shape_cast %get3A_477 : vector<1x16xf32> to vector<16xf32>
        %mul3A_479 = arith.constant 3.200000e+01 : f32
        %mul3A_480 = vector.broadcast %mul3A_479 : f32 to vector<16xf32>
        %mul3A_481 = arith.mulf %get3A_478, %mul3A_480 : vector<16xf32>
        %swap3A_482 = arith.index_cast %scan3A_235 : i32 to index
        %swap3A_483 = arith.constant 320 : index
        %swap3A_484 = tpu.vector_load %arg6[%swap3A_482, %swap3A_483] {strides = array<i32>} : memref<32x1024xf32, #tpu.memory_space<vmem>>, vector<1x16xf32>,
        %swap3A_485 = vector.shape_cast %swap3A_484 : vector<1x16xf32> to vector<16xf32>
        %swap3A_486 = vector.shape_cast %mul3A_481 : vector<16xf32> to vector<1x16xf32>
        tpu.vector_store %arg6[%swap3A_482, %swap3A_483], %swap3A_486 {strides = array<i32>} : memref<32x1024xf32, #tpu.memory_space<vmem>>, vector<1x16xf32>,
        %get3A_487 = arith.index_cast %scan3A_235 : i32 to index
        %get3A_488 = arith.constant 336 : index
        %get3A_489 = tpu.vector_load %arg6[%get3A_487, %get3A_488] {strides = array<i32>} : memref<32x1024xf32, #tpu.memory_space<vmem>>, vector<1x16xf32>,
        %get3A_490 = vector.shape_cast %get3A_489 : vector<1x16xf32> to vector<16xf32>
        %mul3A_491 = arith.constant 3.200000e+01 : f32
        %mul3A_492 = vector.broadcast %mul3A_491 : f32 to vector<16xf32>
        %mul3A_493 = arith.mulf %get3A_490, %mul3A_492 : vector<16xf32>
        %swap3A_494 = arith.index_cast %scan3A_235 : i32 to index
        %swap3A_495 = arith.constant 336 : index
        %swap3A_496 = tpu.vector_load %arg6[%swap3A_494, %swap3A_495] {strides = array<i32>} : memref<32x1024xf32, #tpu.memory_space<vmem>>, vector<1x16xf32>,
        %swap3A_497 = vector.shape_cast %swap3A_496 : vector<1x16xf32> to vector<16xf32>
        %swap3A_498 = vector.shape_cast %mul3A_493 : vector<16xf32> to vector<1x16xf32>
        tpu.vector_store %arg6[%swap3A_494, %swap3A_495], %swap3A_498 {strides = array<i32>} : memref<32x1024xf32, #tpu.memory_space<vmem>>, vector<1x16xf32>,
        %get3A_499 = arith.index_cast %scan3A_235 : i32 to index
        %get3A_500 = arith.constant 352 : index
        %get3A_501 = tpu.vector_load %arg6[%get3A_499, %get3A_500] {strides = array<i32>} : memref<32x1024xf32, #tpu.memory_space<vmem>>, vector<1x16xf32>,
        %get3A_502 = vector.shape_cast %get3A_501 : vector<1x16xf32> to vector<16xf32>
        %mul3A_503 = arith.constant 3.200000e+01 : f32
        %mul3A_504 = vector.broadcast %mul3A_503 : f32 to vector<16xf32>
        %mul3A_505 = arith.mulf %get3A_502, %mul3A_504 : vector<16xf32>
        %swap3A_506 = arith.index_cast %scan3A_235 : i32 to index
        %swap3A_507 = arith.constant 352 : index
        %swap3A_508 = tpu.vector_load %arg6[%swap3A_506, %swap3A_507] {strides = array<i32>} : memref<32x1024xf32, #tpu.memory_space<vmem>>, vector<1x16xf32>,
        %swap3A_509 = vector.shape_cast %swap3A_508 : vector<1x16xf32> to vector<16xf32>
        %swap3A_510 = vector.shape_cast %mul3A_505 : vector<16xf32> to vector<1x16xf32>
        tpu.vector_store %arg6[%swap3A_506, %swap3A_507], %swap3A_510 {strides = array<i32>} : memref<32x1024xf32, #tpu.memory_space<vmem>>, vector<1x16xf32>,
        %get3A_511 = arith.index_cast %scan3A_235 : i32 to index
        %get3A_512 = arith.constant 368 : index
        %get3A_513 = tpu.vector_load %arg6[%get3A_511, %get3A_512] {strides = array<i32>} : memref<32x1024xf32, #tpu.memory_space<vmem>>, vector<1x16xf32>,
        %get3A_514 = vector.shape_cast %get3A_513 : vector<1x16xf32> to vector<16xf32>
        %mul3A_515 = arith.constant 3.200000e+01 : f32
        %mul3A_516 = vector.broadcast %mul3A_515 : f32 to vector<16xf32>
        %mul3A_517 = arith.mulf %get3A_514, %mul3A_516 : vector<16xf32>
        %swap3A_518 = arith.index_cast %scan3A_235 : i32 to index
        %swap3A_519 = arith.constant 368 : index
        %swap3A_520 = tpu.vector_load %arg6[%swap3A_518, %swap3A_519] {strides = array<i32>} : memref<32x1024xf32, #tpu.memory_space<vmem>>, vector<1x16xf32>,
        %swap3A_521 = vector.shape_cast %swap3A_520 : vector<1x16xf32> to vector<16xf32>
        %swap3A_522 = vector.shape_cast %mul3A_517 : vector<16xf32> to vector<1x16xf32>
        tpu.vector_store %arg6[%swap3A_518, %swap3A_519], %swap3A_522 {strides = array<i32>} : memref<32x1024xf32, #tpu.memory_space<vmem>>, vector<1x16xf32>,
        %get3A_523 = arith.index_cast %scan3A_235 : i32 to index
        %get3A_524 = arith.constant 384 : index
        %get3A_525 = tpu.vector_load %arg6[%get3A_523, %get3A_524] {strides = array<i32>} : memref<32x1024xf32, #tpu.memory_space<vmem>>, vector<1x16xf32>,
        %get3A_526 = vector.shape_cast %get3A_525 : vector<1x16xf32> to vector<16xf32>
        %mul3A_527 = arith.constant 3.200000e+01 : f32
        %mul3A_528 = vector.broadcast %mul3A_527 : f32 to vector<16xf32>
        %mul3A_529 = arith.mulf %get3A_526, %mul3A_528 : vector<16xf32>
        %swap3A_530 = arith.index_cast %scan3A_235 : i32 to index
        %swap3A_531 = arith.constant 384 : index
        %swap3A_532 = tpu.vector_load %arg6[%swap3A_530, %swap3A_531] {strides = array<i32>} : memref<32x1024xf32, #tpu.memory_space<vmem>>, vector<1x16xf32>,
        %swap3A_533 = vector.shape_cast %swap3A_532 : vector<1x16xf32> to vector<16xf32>
        %swap3A_534 = vector.shape_cast %mul3A_529 : vector<16xf32> to vector<1x16xf32>
        tpu.vector_store %arg6[%swap3A_530, %swap3A_531], %swap3A_534 {strides = array<i32>} : memref<32x1024xf32, #tpu.memory_space<vmem>>, vector<1x16xf32>,
        %get3A_535 = arith.index_cast %scan3A_235 : i32 to index
        %get3A_536 = arith.constant 400 : index
        %get3A_537 = tpu.vector_load %arg6[%get3A_535, %get3A_536] {strides = array<i32>} : memref<32x1024xf32, #tpu.memory_space<vmem>>, vector<1x16xf32>,
        %get3A_538 = vector.shape_cast %get3A_537 : vector<1x16xf32> to vector<16xf32>
        %mul3A_539 = arith.constant 3.200000e+01 : f32
        %mul3A_540 = vector.broadcast %mul3A_539 : f32 to vector<16xf32>
        %mul3A_541 = arith.mulf %get3A_538, %mul3A_540 : vector<16xf32>
        %swap3A_542 = arith.index_cast %scan3A_235 : i32 to index
        %swap3A_543 = arith.constant 400 : index
        %swap3A_544 = tpu.vector_load %arg6[%swap3A_542, %swap3A_543] {strides = array<i32>} : memref<32x1024xf32, #tpu.memory_space<vmem>>, vector<1x16xf32>,
        %swap3A_545 = vector.shape_cast %swap3A_544 : vector<1x16xf32> to vector<16xf32>
        %swap3A_546 = vector.shape_cast %mul3A_541 : vector<16xf32> to vector<1x16xf32>
        tpu.vector_store %arg6[%swap3A_542, %swap3A_543], %swap3A_546 {strides = array<i32>} : memref<32x1024xf32, #tpu.memory_space<vmem>>, vector<1x16xf32>,
        %get3A_547 = arith.index_cast %scan3A_235 : i32 to index
        %get3A_548 = arith.constant 416 : index
        %get3A_549 = tpu.vector_load %arg6[%get3A_547, %get3A_548] {strides = array<i32>} : memref<32x1024xf32, #tpu.memory_space<vmem>>, vector<1x16xf32>,
        %get3A_550 = vector.shape_cast %get3A_549 : vector<1x16xf32> to vector<16xf32>
        %mul3A_551 = arith.constant 3.200000e+01 : f32
        %mul3A_552 = vector.broadcast %mul3A_551 : f32 to vector<16xf32>
        %mul3A_553 = arith.mulf %get3A_550, %mul3A_552 : vector<16xf32>
        %swap3A_554 = arith.index_cast %scan3A_235 : i32 to index
        %swap3A_555 = arith.constant 416 : index
        %swap3A_556 = tpu.vector_load %arg6[%swap3A_554, %swap3A_555] {strides = array<i32>} : memref<32x1024xf32, #tpu.memory_space<vmem>>, vector<1x16xf32>,
        %swap3A_557 = vector.shape_cast %swap3A_556 : vector<1x16xf32> to vector<16xf32>
        %swap3A_558 = vector.shape_cast %mul3A_553 : vector<16xf32> to vector<1x16xf32>
        tpu.vector_store %arg6[%swap3A_554, %swap3A_555], %swap3A_558 {strides = array<i32>} : memref<32x1024xf32, #tpu.memory_space<vmem>>, vector<1x16xf32>,
        %get3A_559 = arith.index_cast %scan3A_235 : i32 to index
        %get3A_560 = arith.constant 432 : index
        %get3A_561 = tpu.vector_load %arg6[%get3A_559, %get3A_560] {strides = array<i32>} : memref<32x1024xf32, #tpu.memory_space<vmem>>, vector<1x16xf32>,
        %get3A_562 = vector.shape_cast %get3A_561 : vector<1x16xf32> to vector<16xf32>
        %mul3A_563 = arith.constant 3.200000e+01 : f32
        %mul3A_564 = vector.broadcast %mul3A_563 : f32 to vector<16xf32>
        %mul3A_565 = arith.mulf %get3A_562, %mul3A_564 : vector<16xf32>
        %swap3A_566 = arith.index_cast %scan3A_235 : i32 to index
        %swap3A_567 = arith.constant 432 : index
        %swap3A_568 = tpu.vector_load %arg6[%swap3A_566, %swap3A_567] {strides = array<i32>} : memref<32x1024xf32, #tpu.memory_space<vmem>>, vector<1x16xf32>,
        %swap3A_569 = vector.shape_cast %swap3A_568 : vector<1x16xf32> to vector<16xf32>
        %swap3A_570 = vector.shape_cast %mul3A_565 : vector<16xf32> to vector<1x16xf32>
        tpu.vector_store %arg6[%swap3A_566, %swap3A_567], %swap3A_570 {strides = array<i32>} : memref<32x1024xf32, #tpu.memory_space<vmem>>, vector<1x16xf32>,
        %get3A_571 = arith.index_cast %scan3A_235 : i32 to index
        %get3A_572 = arith.constant 448 : index
        %get3A_573 = tpu.vector_load %arg6[%get3A_571, %get3A_572] {strides = array<i32>} : memref<32x1024xf32, #tpu.memory_space<vmem>>, vector<1x16xf32>,
        %get3A_574 = vector.shape_cast %get3A_573 : vector<1x16xf32> to vector<16xf32>
        %mul3A_575 = arith.constant 3.200000e+01 : f32
        %mul3A_576 = vector.broadcast %mul3A_575 : f32 to vector<16xf32>
        %mul3A_577 = arith.mulf %get3A_574, %mul3A_576 : vector<16xf32>
        %swap3A_578 = arith.index_cast %scan3A_235 : i32 to index
        %swap3A_579 = arith.constant 448 : index
        %swap3A_580 = tpu.vector_load %arg6[%swap3A_578, %swap3A_579] {strides = array<i32>} : memref<32x1024xf32, #tpu.memory_space<vmem>>, vector<1x16xf32>,
        %swap3A_581 = vector.shape_cast %swap3A_580 : vector<1x16xf32> to vector<16xf32>
        %swap3A_582 = vector.shape_cast %mul3A_577 : vector<16xf32> to vector<1x16xf32>
        tpu.vector_store %arg6[%swap3A_578, %swap3A_579], %swap3A_582 {strides = array<i32>} : memref<32x1024xf32, #tpu.memory_space<vmem>>, vector<1x16xf32>,
        %get3A_583 = arith.index_cast %scan3A_235 : i32 to index
        %get3A_584 = arith.constant 464 : index
        %get3A_585 = tpu.vector_load %arg6[%get3A_583, %get3A_584] {strides = array<i32>} : memref<32x1024xf32, #tpu.memory_space<vmem>>, vector<1x16xf32>,
        %get3A_586 = vector.shape_cast %get3A_585 : vector<1x16xf32> to vector<16xf32>
        %mul3A_587 = arith.constant 3.200000e+01 : f32
        %mul3A_588 = vector.broadcast %mul3A_587 : f32 to vector<16xf32>
        %mul3A_589 = arith.mulf %get3A_586, %mul3A_588 : vector<16xf32>
        %swap3A_590 = arith.index_cast %scan3A_235 : i32 to index
        %swap3A_591 = arith.constant 464 : index
        %swap3A_592 = tpu.vector_load %arg6[%swap3A_590, %swap3A_591] {strides = array<i32>} : memref<32x1024xf32, #tpu.memory_space<vmem>>, vector<1x16xf32>,
        %swap3A_593 = vector.shape_cast %swap3A_592 : vector<1x16xf32> to vector<16xf32>
        %swap3A_594 = vector.shape_cast %mul3A_589 : vector<16xf32> to vector<1x16xf32>
        tpu.vector_store %arg6[%swap3A_590, %swap3A_591], %swap3A_594 {strides = array<i32>} : memref<32x1024xf32, #tpu.memory_space<vmem>>, vector<1x16xf32>,
        %get3A_595 = arith.index_cast %scan3A_235 : i32 to index
        %get3A_596 = arith.constant 480 : index
        %get3A_597 = tpu.vector_load %arg6[%get3A_595, %get3A_596] {strides = array<i32>} : memref<32x1024xf32, #tpu.memory_space<vmem>>, vector<1x16xf32>,
        %get3A_598 = vector.shape_cast %get3A_597 : vector<1x16xf32> to vector<16xf32>
        %mul3A_599 = arith.constant 3.200000e+01 : f32
        %mul3A_600 = vector.broadcast %mul3A_599 : f32 to vector<16xf32>
        %mul3A_601 = arith.mulf %get3A_598, %mul3A_600 : vector<16xf32>
        %swap3A_602 = arith.index_cast %scan3A_235 : i32 to index
        %swap3A_603 = arith.constant 480 : index
        %swap3A_604 = tpu.vector_load %arg6[%swap3A_602, %swap3A_603] {strides = array<i32>} : memref<32x1024xf32, #tpu.memory_space<vmem>>, vector<1x16xf32>,
        %swap3A_605 = vector.shape_cast %swap3A_604 : vector<1x16xf32> to vector<16xf32>
        %swap3A_606 = vector.shape_cast %mul3A_601 : vector<16xf32> to vector<1x16xf32>
        tpu.vector_store %arg6[%swap3A_602, %swap3A_603], %swap3A_606 {strides = array<i32>} : memref<32x1024xf32, #tpu.memory_space<vmem>>, vector<1x16xf32>,
        %get3A_607 = arith.index_cast %scan3A_235 : i32 to index
        %get3A_608 = arith.constant 496 : index
        %get3A_609 = tpu.vector_load %arg6[%get3A_607, %get3A_608] {strides = array<i32>} : memref<32x1024xf32, #tpu.memory_space<vmem>>, vector<1x16xf32>,
        %get3A_610 = vector.shape_cast %get3A_609 : vector<1x16xf32> to vector<16xf32>
        %mul3A_611 = arith.constant 3.200000e+01 : f32
        %mul3A_612 = vector.broadcast %mul3A_611 : f32 to vector<16xf32>
        %mul3A_613 = arith.mulf %get3A_610, %mul3A_612 : vector<16xf32>
        %swap3A_614 = arith.index_cast %scan3A_235 : i32 to index
        %swap3A_615 = arith.constant 496 : index
        %swap3A_616 = tpu.vector_load %arg6[%swap3A_614, %swap3A_615] {strides = array<i32>} : memref<32x1024xf32, #tpu.memory_space<vmem>>, vector<1x16xf32>,
        %swap3A_617 = vector.shape_cast %swap3A_616 : vector<1x16xf32> to vector<16xf32>
        %swap3A_618 = vector.shape_cast %mul3A_613 : vector<16xf32> to vector<1x16xf32>
        tpu.vector_store %arg6[%swap3A_614, %swap3A_615], %swap3A_618 {strides = array<i32>} : memref<32x1024xf32, #tpu.memory_space<vmem>>, vector<1x16xf32>,
        %get3A_619 = arith.index_cast %scan3A_235 : i32 to index
        %get3A_620 = arith.constant 512 : index
        %get3A_621 = tpu.vector_load %arg6[%get3A_619, %get3A_620] {strides = array<i32>} : memref<32x1024xf32, #tpu.memory_space<vmem>>, vector<1x16xf32>,
        %get3A_622 = vector.shape_cast %get3A_621 : vector<1x16xf32> to vector<16xf32>
        %mul3A_623 = arith.constant 3.200000e+01 : f32
        %mul3A_624 = vector.broadcast %mul3A_623 : f32 to vector<16xf32>
        %mul3A_625 = arith.mulf %get3A_622, %mul3A_624 : vector<16xf32>
        %swap3A_626 = arith.index_cast %scan3A_235 : i32 to index
        %swap3A_627 = arith.constant 512 : index
        %swap3A_628 = tpu.vector_load %arg6[%swap3A_626, %swap3A_627] {strides = array<i32>} : memref<32x1024xf32, #tpu.memory_space<vmem>>, vector<1x16xf32>,
        %swap3A_629 = vector.shape_cast %swap3A_628 : vector<1x16xf32> to vector<16xf32>
        %swap3A_630 = vector.shape_cast %mul3A_625 : vector<16xf32> to vector<1x16xf32>
        tpu.vector_store %arg6[%swap3A_626, %swap3A_627], %swap3A_630 {strides = array<i32>} : memref<32x1024xf32, #tpu.memory_space<vmem>>, vector<1x16xf32>,
        %get3A_631 = arith.index_cast %scan3A_235 : i32 to index
        %get3A_632 = arith.constant 528 : index
        %get3A_633 = tpu.vector_load %arg6[%get3A_631, %get3A_632] {strides = array<i32>} : memref<32x1024xf32, #tpu.memory_space<vmem>>, vector<1x16xf32>,
        %get3A_634 = vector.shape_cast %get3A_633 : vector<1x16xf32> to vector<16xf32>
        %mul3A_635 = arith.constant 3.200000e+01 : f32
        %mul3A_636 = vector.broadcast %mul3A_635 : f32 to vector<16xf32>
        %mul3A_637 = arith.mulf %get3A_634, %mul3A_636 : vector<16xf32>
        %swap3A_638 = arith.index_cast %scan3A_235 : i32 to index
        %swap3A_639 = arith.constant 528 : index
        %swap3A_640 = tpu.vector_load %arg6[%swap3A_638, %swap3A_639] {strides = array<i32>} : memref<32x1024xf32, #tpu.memory_space<vmem>>, vector<1x16xf32>,
        %swap3A_641 = vector.shape_cast %swap3A_640 : vector<1x16xf32> to vector<16xf32>
        %swap3A_642 = vector.shape_cast %mul3A_637 : vector<16xf32> to vector<1x16xf32>
        tpu.vector_store %arg6[%swap3A_638, %swap3A_639], %swap3A_642 {strides = array<i32>} : memref<32x1024xf32, #tpu.memory_space<vmem>>, vector<1x16xf32>,
        %get3A_643 = arith.index_cast %scan3A_235 : i32 to index
        %get3A_644 = arith.constant 544 : index
        %get3A_645 = tpu.vector_load %arg6[%get3A_643, %get3A_644] {strides = array<i32>} : memref<32x1024xf32, #tpu.memory_space<vmem>>, vector<1x16xf32>,
        %get3A_646 = vector.shape_cast %get3A_645 : vector<1x16xf32> to vector<16xf32>
        %mul3A_647 = arith.constant 3.200000e+01 : f32
        %mul3A_648 = vector.broadcast %mul3A_647 : f32 to vector<16xf32>
        %mul3A_649 = arith.mulf %get3A_646, %mul3A_648 : vector<16xf32>
        %swap3A_650 = arith.index_cast %scan3A_235 : i32 to index
        %swap3A_651 = arith.constant 544 : index
        %swap3A_652 = tpu.vector_load %arg6[%swap3A_650, %swap3A_651] {strides = array<i32>} : memref<32x1024xf32, #tpu.memory_space<vmem>>, vector<1x16xf32>,
        %swap3A_653 = vector.shape_cast %swap3A_652 : vector<1x16xf32> to vector<16xf32>
        %swap3A_654 = vector.shape_cast %mul3A_649 : vector<16xf32> to vector<1x16xf32>
        tpu.vector_store %arg6[%swap3A_650, %swap3A_651], %swap3A_654 {strides = array<i32>} : memref<32x1024xf32, #tpu.memory_space<vmem>>, vector<1x16xf32>,
        %get3A_655 = arith.index_cast %scan3A_235 : i32 to index
        %get3A_656 = arith.constant 560 : index
        %get3A_657 = tpu.vector_load %arg6[%get3A_655, %get3A_656] {strides = array<i32>} : memref<32x1024xf32, #tpu.memory_space<vmem>>, vector<1x16xf32>,
        %get3A_658 = vector.shape_cast %get3A_657 : vector<1x16xf32> to vector<16xf32>
        %mul3A_659 = arith.constant 3.200000e+01 : f32
        %mul3A_660 = vector.broadcast %mul3A_659 : f32 to vector<16xf32>
        %mul3A_661 = arith.mulf %get3A_658, %mul3A_660 : vector<16xf32>
        %swap3A_662 = arith.index_cast %scan3A_235 : i32 to index
        %swap3A_663 = arith.constant 560 : index
        %swap3A_664 = tpu.vector_load %arg6[%swap3A_662, %swap3A_663] {strides = array<i32>} : memref<32x1024xf32, #tpu.memory_space<vmem>>, vector<1x16xf32>,
        %swap3A_665 = vector.shape_cast %swap3A_664 : vector<1x16xf32> to vector<16xf32>
        %swap3A_666 = vector.shape_cast %mul3A_661 : vector<16xf32> to vector<1x16xf32>
        tpu.vector_store %arg6[%swap3A_662, %swap3A_663], %swap3A_666 {strides = array<i32>} : memref<32x1024xf32, #tpu.memory_space<vmem>>, vector<1x16xf32>,
        %get3A_667 = arith.index_cast %scan3A_235 : i32 to index
        %get3A_668 = arith.constant 576 : index
        %get3A_669 = tpu.vector_load %arg6[%get3A_667, %get3A_668] {strides = array<i32>} : memref<32x1024xf32, #tpu.memory_space<vmem>>, vector<1x16xf32>,
        %get3A_670 = vector.shape_cast %get3A_669 : vector<1x16xf32> to vector<16xf32>
        %mul3A_671 = arith.constant 3.200000e+01 : f32
        %mul3A_672 = vector.broadcast %mul3A_671 : f32 to vector<16xf32>
        %mul3A_673 = arith.mulf %get3A_670, %mul3A_672 : vector<16xf32>
        %swap3A_674 = arith.index_cast %scan3A_235 : i32 to index
        %swap3A_675 = arith.constant 576 : index
        %swap3A_676 = tpu.vector_load %arg6[%swap3A_674, %swap3A_675] {strides = array<i32>} : memref<32x1024xf32, #tpu.memory_space<vmem>>, vector<1x16xf32>,
        %swap3A_677 = vector.shape_cast %swap3A_676 : vector<1x16xf32> to vector<16xf32>
        %swap3A_678 = vector.shape_cast %mul3A_673 : vector<16xf32> to vector<1x16xf32>
        tpu.vector_store %arg6[%swap3A_674, %swap3A_675], %swap3A_678 {strides = array<i32>} : memref<32x1024xf32, #tpu.memory_space<vmem>>, vector<1x16xf32>,
        %get3A_679 = arith.index_cast %scan3A_235 : i32 to index
        %get3A_680 = arith.constant 592 : index
        %get3A_681 = tpu.vector_load %arg6[%get3A_679, %get3A_680] {strides = array<i32>} : memref<32x1024xf32, #tpu.memory_space<vmem>>, vector<1x16xf32>,
        %get3A_682 = vector.shape_cast %get3A_681 : vector<1x16xf32> to vector<16xf32>
        %mul3A_683 = arith.constant 3.200000e+01 : f32
        %mul3A_684 = vector.broadcast %mul3A_683 : f32 to vector<16xf32>
        %mul3A_685 = arith.mulf %get3A_682, %mul3A_684 : vector<16xf32>
        %swap3A_686 = arith.index_cast %scan3A_235 : i32 to index
        %swap3A_687 = arith.constant 592 : index
        %swap3A_688 = tpu.vector_load %arg6[%swap3A_686, %swap3A_687] {strides = array<i32>} : memref<32x1024xf32, #tpu.memory_space<vmem>>, vector<1x16xf32>,
        %swap3A_689 = vector.shape_cast %swap3A_688 : vector<1x16xf32> to vector<16xf32>
        %swap3A_690 = vector.shape_cast %mul3A_685 : vector<16xf32> to vector<1x16xf32>
        tpu.vector_store %arg6[%swap3A_686, %swap3A_687], %swap3A_690 {strides = array<i32>} : memref<32x1024xf32, #tpu.memory_space<vmem>>, vector<1x16xf32>,
        %get3A_691 = arith.index_cast %scan3A_235 : i32 to index
        %get3A_692 = arith.constant 608 : index
        %get3A_693 = tpu.vector_load %arg6[%get3A_691, %get3A_692] {strides = array<i32>} : memref<32x1024xf32, #tpu.memory_space<vmem>>, vector<1x16xf32>,
        %get3A_694 = vector.shape_cast %get3A_693 : vector<1x16xf32> to vector<16xf32>
        %mul3A_695 = arith.constant 3.200000e+01 : f32
        %mul3A_696 = vector.broadcast %mul3A_695 : f32 to vector<16xf32>
        %mul3A_697 = arith.mulf %get3A_694, %mul3A_696 : vector<16xf32>
        %swap3A_698 = arith.index_cast %scan3A_235 : i32 to index
        %swap3A_699 = arith.constant 608 : index
        %swap3A_700 = tpu.vector_load %arg6[%swap3A_698, %swap3A_699] {strides = array<i32>} : memref<32x1024xf32, #tpu.memory_space<vmem>>, vector<1x16xf32>,
        %swap3A_701 = vector.shape_cast %swap3A_700 : vector<1x16xf32> to vector<16xf32>
        %swap3A_702 = vector.shape_cast %mul3A_697 : vector<16xf32> to vector<1x16xf32>
        tpu.vector_store %arg6[%swap3A_698, %swap3A_699], %swap3A_702 {strides = array<i32>} : memref<32x1024xf32, #tpu.memory_space<vmem>>, vector<1x16xf32>,
        %get3A_703 = arith.index_cast %scan3A_235 : i32 to index
        %get3A_704 = arith.constant 624 : index
        %get3A_705 = tpu.vector_load %arg6[%get3A_703, %get3A_704] {strides = array<i32>} : memref<32x1024xf32, #tpu.memory_space<vmem>>, vector<1x16xf32>,
        %get3A_706 = vector.shape_cast %get3A_705 : vector<1x16xf32> to vector<16xf32>
        %mul3A_707 = arith.constant 3.200000e+01 : f32
        %mul3A_708 = vector.broadcast %mul3A_707 : f32 to vector<16xf32>
        %mul3A_709 = arith.mulf %get3A_706, %mul3A_708 : vector<16xf32>
        %swap3A_710 = arith.index_cast %scan3A_235 : i32 to index
        %swap3A_711 = arith.constant 624 : index
        %swap3A_712 = tpu.vector_load %arg6[%swap3A_710, %swap3A_711] {strides = array<i32>} : memref<32x1024xf32, #tpu.memory_space<vmem>>, vector<1x16xf32>,
        %swap3A_713 = vector.shape_cast %swap3A_712 : vector<1x16xf32> to vector<16xf32>
        %swap3A_714 = vector.shape_cast %mul3A_709 : vector<16xf32> to vector<1x16xf32>
        tpu.vector_store %arg6[%swap3A_710, %swap3A_711], %swap3A_714 {strides = array<i32>} : memref<32x1024xf32, #tpu.memory_space<vmem>>, vector<1x16xf32>,
        %get3A_715 = arith.index_cast %scan3A_235 : i32 to index
        %get3A_716 = arith.constant 640 : index
        %get3A_717 = tpu.vector_load %arg6[%get3A_715, %get3A_716] {strides = array<i32>} : memref<32x1024xf32, #tpu.memory_space<vmem>>, vector<1x16xf32>,
        %get3A_718 = vector.shape_cast %get3A_717 : vector<1x16xf32> to vector<16xf32>
        %mul3A_719 = arith.constant 3.200000e+01 : f32
        %mul3A_720 = vector.broadcast %mul3A_719 : f32 to vector<16xf32>
        %mul3A_721 = arith.mulf %get3A_718, %mul3A_720 : vector<16xf32>
        %swap3A_722 = arith.index_cast %scan3A_235 : i32 to index
        %swap3A_723 = arith.constant 640 : index
        %swap3A_724 = tpu.vector_load %arg6[%swap3A_722, %swap3A_723] {strides = array<i32>} : memref<32x1024xf32, #tpu.memory_space<vmem>>, vector<1x16xf32>,
        %swap3A_725 = vector.shape_cast %swap3A_724 : vector<1x16xf32> to vector<16xf32>
        %swap3A_726 = vector.shape_cast %mul3A_721 : vector<16xf32> to vector<1x16xf32>
        tpu.vector_store %arg6[%swap3A_722, %swap3A_723], %swap3A_726 {strides = array<i32>} : memref<32x1024xf32, #tpu.memory_space<vmem>>, vector<1x16xf32>,
        %get3A_727 = arith.index_cast %scan3A_235 : i32 to index
        %get3A_728 = arith.constant 656 : index
        %get3A_729 = tpu.vector_load %arg6[%get3A_727, %get3A_728] {strides = array<i32>} : memref<32x1024xf32, #tpu.memory_space<vmem>>, vector<1x16xf32>,
        %get3A_730 = vector.shape_cast %get3A_729 : vector<1x16xf32> to vector<16xf32>
        %mul3A_731 = arith.constant 3.200000e+01 : f32
        %mul3A_732 = vector.broadcast %mul3A_731 : f32 to vector<16xf32>
        %mul3A_733 = arith.mulf %get3A_730, %mul3A_732 : vector<16xf32>
        %swap3A_734 = arith.index_cast %scan3A_235 : i32 to index
        %swap3A_735 = arith.constant 656 : index
        %swap3A_736 = tpu.vector_load %arg6[%swap3A_734, %swap3A_735] {strides = array<i32>} : memref<32x1024xf32, #tpu.memory_space<vmem>>, vector<1x16xf32>,
        %swap3A_737 = vector.shape_cast %swap3A_736 : vector<1x16xf32> to vector<16xf32>
        %swap3A_738 = vector.shape_cast %mul3A_733 : vector<16xf32> to vector<1x16xf32>
        tpu.vector_store %arg6[%swap3A_734, %swap3A_735], %swap3A_738 {strides = array<i32>} : memref<32x1024xf32, #tpu.memory_space<vmem>>, vector<1x16xf32>,
        %get3A_739 = arith.index_cast %scan3A_235 : i32 to index
        %get3A_740 = arith.constant 672 : index
        %get3A_741 = tpu.vector_load %arg6[%get3A_739, %get3A_740] {strides = array<i32>} : memref<32x1024xf32, #tpu.memory_space<vmem>>, vector<1x16xf32>,
        %get3A_742 = vector.shape_cast %get3A_741 : vector<1x16xf32> to vector<16xf32>
        %mul3A_743 = arith.constant 3.200000e+01 : f32
        %mul3A_744 = vector.broadcast %mul3A_743 : f32 to vector<16xf32>
        %mul3A_745 = arith.mulf %get3A_742, %mul3A_744 : vector<16xf32>
        %swap3A_746 = arith.index_cast %scan3A_235 : i32 to index
        %swap3A_747 = arith.constant 672 : index
        %swap3A_748 = tpu.vector_load %arg6[%swap3A_746, %swap3A_747] {strides = array<i32>} : memref<32x1024xf32, #tpu.memory_space<vmem>>, vector<1x16xf32>,
        %swap3A_749 = vector.shape_cast %swap3A_748 : vector<1x16xf32> to vector<16xf32>
        %swap3A_750 = vector.shape_cast %mul3A_745 : vector<16xf32> to vector<1x16xf32>
        tpu.vector_store %arg6[%swap3A_746, %swap3A_747], %swap3A_750 {strides = array<i32>} : memref<32x1024xf32, #tpu.memory_space<vmem>>, vector<1x16xf32>,
        %get3A_751 = arith.index_cast %scan3A_235 : i32 to index
        %get3A_752 = arith.constant 688 : index
        %get3A_753 = tpu.vector_load %arg6[%get3A_751, %get3A_752] {strides = array<i32>} : memref<32x1024xf32, #tpu.memory_space<vmem>>, vector<1x16xf32>,
        %get3A_754 = vector.shape_cast %get3A_753 : vector<1x16xf32> to vector<16xf32>
        %mul3A_755 = arith.constant 3.200000e+01 : f32
        %mul3A_756 = vector.broadcast %mul3A_755 : f32 to vector<16xf32>
        %mul3A_757 = arith.mulf %get3A_754, %mul3A_756 : vector<16xf32>
        %swap3A_758 = arith.index_cast %scan3A_235 : i32 to index
        %swap3A_759 = arith.constant 688 : index
        %swap3A_760 = tpu.vector_load %arg6[%swap3A_758, %swap3A_759] {strides = array<i32>} : memref<32x1024xf32, #tpu.memory_space<vmem>>, vector<1x16xf32>,
        %swap3A_761 = vector.shape_cast %swap3A_760 : vector<1x16xf32> to vector<16xf32>
        %swap3A_762 = vector.shape_cast %mul3A_757 : vector<16xf32> to vector<1x16xf32>
        tpu.vector_store %arg6[%swap3A_758, %swap3A_759], %swap3A_762 {strides = array<i32>} : memref<32x1024xf32, #tpu.memory_space<vmem>>, vector<1x16xf32>,
        %get3A_763 = arith.index_cast %scan3A_235 : i32 to index
        %get3A_764 = arith.constant 704 : index
        %get3A_765 = tpu.vector_load %arg6[%get3A_763, %get3A_764] {strides = array<i32>} : memref<32x1024xf32, #tpu.memory_space<vmem>>, vector<1x16xf32>,
        %get3A_766 = vector.shape_cast %get3A_765 : vector<1x16xf32> to vector<16xf32>
        %mul3A_767 = arith.constant 3.200000e+01 : f32
        %mul3A_768 = vector.broadcast %mul3A_767 : f32 to vector<16xf32>
        %mul3A_769 = arith.mulf %get3A_766, %mul3A_768 : vector<16xf32>
        %swap3A_770 = arith.index_cast %scan3A_235 : i32 to index
        %swap3A_771 = arith.constant 704 : index
        %swap3A_772 = tpu.vector_load %arg6[%swap3A_770, %swap3A_771] {strides = array<i32>} : memref<32x1024xf32, #tpu.memory_space<vmem>>, vector<1x16xf32>,
        %swap3A_773 = vector.shape_cast %swap3A_772 : vector<1x16xf32> to vector<16xf32>
        %swap3A_774 = vector.shape_cast %mul3A_769 : vector<16xf32> to vector<1x16xf32>
        tpu.vector_store %arg6[%swap3A_770, %swap3A_771], %swap3A_774 {strides = array<i32>} : memref<32x1024xf32, #tpu.memory_space<vmem>>, vector<1x16xf32>,
        %get3A_775 = arith.index_cast %scan3A_235 : i32 to index
        %get3A_776 = arith.constant 720 : index
        %get3A_777 = tpu.vector_load %arg6[%get3A_775, %get3A_776] {strides = array<i32>} : memref<32x1024xf32, #tpu.memory_space<vmem>>, vector<1x16xf32>,
        %get3A_778 = vector.shape_cast %get3A_777 : vector<1x16xf32> to vector<16xf32>
        %mul3A_779 = arith.constant 3.200000e+01 : f32
        %mul3A_780 = vector.broadcast %mul3A_779 : f32 to vector<16xf32>
        %mul3A_781 = arith.mulf %get3A_778, %mul3A_780 : vector<16xf32>
        %swap3A_782 = arith.index_cast %scan3A_235 : i32 to index
        %swap3A_783 = arith.constant 720 : index
        %swap3A_784 = tpu.vector_load %arg6[%swap3A_782, %swap3A_783] {strides = array<i32>} : memref<32x1024xf32, #tpu.memory_space<vmem>>, vector<1x16xf32>,
        %swap3A_785 = vector.shape_cast %swap3A_784 : vector<1x16xf32> to vector<16xf32>
        %swap3A_786 = vector.shape_cast %mul3A_781 : vector<16xf32> to vector<1x16xf32>
        tpu.vector_store %arg6[%swap3A_782, %swap3A_783], %swap3A_786 {strides = array<i32>} : memref<32x1024xf32, #tpu.memory_space<vmem>>, vector<1x16xf32>,
        %get3A_787 = arith.index_cast %scan3A_235 : i32 to index
        %get3A_788 = arith.constant 736 : index
        %get3A_789 = tpu.vector_load %arg6[%get3A_787, %get3A_788] {strides = array<i32>} : memref<32x1024xf32, #tpu.memory_space<vmem>>, vector<1x16xf32>,
        %get3A_790 = vector.shape_cast %get3A_789 : vector<1x16xf32> to vector<16xf32>
        %mul3A_791 = arith.constant 3.200000e+01 : f32
        %mul3A_792 = vector.broadcast %mul3A_791 : f32 to vector<16xf32>
        %mul3A_793 = arith.mulf %get3A_790, %mul3A_792 : vector<16xf32>
        %swap3A_794 = arith.index_cast %scan3A_235 : i32 to index
        %swap3A_795 = arith.constant 736 : index
        %swap3A_796 = tpu.vector_load %arg6[%swap3A_794, %swap3A_795] {strides = array<i32>} : memref<32x1024xf32, #tpu.memory_space<vmem>>, vector<1x16xf32>,
        %swap3A_797 = vector.shape_cast %swap3A_796 : vector<1x16xf32> to vector<16xf32>
        %swap3A_798 = vector.shape_cast %mul3A_793 : vector<16xf32> to vector<1x16xf32>
        tpu.vector_store %arg6[%swap3A_794, %swap3A_795], %swap3A_798 {strides = array<i32>} : memref<32x1024xf32, #tpu.memory_space<vmem>>, vector<1x16xf32>,
        %get3A_799 = arith.index_cast %scan3A_235 : i32 to index
        %get3A_800 = arith.constant 752 : index
        %get3A_801 = tpu.vector_load %arg6[%get3A_799, %get3A_800] {strides = array<i32>} : memref<32x1024xf32, #tpu.memory_space<vmem>>, vector<1x16xf32>,
        %get3A_802 = vector.shape_cast %get3A_801 : vector<1x16xf32> to vector<16xf32>
        %mul3A_803 = arith.constant 3.200000e+01 : f32
        %mul3A_804 = vector.broadcast %mul3A_803 : f32 to vector<16xf32>
        %mul3A_805 = arith.mulf %get3A_802, %mul3A_804 : vector<16xf32>
        %swap3A_806 = arith.index_cast %scan3A_235 : i32 to index
        %swap3A_807 = arith.constant 752 : index
        %swap3A_808 = tpu.vector_load %arg6[%swap3A_806, %swap3A_807] {strides = array<i32>} : memref<32x1024xf32, #tpu.memory_space<vmem>>, vector<1x16xf32>,
        %swap3A_809 = vector.shape_cast %swap3A_808 : vector<1x16xf32> to vector<16xf32>
        %swap3A_810 = vector.shape_cast %mul3A_805 : vector<16xf32> to vector<1x16xf32>
        tpu.vector_store %arg6[%swap3A_806, %swap3A_807], %swap3A_810 {strides = array<i32>} : memref<32x1024xf32, #tpu.memory_space<vmem>>, vector<1x16xf32>,
        %get3A_811 = arith.index_cast %scan3A_235 : i32 to index
        %get3A_812 = arith.constant 768 : index
        %get3A_813 = tpu.vector_load %arg6[%get3A_811, %get3A_812] {strides = array<i32>} : memref<32x1024xf32, #tpu.memory_space<vmem>>, vector<1x16xf32>,
        %get3A_814 = vector.shape_cast %get3A_813 : vector<1x16xf32> to vector<16xf32>
        %mul3A_815 = arith.constant 3.200000e+01 : f32
        %mul3A_816 = vector.broadcast %mul3A_815 : f32 to vector<16xf32>
        %mul3A_817 = arith.mulf %get3A_814, %mul3A_816 : vector<16xf32>
        %swap3A_818 = arith.index_cast %scan3A_235 : i32 to index
        %swap3A_819 = arith.constant 768 : index
        %swap3A_820 = tpu.vector_load %arg6[%swap3A_818, %swap3A_819] {strides = array<i32>} : memref<32x1024xf32, #tpu.memory_space<vmem>>, vector<1x16xf32>,
        %swap3A_821 = vector.shape_cast %swap3A_820 : vector<1x16xf32> to vector<16xf32>
        %swap3A_822 = vector.shape_cast %mul3A_817 : vector<16xf32> to vector<1x16xf32>
        tpu.vector_store %arg6[%swap3A_818, %swap3A_819], %swap3A_822 {strides = array<i32>} : memref<32x1024xf32, #tpu.memory_space<vmem>>, vector<1x16xf32>,
        %get3A_823 = arith.index_cast %scan3A_235 : i32 to index
        %get3A_824 = arith.constant 784 : index
        %get3A_825 = tpu.vector_load %arg6[%get3A_823, %get3A_824] {strides = array<i32>} : memref<32x1024xf32, #tpu.memory_space<vmem>>, vector<1x16xf32>,
        %get3A_826 = vector.shape_cast %get3A_825 : vector<1x16xf32> to vector<16xf32>
        %mul3A_827 = arith.constant 3.200000e+01 : f32
        %mul3A_828 = vector.broadcast %mul3A_827 : f32 to vector<16xf32>
        %mul3A_829 = arith.mulf %get3A_826, %mul3A_828 : vector<16xf32>
        %swap3A_830 = arith.index_cast %scan3A_235 : i32 to index
        %swap3A_831 = arith.constant 784 : index
        %swap3A_832 = tpu.vector_load %arg6[%swap3A_830, %swap3A_831] {strides = array<i32>} : memref<32x1024xf32, #tpu.memory_space<vmem>>, vector<1x16xf32>,
        %swap3A_833 = vector.shape_cast %swap3A_832 : vector<1x16xf32> to vector<16xf32>
        %swap3A_834 = vector.shape_cast %mul3A_829 : vector<16xf32> to vector<1x16xf32>
        tpu.vector_store %arg6[%swap3A_830, %swap3A_831], %swap3A_834 {strides = array<i32>} : memref<32x1024xf32, #tpu.memory_space<vmem>>, vector<1x16xf32>,
        %get3A_835 = arith.index_cast %scan3A_235 : i32 to index
        %get3A_836 = arith.constant 800 : index
        %get3A_837 = tpu.vector_load %arg6[%get3A_835, %get3A_836] {strides = array<i32>} : memref<32x1024xf32, #tpu.memory_space<vmem>>, vector<1x16xf32>,
        %get3A_838 = vector.shape_cast %get3A_837 : vector<1x16xf32> to vector<16xf32>
        %mul3A_839 = arith.constant 3.200000e+01 : f32
        %mul3A_840 = vector.broadcast %mul3A_839 : f32 to vector<16xf32>
        %mul3A_841 = arith.mulf %get3A_838, %mul3A_840 : vector<16xf32>
        %swap3A_842 = arith.index_cast %scan3A_235 : i32 to index
        %swap3A_843 = arith.constant 800 : index
        %swap3A_844 = tpu.vector_load %arg6[%swap3A_842, %swap3A_843] {strides = array<i32>} : memref<32x1024xf32, #tpu.memory_space<vmem>>, vector<1x16xf32>,
        %swap3A_845 = vector.shape_cast %swap3A_844 : vector<1x16xf32> to vector<16xf32>
        %swap3A_846 = vector.shape_cast %mul3A_841 : vector<16xf32> to vector<1x16xf32>
        tpu.vector_store %arg6[%swap3A_842, %swap3A_843], %swap3A_846 {strides = array<i32>} : memref<32x1024xf32, #tpu.memory_space<vmem>>, vector<1x16xf32>,
        %get3A_847 = arith.index_cast %scan3A_235 : i32 to index
        %get3A_848 = arith.constant 816 : index
        %get3A_849 = tpu.vector_load %arg6[%get3A_847, %get3A_848] {strides = array<i32>} : memref<32x1024xf32, #tpu.memory_space<vmem>>, vector<1x16xf32>,
        %get3A_850 = vector.shape_cast %get3A_849 : vector<1x16xf32> to vector<16xf32>
        %mul3A_851 = arith.constant 3.200000e+01 : f32
        %mul3A_852 = vector.broadcast %mul3A_851 : f32 to vector<16xf32>
        %mul3A_853 = arith.mulf %get3A_850, %mul3A_852 : vector<16xf32>
        %swap3A_854 = arith.index_cast %scan3A_235 : i32 to index
        %swap3A_855 = arith.constant 816 : index
        %swap3A_856 = tpu.vector_load %arg6[%swap3A_854, %swap3A_855] {strides = array<i32>} : memref<32x1024xf32, #tpu.memory_space<vmem>>, vector<1x16xf32>,
        %swap3A_857 = vector.shape_cast %swap3A_856 : vector<1x16xf32> to vector<16xf32>
        %swap3A_858 = vector.shape_cast %mul3A_853 : vector<16xf32> to vector<1x16xf32>
        tpu.vector_store %arg6[%swap3A_854, %swap3A_855], %swap3A_858 {strides = array<i32>} : memref<32x1024xf32, #tpu.memory_space<vmem>>, vector<1x16xf32>,
        %get3A_859 = arith.index_cast %scan3A_235 : i32 to index
        %get3A_860 = arith.constant 832 : index
        %get3A_861 = tpu.vector_load %arg6[%get3A_859, %get3A_860] {strides = array<i32>} : memref<32x1024xf32, #tpu.memory_space<vmem>>, vector<1x16xf32>,
        %get3A_862 = vector.shape_cast %get3A_861 : vector<1x16xf32> to vector<16xf32>
        %mul3A_863 = arith.constant 3.200000e+01 : f32
        %mul3A_864 = vector.broadcast %mul3A_863 : f32 to vector<16xf32>
        %mul3A_865 = arith.mulf %get3A_862, %mul3A_864 : vector<16xf32>
        %swap3A_866 = arith.index_cast %scan3A_235 : i32 to index
        %swap3A_867 = arith.constant 832 : index
        %swap3A_868 = tpu.vector_load %arg6[%swap3A_866, %swap3A_867] {strides = array<i32>} : memref<32x1024xf32, #tpu.memory_space<vmem>>, vector<1x16xf32>,
        %swap3A_869 = vector.shape_cast %swap3A_868 : vector<1x16xf32> to vector<16xf32>
        %swap3A_870 = vector.shape_cast %mul3A_865 : vector<16xf32> to vector<1x16xf32>
        tpu.vector_store %arg6[%swap3A_866, %swap3A_867], %swap3A_870 {strides = array<i32>} : memref<32x1024xf32, #tpu.memory_space<vmem>>, vector<1x16xf32>,
        %get3A_871 = arith.index_cast %scan3A_235 : i32 to index
        %get3A_872 = arith.constant 848 : index
        %get3A_873 = tpu.vector_load %arg6[%get3A_871, %get3A_872] {strides = array<i32>} : memref<32x1024xf32, #tpu.memory_space<vmem>>, vector<1x16xf32>,
        %get3A_874 = vector.shape_cast %get3A_873 : vector<1x16xf32> to vector<16xf32>
        %mul3A_875 = arith.constant 3.200000e+01 : f32
        %mul3A_876 = vector.broadcast %mul3A_875 : f32 to vector<16xf32>
        %mul3A_877 = arith.mulf %get3A_874, %mul3A_876 : vector<16xf32>
        %swap3A_878 = arith.index_cast %scan3A_235 : i32 to index
        %swap3A_879 = arith.constant 848 : index
        %swap3A_880 = tpu.vector_load %arg6[%swap3A_878, %swap3A_879] {strides = array<i32>} : memref<32x1024xf32, #tpu.memory_space<vmem>>, vector<1x16xf32>,
        %swap3A_881 = vector.shape_cast %swap3A_880 : vector<1x16xf32> to vector<16xf32>
        %swap3A_882 = vector.shape_cast %mul3A_877 : vector<16xf32> to vector<1x16xf32>
        tpu.vector_store %arg6[%swap3A_878, %swap3A_879], %swap3A_882 {strides = array<i32>} : memref<32x1024xf32, #tpu.memory_space<vmem>>, vector<1x16xf32>,
        %get3A_883 = arith.index_cast %scan3A_235 : i32 to index
        %get3A_884 = arith.constant 864 : index
        %get3A_885 = tpu.vector_load %arg6[%get3A_883, %get3A_884] {strides = array<i32>} : memref<32x1024xf32, #tpu.memory_space<vmem>>, vector<1x16xf32>,
        %get3A_886 = vector.shape_cast %get3A_885 : vector<1x16xf32> to vector<16xf32>
        %mul3A_887 = arith.constant 3.200000e+01 : f32
        %mul3A_888 = vector.broadcast %mul3A_887 : f32 to vector<16xf32>
        %mul3A_889 = arith.mulf %get3A_886, %mul3A_888 : vector<16xf32>
        %swap3A_890 = arith.index_cast %scan3A_235 : i32 to index
        %swap3A_891 = arith.constant 864 : index
        %swap3A_892 = tpu.vector_load %arg6[%swap3A_890, %swap3A_891] {strides = array<i32>} : memref<32x1024xf32, #tpu.memory_space<vmem>>, vector<1x16xf32>,
        %swap3A_893 = vector.shape_cast %swap3A_892 : vector<1x16xf32> to vector<16xf32>
        %swap3A_894 = vector.shape_cast %mul3A_889 : vector<16xf32> to vector<1x16xf32>
        tpu.vector_store %arg6[%swap3A_890, %swap3A_891], %swap3A_894 {strides = array<i32>} : memref<32x1024xf32, #tpu.memory_space<vmem>>, vector<1x16xf32>,
        %get3A_895 = arith.index_cast %scan3A_235 : i32 to index
        %get3A_896 = arith.constant 880 : index
        %get3A_897 = tpu.vector_load %arg6[%get3A_895, %get3A_896] {strides = array<i32>} : memref<32x1024xf32, #tpu.memory_space<vmem>>, vector<1x16xf32>,
        %get3A_898 = vector.shape_cast %get3A_897 : vector<1x16xf32> to vector<16xf32>
        %mul3A_899 = arith.constant 3.200000e+01 : f32
        %mul3A_900 = vector.broadcast %mul3A_899 : f32 to vector<16xf32>
        %mul3A_901 = arith.mulf %get3A_898, %mul3A_900 : vector<16xf32>
        %swap3A_902 = arith.index_cast %scan3A_235 : i32 to index
        %swap3A_903 = arith.constant 880 : index
        %swap3A_904 = tpu.vector_load %arg6[%swap3A_902, %swap3A_903] {strides = array<i32>} : memref<32x1024xf32, #tpu.memory_space<vmem>>, vector<1x16xf32>,
        %swap3A_905 = vector.shape_cast %swap3A_904 : vector<1x16xf32> to vector<16xf32>
        %swap3A_906 = vector.shape_cast %mul3A_901 : vector<16xf32> to vector<1x16xf32>
        tpu.vector_store %arg6[%swap3A_902, %swap3A_903], %swap3A_906 {strides = array<i32>} : memref<32x1024xf32, #tpu.memory_space<vmem>>, vector<1x16xf32>,
        %get3A_907 = arith.index_cast %scan3A_235 : i32 to index
        %get3A_908 = arith.constant 896 : index
        %get3A_909 = tpu.vector_load %arg6[%get3A_907, %get3A_908] {strides = array<i32>} : memref<32x1024xf32, #tpu.memory_space<vmem>>, vector<1x16xf32>,
        %get3A_910 = vector.shape_cast %get3A_909 : vector<1x16xf32> to vector<16xf32>
        %mul3A_911 = arith.constant 3.200000e+01 : f32
        %mul3A_912 = vector.broadcast %mul3A_911 : f32 to vector<16xf32>
        %mul3A_913 = arith.mulf %get3A_910, %mul3A_912 : vector<16xf32>
        %swap3A_914 = arith.index_cast %scan3A_235 : i32 to index
        %swap3A_915 = arith.constant 896 : index
        %swap3A_916 = tpu.vector_load %arg6[%swap3A_914, %swap3A_915] {strides = array<i32>} : memref<32x1024xf32, #tpu.memory_space<vmem>>, vector<1x16xf32>,
        %swap3A_917 = vector.shape_cast %swap3A_916 : vector<1x16xf32> to vector<16xf32>
        %swap3A_918 = vector.shape_cast %mul3A_913 : vector<16xf32> to vector<1x16xf32>
        tpu.vector_store %arg6[%swap3A_914, %swap3A_915], %swap3A_918 {strides = array<i32>} : memref<32x1024xf32, #tpu.memory_space<vmem>>, vector<1x16xf32>,
        %get3A_919 = arith.index_cast %scan3A_235 : i32 to index
        %get3A_920 = arith.constant 912 : index
        %get3A_921 = tpu.vector_load %arg6[%get3A_919, %get3A_920] {strides = array<i32>} : memref<32x1024xf32, #tpu.memory_space<vmem>>, vector<1x16xf32>,
        %get3A_922 = vector.shape_cast %get3A_921 : vector<1x16xf32> to vector<16xf32>
        %mul3A_923 = arith.constant 3.200000e+01 : f32
        %mul3A_924 = vector.broadcast %mul3A_923 : f32 to vector<16xf32>
        %mul3A_925 = arith.mulf %get3A_922, %mul3A_924 : vector<16xf32>
        %swap3A_926 = arith.index_cast %scan3A_235 : i32 to index
        %swap3A_927 = arith.constant 912 : index
        %swap3A_928 = tpu.vector_load %arg6[%swap3A_926, %swap3A_927] {strides = array<i32>} : memref<32x1024xf32, #tpu.memory_space<vmem>>, vector<1x16xf32>,
        %swap3A_929 = vector.shape_cast %swap3A_928 : vector<1x16xf32> to vector<16xf32>
        %swap3A_930 = vector.shape_cast %mul3A_925 : vector<16xf32> to vector<1x16xf32>
        tpu.vector_store %arg6[%swap3A_926, %swap3A_927], %swap3A_930 {strides = array<i32>} : memref<32x1024xf32, #tpu.memory_space<vmem>>, vector<1x16xf32>,
        %get3A_931 = arith.index_cast %scan3A_235 : i32 to index
        %get3A_932 = arith.constant 928 : index
        %get3A_933 = tpu.vector_load %arg6[%get3A_931, %get3A_932] {strides = array<i32>} : memref<32x1024xf32, #tpu.memory_space<vmem>>, vector<1x16xf32>,
        %get3A_934 = vector.shape_cast %get3A_933 : vector<1x16xf32> to vector<16xf32>
        %mul3A_935 = arith.constant 3.200000e+01 : f32
        %mul3A_936 = vector.broadcast %mul3A_935 : f32 to vector<16xf32>
        %mul3A_937 = arith.mulf %get3A_934, %mul3A_936 : vector<16xf32>
        %swap3A_938 = arith.index_cast %scan3A_235 : i32 to index
        %swap3A_939 = arith.constant 928 : index
        %swap3A_940 = tpu.vector_load %arg6[%swap3A_938, %swap3A_939] {strides = array<i32>} : memref<32x1024xf32, #tpu.memory_space<vmem>>, vector<1x16xf32>,
        %swap3A_941 = vector.shape_cast %swap3A_940 : vector<1x16xf32> to vector<16xf32>
        %swap3A_942 = vector.shape_cast %mul3A_937 : vector<16xf32> to vector<1x16xf32>
        tpu.vector_store %arg6[%swap3A_938, %swap3A_939], %swap3A_942 {strides = array<i32>} : memref<32x1024xf32, #tpu.memory_space<vmem>>, vector<1x16xf32>,
        %get3A_943 = arith.index_cast %scan3A_235 : i32 to index
        %get3A_944 = arith.constant 944 : index
        %get3A_945 = tpu.vector_load %arg6[%get3A_943, %get3A_944] {strides = array<i32>} : memref<32x1024xf32, #tpu.memory_space<vmem>>, vector<1x16xf32>,
        %get3A_946 = vector.shape_cast %get3A_945 : vector<1x16xf32> to vector<16xf32>
        %mul3A_947 = arith.constant 3.200000e+01 : f32
        %mul3A_948 = vector.broadcast %mul3A_947 : f32 to vector<16xf32>
        %mul3A_949 = arith.mulf %get3A_946, %mul3A_948 : vector<16xf32>
        %swap3A_950 = arith.index_cast %scan3A_235 : i32 to index
        %swap3A_951 = arith.constant 944 : index
        %swap3A_952 = tpu.vector_load %arg6[%swap3A_950, %swap3A_951] {strides = array<i32>} : memref<32x1024xf32, #tpu.memory_space<vmem>>, vector<1x16xf32>,
        %swap3A_953 = vector.shape_cast %swap3A_952 : vector<1x16xf32> to vector<16xf32>
        %swap3A_954 = vector.shape_cast %mul3A_949 : vector<16xf32> to vector<1x16xf32>
        tpu.vector_store %arg6[%swap3A_950, %swap3A_951], %swap3A_954 {strides = array<i32>} : memref<32x1024xf32, #tpu.memory_space<vmem>>, vector<1x16xf32>,
        %get3A_955 = arith.index_cast %scan3A_235 : i32 to index
        %get3A_956 = arith.constant 960 : index
        %get3A_957 = tpu.vector_load %arg6[%get3A_955, %get3A_956] {strides = array<i32>} : memref<32x1024xf32, #tpu.memory_space<vmem>>, vector<1x16xf32>,
        %get3A_958 = vector.shape_cast %get3A_957 : vector<1x16xf32> to vector<16xf32>
        %mul3A_959 = arith.constant 3.200000e+01 : f32
        %mul3A_960 = vector.broadcast %mul3A_959 : f32 to vector<16xf32>
        %mul3A_961 = arith.mulf %get3A_958, %mul3A_960 : vector<16xf32>
        %swap3A_962 = arith.index_cast %scan3A_235 : i32 to index
        %swap3A_963 = arith.constant 960 : index
        %swap3A_964 = tpu.vector_load %arg6[%swap3A_962, %swap3A_963] {strides = array<i32>} : memref<32x1024xf32, #tpu.memory_space<vmem>>, vector<1x16xf32>,
        %swap3A_965 = vector.shape_cast %swap3A_964 : vector<1x16xf32> to vector<16xf32>
        %swap3A_966 = vector.shape_cast %mul3A_961 : vector<16xf32> to vector<1x16xf32>
        tpu.vector_store %arg6[%swap3A_962, %swap3A_963], %swap3A_966 {strides = array<i32>} : memref<32x1024xf32, #tpu.memory_space<vmem>>, vector<1x16xf32>,
        %get3A_967 = arith.index_cast %scan3A_235 : i32 to index
        %get3A_968 = arith.constant 976 : index
        %get3A_969 = tpu.vector_load %arg6[%get3A_967, %get3A_968] {strides = array<i32>} : memref<32x1024xf32, #tpu.memory_space<vmem>>, vector<1x16xf32>,
        %get3A_970 = vector.shape_cast %get3A_969 : vector<1x16xf32> to vector<16xf32>
        %mul3A_971 = arith.constant 3.200000e+01 : f32
        %mul3A_972 = vector.broadcast %mul3A_971 : f32 to vector<16xf32>
        %mul3A_973 = arith.mulf %get3A_970, %mul3A_972 : vector<16xf32>
        %swap3A_974 = arith.index_cast %scan3A_235 : i32 to index
        %swap3A_975 = arith.constant 976 : index
        %swap3A_976 = tpu.vector_load %arg6[%swap3A_974, %swap3A_975] {strides = array<i32>} : memref<32x1024xf32, #tpu.memory_space<vmem>>, vector<1x16xf32>,
        %swap3A_977 = vector.shape_cast %swap3A_976 : vector<1x16xf32> to vector<16xf32>
        %swap3A_978 = vector.shape_cast %mul3A_973 : vector<16xf32> to vector<1x16xf32>
        tpu.vector_store %arg6[%swap3A_974, %swap3A_975], %swap3A_978 {strides = array<i32>} : memref<32x1024xf32, #tpu.memory_space<vmem>>, vector<1x16xf32>,
        %get3A_979 = arith.index_cast %scan3A_235 : i32 to index
        %get3A_980 = arith.constant 992 : index
        %get3A_981 = tpu.vector_load %arg6[%get3A_979, %get3A_980] {strides = array<i32>} : memref<32x1024xf32, #tpu.memory_space<vmem>>, vector<1x16xf32>,
        %get3A_982 = vector.shape_cast %get3A_981 : vector<1x16xf32> to vector<16xf32>
        %mul3A_983 = arith.constant 3.200000e+01 : f32
        %mul3A_984 = vector.broadcast %mul3A_983 : f32 to vector<16xf32>
        %mul3A_985 = arith.mulf %get3A_982, %mul3A_984 : vector<16xf32>
        %swap3A_986 = arith.index_cast %scan3A_235 : i32 to index
        %swap3A_987 = arith.constant 992 : index
        %swap3A_988 = tpu.vector_load %arg6[%swap3A_986, %swap3A_987] {strides = array<i32>} : memref<32x1024xf32, #tpu.memory_space<vmem>>, vector<1x16xf32>,
        %swap3A_989 = vector.shape_cast %swap3A_988 : vector<1x16xf32> to vector<16xf32>
        %swap3A_990 = vector.shape_cast %mul3A_985 : vector<16xf32> to vector<1x16xf32>
        tpu.vector_store %arg6[%swap3A_986, %swap3A_987], %swap3A_990 {strides = array<i32>} : memref<32x1024xf32, #tpu.memory_space<vmem>>, vector<1x16xf32>,
        %get3A_991 = arith.index_cast %scan3A_235 : i32 to index
        %get3A_992 = arith.constant 1008 : index
        %get3A_993 = tpu.vector_load %arg6[%get3A_991, %get3A_992] {strides = array<i32>} : memref<32x1024xf32, #tpu.memory_space<vmem>>, vector<1x16xf32>,
        %get3A_994 = vector.shape_cast %get3A_993 : vector<1x16xf32> to vector<16xf32>
        %mul3A_995 = arith.constant 3.200000e+01 : f32
        %mul3A_996 = vector.broadcast %mul3A_995 : f32 to vector<16xf32>
        %mul3A_997 = arith.mulf %get3A_994, %mul3A_996 : vector<16xf32>
        %swap3A_998 = arith.index_cast %scan3A_235 : i32 to index
        %swap3A_999 = arith.constant 1008 : index
        %swap3A_1000 = tpu.vector_load %arg6[%swap3A_998, %swap3A_999] {strides = array<i32>} : memref<32x1024xf32, #tpu.memory_space<vmem>>, vector<1x16xf32>,
        %swap3A_1001 = vector.shape_cast %swap3A_1000 : vector<1x16xf32> to vector<16xf32>
        %swap3A_1002 = vector.shape_cast %mul3A_997 : vector<16xf32> to vector<1x16xf32>
        tpu.vector_store %arg6[%swap3A_998, %swap3A_999], %swap3A_1002 {strides = array<i32>} : memref<32x1024xf32, #tpu.memory_space<vmem>>, vector<1x16xf32>,
        %scan3A_1003 = arith.constant 0 : i32
        scf.yield %scan3A_1003 : i32
      }
      %scan3A_109 = arith.constant 32 : i32
      %mul3A_110 = arith.constant 32 : i32
      %mul3A_111 = arith.muli %add3A_96, %mul3A_110 : i32
      %add3A_112 = arith.addi %mul3A_32, %mul3A_111 : i32
      %dma_start3A_113 = arith.constant 0 : i32
      %dma_start3A_114 = tpu.memref_slice %arg4[%select_n3A, %add3A_112, %dma_start3A_113] : memref<4x4096x1024xf32, #tpu.memory_space<hbm>> -> memref<1x32x1024xf32, #tpu.memory_space<hbm>>
      %dma_start3A_115 = tpu.memref_squeeze %dma_start3A_114 : memref<1x32x1024xf32, #tpu.memory_space<hbm>> -> memref<32x1024xf32, #tpu.memory_space<hbm>>
      %dma_start3A_116 = arith.constant 0 : i32
      %dma_start3A_117 = tpu.memref_slice %arg4[%select_n3A, %add3A_112, %dma_start3A_116] : memref<4x4096x1024xf32, #tpu.memory_space<hbm>> -> memref<1x32x1024xf32, #tpu.memory_space<hbm>>
      %dma_start3A_118 = tpu.memref_squeeze %dma_start3A_117 : memref<1x32x1024xf32, #tpu.memory_space<hbm>> -> memref<32x1024xf32, #tpu.memory_space<hbm>>
      tpu.enqueue_dma source(%arg6 : memref<32x1024xf32, #tpu.memory_space<vmem>>) target(%dma_start3A_118 : memref<32x1024xf32, #tpu.memory_space<hbm>>) target_semaphore(%arg12 : memref<!tpu.dma_semaphore, #tpu.memory_space<semaphore_mem>>)
      %eq3A_119 = arith.constant 0 : i32
      %eq3A_120 = arith.cmpi eq, %add3A_96, %eq3A_119 : i32
      %convert_element_type3A = arith.extui %eq3A_120 : i1 to i32
      %cond3A = arith.constant 0 : i32
      %cond3A_121 = arith.cmpi ne, %convert_element_type3A, %cond3A : i32
      scf.if %cond3A_121 {
        %add3A_235 = arith.constant 2 : i32
        %add3A_236 = arith.addi %add3A_96, %add3A_235 : i32
        %mul3A_237 = arith.constant 32 : i32
        %mul3A_238 = arith.muli %add3A_236, %mul3A_237 : i32
        %dma_start3A_239 = tpu.memref_slice %arg5[%mul3A_238] : memref<512xi32, #tpu.memory_space<vmem>> -> memref<32xi32, #tpu.memory_space<vmem>>
        %dma_start3A_240 = arith.constant 0 : i32
        %dma_start3A_241 = arith.constant 0 : i32
        %dma_start3A_242 = tpu.memref_slice %arg3[%dma_start3A_240, %dma_start3A_241] : memref<100000x1024xf32, #tpu.memory_space<hbm>> -> memref<100000x1024xf32, #tpu.memory_space<hbm>>
        tpu.enqueue_indirect_dma source(%dma_start3A_242 : memref<100000x1024xf32, #tpu.memory_space<hbm>>) target(%arg8 : memref<32x1024xf32, #tpu.memory_space<vmem>>) offsets(%dma_start3A_239 : memref<32xi32, #tpu.memory_space<vmem>>) semaphore(%arg11 : memref<!tpu.dma_semaphore, #tpu.memory_space<semaphore_mem>>)
      } else {
      }
      %ge3A = arith.constant 1 : i32
      %ge3A_122 = arith.cmpi sge, %add3A_96, %ge3A : i32
      %add3A_123 = arith.constant 2 : i32
      %add3A_124 = arith.addi %add3A_96, %add3A_123 : i32
      %lt3A_125 = arith.constant 15 : i32
      %lt3A_126 = arith.cmpi slt, %add3A_124, %lt3A_125 : i32
      %and3A_127 = arith.andi %ge3A_122, %lt3A_126 : i1
      %convert_element_type3A_128 = arith.extui %and3A_127 : i1 to i32
      %cond3A_129 = arith.constant 0 : i32
      %cond3A_130 = arith.cmpi ne, %convert_element_type3A_128, %cond3A_129 : i32
      scf.if %cond3A_130 {
        %sub3A_235 = arith.constant 1 : i32
        %sub3A_236 = arith.subi %add3A_96, %sub3A_235 : i32
        %mul3A_237 = arith.constant 32 : i32
        %mul3A_238 = arith.muli %sub3A_236, %mul3A_237 : i32
        %add3A_239 = arith.addi %mul3A_32, %mul3A_238 : i32
        %dma_wait3A_240 = arith.constant 0 : i32
        %dma_wait3A_241 = tpu.memref_slice %arg4[%select_n3A, %add3A_239, %dma_wait3A_240] : memref<4x4096x1024xf32, #tpu.memory_space<hbm>> -> memref<1x32x1024xf32, #tpu.memory_space<hbm>>
        %dma_wait3A_242 = tpu.memref_squeeze %dma_wait3A_241 : memref<1x32x1024xf32, #tpu.memory_space<hbm>> -> memref<32x1024xf32, #tpu.memory_space<hbm>>
        %dma_wait3A_243 = arith.constant 0 : i32
        %dma_wait3A_244 = tpu.memref_slice %arg4[%select_n3A, %add3A_239, %dma_wait3A_243] : memref<4x4096x1024xf32, #tpu.memory_space<hbm>> -> memref<1x32x1024xf32, #tpu.memory_space<hbm>>
        %dma_wait3A_245 = tpu.memref_squeeze %dma_wait3A_244 : memref<1x32x1024xf32, #tpu.memory_space<hbm>> -> memref<32x1024xf32, #tpu.memory_space<hbm>>
        tpu.wait_dma2 semaphore(%arg14 : memref<!tpu.dma_semaphore, #tpu.memory_space<semaphore_mem>>) src(%arg8 : memref<32x1024xf32, #tpu.memory_space<vmem>>) dst(%dma_wait3A_245 : memref<32x1024xf32, #tpu.memory_space<hbm>>)
        %add3A_246 = arith.constant 2 : i32
        %add3A_247 = arith.addi %add3A_96, %add3A_246 : i32
        %mul3A_248 = arith.constant 32 : i32
        %mul3A_249 = arith.muli %add3A_247, %mul3A_248 : i32
        %dma_start3A_250 = tpu.memref_slice %arg5[%mul3A_249] : memref<512xi32, #tpu.memory_space<vmem>> -> memref<32xi32, #tpu.memory_space<vmem>>
        %dma_start3A_251 = arith.constant 0 : i32
        %dma_start3A_252 = arith.constant 0 : i32
        %dma_start3A_253 = tpu.memref_slice %arg3[%dma_start3A_251, %dma_start3A_252] : memref<100000x1024xf32, #tpu.memory_space<hbm>> -> memref<100000x1024xf32, #tpu.memory_space<hbm>>
        tpu.enqueue_indirect_dma source(%dma_start3A_253 : memref<100000x1024xf32, #tpu.memory_space<hbm>>) target(%arg8 : memref<32x1024xf32, #tpu.memory_space<vmem>>) offsets(%dma_start3A_250 : memref<32xi32, #tpu.memory_space<vmem>>) semaphore(%arg11 : memref<!tpu.dma_semaphore, #tpu.memory_space<semaphore_mem>>)
      } else {
      }
      %add3A_131 = arith.constant 2 : i32
      %add3A_132 = arith.addi %add3A_96, %add3A_131 : i32
      %eq3A_133 = arith.constant 15 : i32
      %eq3A_134 = arith.cmpi eq, %add3A_132, %eq3A_133 : i32
      %convert_element_type3A_135 = arith.extui %eq3A_134 : i1 to i32
      %cond3A_136 = arith.constant 0 : i32
      %cond3A_137 = arith.cmpi ne, %convert_element_type3A_135, %cond3A_136 : i32
      scf.if %cond3A_137 {
        %sub3A_235 = arith.constant 1 : i32
        %sub3A_236 = arith.subi %add3A_96, %sub3A_235 : i32
        %mul3A_237 = arith.constant 32 : i32
        %mul3A_238 = arith.muli %sub3A_236, %mul3A_237 : i32
        %add3A_239 = arith.addi %mul3A_32, %mul3A_238 : i32
        %dma_wait3A_240 = arith.constant 0 : i32
        %dma_wait3A_241 = tpu.memref_slice %arg4[%select_n3A, %add3A_239, %dma_wait3A_240] : memref<4x4096x1024xf32, #tpu.memory_space<hbm>> -> memref<1x32x1024xf32, #tpu.memory_space<hbm>>
        %dma_wait3A_242 = tpu.memref_squeeze %dma_wait3A_241 : memref<1x32x1024xf32, #tpu.memory_space<hbm>> -> memref<32x1024xf32, #tpu.memory_space<hbm>>
        %dma_wait3A_243 = arith.constant 0 : i32
        %dma_wait3A_244 = tpu.memref_slice %arg4[%select_n3A, %add3A_239, %dma_wait3A_243] : memref<4x4096x1024xf32, #tpu.memory_space<hbm>> -> memref<1x32x1024xf32, #tpu.memory_space<hbm>>
        %dma_wait3A_245 = tpu.memref_squeeze %dma_wait3A_244 : memref<1x32x1024xf32, #tpu.memory_space<hbm>> -> memref<32x1024xf32, #tpu.memory_space<hbm>>
        tpu.wait_dma2 semaphore(%arg14 : memref<!tpu.dma_semaphore, #tpu.memory_space<semaphore_mem>>) src(%arg8 : memref<32x1024xf32, #tpu.memory_space<vmem>>) dst(%dma_wait3A_245 : memref<32x1024xf32, #tpu.memory_space<hbm>>)
        %add3A_246 = arith.constant 2 : i32
        %add3A_247 = arith.addi %add3A_96, %add3A_246 : i32
        %mul3A_248 = arith.constant 32 : i32
        %mul3A_249 = arith.muli %add3A_247, %mul3A_248 : i32
        %dma_start3A_250 = tpu.memref_slice %arg5[%mul3A_249] : memref<512xi32, #tpu.memory_space<vmem>> -> memref<32xi32, #tpu.memory_space<vmem>>
        %dma_start3A_251 = arith.constant 0 : i32
        %dma_start3A_252 = arith.constant 0 : i32
        %dma_start3A_253 = tpu.memref_slice %arg3[%dma_start3A_251, %dma_start3A_252] : memref<100000x1024xf32, #tpu.memory_space<hbm>> -> memref<100000x1024xf32, #tpu.memory_space<hbm>>
        tpu.enqueue_indirect_dma source(%dma_start3A_253 : memref<100000x1024xf32, #tpu.memory_space<hbm>>) target(%arg8 : memref<32x1024xf32, #tpu.memory_space<vmem>>) offsets(%dma_start3A_250 : memref<32xi32, #tpu.memory_space<vmem>>) semaphore(%arg11 : memref<!tpu.dma_semaphore, #tpu.memory_space<semaphore_mem>>)
      } else {
      }
      %mul3A_138 = arith.constant 3 : i32
      %mul3A_139 = arith.muli %scan3A_91, %mul3A_138 : i32
      %add3A_140 = arith.constant 1 : i32
      %add3A_141 = arith.addi %mul3A_139, %add3A_140 : i32
      %mul3A_142 = arith.constant 32 : i32
      %mul3A_143 = arith.muli %add3A_141, %mul3A_142 : i32
      %dma_wait3A_144 = tpu.memref_slice %arg5[%mul3A_143] : memref<512xi32, #tpu.memory_space<vmem>> -> memref<32xi32, #tpu.memory_space<vmem>>
      %dma_wait3A_145 = arith.constant 0 : i32
      %dma_wait3A_146 = arith.constant 0 : i32
      %dma_wait3A_147 = tpu.memref_slice %arg3[%dma_wait3A_145, %dma_wait3A_146] : memref<100000x1024xf32, #tpu.memory_space<hbm>> -> memref<100000x1024xf32, #tpu.memory_space<hbm>>
      tpu.wait_indirect_dma semaphore(%arg10 : memref<!tpu.dma_semaphore, #tpu.memory_space<semaphore_mem>>) src(%dma_wait3A_147 : memref<100000x1024xf32, #tpu.memory_space<hbm>>) dst(%arg7 : memref<32x1024xf32, #tpu.memory_space<vmem>>)
      %scan3A_148 = arith.constant 0 : i32
      %scan3A_149 = arith.constant 0 : i32
      %scan3A_150 = arith.constant 32 : i32
      %scan3A_151 = arith.addi %scan3A_149, %scan3A_150 : i32
      %scan3A_152 = arith.constant 1 : i32
      %scan3A_153 = scf.for %scan3A_235 = %scan3A_149 to %scan3A_151 step %scan3A_152 iter_args(%scan3A_236 = %scan3A_148) -> (i32)  : i32 {
        %get3A = arith.index_cast %scan3A_235 : i32 to index
        %get3A_237 = arith.constant 0 : index
        %get3A_238 = tpu.vector_load %arg7[%get3A, %get3A_237] {strides = array<i32>} : memref<32x1024xf32, #tpu.memory_space<vmem>>, vector<1x16xf32>,
        %get3A_239 = vector.shape_cast %get3A_238 : vector<1x16xf32> to vector<16xf32>
        %mul3A_240 = arith.constant 3.200000e+01 : f32
        %mul3A_241 = vector.broadcast %mul3A_240 : f32 to vector<16xf32>
        %mul3A_242 = arith.mulf %get3A_239, %mul3A_241 : vector<16xf32>
        %swap3A = arith.index_cast %scan3A_235 : i32 to index
        %swap3A_243 = arith.constant 0 : index
        %swap3A_244 = tpu.vector_load %arg7[%swap3A, %swap3A_243] {strides = array<i32>} : memref<32x1024xf32, #tpu.memory_space<vmem>>, vector<1x16xf32>,
        %swap3A_245 = vector.shape_cast %swap3A_244 : vector<1x16xf32> to vector<16xf32>
        %swap3A_246 = vector.shape_cast %mul3A_242 : vector<16xf32> to vector<1x16xf32>
        tpu.vector_store %arg7[%swap3A, %swap3A_243], %swap3A_246 {strides = array<i32>} : memref<32x1024xf32, #tpu.memory_space<vmem>>, vector<1x16xf32>,
        %get3A_247 = arith.index_cast %scan3A_235 : i32 to index
        %get3A_248 = arith.constant 16 : index
        %get3A_249 = tpu.vector_load %arg7[%get3A_247, %get3A_248] {strides = array<i32>} : memref<32x1024xf32, #tpu.memory_space<vmem>>, vector<1x16xf32>,
        %get3A_250 = vector.shape_cast %get3A_249 : vector<1x16xf32> to vector<16xf32>
        %mul3A_251 = arith.constant 3.200000e+01 : f32
        %mul3A_252 = vector.broadcast %mul3A_251 : f32 to vector<16xf32>
        %mul3A_253 = arith.mulf %get3A_250, %mul3A_252 : vector<16xf32>
        %swap3A_254 = arith.index_cast %scan3A_235 : i32 to index
        %swap3A_255 = arith.constant 16 : index
        %swap3A_256 = tpu.vector_load %arg7[%swap3A_254, %swap3A_255] {strides = array<i32>} : memref<32x1024xf32, #tpu.memory_space<vmem>>, vector<1x16xf32>,
        %swap3A_257 = vector.shape_cast %swap3A_256 : vector<1x16xf32> to vector<16xf32>
        %swap3A_258 = vector.shape_cast %mul3A_253 : vector<16xf32> to vector<1x16xf32>
        tpu.vector_store %arg7[%swap3A_254, %swap3A_255], %swap3A_258 {strides = array<i32>} : memref<32x1024xf32, #tpu.memory_space<vmem>>, vector<1x16xf32>,
        %get3A_259 = arith.index_cast %scan3A_235 : i32 to index
        %get3A_260 = arith.constant 32 : index
        %get3A_261 = tpu.vector_load %arg7[%get3A_259, %get3A_260] {strides = array<i32>} : memref<32x1024xf32, #tpu.memory_space<vmem>>, vector<1x16xf32>,
        %get3A_262 = vector.shape_cast %get3A_261 : vector<1x16xf32> to vector<16xf32>
        %mul3A_263 = arith.constant 3.200000e+01 : f32
        %mul3A_264 = vector.broadcast %mul3A_263 : f32 to vector<16xf32>
        %mul3A_265 = arith.mulf %get3A_262, %mul3A_264 : vector<16xf32>
        %swap3A_266 = arith.index_cast %scan3A_235 : i32 to index
        %swap3A_267 = arith.constant 32 : index
        %swap3A_268 = tpu.vector_load %arg7[%swap3A_266, %swap3A_267] {strides = array<i32>} : memref<32x1024xf32, #tpu.memory_space<vmem>>, vector<1x16xf32>,
        %swap3A_269 = vector.shape_cast %swap3A_268 : vector<1x16xf32> to vector<16xf32>
        %swap3A_270 = vector.shape_cast %mul3A_265 : vector<16xf32> to vector<1x16xf32>
        tpu.vector_store %arg7[%swap3A_266, %swap3A_267], %swap3A_270 {strides = array<i32>} : memref<32x1024xf32, #tpu.memory_space<vmem>>, vector<1x16xf32>,
        %get3A_271 = arith.index_cast %scan3A_235 : i32 to index
        %get3A_272 = arith.constant 48 : index
        %get3A_273 = tpu.vector_load %arg7[%get3A_271, %get3A_272] {strides = array<i32>} : memref<32x1024xf32, #tpu.memory_space<vmem>>, vector<1x16xf32>,
        %get3A_274 = vector.shape_cast %get3A_273 : vector<1x16xf32> to vector<16xf32>
        %mul3A_275 = arith.constant 3.200000e+01 : f32
        %mul3A_276 = vector.broadcast %mul3A_275 : f32 to vector<16xf32>
        %mul3A_277 = arith.mulf %get3A_274, %mul3A_276 : vector<16xf32>
        %swap3A_278 = arith.index_cast %scan3A_235 : i32 to index
        %swap3A_279 = arith.constant 48 : index
        %swap3A_280 = tpu.vector_load %arg7[%swap3A_278, %swap3A_279] {strides = array<i32>} : memref<32x1024xf32, #tpu.memory_space<vmem>>, vector<1x16xf32>,
        %swap3A_281 = vector.shape_cast %swap3A_280 : vector<1x16xf32> to vector<16xf32>
        %swap3A_282 = vector.shape_cast %mul3A_277 : vector<16xf32> to vector<1x16xf32>
        tpu.vector_store %arg7[%swap3A_278, %swap3A_279], %swap3A_282 {strides = array<i32>} : memref<32x1024xf32, #tpu.memory_space<vmem>>, vector<1x16xf32>,
        %get3A_283 = arith.index_cast %scan3A_235 : i32 to index
        %get3A_284 = arith.constant 64 : index
        %get3A_285 = tpu.vector_load %arg7[%get3A_283, %get3A_284] {strides = array<i32>} : memref<32x1024xf32, #tpu.memory_space<vmem>>, vector<1x16xf32>,
        %get3A_286 = vector.shape_cast %get3A_285 : vector<1x16xf32> to vector<16xf32>
        %mul3A_287 = arith.constant 3.200000e+01 : f32
        %mul3A_288 = vector.broadcast %mul3A_287 : f32 to vector<16xf32>
        %mul3A_289 = arith.mulf %get3A_286, %mul3A_288 : vector<16xf32>
        %swap3A_290 = arith.index_cast %scan3A_235 : i32 to index
        %swap3A_291 = arith.constant 64 : index
        %swap3A_292 = tpu.vector_load %arg7[%swap3A_290, %swap3A_291] {strides = array<i32>} : memref<32x1024xf32, #tpu.memory_space<vmem>>, vector<1x16xf32>,
        %swap3A_293 = vector.shape_cast %swap3A_292 : vector<1x16xf32> to vector<16xf32>
        %swap3A_294 = vector.shape_cast %mul3A_289 : vector<16xf32> to vector<1x16xf32>
        tpu.vector_store %arg7[%swap3A_290, %swap3A_291], %swap3A_294 {strides = array<i32>} : memref<32x1024xf32, #tpu.memory_space<vmem>>, vector<1x16xf32>,
        %get3A_295 = arith.index_cast %scan3A_235 : i32 to index
        %get3A_296 = arith.constant 80 : index
        %get3A_297 = tpu.vector_load %arg7[%get3A_295, %get3A_296] {strides = array<i32>} : memref<32x1024xf32, #tpu.memory_space<vmem>>, vector<1x16xf32>,
        %get3A_298 = vector.shape_cast %get3A_297 : vector<1x16xf32> to vector<16xf32>
        %mul3A_299 = arith.constant 3.200000e+01 : f32
        %mul3A_300 = vector.broadcast %mul3A_299 : f32 to vector<16xf32>
        %mul3A_301 = arith.mulf %get3A_298, %mul3A_300 : vector<16xf32>
        %swap3A_302 = arith.index_cast %scan3A_235 : i32 to index
        %swap3A_303 = arith.constant 80 : index
        %swap3A_304 = tpu.vector_load %arg7[%swap3A_302, %swap3A_303] {strides = array<i32>} : memref<32x1024xf32, #tpu.memory_space<vmem>>, vector<1x16xf32>,
        %swap3A_305 = vector.shape_cast %swap3A_304 : vector<1x16xf32> to vector<16xf32>
        %swap3A_306 = vector.shape_cast %mul3A_301 : vector<16xf32> to vector<1x16xf32>
        tpu.vector_store %arg7[%swap3A_302, %swap3A_303], %swap3A_306 {strides = array<i32>} : memref<32x1024xf32, #tpu.memory_space<vmem>>, vector<1x16xf32>,
        %get3A_307 = arith.index_cast %scan3A_235 : i32 to index
        %get3A_308 = arith.constant 96 : index
        %get3A_309 = tpu.vector_load %arg7[%get3A_307, %get3A_308] {strides = array<i32>} : memref<32x1024xf32, #tpu.memory_space<vmem>>, vector<1x16xf32>,
        %get3A_310 = vector.shape_cast %get3A_309 : vector<1x16xf32> to vector<16xf32>
        %mul3A_311 = arith.constant 3.200000e+01 : f32
        %mul3A_312 = vector.broadcast %mul3A_311 : f32 to vector<16xf32>
        %mul3A_313 = arith.mulf %get3A_310, %mul3A_312 : vector<16xf32>
        %swap3A_314 = arith.index_cast %scan3A_235 : i32 to index
        %swap3A_315 = arith.constant 96 : index
        %swap3A_316 = tpu.vector_load %arg7[%swap3A_314, %swap3A_315] {strides = array<i32>} : memref<32x1024xf32, #tpu.memory_space<vmem>>, vector<1x16xf32>,
        %swap3A_317 = vector.shape_cast %swap3A_316 : vector<1x16xf32> to vector<16xf32>
        %swap3A_318 = vector.shape_cast %mul3A_313 : vector<16xf32> to vector<1x16xf32>
        tpu.vector_store %arg7[%swap3A_314, %swap3A_315], %swap3A_318 {strides = array<i32>} : memref<32x1024xf32, #tpu.memory_space<vmem>>, vector<1x16xf32>,
        %get3A_319 = arith.index_cast %scan3A_235 : i32 to index
        %get3A_320 = arith.constant 112 : index
        %get3A_321 = tpu.vector_load %arg7[%get3A_319, %get3A_320] {strides = array<i32>} : memref<32x1024xf32, #tpu.memory_space<vmem>>, vector<1x16xf32>,
        %get3A_322 = vector.shape_cast %get3A_321 : vector<1x16xf32> to vector<16xf32>
        %mul3A_323 = arith.constant 3.200000e+01 : f32
        %mul3A_324 = vector.broadcast %mul3A_323 : f32 to vector<16xf32>
        %mul3A_325 = arith.mulf %get3A_322, %mul3A_324 : vector<16xf32>
        %swap3A_326 = arith.index_cast %scan3A_235 : i32 to index
        %swap3A_327 = arith.constant 112 : index
        %swap3A_328 = tpu.vector_load %arg7[%swap3A_326, %swap3A_327] {strides = array<i32>} : memref<32x1024xf32, #tpu.memory_space<vmem>>, vector<1x16xf32>,
        %swap3A_329 = vector.shape_cast %swap3A_328 : vector<1x16xf32> to vector<16xf32>
        %swap3A_330 = vector.shape_cast %mul3A_325 : vector<16xf32> to vector<1x16xf32>
        tpu.vector_store %arg7[%swap3A_326, %swap3A_327], %swap3A_330 {strides = array<i32>} : memref<32x1024xf32, #tpu.memory_space<vmem>>, vector<1x16xf32>,
        %get3A_331 = arith.index_cast %scan3A_235 : i32 to index
        %get3A_332 = arith.constant 128 : index
        %get3A_333 = tpu.vector_load %arg7[%get3A_331, %get3A_332] {strides = array<i32>} : memref<32x1024xf32, #tpu.memory_space<vmem>>, vector<1x16xf32>,
        %get3A_334 = vector.shape_cast %get3A_333 : vector<1x16xf32> to vector<16xf32>
        %mul3A_335 = arith.constant 3.200000e+01 : f32
        %mul3A_336 = vector.broadcast %mul3A_335 : f32 to vector<16xf32>
        %mul3A_337 = arith.mulf %get3A_334, %mul3A_336 : vector<16xf32>
        %swap3A_338 = arith.index_cast %scan3A_235 : i32 to index
        %swap3A_339 = arith.constant 128 : index
        %swap3A_340 = tpu.vector_load %arg7[%swap3A_338, %swap3A_339] {strides = array<i32>} : memref<32x1024xf32, #tpu.memory_space<vmem>>, vector<1x16xf32>,
        %swap3A_341 = vector.shape_cast %swap3A_340 : vector<1x16xf32> to vector<16xf32>
        %swap3A_342 = vector.shape_cast %mul3A_337 : vector<16xf32> to vector<1x16xf32>
        tpu.vector_store %arg7[%swap3A_338, %swap3A_339], %swap3A_342 {strides = array<i32>} : memref<32x1024xf32, #tpu.memory_space<vmem>>, vector<1x16xf32>,
        %get3A_343 = arith.index_cast %scan3A_235 : i32 to index
        %get3A_344 = arith.constant 144 : index
        %get3A_345 = tpu.vector_load %arg7[%get3A_343, %get3A_344] {strides = array<i32>} : memref<32x1024xf32, #tpu.memory_space<vmem>>, vector<1x16xf32>,
        %get3A_346 = vector.shape_cast %get3A_345 : vector<1x16xf32> to vector<16xf32>
        %mul3A_347 = arith.constant 3.200000e+01 : f32
        %mul3A_348 = vector.broadcast %mul3A_347 : f32 to vector<16xf32>
        %mul3A_349 = arith.mulf %get3A_346, %mul3A_348 : vector<16xf32>
        %swap3A_350 = arith.index_cast %scan3A_235 : i32 to index
        %swap3A_351 = arith.constant 144 : index
        %swap3A_352 = tpu.vector_load %arg7[%swap3A_350, %swap3A_351] {strides = array<i32>} : memref<32x1024xf32, #tpu.memory_space<vmem>>, vector<1x16xf32>,
        %swap3A_353 = vector.shape_cast %swap3A_352 : vector<1x16xf32> to vector<16xf32>
        %swap3A_354 = vector.shape_cast %mul3A_349 : vector<16xf32> to vector<1x16xf32>
        tpu.vector_store %arg7[%swap3A_350, %swap3A_351], %swap3A_354 {strides = array<i32>} : memref<32x1024xf32, #tpu.memory_space<vmem>>, vector<1x16xf32>,
        %get3A_355 = arith.index_cast %scan3A_235 : i32 to index
        %get3A_356 = arith.constant 160 : index
        %get3A_357 = tpu.vector_load %arg7[%get3A_355, %get3A_356] {strides = array<i32>} : memref<32x1024xf32, #tpu.memory_space<vmem>>, vector<1x16xf32>,
        %get3A_358 = vector.shape_cast %get3A_357 : vector<1x16xf32> to vector<16xf32>
        %mul3A_359 = arith.constant 3.200000e+01 : f32
        %mul3A_360 = vector.broadcast %mul3A_359 : f32 to vector<16xf32>
        %mul3A_361 = arith.mulf %get3A_358, %mul3A_360 : vector<16xf32>
        %swap3A_362 = arith.index_cast %scan3A_235 : i32 to index
        %swap3A_363 = arith.constant 160 : index
        %swap3A_364 = tpu.vector_load %arg7[%swap3A_362, %swap3A_363] {strides = array<i32>} : memref<32x1024xf32, #tpu.memory_space<vmem>>, vector<1x16xf32>,
        %swap3A_365 = vector.shape_cast %swap3A_364 : vector<1x16xf32> to vector<16xf32>
        %swap3A_366 = vector.shape_cast %mul3A_361 : vector<16xf32> to vector<1x16xf32>
        tpu.vector_store %arg7[%swap3A_362, %swap3A_363], %swap3A_366 {strides = array<i32>} : memref<32x1024xf32, #tpu.memory_space<vmem>>, vector<1x16xf32>,
        %get3A_367 = arith.index_cast %scan3A_235 : i32 to index
        %get3A_368 = arith.constant 176 : index
        %get3A_369 = tpu.vector_load %arg7[%get3A_367, %get3A_368] {strides = array<i32>} : memref<32x1024xf32, #tpu.memory_space<vmem>>, vector<1x16xf32>,
        %get3A_370 = vector.shape_cast %get3A_369 : vector<1x16xf32> to vector<16xf32>
        %mul3A_371 = arith.constant 3.200000e+01 : f32
        %mul3A_372 = vector.broadcast %mul3A_371 : f32 to vector<16xf32>
        %mul3A_373 = arith.mulf %get3A_370, %mul3A_372 : vector<16xf32>
        %swap3A_374 = arith.index_cast %scan3A_235 : i32 to index
        %swap3A_375 = arith.constant 176 : index
        %swap3A_376 = tpu.vector_load %arg7[%swap3A_374, %swap3A_375] {strides = array<i32>} : memref<32x1024xf32, #tpu.memory_space<vmem>>, vector<1x16xf32>,
        %swap3A_377 = vector.shape_cast %swap3A_376 : vector<1x16xf32> to vector<16xf32>
        %swap3A_378 = vector.shape_cast %mul3A_373 : vector<16xf32> to vector<1x16xf32>
        tpu.vector_store %arg7[%swap3A_374, %swap3A_375], %swap3A_378 {strides = array<i32>} : memref<32x1024xf32, #tpu.memory_space<vmem>>, vector<1x16xf32>,
        %get3A_379 = arith.index_cast %scan3A_235 : i32 to index
        %get3A_380 = arith.constant 192 : index
        %get3A_381 = tpu.vector_load %arg7[%get3A_379, %get3A_380] {strides = array<i32>} : memref<32x1024xf32, #tpu.memory_space<vmem>>, vector<1x16xf32>,
        %get3A_382 = vector.shape_cast %get3A_381 : vector<1x16xf32> to vector<16xf32>
        %mul3A_383 = arith.constant 3.200000e+01 : f32
        %mul3A_384 = vector.broadcast %mul3A_383 : f32 to vector<16xf32>
        %mul3A_385 = arith.mulf %get3A_382, %mul3A_384 : vector<16xf32>
        %swap3A_386 = arith.index_cast %scan3A_235 : i32 to index
        %swap3A_387 = arith.constant 192 : index
        %swap3A_388 = tpu.vector_load %arg7[%swap3A_386, %swap3A_387] {strides = array<i32>} : memref<32x1024xf32, #tpu.memory_space<vmem>>, vector<1x16xf32>,
        %swap3A_389 = vector.shape_cast %swap3A_388 : vector<1x16xf32> to vector<16xf32>
        %swap3A_390 = vector.shape_cast %mul3A_385 : vector<16xf32> to vector<1x16xf32>
        tpu.vector_store %arg7[%swap3A_386, %swap3A_387], %swap3A_390 {strides = array<i32>} : memref<32x1024xf32, #tpu.memory_space<vmem>>, vector<1x16xf32>,
        %get3A_391 = arith.index_cast %scan3A_235 : i32 to index
        %get3A_392 = arith.constant 208 : index
        %get3A_393 = tpu.vector_load %arg7[%get3A_391, %get3A_392] {strides = array<i32>} : memref<32x1024xf32, #tpu.memory_space<vmem>>, vector<1x16xf32>,
        %get3A_394 = vector.shape_cast %get3A_393 : vector<1x16xf32> to vector<16xf32>
        %mul3A_395 = arith.constant 3.200000e+01 : f32
        %mul3A_396 = vector.broadcast %mul3A_395 : f32 to vector<16xf32>
        %mul3A_397 = arith.mulf %get3A_394, %mul3A_396 : vector<16xf32>
        %swap3A_398 = arith.index_cast %scan3A_235 : i32 to index
        %swap3A_399 = arith.constant 208 : index
        %swap3A_400 = tpu.vector_load %arg7[%swap3A_398, %swap3A_399] {strides = array<i32>} : memref<32x1024xf32, #tpu.memory_space<vmem>>, vector<1x16xf32>,
        %swap3A_401 = vector.shape_cast %swap3A_400 : vector<1x16xf32> to vector<16xf32>
        %swap3A_402 = vector.shape_cast %mul3A_397 : vector<16xf32> to vector<1x16xf32>
        tpu.vector_store %arg7[%swap3A_398, %swap3A_399], %swap3A_402 {strides = array<i32>} : memref<32x1024xf32, #tpu.memory_space<vmem>>, vector<1x16xf32>,
        %get3A_403 = arith.index_cast %scan3A_235 : i32 to index
        %get3A_404 = arith.constant 224 : index
        %get3A_405 = tpu.vector_load %arg7[%get3A_403, %get3A_404] {strides = array<i32>} : memref<32x1024xf32, #tpu.memory_space<vmem>>, vector<1x16xf32>,
        %get3A_406 = vector.shape_cast %get3A_405 : vector<1x16xf32> to vector<16xf32>
        %mul3A_407 = arith.constant 3.200000e+01 : f32
        %mul3A_408 = vector.broadcast %mul3A_407 : f32 to vector<16xf32>
        %mul3A_409 = arith.mulf %get3A_406, %mul3A_408 : vector<16xf32>
        %swap3A_410 = arith.index_cast %scan3A_235 : i32 to index
        %swap3A_411 = arith.constant 224 : index
        %swap3A_412 = tpu.vector_load %arg7[%swap3A_410, %swap3A_411] {strides = array<i32>} : memref<32x1024xf32, #tpu.memory_space<vmem>>, vector<1x16xf32>,
        %swap3A_413 = vector.shape_cast %swap3A_412 : vector<1x16xf32> to vector<16xf32>
        %swap3A_414 = vector.shape_cast %mul3A_409 : vector<16xf32> to vector<1x16xf32>
        tpu.vector_store %arg7[%swap3A_410, %swap3A_411], %swap3A_414 {strides = array<i32>} : memref<32x1024xf32, #tpu.memory_space<vmem>>, vector<1x16xf32>,
        %get3A_415 = arith.index_cast %scan3A_235 : i32 to index
        %get3A_416 = arith.constant 240 : index
        %get3A_417 = tpu.vector_load %arg7[%get3A_415, %get3A_416] {strides = array<i32>} : memref<32x1024xf32, #tpu.memory_space<vmem>>, vector<1x16xf32>,
        %get3A_418 = vector.shape_cast %get3A_417 : vector<1x16xf32> to vector<16xf32>
        %mul3A_419 = arith.constant 3.200000e+01 : f32
        %mul3A_420 = vector.broadcast %mul3A_419 : f32 to vector<16xf32>
        %mul3A_421 = arith.mulf %get3A_418, %mul3A_420 : vector<16xf32>
        %swap3A_422 = arith.index_cast %scan3A_235 : i32 to index
        %swap3A_423 = arith.constant 240 : index
        %swap3A_424 = tpu.vector_load %arg7[%swap3A_422, %swap3A_423] {strides = array<i32>} : memref<32x1024xf32, #tpu.memory_space<vmem>>, vector<1x16xf32>,
        %swap3A_425 = vector.shape_cast %swap3A_424 : vector<1x16xf32> to vector<16xf32>
        %swap3A_426 = vector.shape_cast %mul3A_421 : vector<16xf32> to vector<1x16xf32>
        tpu.vector_store %arg7[%swap3A_422, %swap3A_423], %swap3A_426 {strides = array<i32>} : memref<32x1024xf32, #tpu.memory_space<vmem>>, vector<1x16xf32>,
        %get3A_427 = arith.index_cast %scan3A_235 : i32 to index
        %get3A_428 = arith.constant 256 : index
        %get3A_429 = tpu.vector_load %arg7[%get3A_427, %get3A_428] {strides = array<i32>} : memref<32x1024xf32, #tpu.memory_space<vmem>>, vector<1x16xf32>,
        %get3A_430 = vector.shape_cast %get3A_429 : vector<1x16xf32> to vector<16xf32>
        %mul3A_431 = arith.constant 3.200000e+01 : f32
        %mul3A_432 = vector.broadcast %mul3A_431 : f32 to vector<16xf32>
        %mul3A_433 = arith.mulf %get3A_430, %mul3A_432 : vector<16xf32>
        %swap3A_434 = arith.index_cast %scan3A_235 : i32 to index
        %swap3A_435 = arith.constant 256 : index
        %swap3A_436 = tpu.vector_load %arg7[%swap3A_434, %swap3A_435] {strides = array<i32>} : memref<32x1024xf32, #tpu.memory_space<vmem>>, vector<1x16xf32>,
        %swap3A_437 = vector.shape_cast %swap3A_436 : vector<1x16xf32> to vector<16xf32>
        %swap3A_438 = vector.shape_cast %mul3A_433 : vector<16xf32> to vector<1x16xf32>
        tpu.vector_store %arg7[%swap3A_434, %swap3A_435], %swap3A_438 {strides = array<i32>} : memref<32x1024xf32, #tpu.memory_space<vmem>>, vector<1x16xf32>,
        %get3A_439 = arith.index_cast %scan3A_235 : i32 to index
        %get3A_440 = arith.constant 272 : index
        %get3A_441 = tpu.vector_load %arg7[%get3A_439, %get3A_440] {strides = array<i32>} : memref<32x1024xf32, #tpu.memory_space<vmem>>, vector<1x16xf32>,
        %get3A_442 = vector.shape_cast %get3A_441 : vector<1x16xf32> to vector<16xf32>
        %mul3A_443 = arith.constant 3.200000e+01 : f32
        %mul3A_444 = vector.broadcast %mul3A_443 : f32 to vector<16xf32>
        %mul3A_445 = arith.mulf %get3A_442, %mul3A_444 : vector<16xf32>
        %swap3A_446 = arith.index_cast %scan3A_235 : i32 to index
        %swap3A_447 = arith.constant 272 : index
        %swap3A_448 = tpu.vector_load %arg7[%swap3A_446, %swap3A_447] {strides = array<i32>} : memref<32x1024xf32, #tpu.memory_space<vmem>>, vector<1x16xf32>,
        %swap3A_449 = vector.shape_cast %swap3A_448 : vector<1x16xf32> to vector<16xf32>
        %swap3A_450 = vector.shape_cast %mul3A_445 : vector<16xf32> to vector<1x16xf32>
        tpu.vector_store %arg7[%swap3A_446, %swap3A_447], %swap3A_450 {strides = array<i32>} : memref<32x1024xf32, #tpu.memory_space<vmem>>, vector<1x16xf32>,
        %get3A_451 = arith.index_cast %scan3A_235 : i32 to index
        %get3A_452 = arith.constant 288 : index
        %get3A_453 = tpu.vector_load %arg7[%get3A_451, %get3A_452] {strides = array<i32>} : memref<32x1024xf32, #tpu.memory_space<vmem>>, vector<1x16xf32>,
        %get3A_454 = vector.shape_cast %get3A_453 : vector<1x16xf32> to vector<16xf32>
        %mul3A_455 = arith.constant 3.200000e+01 : f32
        %mul3A_456 = vector.broadcast %mul3A_455 : f32 to vector<16xf32>
        %mul3A_457 = arith.mulf %get3A_454, %mul3A_456 : vector<16xf32>
        %swap3A_458 = arith.index_cast %scan3A_235 : i32 to index
        %swap3A_459 = arith.constant 288 : index
        %swap3A_460 = tpu.vector_load %arg7[%swap3A_458, %swap3A_459] {strides = array<i32>} : memref<32x1024xf32, #tpu.memory_space<vmem>>, vector<1x16xf32>,
        %swap3A_461 = vector.shape_cast %swap3A_460 : vector<1x16xf32> to vector<16xf32>
        %swap3A_462 = vector.shape_cast %mul3A_457 : vector<16xf32> to vector<1x16xf32>
        tpu.vector_store %arg7[%swap3A_458, %swap3A_459], %swap3A_462 {strides = array<i32>} : memref<32x1024xf32, #tpu.memory_space<vmem>>, vector<1x16xf32>,
        %get3A_463 = arith.index_cast %scan3A_235 : i32 to index
        %get3A_464 = arith.constant 304 : index
        %get3A_465 = tpu.vector_load %arg7[%get3A_463, %get3A_464] {strides = array<i32>} : memref<32x1024xf32, #tpu.memory_space<vmem>>, vector<1x16xf32>,
        %get3A_466 = vector.shape_cast %get3A_465 : vector<1x16xf32> to vector<16xf32>
        %mul3A_467 = arith.constant 3.200000e+01 : f32
        %mul3A_468 = vector.broadcast %mul3A_467 : f32 to vector<16xf32>
        %mul3A_469 = arith.mulf %get3A_466, %mul3A_468 : vector<16xf32>
        %swap3A_470 = arith.index_cast %scan3A_235 : i32 to index
        %swap3A_471 = arith.constant 304 : index
        %swap3A_472 = tpu.vector_load %arg7[%swap3A_470, %swap3A_471] {strides = array<i32>} : memref<32x1024xf32, #tpu.memory_space<vmem>>, vector<1x16xf32>,
        %swap3A_473 = vector.shape_cast %swap3A_472 : vector<1x16xf32> to vector<16xf32>
        %swap3A_474 = vector.shape_cast %mul3A_469 : vector<16xf32> to vector<1x16xf32>
        tpu.vector_store %arg7[%swap3A_470, %swap3A_471], %swap3A_474 {strides = array<i32>} : memref<32x1024xf32, #tpu.memory_space<vmem>>, vector<1x16xf32>,
        %get3A_475 = arith.index_cast %scan3A_235 : i32 to index
        %get3A_476 = arith.constant 320 : index
        %get3A_477 = tpu.vector_load %arg7[%get3A_475, %get3A_476] {strides = array<i32>} : memref<32x1024xf32, #tpu.memory_space<vmem>>, vector<1x16xf32>,
        %get3A_478 = vector.shape_cast %get3A_477 : vector<1x16xf32> to vector<16xf32>
        %mul3A_479 = arith.constant 3.200000e+01 : f32
        %mul3A_480 = vector.broadcast %mul3A_479 : f32 to vector<16xf32>
        %mul3A_481 = arith.mulf %get3A_478, %mul3A_480 : vector<16xf32>
        %swap3A_482 = arith.index_cast %scan3A_235 : i32 to index
        %swap3A_483 = arith.constant 320 : index
        %swap3A_484 = tpu.vector_load %arg7[%swap3A_482, %swap3A_483] {strides = array<i32>} : memref<32x1024xf32, #tpu.memory_space<vmem>>, vector<1x16xf32>,
        %swap3A_485 = vector.shape_cast %swap3A_484 : vector<1x16xf32> to vector<16xf32>
        %swap3A_486 = vector.shape_cast %mul3A_481 : vector<16xf32> to vector<1x16xf32>
        tpu.vector_store %arg7[%swap3A_482, %swap3A_483], %swap3A_486 {strides = array<i32>} : memref<32x1024xf32, #tpu.memory_space<vmem>>, vector<1x16xf32>,
        %get3A_487 = arith.index_cast %scan3A_235 : i32 to index
        %get3A_488 = arith.constant 336 : index
        %get3A_489 = tpu.vector_load %arg7[%get3A_487, %get3A_488] {strides = array<i32>} : memref<32x1024xf32, #tpu.memory_space<vmem>>, vector<1x16xf32>,
        %get3A_490 = vector.shape_cast %get3A_489 : vector<1x16xf32> to vector<16xf32>
        %mul3A_491 = arith.constant 3.200000e+01 : f32
        %mul3A_492 = vector.broadcast %mul3A_491 : f32 to vector<16xf32>
        %mul3A_493 = arith.mulf %get3A_490, %mul3A_492 : vector<16xf32>
        %swap3A_494 = arith.index_cast %scan3A_235 : i32 to index
        %swap3A_495 = arith.constant 336 : index
        %swap3A_496 = tpu.vector_load %arg7[%swap3A_494, %swap3A_495] {strides = array<i32>} : memref<32x1024xf32, #tpu.memory_space<vmem>>, vector<1x16xf32>,
        %swap3A_497 = vector.shape_cast %swap3A_496 : vector<1x16xf32> to vector<16xf32>
        %swap3A_498 = vector.shape_cast %mul3A_493 : vector<16xf32> to vector<1x16xf32>
        tpu.vector_store %arg7[%swap3A_494, %swap3A_495], %swap3A_498 {strides = array<i32>} : memref<32x1024xf32, #tpu.memory_space<vmem>>, vector<1x16xf32>,
        %get3A_499 = arith.index_cast %scan3A_235 : i32 to index
        %get3A_500 = arith.constant 352 : index
        %get3A_501 = tpu.vector_load %arg7[%get3A_499, %get3A_500] {strides = array<i32>} : memref<32x1024xf32, #tpu.memory_space<vmem>>, vector<1x16xf32>,
        %get3A_502 = vector.shape_cast %get3A_501 : vector<1x16xf32> to vector<16xf32>
        %mul3A_503 = arith.constant 3.200000e+01 : f32
        %mul3A_504 = vector.broadcast %mul3A_503 : f32 to vector<16xf32>
        %mul3A_505 = arith.mulf %get3A_502, %mul3A_504 : vector<16xf32>
        %swap3A_506 = arith.index_cast %scan3A_235 : i32 to index
        %swap3A_507 = arith.constant 352 : index
        %swap3A_508 = tpu.vector_load %arg7[%swap3A_506, %swap3A_507] {strides = array<i32>} : memref<32x1024xf32, #tpu.memory_space<vmem>>, vector<1x16xf32>,
        %swap3A_509 = vector.shape_cast %swap3A_508 : vector<1x16xf32> to vector<16xf32>
        %swap3A_510 = vector.shape_cast %mul3A_505 : vector<16xf32> to vector<1x16xf32>
        tpu.vector_store %arg7[%swap3A_506, %swap3A_507], %swap3A_510 {strides = array<i32>} : memref<32x1024xf32, #tpu.memory_space<vmem>>, vector<1x16xf32>,
        %get3A_511 = arith.index_cast %scan3A_235 : i32 to index
        %get3A_512 = arith.constant 368 : index
        %get3A_513 = tpu.vector_load %arg7[%get3A_511, %get3A_512] {strides = array<i32>} : memref<32x1024xf32, #tpu.memory_space<vmem>>, vector<1x16xf32>,
        %get3A_514 = vector.shape_cast %get3A_513 : vector<1x16xf32> to vector<16xf32>
        %mul3A_515 = arith.constant 3.200000e+01 : f32
        %mul3A_516 = vector.broadcast %mul3A_515 : f32 to vector<16xf32>
        %mul3A_517 = arith.mulf %get3A_514, %mul3A_516 : vector<16xf32>
        %swap3A_518 = arith.index_cast %scan3A_235 : i32 to index
        %swap3A_519 = arith.constant 368 : index
        %swap3A_520 = tpu.vector_load %arg7[%swap3A_518, %swap3A_519] {strides = array<i32>} : memref<32x1024xf32, #tpu.memory_space<vmem>>, vector<1x16xf32>,
        %swap3A_521 = vector.shape_cast %swap3A_520 : vector<1x16xf32> to vector<16xf32>
        %swap3A_522 = vector.shape_cast %mul3A_517 : vector<16xf32> to vector<1x16xf32>
        tpu.vector_store %arg7[%swap3A_518, %swap3A_519], %swap3A_522 {strides = array<i32>} : memref<32x1024xf32, #tpu.memory_space<vmem>>, vector<1x16xf32>,
        %get3A_523 = arith.index_cast %scan3A_235 : i32 to index
        %get3A_524 = arith.constant 384 : index
        %get3A_525 = tpu.vector_load %arg7[%get3A_523, %get3A_524] {strides = array<i32>} : memref<32x1024xf32, #tpu.memory_space<vmem>>, vector<1x16xf32>,
        %get3A_526 = vector.shape_cast %get3A_525 : vector<1x16xf32> to vector<16xf32>
        %mul3A_527 = arith.constant 3.200000e+01 : f32
        %mul3A_528 = vector.broadcast %mul3A_527 : f32 to vector<16xf32>
        %mul3A_529 = arith.mulf %get3A_526, %mul3A_528 : vector<16xf32>
        %swap3A_530 = arith.index_cast %scan3A_235 : i32 to index
        %swap3A_531 = arith.constant 384 : index
        %swap3A_532 = tpu.vector_load %arg7[%swap3A_530, %swap3A_531] {strides = array<i32>} : memref<32x1024xf32, #tpu.memory_space<vmem>>, vector<1x16xf32>,
        %swap3A_533 = vector.shape_cast %swap3A_532 : vector<1x16xf32> to vector<16xf32>
        %swap3A_534 = vector.shape_cast %mul3A_529 : vector<16xf32> to vector<1x16xf32>
        tpu.vector_store %arg7[%swap3A_530, %swap3A_531], %swap3A_534 {strides = array<i32>} : memref<32x1024xf32, #tpu.memory_space<vmem>>, vector<1x16xf32>,
        %get3A_535 = arith.index_cast %scan3A_235 : i32 to index
        %get3A_536 = arith.constant 400 : index
        %get3A_537 = tpu.vector_load %arg7[%get3A_535, %get3A_536] {strides = array<i32>} : memref<32x1024xf32, #tpu.memory_space<vmem>>, vector<1x16xf32>,
        %get3A_538 = vector.shape_cast %get3A_537 : vector<1x16xf32> to vector<16xf32>
        %mul3A_539 = arith.constant 3.200000e+01 : f32
        %mul3A_540 = vector.broadcast %mul3A_539 : f32 to vector<16xf32>
        %mul3A_541 = arith.mulf %get3A_538, %mul3A_540 : vector<16xf32>
        %swap3A_542 = arith.index_cast %scan3A_235 : i32 to index
        %swap3A_543 = arith.constant 400 : index
        %swap3A_544 = tpu.vector_load %arg7[%swap3A_542, %swap3A_543] {strides = array<i32>} : memref<32x1024xf32, #tpu.memory_space<vmem>>, vector<1x16xf32>,
        %swap3A_545 = vector.shape_cast %swap3A_544 : vector<1x16xf32> to vector<16xf32>
        %swap3A_546 = vector.shape_cast %mul3A_541 : vector<16xf32> to vector<1x16xf32>
        tpu.vector_store %arg7[%swap3A_542, %swap3A_543], %swap3A_546 {strides = array<i32>} : memref<32x1024xf32, #tpu.memory_space<vmem>>, vector<1x16xf32>,
        %get3A_547 = arith.index_cast %scan3A_235 : i32 to index
        %get3A_548 = arith.constant 416 : index
        %get3A_549 = tpu.vector_load %arg7[%get3A_547, %get3A_548] {strides = array<i32>} : memref<32x1024xf32, #tpu.memory_space<vmem>>, vector<1x16xf32>,
        %get3A_550 = vector.shape_cast %get3A_549 : vector<1x16xf32> to vector<16xf32>
        %mul3A_551 = arith.constant 3.200000e+01 : f32
        %mul3A_552 = vector.broadcast %mul3A_551 : f32 to vector<16xf32>
        %mul3A_553 = arith.mulf %get3A_550, %mul3A_552 : vector<16xf32>
        %swap3A_554 = arith.index_cast %scan3A_235 : i32 to index
        %swap3A_555 = arith.constant 416 : index
        %swap3A_556 = tpu.vector_load %arg7[%swap3A_554, %swap3A_555] {strides = array<i32>} : memref<32x1024xf32, #tpu.memory_space<vmem>>, vector<1x16xf32>,
        %swap3A_557 = vector.shape_cast %swap3A_556 : vector<1x16xf32> to vector<16xf32>
        %swap3A_558 = vector.shape_cast %mul3A_553 : vector<16xf32> to vector<1x16xf32>
        tpu.vector_store %arg7[%swap3A_554, %swap3A_555], %swap3A_558 {strides = array<i32>} : memref<32x1024xf32, #tpu.memory_space<vmem>>, vector<1x16xf32>,
        %get3A_559 = arith.index_cast %scan3A_235 : i32 to index
        %get3A_560 = arith.constant 432 : index
        %get3A_561 = tpu.vector_load %arg7[%get3A_559, %get3A_560] {strides = array<i32>} : memref<32x1024xf32, #tpu.memory_space<vmem>>, vector<1x16xf32>,
        %get3A_562 = vector.shape_cast %get3A_561 : vector<1x16xf32> to vector<16xf32>
        %mul3A_563 = arith.constant 3.200000e+01 : f32
        %mul3A_564 = vector.broadcast %mul3A_563 : f32 to vector<16xf32>
        %mul3A_565 = arith.mulf %get3A_562, %mul3A_564 : vector<16xf32>
        %swap3A_566 = arith.index_cast %scan3A_235 : i32 to index
        %swap3A_567 = arith.constant 432 : index
        %swap3A_568 = tpu.vector_load %arg7[%swap3A_566, %swap3A_567] {strides = array<i32>} : memref<32x1024xf32, #tpu.memory_space<vmem>>, vector<1x16xf32>,
        %swap3A_569 = vector.shape_cast %swap3A_568 : vector<1x16xf32> to vector<16xf32>
        %swap3A_570 = vector.shape_cast %mul3A_565 : vector<16xf32> to vector<1x16xf32>
        tpu.vector_store %arg7[%swap3A_566, %swap3A_567], %swap3A_570 {strides = array<i32>} : memref<32x1024xf32, #tpu.memory_space<vmem>>, vector<1x16xf32>,
        %get3A_571 = arith.index_cast %scan3A_235 : i32 to index
        %get3A_572 = arith.constant 448 : index
        %get3A_573 = tpu.vector_load %arg7[%get3A_571, %get3A_572] {strides = array<i32>} : memref<32x1024xf32, #tpu.memory_space<vmem>>, vector<1x16xf32>,
        %get3A_574 = vector.shape_cast %get3A_573 : vector<1x16xf32> to vector<16xf32>
        %mul3A_575 = arith.constant 3.200000e+01 : f32
        %mul3A_576 = vector.broadcast %mul3A_575 : f32 to vector<16xf32>
        %mul3A_577 = arith.mulf %get3A_574, %mul3A_576 : vector<16xf32>
        %swap3A_578 = arith.index_cast %scan3A_235 : i32 to index
        %swap3A_579 = arith.constant 448 : index
        %swap3A_580 = tpu.vector_load %arg7[%swap3A_578, %swap3A_579] {strides = array<i32>} : memref<32x1024xf32, #tpu.memory_space<vmem>>, vector<1x16xf32>,
        %swap3A_581 = vector.shape_cast %swap3A_580 : vector<1x16xf32> to vector<16xf32>
        %swap3A_582 = vector.shape_cast %mul3A_577 : vector<16xf32> to vector<1x16xf32>
        tpu.vector_store %arg7[%swap3A_578, %swap3A_579], %swap3A_582 {strides = array<i32>} : memref<32x1024xf32, #tpu.memory_space<vmem>>, vector<1x16xf32>,
        %get3A_583 = arith.index_cast %scan3A_235 : i32 to index
        %get3A_584 = arith.constant 464 : index
        %get3A_585 = tpu.vector_load %arg7[%get3A_583, %get3A_584] {strides = array<i32>} : memref<32x1024xf32, #tpu.memory_space<vmem>>, vector<1x16xf32>,
        %get3A_586 = vector.shape_cast %get3A_585 : vector<1x16xf32> to vector<16xf32>
        %mul3A_587 = arith.constant 3.200000e+01 : f32
        %mul3A_588 = vector.broadcast %mul3A_587 : f32 to vector<16xf32>
        %mul3A_589 = arith.mulf %get3A_586, %mul3A_588 : vector<16xf32>
        %swap3A_590 = arith.index_cast %scan3A_235 : i32 to index
        %swap3A_591 = arith.constant 464 : index
        %swap3A_592 = tpu.vector_load %arg7[%swap3A_590, %swap3A_591] {strides = array<i32>} : memref<32x1024xf32, #tpu.memory_space<vmem>>, vector<1x16xf32>,
        %swap3A_593 = vector.shape_cast %swap3A_592 : vector<1x16xf32> to vector<16xf32>
        %swap3A_594 = vector.shape_cast %mul3A_589 : vector<16xf32> to vector<1x16xf32>
        tpu.vector_store %arg7[%swap3A_590, %swap3A_591], %swap3A_594 {strides = array<i32>} : memref<32x1024xf32, #tpu.memory_space<vmem>>, vector<1x16xf32>,
        %get3A_595 = arith.index_cast %scan3A_235 : i32 to index
        %get3A_596 = arith.constant 480 : index
        %get3A_597 = tpu.vector_load %arg7[%get3A_595, %get3A_596] {strides = array<i32>} : memref<32x1024xf32, #tpu.memory_space<vmem>>, vector<1x16xf32>,
        %get3A_598 = vector.shape_cast %get3A_597 : vector<1x16xf32> to vector<16xf32>
        %mul3A_599 = arith.constant 3.200000e+01 : f32
        %mul3A_600 = vector.broadcast %mul3A_599 : f32 to vector<16xf32>
        %mul3A_601 = arith.mulf %get3A_598, %mul3A_600 : vector<16xf32>
        %swap3A_602 = arith.index_cast %scan3A_235 : i32 to index
        %swap3A_603 = arith.constant 480 : index
        %swap3A_604 = tpu.vector_load %arg7[%swap3A_602, %swap3A_603] {strides = array<i32>} : memref<32x1024xf32, #tpu.memory_space<vmem>>, vector<1x16xf32>,
        %swap3A_605 = vector.shape_cast %swap3A_604 : vector<1x16xf32> to vector<16xf32>
        %swap3A_606 = vector.shape_cast %mul3A_601 : vector<16xf32> to vector<1x16xf32>
        tpu.vector_store %arg7[%swap3A_602, %swap3A_603], %swap3A_606 {strides = array<i32>} : memref<32x1024xf32, #tpu.memory_space<vmem>>, vector<1x16xf32>,
        %get3A_607 = arith.index_cast %scan3A_235 : i32 to index
        %get3A_608 = arith.constant 496 : index
        %get3A_609 = tpu.vector_load %arg7[%get3A_607, %get3A_608] {strides = array<i32>} : memref<32x1024xf32, #tpu.memory_space<vmem>>, vector<1x16xf32>,
        %get3A_610 = vector.shape_cast %get3A_609 : vector<1x16xf32> to vector<16xf32>
        %mul3A_611 = arith.constant 3.200000e+01 : f32
        %mul3A_612 = vector.broadcast %mul3A_611 : f32 to vector<16xf32>
        %mul3A_613 = arith.mulf %get3A_610, %mul3A_612 : vector<16xf32>
        %swap3A_614 = arith.index_cast %scan3A_235 : i32 to index
        %swap3A_615 = arith.constant 496 : index
        %swap3A_616 = tpu.vector_load %arg7[%swap3A_614, %swap3A_615] {strides = array<i32>} : memref<32x1024xf32, #tpu.memory_space<vmem>>, vector<1x16xf32>,
        %swap3A_617 = vector.shape_cast %swap3A_616 : vector<1x16xf32> to vector<16xf32>
        %swap3A_618 = vector.shape_cast %mul3A_613 : vector<16xf32> to vector<1x16xf32>
        tpu.vector_store %arg7[%swap3A_614, %swap3A_615], %swap3A_618 {strides = array<i32>} : memref<32x1024xf32, #tpu.memory_space<vmem>>, vector<1x16xf32>,
        %get3A_619 = arith.index_cast %scan3A_235 : i32 to index
        %get3A_620 = arith.constant 512 : index
        %get3A_621 = tpu.vector_load %arg7[%get3A_619, %get3A_620] {strides = array<i32>} : memref<32x1024xf32, #tpu.memory_space<vmem>>, vector<1x16xf32>,
        %get3A_622 = vector.shape_cast %get3A_621 : vector<1x16xf32> to vector<16xf32>
        %mul3A_623 = arith.constant 3.200000e+01 : f32
        %mul3A_624 = vector.broadcast %mul3A_623 : f32 to vector<16xf32>
        %mul3A_625 = arith.mulf %get3A_622, %mul3A_624 : vector<16xf32>
        %swap3A_626 = arith.index_cast %scan3A_235 : i32 to index
        %swap3A_627 = arith.constant 512 : index
        %swap3A_628 = tpu.vector_load %arg7[%swap3A_626, %swap3A_627] {strides = array<i32>} : memref<32x1024xf32, #tpu.memory_space<vmem>>, vector<1x16xf32>,
        %swap3A_629 = vector.shape_cast %swap3A_628 : vector<1x16xf32> to vector<16xf32>
        %swap3A_630 = vector.shape_cast %mul3A_625 : vector<16xf32> to vector<1x16xf32>
        tpu.vector_store %arg7[%swap3A_626, %swap3A_627], %swap3A_630 {strides = array<i32>} : memref<32x1024xf32, #tpu.memory_space<vmem>>, vector<1x16xf32>,
        %get3A_631 = arith.index_cast %scan3A_235 : i32 to index
        %get3A_632 = arith.constant 528 : index
        %get3A_633 = tpu.vector_load %arg7[%get3A_631, %get3A_632] {strides = array<i32>} : memref<32x1024xf32, #tpu.memory_space<vmem>>, vector<1x16xf32>,
        %get3A_634 = vector.shape_cast %get3A_633 : vector<1x16xf32> to vector<16xf32>
        %mul3A_635 = arith.constant 3.200000e+01 : f32
        %mul3A_636 = vector.broadcast %mul3A_635 : f32 to vector<16xf32>
        %mul3A_637 = arith.mulf %get3A_634, %mul3A_636 : vector<16xf32>
        %swap3A_638 = arith.index_cast %scan3A_235 : i32 to index
        %swap3A_639 = arith.constant 528 : index
        %swap3A_640 = tpu.vector_load %arg7[%swap3A_638, %swap3A_639] {strides = array<i32>} : memref<32x1024xf32, #tpu.memory_space<vmem>>, vector<1x16xf32>,
        %swap3A_641 = vector.shape_cast %swap3A_640 : vector<1x16xf32> to vector<16xf32>
        %swap3A_642 = vector.shape_cast %mul3A_637 : vector<16xf32> to vector<1x16xf32>
        tpu.vector_store %arg7[%swap3A_638, %swap3A_639], %swap3A_642 {strides = array<i32>} : memref<32x1024xf32, #tpu.memory_space<vmem>>, vector<1x16xf32>,
        %get3A_643 = arith.index_cast %scan3A_235 : i32 to index
        %get3A_644 = arith.constant 544 : index
        %get3A_645 = tpu.vector_load %arg7[%get3A_643, %get3A_644] {strides = array<i32>} : memref<32x1024xf32, #tpu.memory_space<vmem>>, vector<1x16xf32>,
        %get3A_646 = vector.shape_cast %get3A_645 : vector<1x16xf32> to vector<16xf32>
        %mul3A_647 = arith.constant 3.200000e+01 : f32
        %mul3A_648 = vector.broadcast %mul3A_647 : f32 to vector<16xf32>
        %mul3A_649 = arith.mulf %get3A_646, %mul3A_648 : vector<16xf32>
        %swap3A_650 = arith.index_cast %scan3A_235 : i32 to index
        %swap3A_651 = arith.constant 544 : index
        %swap3A_652 = tpu.vector_load %arg7[%swap3A_650, %swap3A_651] {strides = array<i32>} : memref<32x1024xf32, #tpu.memory_space<vmem>>, vector<1x16xf32>,
        %swap3A_653 = vector.shape_cast %swap3A_652 : vector<1x16xf32> to vector<16xf32>
        %swap3A_654 = vector.shape_cast %mul3A_649 : vector<16xf32> to vector<1x16xf32>
        tpu.vector_store %arg7[%swap3A_650, %swap3A_651], %swap3A_654 {strides = array<i32>} : memref<32x1024xf32, #tpu.memory_space<vmem>>, vector<1x16xf32>,
        %get3A_655 = arith.index_cast %scan3A_235 : i32 to index
        %get3A_656 = arith.constant 560 : index
        %get3A_657 = tpu.vector_load %arg7[%get3A_655, %get3A_656] {strides = array<i32>} : memref<32x1024xf32, #tpu.memory_space<vmem>>, vector<1x16xf32>,
        %get3A_658 = vector.shape_cast %get3A_657 : vector<1x16xf32> to vector<16xf32>
        %mul3A_659 = arith.constant 3.200000e+01 : f32
        %mul3A_660 = vector.broadcast %mul3A_659 : f32 to vector<16xf32>
        %mul3A_661 = arith.mulf %get3A_658, %mul3A_660 : vector<16xf32>
        %swap3A_662 = arith.index_cast %scan3A_235 : i32 to index
        %swap3A_663 = arith.constant 560 : index
        %swap3A_664 = tpu.vector_load %arg7[%swap3A_662, %swap3A_663] {strides = array<i32>} : memref<32x1024xf32, #tpu.memory_space<vmem>>, vector<1x16xf32>,
        %swap3A_665 = vector.shape_cast %swap3A_664 : vector<1x16xf32> to vector<16xf32>
        %swap3A_666 = vector.shape_cast %mul3A_661 : vector<16xf32> to vector<1x16xf32>
        tpu.vector_store %arg7[%swap3A_662, %swap3A_663], %swap3A_666 {strides = array<i32>} : memref<32x1024xf32, #tpu.memory_space<vmem>>, vector<1x16xf32>,
        %get3A_667 = arith.index_cast %scan3A_235 : i32 to index
        %get3A_668 = arith.constant 576 : index
        %get3A_669 = tpu.vector_load %arg7[%get3A_667, %get3A_668] {strides = array<i32>} : memref<32x1024xf32, #tpu.memory_space<vmem>>, vector<1x16xf32>,
        %get3A_670 = vector.shape_cast %get3A_669 : vector<1x16xf32> to vector<16xf32>
        %mul3A_671 = arith.constant 3.200000e+01 : f32
        %mul3A_672 = vector.broadcast %mul3A_671 : f32 to vector<16xf32>
        %mul3A_673 = arith.mulf %get3A_670, %mul3A_672 : vector<16xf32>
        %swap3A_674 = arith.index_cast %scan3A_235 : i32 to index
        %swap3A_675 = arith.constant 576 : index
        %swap3A_676 = tpu.vector_load %arg7[%swap3A_674, %swap3A_675] {strides = array<i32>} : memref<32x1024xf32, #tpu.memory_space<vmem>>, vector<1x16xf32>,
        %swap3A_677 = vector.shape_cast %swap3A_676 : vector<1x16xf32> to vector<16xf32>
        %swap3A_678 = vector.shape_cast %mul3A_673 : vector<16xf32> to vector<1x16xf32>
        tpu.vector_store %arg7[%swap3A_674, %swap3A_675], %swap3A_678 {strides = array<i32>} : memref<32x1024xf32, #tpu.memory_space<vmem>>, vector<1x16xf32>,
        %get3A_679 = arith.index_cast %scan3A_235 : i32 to index
        %get3A_680 = arith.constant 592 : index
        %get3A_681 = tpu.vector_load %arg7[%get3A_679, %get3A_680] {strides = array<i32>} : memref<32x1024xf32, #tpu.memory_space<vmem>>, vector<1x16xf32>,
        %get3A_682 = vector.shape_cast %get3A_681 : vector<1x16xf32> to vector<16xf32>
        %mul3A_683 = arith.constant 3.200000e+01 : f32
        %mul3A_684 = vector.broadcast %mul3A_683 : f32 to vector<16xf32>
        %mul3A_685 = arith.mulf %get3A_682, %mul3A_684 : vector<16xf32>
        %swap3A_686 = arith.index_cast %scan3A_235 : i32 to index
        %swap3A_687 = arith.constant 592 : index
        %swap3A_688 = tpu.vector_load %arg7[%swap3A_686, %swap3A_687] {strides = array<i32>} : memref<32x1024xf32, #tpu.memory_space<vmem>>, vector<1x16xf32>,
        %swap3A_689 = vector.shape_cast %swap3A_688 : vector<1x16xf32> to vector<16xf32>
        %swap3A_690 = vector.shape_cast %mul3A_685 : vector<16xf32> to vector<1x16xf32>
        tpu.vector_store %arg7[%swap3A_686, %swap3A_687], %swap3A_690 {strides = array<i32>} : memref<32x1024xf32, #tpu.memory_space<vmem>>, vector<1x16xf32>,
        %get3A_691 = arith.index_cast %scan3A_235 : i32 to index
        %get3A_692 = arith.constant 608 : index
        %get3A_693 = tpu.vector_load %arg7[%get3A_691, %get3A_692] {strides = array<i32>} : memref<32x1024xf32, #tpu.memory_space<vmem>>, vector<1x16xf32>,
        %get3A_694 = vector.shape_cast %get3A_693 : vector<1x16xf32> to vector<16xf32>
        %mul3A_695 = arith.constant 3.200000e+01 : f32
        %mul3A_696 = vector.broadcast %mul3A_695 : f32 to vector<16xf32>
        %mul3A_697 = arith.mulf %get3A_694, %mul3A_696 : vector<16xf32>
        %swap3A_698 = arith.index_cast %scan3A_235 : i32 to index
        %swap3A_699 = arith.constant 608 : index
        %swap3A_700 = tpu.vector_load %arg7[%swap3A_698, %swap3A_699] {strides = array<i32>} : memref<32x1024xf32, #tpu.memory_space<vmem>>, vector<1x16xf32>,
        %swap3A_701 = vector.shape_cast %swap3A_700 : vector<1x16xf32> to vector<16xf32>
        %swap3A_702 = vector.shape_cast %mul3A_697 : vector<16xf32> to vector<1x16xf32>
        tpu.vector_store %arg7[%swap3A_698, %swap3A_699], %swap3A_702 {strides = array<i32>} : memref<32x1024xf32, #tpu.memory_space<vmem>>, vector<1x16xf32>,
        %get3A_703 = arith.index_cast %scan3A_235 : i32 to index
        %get3A_704 = arith.constant 624 : index
        %get3A_705 = tpu.vector_load %arg7[%get3A_703, %get3A_704] {strides = array<i32>} : memref<32x1024xf32, #tpu.memory_space<vmem>>, vector<1x16xf32>,
        %get3A_706 = vector.shape_cast %get3A_705 : vector<1x16xf32> to vector<16xf32>
        %mul3A_707 = arith.constant 3.200000e+01 : f32
        %mul3A_708 = vector.broadcast %mul3A_707 : f32 to vector<16xf32>
        %mul3A_709 = arith.mulf %get3A_706, %mul3A_708 : vector<16xf32>
        %swap3A_710 = arith.index_cast %scan3A_235 : i32 to index
        %swap3A_711 = arith.constant 624 : index
        %swap3A_712 = tpu.vector_load %arg7[%swap3A_710, %swap3A_711] {strides = array<i32>} : memref<32x1024xf32, #tpu.memory_space<vmem>>, vector<1x16xf32>,
        %swap3A_713 = vector.shape_cast %swap3A_712 : vector<1x16xf32> to vector<16xf32>
        %swap3A_714 = vector.shape_cast %mul3A_709 : vector<16xf32> to vector<1x16xf32>
        tpu.vector_store %arg7[%swap3A_710, %swap3A_711], %swap3A_714 {strides = array<i32>} : memref<32x1024xf32, #tpu.memory_space<vmem>>, vector<1x16xf32>,
        %get3A_715 = arith.index_cast %scan3A_235 : i32 to index
        %get3A_716 = arith.constant 640 : index
        %get3A_717 = tpu.vector_load %arg7[%get3A_715, %get3A_716] {strides = array<i32>} : memref<32x1024xf32, #tpu.memory_space<vmem>>, vector<1x16xf32>,
        %get3A_718 = vector.shape_cast %get3A_717 : vector<1x16xf32> to vector<16xf32>
        %mul3A_719 = arith.constant 3.200000e+01 : f32
        %mul3A_720 = vector.broadcast %mul3A_719 : f32 to vector<16xf32>
        %mul3A_721 = arith.mulf %get3A_718, %mul3A_720 : vector<16xf32>
        %swap3A_722 = arith.index_cast %scan3A_235 : i32 to index
        %swap3A_723 = arith.constant 640 : index
        %swap3A_724 = tpu.vector_load %arg7[%swap3A_722, %swap3A_723] {strides = array<i32>} : memref<32x1024xf32, #tpu.memory_space<vmem>>, vector<1x16xf32>,
        %swap3A_725 = vector.shape_cast %swap3A_724 : vector<1x16xf32> to vector<16xf32>
        %swap3A_726 = vector.shape_cast %mul3A_721 : vector<16xf32> to vector<1x16xf32>
        tpu.vector_store %arg7[%swap3A_722, %swap3A_723], %swap3A_726 {strides = array<i32>} : memref<32x1024xf32, #tpu.memory_space<vmem>>, vector<1x16xf32>,
        %get3A_727 = arith.index_cast %scan3A_235 : i32 to index
        %get3A_728 = arith.constant 656 : index
        %get3A_729 = tpu.vector_load %arg7[%get3A_727, %get3A_728] {strides = array<i32>} : memref<32x1024xf32, #tpu.memory_space<vmem>>, vector<1x16xf32>,
        %get3A_730 = vector.shape_cast %get3A_729 : vector<1x16xf32> to vector<16xf32>
        %mul3A_731 = arith.constant 3.200000e+01 : f32
        %mul3A_732 = vector.broadcast %mul3A_731 : f32 to vector<16xf32>
        %mul3A_733 = arith.mulf %get3A_730, %mul3A_732 : vector<16xf32>
        %swap3A_734 = arith.index_cast %scan3A_235 : i32 to index
        %swap3A_735 = arith.constant 656 : index
        %swap3A_736 = tpu.vector_load %arg7[%swap3A_734, %swap3A_735] {strides = array<i32>} : memref<32x1024xf32, #tpu.memory_space<vmem>>, vector<1x16xf32>,
        %swap3A_737 = vector.shape_cast %swap3A_736 : vector<1x16xf32> to vector<16xf32>
        %swap3A_738 = vector.shape_cast %mul3A_733 : vector<16xf32> to vector<1x16xf32>
        tpu.vector_store %arg7[%swap3A_734, %swap3A_735], %swap3A_738 {strides = array<i32>} : memref<32x1024xf32, #tpu.memory_space<vmem>>, vector<1x16xf32>,
        %get3A_739 = arith.index_cast %scan3A_235 : i32 to index
        %get3A_740 = arith.constant 672 : index
        %get3A_741 = tpu.vector_load %arg7[%get3A_739, %get3A_740] {strides = array<i32>} : memref<32x1024xf32, #tpu.memory_space<vmem>>, vector<1x16xf32>,
        %get3A_742 = vector.shape_cast %get3A_741 : vector<1x16xf32> to vector<16xf32>
        %mul3A_743 = arith.constant 3.200000e+01 : f32
        %mul3A_744 = vector.broadcast %mul3A_743 : f32 to vector<16xf32>
        %mul3A_745 = arith.mulf %get3A_742, %mul3A_744 : vector<16xf32>
        %swap3A_746 = arith.index_cast %scan3A_235 : i32 to index
        %swap3A_747 = arith.constant 672 : index
        %swap3A_748 = tpu.vector_load %arg7[%swap3A_746, %swap3A_747] {strides = array<i32>} : memref<32x1024xf32, #tpu.memory_space<vmem>>, vector<1x16xf32>,
        %swap3A_749 = vector.shape_cast %swap3A_748 : vector<1x16xf32> to vector<16xf32>
        %swap3A_750 = vector.shape_cast %mul3A_745 : vector<16xf32> to vector<1x16xf32>
        tpu.vector_store %arg7[%swap3A_746, %swap3A_747], %swap3A_750 {strides = array<i32>} : memref<32x1024xf32, #tpu.memory_space<vmem>>, vector<1x16xf32>,
        %get3A_751 = arith.index_cast %scan3A_235 : i32 to index
        %get3A_752 = arith.constant 688 : index
        %get3A_753 = tpu.vector_load %arg7[%get3A_751, %get3A_752] {strides = array<i32>} : memref<32x1024xf32, #tpu.memory_space<vmem>>, vector<1x16xf32>,
        %get3A_754 = vector.shape_cast %get3A_753 : vector<1x16xf32> to vector<16xf32>
        %mul3A_755 = arith.constant 3.200000e+01 : f32
        %mul3A_756 = vector.broadcast %mul3A_755 : f32 to vector<16xf32>
        %mul3A_757 = arith.mulf %get3A_754, %mul3A_756 : vector<16xf32>
        %swap3A_758 = arith.index_cast %scan3A_235 : i32 to index
        %swap3A_759 = arith.constant 688 : index
        %swap3A_760 = tpu.vector_load %arg7[%swap3A_758, %swap3A_759] {strides = array<i32>} : memref<32x1024xf32, #tpu.memory_space<vmem>>, vector<1x16xf32>,
        %swap3A_761 = vector.shape_cast %swap3A_760 : vector<1x16xf32> to vector<16xf32>
        %swap3A_762 = vector.shape_cast %mul3A_757 : vector<16xf32> to vector<1x16xf32>
        tpu.vector_store %arg7[%swap3A_758, %swap3A_759], %swap3A_762 {strides = array<i32>} : memref<32x1024xf32, #tpu.memory_space<vmem>>, vector<1x16xf32>,
        %get3A_763 = arith.index_cast %scan3A_235 : i32 to index
        %get3A_764 = arith.constant 704 : index
        %get3A_765 = tpu.vector_load %arg7[%get3A_763, %get3A_764] {strides = array<i32>} : memref<32x1024xf32, #tpu.memory_space<vmem>>, vector<1x16xf32>,
        %get3A_766 = vector.shape_cast %get3A_765 : vector<1x16xf32> to vector<16xf32>
        %mul3A_767 = arith.constant 3.200000e+01 : f32
        %mul3A_768 = vector.broadcast %mul3A_767 : f32 to vector<16xf32>
        %mul3A_769 = arith.mulf %get3A_766, %mul3A_768 : vector<16xf32>
        %swap3A_770 = arith.index_cast %scan3A_235 : i32 to index
        %swap3A_771 = arith.constant 704 : index
        %swap3A_772 = tpu.vector_load %arg7[%swap3A_770, %swap3A_771] {strides = array<i32>} : memref<32x1024xf32, #tpu.memory_space<vmem>>, vector<1x16xf32>,
        %swap3A_773 = vector.shape_cast %swap3A_772 : vector<1x16xf32> to vector<16xf32>
        %swap3A_774 = vector.shape_cast %mul3A_769 : vector<16xf32> to vector<1x16xf32>
        tpu.vector_store %arg7[%swap3A_770, %swap3A_771], %swap3A_774 {strides = array<i32>} : memref<32x1024xf32, #tpu.memory_space<vmem>>, vector<1x16xf32>,
        %get3A_775 = arith.index_cast %scan3A_235 : i32 to index
        %get3A_776 = arith.constant 720 : index
        %get3A_777 = tpu.vector_load %arg7[%get3A_775, %get3A_776] {strides = array<i32>} : memref<32x1024xf32, #tpu.memory_space<vmem>>, vector<1x16xf32>,
        %get3A_778 = vector.shape_cast %get3A_777 : vector<1x16xf32> to vector<16xf32>
        %mul3A_779 = arith.constant 3.200000e+01 : f32
        %mul3A_780 = vector.broadcast %mul3A_779 : f32 to vector<16xf32>
        %mul3A_781 = arith.mulf %get3A_778, %mul3A_780 : vector<16xf32>
        %swap3A_782 = arith.index_cast %scan3A_235 : i32 to index
        %swap3A_783 = arith.constant 720 : index
        %swap3A_784 = tpu.vector_load %arg7[%swap3A_782, %swap3A_783] {strides = array<i32>} : memref<32x1024xf32, #tpu.memory_space<vmem>>, vector<1x16xf32>,
        %swap3A_785 = vector.shape_cast %swap3A_784 : vector<1x16xf32> to vector<16xf32>
        %swap3A_786 = vector.shape_cast %mul3A_781 : vector<16xf32> to vector<1x16xf32>
        tpu.vector_store %arg7[%swap3A_782, %swap3A_783], %swap3A_786 {strides = array<i32>} : memref<32x1024xf32, #tpu.memory_space<vmem>>, vector<1x16xf32>,
        %get3A_787 = arith.index_cast %scan3A_235 : i32 to index
        %get3A_788 = arith.constant 736 : index
        %get3A_789 = tpu.vector_load %arg7[%get3A_787, %get3A_788] {strides = array<i32>} : memref<32x1024xf32, #tpu.memory_space<vmem>>, vector<1x16xf32>,
        %get3A_790 = vector.shape_cast %get3A_789 : vector<1x16xf32> to vector<16xf32>
        %mul3A_791 = arith.constant 3.200000e+01 : f32
        %mul3A_792 = vector.broadcast %mul3A_791 : f32 to vector<16xf32>
        %mul3A_793 = arith.mulf %get3A_790, %mul3A_792 : vector<16xf32>
        %swap3A_794 = arith.index_cast %scan3A_235 : i32 to index
        %swap3A_795 = arith.constant 736 : index
        %swap3A_796 = tpu.vector_load %arg7[%swap3A_794, %swap3A_795] {strides = array<i32>} : memref<32x1024xf32, #tpu.memory_space<vmem>>, vector<1x16xf32>,
        %swap3A_797 = vector.shape_cast %swap3A_796 : vector<1x16xf32> to vector<16xf32>
        %swap3A_798 = vector.shape_cast %mul3A_793 : vector<16xf32> to vector<1x16xf32>
        tpu.vector_store %arg7[%swap3A_794, %swap3A_795], %swap3A_798 {strides = array<i32>} : memref<32x1024xf32, #tpu.memory_space<vmem>>, vector<1x16xf32>,
        %get3A_799 = arith.index_cast %scan3A_235 : i32 to index
        %get3A_800 = arith.constant 752 : index
        %get3A_801 = tpu.vector_load %arg7[%get3A_799, %get3A_800] {strides = array<i32>} : memref<32x1024xf32, #tpu.memory_space<vmem>>, vector<1x16xf32>,
        %get3A_802 = vector.shape_cast %get3A_801 : vector<1x16xf32> to vector<16xf32>
        %mul3A_803 = arith.constant 3.200000e+01 : f32
        %mul3A_804 = vector.broadcast %mul3A_803 : f32 to vector<16xf32>
        %mul3A_805 = arith.mulf %get3A_802, %mul3A_804 : vector<16xf32>
        %swap3A_806 = arith.index_cast %scan3A_235 : i32 to index
        %swap3A_807 = arith.constant 752 : index
        %swap3A_808 = tpu.vector_load %arg7[%swap3A_806, %swap3A_807] {strides = array<i32>} : memref<32x1024xf32, #tpu.memory_space<vmem>>, vector<1x16xf32>,
        %swap3A_809 = vector.shape_cast %swap3A_808 : vector<1x16xf32> to vector<16xf32>
        %swap3A_810 = vector.shape_cast %mul3A_805 : vector<16xf32> to vector<1x16xf32>
        tpu.vector_store %arg7[%swap3A_806, %swap3A_807], %swap3A_810 {strides = array<i32>} : memref<32x1024xf32, #tpu.memory_space<vmem>>, vector<1x16xf32>,
        %get3A_811 = arith.index_cast %scan3A_235 : i32 to index
        %get3A_812 = arith.constant 768 : index
        %get3A_813 = tpu.vector_load %arg7[%get3A_811, %get3A_812] {strides = array<i32>} : memref<32x1024xf32, #tpu.memory_space<vmem>>, vector<1x16xf32>,
        %get3A_814 = vector.shape_cast %get3A_813 : vector<1x16xf32> to vector<16xf32>
        %mul3A_815 = arith.constant 3.200000e+01 : f32
        %mul3A_816 = vector.broadcast %mul3A_815 : f32 to vector<16xf32>
        %mul3A_817 = arith.mulf %get3A_814, %mul3A_816 : vector<16xf32>
        %swap3A_818 = arith.index_cast %scan3A_235 : i32 to index
        %swap3A_819 = arith.constant 768 : index
        %swap3A_820 = tpu.vector_load %arg7[%swap3A_818, %swap3A_819] {strides = array<i32>} : memref<32x1024xf32, #tpu.memory_space<vmem>>, vector<1x16xf32>,
        %swap3A_821 = vector.shape_cast %swap3A_820 : vector<1x16xf32> to vector<16xf32>
        %swap3A_822 = vector.shape_cast %mul3A_817 : vector<16xf32> to vector<1x16xf32>
        tpu.vector_store %arg7[%swap3A_818, %swap3A_819], %swap3A_822 {strides = array<i32>} : memref<32x1024xf32, #tpu.memory_space<vmem>>, vector<1x16xf32>,
        %get3A_823 = arith.index_cast %scan3A_235 : i32 to index
        %get3A_824 = arith.constant 784 : index
        %get3A_825 = tpu.vector_load %arg7[%get3A_823, %get3A_824] {strides = array<i32>} : memref<32x1024xf32, #tpu.memory_space<vmem>>, vector<1x16xf32>,
        %get3A_826 = vector.shape_cast %get3A_825 : vector<1x16xf32> to vector<16xf32>
        %mul3A_827 = arith.constant 3.200000e+01 : f32
        %mul3A_828 = vector.broadcast %mul3A_827 : f32 to vector<16xf32>
        %mul3A_829 = arith.mulf %get3A_826, %mul3A_828 : vector<16xf32>
        %swap3A_830 = arith.index_cast %scan3A_235 : i32 to index
        %swap3A_831 = arith.constant 784 : index
        %swap3A_832 = tpu.vector_load %arg7[%swap3A_830, %swap3A_831] {strides = array<i32>} : memref<32x1024xf32, #tpu.memory_space<vmem>>, vector<1x16xf32>,
        %swap3A_833 = vector.shape_cast %swap3A_832 : vector<1x16xf32> to vector<16xf32>
        %swap3A_834 = vector.shape_cast %mul3A_829 : vector<16xf32> to vector<1x16xf32>
        tpu.vector_store %arg7[%swap3A_830, %swap3A_831], %swap3A_834 {strides = array<i32>} : memref<32x1024xf32, #tpu.memory_space<vmem>>, vector<1x16xf32>,
        %get3A_835 = arith.index_cast %scan3A_235 : i32 to index
        %get3A_836 = arith.constant 800 : index
        %get3A_837 = tpu.vector_load %arg7[%get3A_835, %get3A_836] {strides = array<i32>} : memref<32x1024xf32, #tpu.memory_space<vmem>>, vector<1x16xf32>,
        %get3A_838 = vector.shape_cast %get3A_837 : vector<1x16xf32> to vector<16xf32>
        %mul3A_839 = arith.constant 3.200000e+01 : f32
        %mul3A_840 = vector.broadcast %mul3A_839 : f32 to vector<16xf32>
        %mul3A_841 = arith.mulf %get3A_838, %mul3A_840 : vector<16xf32>
        %swap3A_842 = arith.index_cast %scan3A_235 : i32 to index
        %swap3A_843 = arith.constant 800 : index
        %swap3A_844 = tpu.vector_load %arg7[%swap3A_842, %swap3A_843] {strides = array<i32>} : memref<32x1024xf32, #tpu.memory_space<vmem>>, vector<1x16xf32>,
        %swap3A_845 = vector.shape_cast %swap3A_844 : vector<1x16xf32> to vector<16xf32>
        %swap3A_846 = vector.shape_cast %mul3A_841 : vector<16xf32> to vector<1x16xf32>
        tpu.vector_store %arg7[%swap3A_842, %swap3A_843], %swap3A_846 {strides = array<i32>} : memref<32x1024xf32, #tpu.memory_space<vmem>>, vector<1x16xf32>,
        %get3A_847 = arith.index_cast %scan3A_235 : i32 to index
        %get3A_848 = arith.constant 816 : index
        %get3A_849 = tpu.vector_load %arg7[%get3A_847, %get3A_848] {strides = array<i32>} : memref<32x1024xf32, #tpu.memory_space<vmem>>, vector<1x16xf32>,
        %get3A_850 = vector.shape_cast %get3A_849 : vector<1x16xf32> to vector<16xf32>
        %mul3A_851 = arith.constant 3.200000e+01 : f32
        %mul3A_852 = vector.broadcast %mul3A_851 : f32 to vector<16xf32>
        %mul3A_853 = arith.mulf %get3A_850, %mul3A_852 : vector<16xf32>
        %swap3A_854 = arith.index_cast %scan3A_235 : i32 to index
        %swap3A_855 = arith.constant 816 : index
        %swap3A_856 = tpu.vector_load %arg7[%swap3A_854, %swap3A_855] {strides = array<i32>} : memref<32x1024xf32, #tpu.memory_space<vmem>>, vector<1x16xf32>,
        %swap3A_857 = vector.shape_cast %swap3A_856 : vector<1x16xf32> to vector<16xf32>
        %swap3A_858 = vector.shape_cast %mul3A_853 : vector<16xf32> to vector<1x16xf32>
        tpu.vector_store %arg7[%swap3A_854, %swap3A_855], %swap3A_858 {strides = array<i32>} : memref<32x1024xf32, #tpu.memory_space<vmem>>, vector<1x16xf32>,
        %get3A_859 = arith.index_cast %scan3A_235 : i32 to index
        %get3A_860 = arith.constant 832 : index
        %get3A_861 = tpu.vector_load %arg7[%get3A_859, %get3A_860] {strides = array<i32>} : memref<32x1024xf32, #tpu.memory_space<vmem>>, vector<1x16xf32>,
        %get3A_862 = vector.shape_cast %get3A_861 : vector<1x16xf32> to vector<16xf32>
        %mul3A_863 = arith.constant 3.200000e+01 : f32
        %mul3A_864 = vector.broadcast %mul3A_863 : f32 to vector<16xf32>
        %mul3A_865 = arith.mulf %get3A_862, %mul3A_864 : vector<16xf32>
        %swap3A_866 = arith.index_cast %scan3A_235 : i32 to index
        %swap3A_867 = arith.constant 832 : index
        %swap3A_868 = tpu.vector_load %arg7[%swap3A_866, %swap3A_867] {strides = array<i32>} : memref<32x1024xf32, #tpu.memory_space<vmem>>, vector<1x16xf32>,
        %swap3A_869 = vector.shape_cast %swap3A_868 : vector<1x16xf32> to vector<16xf32>
        %swap3A_870 = vector.shape_cast %mul3A_865 : vector<16xf32> to vector<1x16xf32>
        tpu.vector_store %arg7[%swap3A_866, %swap3A_867], %swap3A_870 {strides = array<i32>} : memref<32x1024xf32, #tpu.memory_space<vmem>>, vector<1x16xf32>,
        %get3A_871 = arith.index_cast %scan3A_235 : i32 to index
        %get3A_872 = arith.constant 848 : index
        %get3A_873 = tpu.vector_load %arg7[%get3A_871, %get3A_872] {strides = array<i32>} : memref<32x1024xf32, #tpu.memory_space<vmem>>, vector<1x16xf32>,
        %get3A_874 = vector.shape_cast %get3A_873 : vector<1x16xf32> to vector<16xf32>
        %mul3A_875 = arith.constant 3.200000e+01 : f32
        %mul3A_876 = vector.broadcast %mul3A_875 : f32 to vector<16xf32>
        %mul3A_877 = arith.mulf %get3A_874, %mul3A_876 : vector<16xf32>
        %swap3A_878 = arith.index_cast %scan3A_235 : i32 to index
        %swap3A_879 = arith.constant 848 : index
        %swap3A_880 = tpu.vector_load %arg7[%swap3A_878, %swap3A_879] {strides = array<i32>} : memref<32x1024xf32, #tpu.memory_space<vmem>>, vector<1x16xf32>,
        %swap3A_881 = vector.shape_cast %swap3A_880 : vector<1x16xf32> to vector<16xf32>
        %swap3A_882 = vector.shape_cast %mul3A_877 : vector<16xf32> to vector<1x16xf32>
        tpu.vector_store %arg7[%swap3A_878, %swap3A_879], %swap3A_882 {strides = array<i32>} : memref<32x1024xf32, #tpu.memory_space<vmem>>, vector<1x16xf32>,
        %get3A_883 = arith.index_cast %scan3A_235 : i32 to index
        %get3A_884 = arith.constant 864 : index
        %get3A_885 = tpu.vector_load %arg7[%get3A_883, %get3A_884] {strides = array<i32>} : memref<32x1024xf32, #tpu.memory_space<vmem>>, vector<1x16xf32>,
        %get3A_886 = vector.shape_cast %get3A_885 : vector<1x16xf32> to vector<16xf32>
        %mul3A_887 = arith.constant 3.200000e+01 : f32
        %mul3A_888 = vector.broadcast %mul3A_887 : f32 to vector<16xf32>
        %mul3A_889 = arith.mulf %get3A_886, %mul3A_888 : vector<16xf32>
        %swap3A_890 = arith.index_cast %scan3A_235 : i32 to index
        %swap3A_891 = arith.constant 864 : index
        %swap3A_892 = tpu.vector_load %arg7[%swap3A_890, %swap3A_891] {strides = array<i32>} : memref<32x1024xf32, #tpu.memory_space<vmem>>, vector<1x16xf32>,
        %swap3A_893 = vector.shape_cast %swap3A_892 : vector<1x16xf32> to vector<16xf32>
        %swap3A_894 = vector.shape_cast %mul3A_889 : vector<16xf32> to vector<1x16xf32>
        tpu.vector_store %arg7[%swap3A_890, %swap3A_891], %swap3A_894 {strides = array<i32>} : memref<32x1024xf32, #tpu.memory_space<vmem>>, vector<1x16xf32>,
        %get3A_895 = arith.index_cast %scan3A_235 : i32 to index
        %get3A_896 = arith.constant 880 : index
        %get3A_897 = tpu.vector_load %arg7[%get3A_895, %get3A_896] {strides = array<i32>} : memref<32x1024xf32, #tpu.memory_space<vmem>>, vector<1x16xf32>,
        %get3A_898 = vector.shape_cast %get3A_897 : vector<1x16xf32> to vector<16xf32>
        %mul3A_899 = arith.constant 3.200000e+01 : f32
        %mul3A_900 = vector.broadcast %mul3A_899 : f32 to vector<16xf32>
        %mul3A_901 = arith.mulf %get3A_898, %mul3A_900 : vector<16xf32>
        %swap3A_902 = arith.index_cast %scan3A_235 : i32 to index
        %swap3A_903 = arith.constant 880 : index
        %swap3A_904 = tpu.vector_load %arg7[%swap3A_902, %swap3A_903] {strides = array<i32>} : memref<32x1024xf32, #tpu.memory_space<vmem>>, vector<1x16xf32>,
        %swap3A_905 = vector.shape_cast %swap3A_904 : vector<1x16xf32> to vector<16xf32>
        %swap3A_906 = vector.shape_cast %mul3A_901 : vector<16xf32> to vector<1x16xf32>
        tpu.vector_store %arg7[%swap3A_902, %swap3A_903], %swap3A_906 {strides = array<i32>} : memref<32x1024xf32, #tpu.memory_space<vmem>>, vector<1x16xf32>,
        %get3A_907 = arith.index_cast %scan3A_235 : i32 to index
        %get3A_908 = arith.constant 896 : index
        %get3A_909 = tpu.vector_load %arg7[%get3A_907, %get3A_908] {strides = array<i32>} : memref<32x1024xf32, #tpu.memory_space<vmem>>, vector<1x16xf32>,
        %get3A_910 = vector.shape_cast %get3A_909 : vector<1x16xf32> to vector<16xf32>
        %mul3A_911 = arith.constant 3.200000e+01 : f32
        %mul3A_912 = vector.broadcast %mul3A_911 : f32 to vector<16xf32>
        %mul3A_913 = arith.mulf %get3A_910, %mul3A_912 : vector<16xf32>
        %swap3A_914 = arith.index_cast %scan3A_235 : i32 to index
        %swap3A_915 = arith.constant 896 : index
        %swap3A_916 = tpu.vector_load %arg7[%swap3A_914, %swap3A_915] {strides = array<i32>} : memref<32x1024xf32, #tpu.memory_space<vmem>>, vector<1x16xf32>,
        %swap3A_917 = vector.shape_cast %swap3A_916 : vector<1x16xf32> to vector<16xf32>
        %swap3A_918 = vector.shape_cast %mul3A_913 : vector<16xf32> to vector<1x16xf32>
        tpu.vector_store %arg7[%swap3A_914, %swap3A_915], %swap3A_918 {strides = array<i32>} : memref<32x1024xf32, #tpu.memory_space<vmem>>, vector<1x16xf32>,
        %get3A_919 = arith.index_cast %scan3A_235 : i32 to index
        %get3A_920 = arith.constant 912 : index
        %get3A_921 = tpu.vector_load %arg7[%get3A_919, %get3A_920] {strides = array<i32>} : memref<32x1024xf32, #tpu.memory_space<vmem>>, vector<1x16xf32>,
        %get3A_922 = vector.shape_cast %get3A_921 : vector<1x16xf32> to vector<16xf32>
        %mul3A_923 = arith.constant 3.200000e+01 : f32
        %mul3A_924 = vector.broadcast %mul3A_923 : f32 to vector<16xf32>
        %mul3A_925 = arith.mulf %get3A_922, %mul3A_924 : vector<16xf32>
        %swap3A_926 = arith.index_cast %scan3A_235 : i32 to index
        %swap3A_927 = arith.constant 912 : index
        %swap3A_928 = tpu.vector_load %arg7[%swap3A_926, %swap3A_927] {strides = array<i32>} : memref<32x1024xf32, #tpu.memory_space<vmem>>, vector<1x16xf32>,
        %swap3A_929 = vector.shape_cast %swap3A_928 : vector<1x16xf32> to vector<16xf32>
        %swap3A_930 = vector.shape_cast %mul3A_925 : vector<16xf32> to vector<1x16xf32>
        tpu.vector_store %arg7[%swap3A_926, %swap3A_927], %swap3A_930 {strides = array<i32>} : memref<32x1024xf32, #tpu.memory_space<vmem>>, vector<1x16xf32>,
        %get3A_931 = arith.index_cast %scan3A_235 : i32 to index
        %get3A_932 = arith.constant 928 : index
        %get3A_933 = tpu.vector_load %arg7[%get3A_931, %get3A_932] {strides = array<i32>} : memref<32x1024xf32, #tpu.memory_space<vmem>>, vector<1x16xf32>,
        %get3A_934 = vector.shape_cast %get3A_933 : vector<1x16xf32> to vector<16xf32>
        %mul3A_935 = arith.constant 3.200000e+01 : f32
        %mul3A_936 = vector.broadcast %mul3A_935 : f32 to vector<16xf32>
        %mul3A_937 = arith.mulf %get3A_934, %mul3A_936 : vector<16xf32>
        %swap3A_938 = arith.index_cast %scan3A_235 : i32 to index
        %swap3A_939 = arith.constant 928 : index
        %swap3A_940 = tpu.vector_load %arg7[%swap3A_938, %swap3A_939] {strides = array<i32>} : memref<32x1024xf32, #tpu.memory_space<vmem>>, vector<1x16xf32>,
        %swap3A_941 = vector.shape_cast %swap3A_940 : vector<1x16xf32> to vector<16xf32>
        %swap3A_942 = vector.shape_cast %mul3A_937 : vector<16xf32> to vector<1x16xf32>
        tpu.vector_store %arg7[%swap3A_938, %swap3A_939], %swap3A_942 {strides = array<i32>} : memref<32x1024xf32, #tpu.memory_space<vmem>>, vector<1x16xf32>,
        %get3A_943 = arith.index_cast %scan3A_235 : i32 to index
        %get3A_944 = arith.constant 944 : index
        %get3A_945 = tpu.vector_load %arg7[%get3A_943, %get3A_944] {strides = array<i32>} : memref<32x1024xf32, #tpu.memory_space<vmem>>, vector<1x16xf32>,
        %get3A_946 = vector.shape_cast %get3A_945 : vector<1x16xf32> to vector<16xf32>
        %mul3A_947 = arith.constant 3.200000e+01 : f32
        %mul3A_948 = vector.broadcast %mul3A_947 : f32 to vector<16xf32>
        %mul3A_949 = arith.mulf %get3A_946, %mul3A_948 : vector<16xf32>
        %swap3A_950 = arith.index_cast %scan3A_235 : i32 to index
        %swap3A_951 = arith.constant 944 : index
        %swap3A_952 = tpu.vector_load %arg7[%swap3A_950, %swap3A_951] {strides = array<i32>} : memref<32x1024xf32, #tpu.memory_space<vmem>>, vector<1x16xf32>,
        %swap3A_953 = vector.shape_cast %swap3A_952 : vector<1x16xf32> to vector<16xf32>
        %swap3A_954 = vector.shape_cast %mul3A_949 : vector<16xf32> to vector<1x16xf32>
        tpu.vector_store %arg7[%swap3A_950, %swap3A_951], %swap3A_954 {strides = array<i32>} : memref<32x1024xf32, #tpu.memory_space<vmem>>, vector<1x16xf32>,
        %get3A_955 = arith.index_cast %scan3A_235 : i32 to index
        %get3A_956 = arith.constant 960 : index
        %get3A_957 = tpu.vector_load %arg7[%get3A_955, %get3A_956] {strides = array<i32>} : memref<32x1024xf32, #tpu.memory_space<vmem>>, vector<1x16xf32>,
        %get3A_958 = vector.shape_cast %get3A_957 : vector<1x16xf32> to vector<16xf32>
        %mul3A_959 = arith.constant 3.200000e+01 : f32
        %mul3A_960 = vector.broadcast %mul3A_959 : f32 to vector<16xf32>
        %mul3A_961 = arith.mulf %get3A_958, %mul3A_960 : vector<16xf32>
        %swap3A_962 = arith.index_cast %scan3A_235 : i32 to index
        %swap3A_963 = arith.constant 960 : index
        %swap3A_964 = tpu.vector_load %arg7[%swap3A_962, %swap3A_963] {strides = array<i32>} : memref<32x1024xf32, #tpu.memory_space<vmem>>, vector<1x16xf32>,
        %swap3A_965 = vector.shape_cast %swap3A_964 : vector<1x16xf32> to vector<16xf32>
        %swap3A_966 = vector.shape_cast %mul3A_961 : vector<16xf32> to vector<1x16xf32>
        tpu.vector_store %arg7[%swap3A_962, %swap3A_963], %swap3A_966 {strides = array<i32>} : memref<32x1024xf32, #tpu.memory_space<vmem>>, vector<1x16xf32>,
        %get3A_967 = arith.index_cast %scan3A_235 : i32 to index
        %get3A_968 = arith.constant 976 : index
        %get3A_969 = tpu.vector_load %arg7[%get3A_967, %get3A_968] {strides = array<i32>} : memref<32x1024xf32, #tpu.memory_space<vmem>>, vector<1x16xf32>,
        %get3A_970 = vector.shape_cast %get3A_969 : vector<1x16xf32> to vector<16xf32>
        %mul3A_971 = arith.constant 3.200000e+01 : f32
        %mul3A_972 = vector.broadcast %mul3A_971 : f32 to vector<16xf32>
        %mul3A_973 = arith.mulf %get3A_970, %mul3A_972 : vector<16xf32>
        %swap3A_974 = arith.index_cast %scan3A_235 : i32 to index
        %swap3A_975 = arith.constant 976 : index
        %swap3A_976 = tpu.vector_load %arg7[%swap3A_974, %swap3A_975] {strides = array<i32>} : memref<32x1024xf32, #tpu.memory_space<vmem>>, vector<1x16xf32>,
        %swap3A_977 = vector.shape_cast %swap3A_976 : vector<1x16xf32> to vector<16xf32>
        %swap3A_978 = vector.shape_cast %mul3A_973 : vector<16xf32> to vector<1x16xf32>
        tpu.vector_store %arg7[%swap3A_974, %swap3A_975], %swap3A_978 {strides = array<i32>} : memref<32x1024xf32, #tpu.memory_space<vmem>>, vector<1x16xf32>,
        %get3A_979 = arith.index_cast %scan3A_235 : i32 to index
        %get3A_980 = arith.constant 992 : index
        %get3A_981 = tpu.vector_load %arg7[%get3A_979, %get3A_980] {strides = array<i32>} : memref<32x1024xf32, #tpu.memory_space<vmem>>, vector<1x16xf32>,
        %get3A_982 = vector.shape_cast %get3A_981 : vector<1x16xf32> to vector<16xf32>
        %mul3A_983 = arith.constant 3.200000e+01 : f32
        %mul3A_984 = vector.broadcast %mul3A_983 : f32 to vector<16xf32>
        %mul3A_985 = arith.mulf %get3A_982, %mul3A_984 : vector<16xf32>
        %swap3A_986 = arith.index_cast %scan3A_235 : i32 to index
        %swap3A_987 = arith.constant 992 : index
        %swap3A_988 = tpu.vector_load %arg7[%swap3A_986, %swap3A_987] {strides = array<i32>} : memref<32x1024xf32, #tpu.memory_space<vmem>>, vector<1x16xf32>,
        %swap3A_989 = vector.shape_cast %swap3A_988 : vector<1x16xf32> to vector<16xf32>
        %swap3A_990 = vector.shape_cast %mul3A_985 : vector<16xf32> to vector<1x16xf32>
        tpu.vector_store %arg7[%swap3A_986, %swap3A_987], %swap3A_990 {strides = array<i32>} : memref<32x1024xf32, #tpu.memory_space<vmem>>, vector<1x16xf32>,
        %get3A_991 = arith.index_cast %scan3A_235 : i32 to index
        %get3A_992 = arith.constant 1008 : index
        %get3A_993 = tpu.vector_load %arg7[%get3A_991, %get3A_992] {strides = array<i32>} : memref<32x1024xf32, #tpu.memory_space<vmem>>, vector<1x16xf32>,
        %get3A_994 = vector.shape_cast %get3A_993 : vector<1x16xf32> to vector<16xf32>
        %mul3A_995 = arith.constant 3.200000e+01 : f32
        %mul3A_996 = vector.broadcast %mul3A_995 : f32 to vector<16xf32>
        %mul3A_997 = arith.mulf %get3A_994, %mul3A_996 : vector<16xf32>
        %swap3A_998 = arith.index_cast %scan3A_235 : i32 to index
        %swap3A_999 = arith.constant 1008 : index
        %swap3A_1000 = tpu.vector_load %arg7[%swap3A_998, %swap3A_999] {strides = array<i32>} : memref<32x1024xf32, #tpu.memory_space<vmem>>, vector<1x16xf32>,
        %swap3A_1001 = vector.shape_cast %swap3A_1000 : vector<1x16xf32> to vector<16xf32>
        %swap3A_1002 = vector.shape_cast %mul3A_997 : vector<16xf32> to vector<1x16xf32>
        tpu.vector_store %arg7[%swap3A_998, %swap3A_999], %swap3A_1002 {strides = array<i32>} : memref<32x1024xf32, #tpu.memory_space<vmem>>, vector<1x16xf32>,
        %scan3A_1003 = arith.constant 0 : i32
        scf.yield %scan3A_1003 : i32
      }
      %scan3A_154 = arith.constant 32 : i32
      %mul3A_155 = arith.constant 32 : i32
      %mul3A_156 = arith.muli %add3A_141, %mul3A_155 : i32
      %add3A_157 = arith.addi %mul3A_32, %mul3A_156 : i32
      %dma_start3A_158 = arith.constant 0 : i32
      %dma_start3A_159 = tpu.memref_slice %arg4[%select_n3A, %add3A_157, %dma_start3A_158] : memref<4x4096x1024xf32, #tpu.memory_space<hbm>> -> memref<1x32x1024xf32, #tpu.memory_space<hbm>>
      %dma_start3A_160 = tpu.memref_squeeze %dma_start3A_159 : memref<1x32x1024xf32, #tpu.memory_space<hbm>> -> memref<32x1024xf32, #tpu.memory_space<hbm>>
      %dma_start3A_161 = arith.constant 0 : i32
      %dma_start3A_162 = tpu.memref_slice %arg4[%select_n3A, %add3A_157, %dma_start3A_161] : memref<4x4096x1024xf32, #tpu.memory_space<hbm>> -> memref<1x32x1024xf32, #tpu.memory_space<hbm>>
      %dma_start3A_163 = tpu.memref_squeeze %dma_start3A_162 : memref<1x32x1024xf32, #tpu.memory_space<hbm>> -> memref<32x1024xf32, #tpu.memory_space<hbm>>
      tpu.enqueue_dma source(%arg7 : memref<32x1024xf32, #tpu.memory_space<vmem>>) target(%dma_start3A_163 : memref<32x1024xf32, #tpu.memory_space<hbm>>) target_semaphore(%arg13 : memref<!tpu.dma_semaphore, #tpu.memory_space<semaphore_mem>>)
      %eq3A_164 = arith.constant 0 : i32
      %eq3A_165 = arith.cmpi eq, %add3A_141, %eq3A_164 : i32
      %convert_element_type3A_166 = arith.extui %eq3A_165 : i1 to i32
      %cond3A_167 = arith.constant 0 : i32
      %cond3A_168 = arith.cmpi ne, %convert_element_type3A_166, %cond3A_167 : i32
      scf.if %cond3A_168 {
        %add3A_235 = arith.constant 2 : i32
        %add3A_236 = arith.addi %add3A_141, %add3A_235 : i32
        %mul3A_237 = arith.constant 32 : i32
        %mul3A_238 = arith.muli %add3A_236, %mul3A_237 : i32
        %dma_start3A_239 = tpu.memref_slice %arg5[%mul3A_238] : memref<512xi32, #tpu.memory_space<vmem>> -> memref<32xi32, #tpu.memory_space<vmem>>
        %dma_start3A_240 = arith.constant 0 : i32
        %dma_start3A_241 = arith.constant 0 : i32
        %dma_start3A_242 = tpu.memref_slice %arg3[%dma_start3A_240, %dma_start3A_241] : memref<100000x1024xf32, #tpu.memory_space<hbm>> -> memref<100000x1024xf32, #tpu.memory_space<hbm>>
        tpu.enqueue_indirect_dma source(%dma_start3A_242 : memref<100000x1024xf32, #tpu.memory_space<hbm>>) target(%arg6 : memref<32x1024xf32, #tpu.memory_space<vmem>>) offsets(%dma_start3A_239 : memref<32xi32, #tpu.memory_space<vmem>>) semaphore(%arg9 : memref<!tpu.dma_semaphore, #tpu.memory_space<semaphore_mem>>)
      } else {
      }
      %ge3A_169 = arith.constant 1 : i32
      %ge3A_170 = arith.cmpi sge, %add3A_141, %ge3A_169 : i32
      %add3A_171 = arith.constant 2 : i32
      %add3A_172 = arith.addi %add3A_141, %add3A_171 : i32
      %lt3A_173 = arith.constant 15 : i32
      %lt3A_174 = arith.cmpi slt, %add3A_172, %lt3A_173 : i32
      %and3A_175 = arith.andi %ge3A_170, %lt3A_174 : i1
      %convert_element_type3A_176 = arith.extui %and3A_175 : i1 to i32
      %cond3A_177 = arith.constant 0 : i32
      %cond3A_178 = arith.cmpi ne, %convert_element_type3A_176, %cond3A_177 : i32
      scf.if %cond3A_178 {
        %sub3A_235 = arith.constant 1 : i32
        %sub3A_236 = arith.subi %add3A_141, %sub3A_235 : i32
        %mul3A_237 = arith.constant 32 : i32
        %mul3A_238 = arith.muli %sub3A_236, %mul3A_237 : i32
        %add3A_239 = arith.addi %mul3A_32, %mul3A_238 : i32
        %dma_wait3A_240 = arith.constant 0 : i32
        %dma_wait3A_241 = tpu.memref_slice %arg4[%select_n3A, %add3A_239, %dma_wait3A_240] : memref<4x4096x1024xf32, #tpu.memory_space<hbm>> -> memref<1x32x1024xf32, #tpu.memory_space<hbm>>
        %dma_wait3A_242 = tpu.memref_squeeze %dma_wait3A_241 : memref<1x32x1024xf32, #tpu.memory_space<hbm>> -> memref<32x1024xf32, #tpu.memory_space<hbm>>
        %dma_wait3A_243 = arith.constant 0 : i32
        %dma_wait3A_244 = tpu.memref_slice %arg4[%select_n3A, %add3A_239, %dma_wait3A_243] : memref<4x4096x1024xf32, #tpu.memory_space<hbm>> -> memref<1x32x1024xf32, #tpu.memory_space<hbm>>
        %dma_wait3A_245 = tpu.memref_squeeze %dma_wait3A_244 : memref<1x32x1024xf32, #tpu.memory_space<hbm>> -> memref<32x1024xf32, #tpu.memory_space<hbm>>
        tpu.wait_dma2 semaphore(%arg12 : memref<!tpu.dma_semaphore, #tpu.memory_space<semaphore_mem>>) src(%arg6 : memref<32x1024xf32, #tpu.memory_space<vmem>>) dst(%dma_wait3A_245 : memref<32x1024xf32, #tpu.memory_space<hbm>>)
        %add3A_246 = arith.constant 2 : i32
        %add3A_247 = arith.addi %add3A_141, %add3A_246 : i32
        %mul3A_248 = arith.constant 32 : i32
        %mul3A_249 = arith.muli %add3A_247, %mul3A_248 : i32
        %dma_start3A_250 = tpu.memref_slice %arg5[%mul3A_249] : memref<512xi32, #tpu.memory_space<vmem>> -> memref<32xi32, #tpu.memory_space<vmem>>
        %dma_start3A_251 = arith.constant 0 : i32
        %dma_start3A_252 = arith.constant 0 : i32
        %dma_start3A_253 = tpu.memref_slice %arg3[%dma_start3A_251, %dma_start3A_252] : memref<100000x1024xf32, #tpu.memory_space<hbm>> -> memref<100000x1024xf32, #tpu.memory_space<hbm>>
        tpu.enqueue_indirect_dma source(%dma_start3A_253 : memref<100000x1024xf32, #tpu.memory_space<hbm>>) target(%arg6 : memref<32x1024xf32, #tpu.memory_space<vmem>>) offsets(%dma_start3A_250 : memref<32xi32, #tpu.memory_space<vmem>>) semaphore(%arg9 : memref<!tpu.dma_semaphore, #tpu.memory_space<semaphore_mem>>)
      } else {
      }
      %add3A_179 = arith.constant 2 : i32
      %add3A_180 = arith.addi %add3A_141, %add3A_179 : i32
      %eq3A_181 = arith.constant 15 : i32
      %eq3A_182 = arith.cmpi eq, %add3A_180, %eq3A_181 : i32
      %convert_element_type3A_183 = arith.extui %eq3A_182 : i1 to i32
      %cond3A_184 = arith.constant 0 : i32
      %cond3A_185 = arith.cmpi ne, %convert_element_type3A_183, %cond3A_184 : i32
      scf.if %cond3A_185 {
        %sub3A_235 = arith.constant 1 : i32
        %sub3A_236 = arith.subi %add3A_141, %sub3A_235 : i32
        %mul3A_237 = arith.constant 32 : i32
        %mul3A_238 = arith.muli %sub3A_236, %mul3A_237 : i32
        %add3A_239 = arith.addi %mul3A_32, %mul3A_238 : i32
        %dma_wait3A_240 = arith.constant 0 : i32
        %dma_wait3A_241 = tpu.memref_slice %arg4[%select_n3A, %add3A_239, %dma_wait3A_240] : memref<4x4096x1024xf32, #tpu.memory_space<hbm>> -> memref<1x32x1024xf32, #tpu.memory_space<hbm>>
        %dma_wait3A_242 = tpu.memref_squeeze %dma_wait3A_241 : memref<1x32x1024xf32, #tpu.memory_space<hbm>> -> memref<32x1024xf32, #tpu.memory_space<hbm>>
        %dma_wait3A_243 = arith.constant 0 : i32
        %dma_wait3A_244 = tpu.memref_slice %arg4[%select_n3A, %add3A_239, %dma_wait3A_243] : memref<4x4096x1024xf32, #tpu.memory_space<hbm>> -> memref<1x32x1024xf32, #tpu.memory_space<hbm>>
        %dma_wait3A_245 = tpu.memref_squeeze %dma_wait3A_244 : memref<1x32x1024xf32, #tpu.memory_space<hbm>> -> memref<32x1024xf32, #tpu.memory_space<hbm>>
        tpu.wait_dma2 semaphore(%arg12 : memref<!tpu.dma_semaphore, #tpu.memory_space<semaphore_mem>>) src(%arg6 : memref<32x1024xf32, #tpu.memory_space<vmem>>) dst(%dma_wait3A_245 : memref<32x1024xf32, #tpu.memory_space<hbm>>)
        %add3A_246 = arith.constant 2 : i32
        %add3A_247 = arith.addi %add3A_141, %add3A_246 : i32
        %mul3A_248 = arith.constant 32 : i32
        %mul3A_249 = arith.muli %add3A_247, %mul3A_248 : i32
        %dma_start3A_250 = tpu.memref_slice %arg5[%mul3A_249] : memref<512xi32, #tpu.memory_space<vmem>> -> memref<32xi32, #tpu.memory_space<vmem>>
        %dma_start3A_251 = arith.constant 0 : i32
        %dma_start3A_252 = arith.constant 0 : i32
        %dma_start3A_253 = tpu.memref_slice %arg3[%dma_start3A_251, %dma_start3A_252] : memref<100000x1024xf32, #tpu.memory_space<hbm>> -> memref<100000x1024xf32, #tpu.memory_space<hbm>>
        tpu.enqueue_indirect_dma source(%dma_start3A_253 : memref<100000x1024xf32, #tpu.memory_space<hbm>>) target(%arg6 : memref<32x1024xf32, #tpu.memory_space<vmem>>) offsets(%dma_start3A_250 : memref<32xi32, #tpu.memory_space<vmem>>) semaphore(%arg9 : memref<!tpu.dma_semaphore, #tpu.memory_space<semaphore_mem>>)
      } else {
      }
      %mul3A_186 = arith.constant 3 : i32
      %mul3A_187 = arith.muli %scan3A_91, %mul3A_186 : i32
      %add3A_188 = arith.constant 2 : i32
      %add3A_189 = arith.addi %mul3A_187, %add3A_188 : i32
      %mul3A_190 = arith.constant 32 : i32
      %mul3A_191 = arith.muli %add3A_189, %mul3A_190 : i32
      %dma_wait3A_192 = tpu.memref_slice %arg5[%mul3A_191] : memref<512xi32, #tpu.memory_space<vmem>> -> memref<32xi32, #tpu.memory_space<vmem>>
      %dma_wait3A_193 = arith.constant 0 : i32
      %dma_wait3A_194 = arith.constant 0 : i32
      %dma_wait3A_195 = tpu.memref_slice %arg3[%dma_wait3A_193, %dma_wait3A_194] : memref<100000x1024xf32, #tpu.memory_space<hbm>> -> memref<100000x1024xf32, #tpu.memory_space<hbm>>
      tpu.wait_indirect_dma semaphore(%arg11 : memref<!tpu.dma_semaphore, #tpu.memory_space<semaphore_mem>>) src(%dma_wait3A_195 : memref<100000x1024xf32, #tpu.memory_space<hbm>>) dst(%arg8 : memref<32x1024xf32, #tpu.memory_space<vmem>>)
      %scan3A_196 = arith.constant 0 : i32
      %scan3A_197 = arith.constant 0 : i32
      %scan3A_198 = arith.constant 32 : i32
      %scan3A_199 = arith.addi %scan3A_197, %scan3A_198 : i32
      %scan3A_200 = arith.constant 1 : i32
      %scan3A_201 = scf.for %scan3A_235 = %scan3A_197 to %scan3A_199 step %scan3A_200 iter_args(%scan3A_236 = %scan3A_196) -> (i32)  : i32 {
        %get3A = arith.index_cast %scan3A_235 : i32 to index
        %get3A_237 = arith.constant 0 : index
        %get3A_238 = tpu.vector_load %arg8[%get3A, %get3A_237] {strides = array<i32>} : memref<32x1024xf32, #tpu.memory_space<vmem>>, vector<1x16xf32>,
        %get3A_239 = vector.shape_cast %get3A_238 : vector<1x16xf32> to vector<16xf32>
        %mul3A_240 = arith.constant 3.200000e+01 : f32
        %mul3A_241 = vector.broadcast %mul3A_240 : f32 to vector<16xf32>
        %mul3A_242 = arith.mulf %get3A_239, %mul3A_241 : vector<16xf32>
        %swap3A = arith.index_cast %scan3A_235 : i32 to index
        %swap3A_243 = arith.constant 0 : index
        %swap3A_244 = tpu.vector_load %arg8[%swap3A, %swap3A_243] {strides = array<i32>} : memref<32x1024xf32, #tpu.memory_space<vmem>>, vector<1x16xf32>,
        %swap3A_245 = vector.shape_cast %swap3A_244 : vector<1x16xf32> to vector<16xf32>
        %swap3A_246 = vector.shape_cast %mul3A_242 : vector<16xf32> to vector<1x16xf32>
        tpu.vector_store %arg8[%swap3A, %swap3A_243], %swap3A_246 {strides = array<i32>} : memref<32x1024xf32, #tpu.memory_space<vmem>>, vector<1x16xf32>,
        %get3A_247 = arith.index_cast %scan3A_235 : i32 to index
        %get3A_248 = arith.constant 16 : index
        %get3A_249 = tpu.vector_load %arg8[%get3A_247, %get3A_248] {strides = array<i32>} : memref<32x1024xf32, #tpu.memory_space<vmem>>, vector<1x16xf32>,
        %get3A_250 = vector.shape_cast %get3A_249 : vector<1x16xf32> to vector<16xf32>
        %mul3A_251 = arith.constant 3.200000e+01 : f32
        %mul3A_252 = vector.broadcast %mul3A_251 : f32 to vector<16xf32>
        %mul3A_253 = arith.mulf %get3A_250, %mul3A_252 : vector<16xf32>
        %swap3A_254 = arith.index_cast %scan3A_235 : i32 to index
        %swap3A_255 = arith.constant 16 : index
        %swap3A_256 = tpu.vector_load %arg8[%swap3A_254, %swap3A_255] {strides = array<i32>} : memref<32x1024xf32, #tpu.memory_space<vmem>>, vector<1x16xf32>,
        %swap3A_257 = vector.shape_cast %swap3A_256 : vector<1x16xf32> to vector<16xf32>
        %swap3A_258 = vector.shape_cast %mul3A_253 : vector<16xf32> to vector<1x16xf32>
        tpu.vector_store %arg8[%swap3A_254, %swap3A_255], %swap3A_258 {strides = array<i32>} : memref<32x1024xf32, #tpu.memory_space<vmem>>, vector<1x16xf32>,
        %get3A_259 = arith.index_cast %scan3A_235 : i32 to index
        %get3A_260 = arith.constant 32 : index
        %get3A_261 = tpu.vector_load %arg8[%get3A_259, %get3A_260] {strides = array<i32>} : memref<32x1024xf32, #tpu.memory_space<vmem>>, vector<1x16xf32>,
        %get3A_262 = vector.shape_cast %get3A_261 : vector<1x16xf32> to vector<16xf32>
        %mul3A_263 = arith.constant 3.200000e+01 : f32
        %mul3A_264 = vector.broadcast %mul3A_263 : f32 to vector<16xf32>
        %mul3A_265 = arith.mulf %get3A_262, %mul3A_264 : vector<16xf32>
        %swap3A_266 = arith.index_cast %scan3A_235 : i32 to index
        %swap3A_267 = arith.constant 32 : index
        %swap3A_268 = tpu.vector_load %arg8[%swap3A_266, %swap3A_267] {strides = array<i32>} : memref<32x1024xf32, #tpu.memory_space<vmem>>, vector<1x16xf32>,
        %swap3A_269 = vector.shape_cast %swap3A_268 : vector<1x16xf32> to vector<16xf32>
        %swap3A_270 = vector.shape_cast %mul3A_265 : vector<16xf32> to vector<1x16xf32>
        tpu.vector_store %arg8[%swap3A_266, %swap3A_267], %swap3A_270 {strides = array<i32>} : memref<32x1024xf32, #tpu.memory_space<vmem>>, vector<1x16xf32>,
        %get3A_271 = arith.index_cast %scan3A_235 : i32 to index
        %get3A_272 = arith.constant 48 : index
        %get3A_273 = tpu.vector_load %arg8[%get3A_271, %get3A_272] {strides = array<i32>} : memref<32x1024xf32, #tpu.memory_space<vmem>>, vector<1x16xf32>,
        %get3A_274 = vector.shape_cast %get3A_273 : vector<1x16xf32> to vector<16xf32>
        %mul3A_275 = arith.constant 3.200000e+01 : f32
        %mul3A_276 = vector.broadcast %mul3A_275 : f32 to vector<16xf32>
        %mul3A_277 = arith.mulf %get3A_274, %mul3A_276 : vector<16xf32>
        %swap3A_278 = arith.index_cast %scan3A_235 : i32 to index
        %swap3A_279 = arith.constant 48 : index
        %swap3A_280 = tpu.vector_load %arg8[%swap3A_278, %swap3A_279] {strides = array<i32>} : memref<32x1024xf32, #tpu.memory_space<vmem>>, vector<1x16xf32>,
        %swap3A_281 = vector.shape_cast %swap3A_280 : vector<1x16xf32> to vector<16xf32>
        %swap3A_282 = vector.shape_cast %mul3A_277 : vector<16xf32> to vector<1x16xf32>
        tpu.vector_store %arg8[%swap3A_278, %swap3A_279], %swap3A_282 {strides = array<i32>} : memref<32x1024xf32, #tpu.memory_space<vmem>>, vector<1x16xf32>,
        %get3A_283 = arith.index_cast %scan3A_235 : i32 to index
        %get3A_284 = arith.constant 64 : index
        %get3A_285 = tpu.vector_load %arg8[%get3A_283, %get3A_284] {strides = array<i32>} : memref<32x1024xf32, #tpu.memory_space<vmem>>, vector<1x16xf32>,
        %get3A_286 = vector.shape_cast %get3A_285 : vector<1x16xf32> to vector<16xf32>
        %mul3A_287 = arith.constant 3.200000e+01 : f32
        %mul3A_288 = vector.broadcast %mul3A_287 : f32 to vector<16xf32>
        %mul3A_289 = arith.mulf %get3A_286, %mul3A_288 : vector<16xf32>
        %swap3A_290 = arith.index_cast %scan3A_235 : i32 to index
        %swap3A_291 = arith.constant 64 : index
        %swap3A_292 = tpu.vector_load %arg8[%swap3A_290, %swap3A_291] {strides = array<i32>} : memref<32x1024xf32, #tpu.memory_space<vmem>>, vector<1x16xf32>,
        %swap3A_293 = vector.shape_cast %swap3A_292 : vector<1x16xf32> to vector<16xf32>
        %swap3A_294 = vector.shape_cast %mul3A_289 : vector<16xf32> to vector<1x16xf32>
        tpu.vector_store %arg8[%swap3A_290, %swap3A_291], %swap3A_294 {strides = array<i32>} : memref<32x1024xf32, #tpu.memory_space<vmem>>, vector<1x16xf32>,
        %get3A_295 = arith.index_cast %scan3A_235 : i32 to index
        %get3A_296 = arith.constant 80 : index
        %get3A_297 = tpu.vector_load %arg8[%get3A_295, %get3A_296] {strides = array<i32>} : memref<32x1024xf32, #tpu.memory_space<vmem>>, vector<1x16xf32>,
        %get3A_298 = vector.shape_cast %get3A_297 : vector<1x16xf32> to vector<16xf32>
        %mul3A_299 = arith.constant 3.200000e+01 : f32
        %mul3A_300 = vector.broadcast %mul3A_299 : f32 to vector<16xf32>
        %mul3A_301 = arith.mulf %get3A_298, %mul3A_300 : vector<16xf32>
        %swap3A_302 = arith.index_cast %scan3A_235 : i32 to index
        %swap3A_303 = arith.constant 80 : index
        %swap3A_304 = tpu.vector_load %arg8[%swap3A_302, %swap3A_303] {strides = array<i32>} : memref<32x1024xf32, #tpu.memory_space<vmem>>, vector<1x16xf32>,
        %swap3A_305 = vector.shape_cast %swap3A_304 : vector<1x16xf32> to vector<16xf32>
        %swap3A_306 = vector.shape_cast %mul3A_301 : vector<16xf32> to vector<1x16xf32>
        tpu.vector_store %arg8[%swap3A_302, %swap3A_303], %swap3A_306 {strides = array<i32>} : memref<32x1024xf32, #tpu.memory_space<vmem>>, vector<1x16xf32>,
        %get3A_307 = arith.index_cast %scan3A_235 : i32 to index
        %get3A_308 = arith.constant 96 : index
        %get3A_309 = tpu.vector_load %arg8[%get3A_307, %get3A_308] {strides = array<i32>} : memref<32x1024xf32, #tpu.memory_space<vmem>>, vector<1x16xf32>,
        %get3A_310 = vector.shape_cast %get3A_309 : vector<1x16xf32> to vector<16xf32>
        %mul3A_311 = arith.constant 3.200000e+01 : f32
        %mul3A_312 = vector.broadcast %mul3A_311 : f32 to vector<16xf32>
        %mul3A_313 = arith.mulf %get3A_310, %mul3A_312 : vector<16xf32>
        %swap3A_314 = arith.index_cast %scan3A_235 : i32 to index
        %swap3A_315 = arith.constant 96 : index
        %swap3A_316 = tpu.vector_load %arg8[%swap3A_314, %swap3A_315] {strides = array<i32>} : memref<32x1024xf32, #tpu.memory_space<vmem>>, vector<1x16xf32>,
        %swap3A_317 = vector.shape_cast %swap3A_316 : vector<1x16xf32> to vector<16xf32>
        %swap3A_318 = vector.shape_cast %mul3A_313 : vector<16xf32> to vector<1x16xf32>
        tpu.vector_store %arg8[%swap3A_314, %swap3A_315], %swap3A_318 {strides = array<i32>} : memref<32x1024xf32, #tpu.memory_space<vmem>>, vector<1x16xf32>,
        %get3A_319 = arith.index_cast %scan3A_235 : i32 to index
        %get3A_320 = arith.constant 112 : index
        %get3A_321 = tpu.vector_load %arg8[%get3A_319, %get3A_320] {strides = array<i32>} : memref<32x1024xf32, #tpu.memory_space<vmem>>, vector<1x16xf32>,
        %get3A_322 = vector.shape_cast %get3A_321 : vector<1x16xf32> to vector<16xf32>
        %mul3A_323 = arith.constant 3.200000e+01 : f32
        %mul3A_324 = vector.broadcast %mul3A_323 : f32 to vector<16xf32>
        %mul3A_325 = arith.mulf %get3A_322, %mul3A_324 : vector<16xf32>
        %swap3A_326 = arith.index_cast %scan3A_235 : i32 to index
        %swap3A_327 = arith.constant 112 : index
        %swap3A_328 = tpu.vector_load %arg8[%swap3A_326, %swap3A_327] {strides = array<i32>} : memref<32x1024xf32, #tpu.memory_space<vmem>>, vector<1x16xf32>,
        %swap3A_329 = vector.shape_cast %swap3A_328 : vector<1x16xf32> to vector<16xf32>
        %swap3A_330 = vector.shape_cast %mul3A_325 : vector<16xf32> to vector<1x16xf32>
        tpu.vector_store %arg8[%swap3A_326, %swap3A_327], %swap3A_330 {strides = array<i32>} : memref<32x1024xf32, #tpu.memory_space<vmem>>, vector<1x16xf32>,
        %get3A_331 = arith.index_cast %scan3A_235 : i32 to index
        %get3A_332 = arith.constant 128 : index
        %get3A_333 = tpu.vector_load %arg8[%get3A_331, %get3A_332] {strides = array<i32>} : memref<32x1024xf32, #tpu.memory_space<vmem>>, vector<1x16xf32>,
        %get3A_334 = vector.shape_cast %get3A_333 : vector<1x16xf32> to vector<16xf32>
        %mul3A_335 = arith.constant 3.200000e+01 : f32
        %mul3A_336 = vector.broadcast %mul3A_335 : f32 to vector<16xf32>
        %mul3A_337 = arith.mulf %get3A_334, %mul3A_336 : vector<16xf32>
        %swap3A_338 = arith.index_cast %scan3A_235 : i32 to index
        %swap3A_339 = arith.constant 128 : index
        %swap3A_340 = tpu.vector_load %arg8[%swap3A_338, %swap3A_339] {strides = array<i32>} : memref<32x1024xf32, #tpu.memory_space<vmem>>, vector<1x16xf32>,
        %swap3A_341 = vector.shape_cast %swap3A_340 : vector<1x16xf32> to vector<16xf32>
        %swap3A_342 = vector.shape_cast %mul3A_337 : vector<16xf32> to vector<1x16xf32>
        tpu.vector_store %arg8[%swap3A_338, %swap3A_339], %swap3A_342 {strides = array<i32>} : memref<32x1024xf32, #tpu.memory_space<vmem>>, vector<1x16xf32>,
        %get3A_343 = arith.index_cast %scan3A_235 : i32 to index
        %get3A_344 = arith.constant 144 : index
        %get3A_345 = tpu.vector_load %arg8[%get3A_343, %get3A_344] {strides = array<i32>} : memref<32x1024xf32, #tpu.memory_space<vmem>>, vector<1x16xf32>,
        %get3A_346 = vector.shape_cast %get3A_345 : vector<1x16xf32> to vector<16xf32>
        %mul3A_347 = arith.constant 3.200000e+01 : f32
        %mul3A_348 = vector.broadcast %mul3A_347 : f32 to vector<16xf32>
        %mul3A_349 = arith.mulf %get3A_346, %mul3A_348 : vector<16xf32>
        %swap3A_350 = arith.index_cast %scan3A_235 : i32 to index
        %swap3A_351 = arith.constant 144 : index
        %swap3A_352 = tpu.vector_load %arg8[%swap3A_350, %swap3A_351] {strides = array<i32>} : memref<32x1024xf32, #tpu.memory_space<vmem>>, vector<1x16xf32>,
        %swap3A_353 = vector.shape_cast %swap3A_352 : vector<1x16xf32> to vector<16xf32>
        %swap3A_354 = vector.shape_cast %mul3A_349 : vector<16xf32> to vector<1x16xf32>
        tpu.vector_store %arg8[%swap3A_350, %swap3A_351], %swap3A_354 {strides = array<i32>} : memref<32x1024xf32, #tpu.memory_space<vmem>>, vector<1x16xf32>,
        %get3A_355 = arith.index_cast %scan3A_235 : i32 to index
        %get3A_356 = arith.constant 160 : index
        %get3A_357 = tpu.vector_load %arg8[%get3A_355, %get3A_356] {strides = array<i32>} : memref<32x1024xf32, #tpu.memory_space<vmem>>, vector<1x16xf32>,
        %get3A_358 = vector.shape_cast %get3A_357 : vector<1x16xf32> to vector<16xf32>
        %mul3A_359 = arith.constant 3.200000e+01 : f32
        %mul3A_360 = vector.broadcast %mul3A_359 : f32 to vector<16xf32>
        %mul3A_361 = arith.mulf %get3A_358, %mul3A_360 : vector<16xf32>
        %swap3A_362 = arith.index_cast %scan3A_235 : i32 to index
        %swap3A_363 = arith.constant 160 : index
        %swap3A_364 = tpu.vector_load %arg8[%swap3A_362, %swap3A_363] {strides = array<i32>} : memref<32x1024xf32, #tpu.memory_space<vmem>>, vector<1x16xf32>,
        %swap3A_365 = vector.shape_cast %swap3A_364 : vector<1x16xf32> to vector<16xf32>
        %swap3A_366 = vector.shape_cast %mul3A_361 : vector<16xf32> to vector<1x16xf32>
        tpu.vector_store %arg8[%swap3A_362, %swap3A_363], %swap3A_366 {strides = array<i32>} : memref<32x1024xf32, #tpu.memory_space<vmem>>, vector<1x16xf32>,
        %get3A_367 = arith.index_cast %scan3A_235 : i32 to index
        %get3A_368 = arith.constant 176 : index
        %get3A_369 = tpu.vector_load %arg8[%get3A_367, %get3A_368] {strides = array<i32>} : memref<32x1024xf32, #tpu.memory_space<vmem>>, vector<1x16xf32>,
        %get3A_370 = vector.shape_cast %get3A_369 : vector<1x16xf32> to vector<16xf32>
        %mul3A_371 = arith.constant 3.200000e+01 : f32
        %mul3A_372 = vector.broadcast %mul3A_371 : f32 to vector<16xf32>
        %mul3A_373 = arith.mulf %get3A_370, %mul3A_372 : vector<16xf32>
        %swap3A_374 = arith.index_cast %scan3A_235 : i32 to index
        %swap3A_375 = arith.constant 176 : index
        %swap3A_376 = tpu.vector_load %arg8[%swap3A_374, %swap3A_375] {strides = array<i32>} : memref<32x1024xf32, #tpu.memory_space<vmem>>, vector<1x16xf32>,
        %swap3A_377 = vector.shape_cast %swap3A_376 : vector<1x16xf32> to vector<16xf32>
        %swap3A_378 = vector.shape_cast %mul3A_373 : vector<16xf32> to vector<1x16xf32>
        tpu.vector_store %arg8[%swap3A_374, %swap3A_375], %swap3A_378 {strides = array<i32>} : memref<32x1024xf32, #tpu.memory_space<vmem>>, vector<1x16xf32>,
        %get3A_379 = arith.index_cast %scan3A_235 : i32 to index
        %get3A_380 = arith.constant 192 : index
        %get3A_381 = tpu.vector_load %arg8[%get3A_379, %get3A_380] {strides = array<i32>} : memref<32x1024xf32, #tpu.memory_space<vmem>>, vector<1x16xf32>,
        %get3A_382 = vector.shape_cast %get3A_381 : vector<1x16xf32> to vector<16xf32>
        %mul3A_383 = arith.constant 3.200000e+01 : f32
        %mul3A_384 = vector.broadcast %mul3A_383 : f32 to vector<16xf32>
        %mul3A_385 = arith.mulf %get3A_382, %mul3A_384 : vector<16xf32>
        %swap3A_386 = arith.index_cast %scan3A_235 : i32 to index
        %swap3A_387 = arith.constant 192 : index
        %swap3A_388 = tpu.vector_load %arg8[%swap3A_386, %swap3A_387] {strides = array<i32>} : memref<32x1024xf32, #tpu.memory_space<vmem>>, vector<1x16xf32>,
        %swap3A_389 = vector.shape_cast %swap3A_388 : vector<1x16xf32> to vector<16xf32>
        %swap3A_390 = vector.shape_cast %mul3A_385 : vector<16xf32> to vector<1x16xf32>
        tpu.vector_store %arg8[%swap3A_386, %swap3A_387], %swap3A_390 {strides = array<i32>} : memref<32x1024xf32, #tpu.memory_space<vmem>>, vector<1x16xf32>,
        %get3A_391 = arith.index_cast %scan3A_235 : i32 to index
        %get3A_392 = arith.constant 208 : index
        %get3A_393 = tpu.vector_load %arg8[%get3A_391, %get3A_392] {strides = array<i32>} : memref<32x1024xf32, #tpu.memory_space<vmem>>, vector<1x16xf32>,
        %get3A_394 = vector.shape_cast %get3A_393 : vector<1x16xf32> to vector<16xf32>
        %mul3A_395 = arith.constant 3.200000e+01 : f32
        %mul3A_396 = vector.broadcast %mul3A_395 : f32 to vector<16xf32>
        %mul3A_397 = arith.mulf %get3A_394, %mul3A_396 : vector<16xf32>
        %swap3A_398 = arith.index_cast %scan3A_235 : i32 to index
        %swap3A_399 = arith.constant 208 : index
        %swap3A_400 = tpu.vector_load %arg8[%swap3A_398, %swap3A_399] {strides = array<i32>} : memref<32x1024xf32, #tpu.memory_space<vmem>>, vector<1x16xf32>,
        %swap3A_401 = vector.shape_cast %swap3A_400 : vector<1x16xf32> to vector<16xf32>
        %swap3A_402 = vector.shape_cast %mul3A_397 : vector<16xf32> to vector<1x16xf32>
        tpu.vector_store %arg8[%swap3A_398, %swap3A_399], %swap3A_402 {strides = array<i32>} : memref<32x1024xf32, #tpu.memory_space<vmem>>, vector<1x16xf32>,
        %get3A_403 = arith.index_cast %scan3A_235 : i32 to index
        %get3A_404 = arith.constant 224 : index
        %get3A_405 = tpu.vector_load %arg8[%get3A_403, %get3A_404] {strides = array<i32>} : memref<32x1024xf32, #tpu.memory_space<vmem>>, vector<1x16xf32>,
        %get3A_406 = vector.shape_cast %get3A_405 : vector<1x16xf32> to vector<16xf32>
        %mul3A_407 = arith.constant 3.200000e+01 : f32
        %mul3A_408 = vector.broadcast %mul3A_407 : f32 to vector<16xf32>
        %mul3A_409 = arith.mulf %get3A_406, %mul3A_408 : vector<16xf32>
        %swap3A_410 = arith.index_cast %scan3A_235 : i32 to index
        %swap3A_411 = arith.constant 224 : index
        %swap3A_412 = tpu.vector_load %arg8[%swap3A_410, %swap3A_411] {strides = array<i32>} : memref<32x1024xf32, #tpu.memory_space<vmem>>, vector<1x16xf32>,
        %swap3A_413 = vector.shape_cast %swap3A_412 : vector<1x16xf32> to vector<16xf32>
        %swap3A_414 = vector.shape_cast %mul3A_409 : vector<16xf32> to vector<1x16xf32>
        tpu.vector_store %arg8[%swap3A_410, %swap3A_411], %swap3A_414 {strides = array<i32>} : memref<32x1024xf32, #tpu.memory_space<vmem>>, vector<1x16xf32>,
        %get3A_415 = arith.index_cast %scan3A_235 : i32 to index
        %get3A_416 = arith.constant 240 : index
        %get3A_417 = tpu.vector_load %arg8[%get3A_415, %get3A_416] {strides = array<i32>} : memref<32x1024xf32, #tpu.memory_space<vmem>>, vector<1x16xf32>,
        %get3A_418 = vector.shape_cast %get3A_417 : vector<1x16xf32> to vector<16xf32>
        %mul3A_419 = arith.constant 3.200000e+01 : f32
        %mul3A_420 = vector.broadcast %mul3A_419 : f32 to vector<16xf32>
        %mul3A_421 = arith.mulf %get3A_418, %mul3A_420 : vector<16xf32>
        %swap3A_422 = arith.index_cast %scan3A_235 : i32 to index
        %swap3A_423 = arith.constant 240 : index
        %swap3A_424 = tpu.vector_load %arg8[%swap3A_422, %swap3A_423] {strides = array<i32>} : memref<32x1024xf32, #tpu.memory_space<vmem>>, vector<1x16xf32>,
        %swap3A_425 = vector.shape_cast %swap3A_424 : vector<1x16xf32> to vector<16xf32>
        %swap3A_426 = vector.shape_cast %mul3A_421 : vector<16xf32> to vector<1x16xf32>
        tpu.vector_store %arg8[%swap3A_422, %swap3A_423], %swap3A_426 {strides = array<i32>} : memref<32x1024xf32, #tpu.memory_space<vmem>>, vector<1x16xf32>,
        %get3A_427 = arith.index_cast %scan3A_235 : i32 to index
        %get3A_428 = arith.constant 256 : index
        %get3A_429 = tpu.vector_load %arg8[%get3A_427, %get3A_428] {strides = array<i32>} : memref<32x1024xf32, #tpu.memory_space<vmem>>, vector<1x16xf32>,
        %get3A_430 = vector.shape_cast %get3A_429 : vector<1x16xf32> to vector<16xf32>
        %mul3A_431 = arith.constant 3.200000e+01 : f32
        %mul3A_432 = vector.broadcast %mul3A_431 : f32 to vector<16xf32>
        %mul3A_433 = arith.mulf %get3A_430, %mul3A_432 : vector<16xf32>
        %swap3A_434 = arith.index_cast %scan3A_235 : i32 to index
        %swap3A_435 = arith.constant 256 : index
        %swap3A_436 = tpu.vector_load %arg8[%swap3A_434, %swap3A_435] {strides = array<i32>} : memref<32x1024xf32, #tpu.memory_space<vmem>>, vector<1x16xf32>,
        %swap3A_437 = vector.shape_cast %swap3A_436 : vector<1x16xf32> to vector<16xf32>
        %swap3A_438 = vector.shape_cast %mul3A_433 : vector<16xf32> to vector<1x16xf32>
        tpu.vector_store %arg8[%swap3A_434, %swap3A_435], %swap3A_438 {strides = array<i32>} : memref<32x1024xf32, #tpu.memory_space<vmem>>, vector<1x16xf32>,
        %get3A_439 = arith.index_cast %scan3A_235 : i32 to index
        %get3A_440 = arith.constant 272 : index
        %get3A_441 = tpu.vector_load %arg8[%get3A_439, %get3A_440] {strides = array<i32>} : memref<32x1024xf32, #tpu.memory_space<vmem>>, vector<1x16xf32>,
        %get3A_442 = vector.shape_cast %get3A_441 : vector<1x16xf32> to vector<16xf32>
        %mul3A_443 = arith.constant 3.200000e+01 : f32
        %mul3A_444 = vector.broadcast %mul3A_443 : f32 to vector<16xf32>
        %mul3A_445 = arith.mulf %get3A_442, %mul3A_444 : vector<16xf32>
        %swap3A_446 = arith.index_cast %scan3A_235 : i32 to index
        %swap3A_447 = arith.constant 272 : index
        %swap3A_448 = tpu.vector_load %arg8[%swap3A_446, %swap3A_447] {strides = array<i32>} : memref<32x1024xf32, #tpu.memory_space<vmem>>, vector<1x16xf32>,
        %swap3A_449 = vector.shape_cast %swap3A_448 : vector<1x16xf32> to vector<16xf32>
        %swap3A_450 = vector.shape_cast %mul3A_445 : vector<16xf32> to vector<1x16xf32>
        tpu.vector_store %arg8[%swap3A_446, %swap3A_447], %swap3A_450 {strides = array<i32>} : memref<32x1024xf32, #tpu.memory_space<vmem>>, vector<1x16xf32>,
        %get3A_451 = arith.index_cast %scan3A_235 : i32 to index
        %get3A_452 = arith.constant 288 : index
        %get3A_453 = tpu.vector_load %arg8[%get3A_451, %get3A_452] {strides = array<i32>} : memref<32x1024xf32, #tpu.memory_space<vmem>>, vector<1x16xf32>,
        %get3A_454 = vector.shape_cast %get3A_453 : vector<1x16xf32> to vector<16xf32>
        %mul3A_455 = arith.constant 3.200000e+01 : f32
        %mul3A_456 = vector.broadcast %mul3A_455 : f32 to vector<16xf32>
        %mul3A_457 = arith.mulf %get3A_454, %mul3A_456 : vector<16xf32>
        %swap3A_458 = arith.index_cast %scan3A_235 : i32 to index
        %swap3A_459 = arith.constant 288 : index
        %swap3A_460 = tpu.vector_load %arg8[%swap3A_458, %swap3A_459] {strides = array<i32>} : memref<32x1024xf32, #tpu.memory_space<vmem>>, vector<1x16xf32>,
        %swap3A_461 = vector.shape_cast %swap3A_460 : vector<1x16xf32> to vector<16xf32>
        %swap3A_462 = vector.shape_cast %mul3A_457 : vector<16xf32> to vector<1x16xf32>
        tpu.vector_store %arg8[%swap3A_458, %swap3A_459], %swap3A_462 {strides = array<i32>} : memref<32x1024xf32, #tpu.memory_space<vmem>>, vector<1x16xf32>,
        %get3A_463 = arith.index_cast %scan3A_235 : i32 to index
        %get3A_464 = arith.constant 304 : index
        %get3A_465 = tpu.vector_load %arg8[%get3A_463, %get3A_464] {strides = array<i32>} : memref<32x1024xf32, #tpu.memory_space<vmem>>, vector<1x16xf32>,
        %get3A_466 = vector.shape_cast %get3A_465 : vector<1x16xf32> to vector<16xf32>
        %mul3A_467 = arith.constant 3.200000e+01 : f32
        %mul3A_468 = vector.broadcast %mul3A_467 : f32 to vector<16xf32>
        %mul3A_469 = arith.mulf %get3A_466, %mul3A_468 : vector<16xf32>
        %swap3A_470 = arith.index_cast %scan3A_235 : i32 to index
        %swap3A_471 = arith.constant 304 : index
        %swap3A_472 = tpu.vector_load %arg8[%swap3A_470, %swap3A_471] {strides = array<i32>} : memref<32x1024xf32, #tpu.memory_space<vmem>>, vector<1x16xf32>,
        %swap3A_473 = vector.shape_cast %swap3A_472 : vector<1x16xf32> to vector<16xf32>
        %swap3A_474 = vector.shape_cast %mul3A_469 : vector<16xf32> to vector<1x16xf32>
        tpu.vector_store %arg8[%swap3A_470, %swap3A_471], %swap3A_474 {strides = array<i32>} : memref<32x1024xf32, #tpu.memory_space<vmem>>, vector<1x16xf32>,
        %get3A_475 = arith.index_cast %scan3A_235 : i32 to index
        %get3A_476 = arith.constant 320 : index
        %get3A_477 = tpu.vector_load %arg8[%get3A_475, %get3A_476] {strides = array<i32>} : memref<32x1024xf32, #tpu.memory_space<vmem>>, vector<1x16xf32>,
        %get3A_478 = vector.shape_cast %get3A_477 : vector<1x16xf32> to vector<16xf32>
        %mul3A_479 = arith.constant 3.200000e+01 : f32
        %mul3A_480 = vector.broadcast %mul3A_479 : f32 to vector<16xf32>
        %mul3A_481 = arith.mulf %get3A_478, %mul3A_480 : vector<16xf32>
        %swap3A_482 = arith.index_cast %scan3A_235 : i32 to index
        %swap3A_483 = arith.constant 320 : index
        %swap3A_484 = tpu.vector_load %arg8[%swap3A_482, %swap3A_483] {strides = array<i32>} : memref<32x1024xf32, #tpu.memory_space<vmem>>, vector<1x16xf32>,
        %swap3A_485 = vector.shape_cast %swap3A_484 : vector<1x16xf32> to vector<16xf32>
        %swap3A_486 = vector.shape_cast %mul3A_481 : vector<16xf32> to vector<1x16xf32>
        tpu.vector_store %arg8[%swap3A_482, %swap3A_483], %swap3A_486 {strides = array<i32>} : memref<32x1024xf32, #tpu.memory_space<vmem>>, vector<1x16xf32>,
        %get3A_487 = arith.index_cast %scan3A_235 : i32 to index
        %get3A_488 = arith.constant 336 : index
        %get3A_489 = tpu.vector_load %arg8[%get3A_487, %get3A_488] {strides = array<i32>} : memref<32x1024xf32, #tpu.memory_space<vmem>>, vector<1x16xf32>,
        %get3A_490 = vector.shape_cast %get3A_489 : vector<1x16xf32> to vector<16xf32>
        %mul3A_491 = arith.constant 3.200000e+01 : f32
        %mul3A_492 = vector.broadcast %mul3A_491 : f32 to vector<16xf32>
        %mul3A_493 = arith.mulf %get3A_490, %mul3A_492 : vector<16xf32>
        %swap3A_494 = arith.index_cast %scan3A_235 : i32 to index
        %swap3A_495 = arith.constant 336 : index
        %swap3A_496 = tpu.vector_load %arg8[%swap3A_494, %swap3A_495] {strides = array<i32>} : memref<32x1024xf32, #tpu.memory_space<vmem>>, vector<1x16xf32>,
        %swap3A_497 = vector.shape_cast %swap3A_496 : vector<1x16xf32> to vector<16xf32>
        %swap3A_498 = vector.shape_cast %mul3A_493 : vector<16xf32> to vector<1x16xf32>
        tpu.vector_store %arg8[%swap3A_494, %swap3A_495], %swap3A_498 {strides = array<i32>} : memref<32x1024xf32, #tpu.memory_space<vmem>>, vector<1x16xf32>,
        %get3A_499 = arith.index_cast %scan3A_235 : i32 to index
        %get3A_500 = arith.constant 352 : index
        %get3A_501 = tpu.vector_load %arg8[%get3A_499, %get3A_500] {strides = array<i32>} : memref<32x1024xf32, #tpu.memory_space<vmem>>, vector<1x16xf32>,
        %get3A_502 = vector.shape_cast %get3A_501 : vector<1x16xf32> to vector<16xf32>
        %mul3A_503 = arith.constant 3.200000e+01 : f32
        %mul3A_504 = vector.broadcast %mul3A_503 : f32 to vector<16xf32>
        %mul3A_505 = arith.mulf %get3A_502, %mul3A_504 : vector<16xf32>
        %swap3A_506 = arith.index_cast %scan3A_235 : i32 to index
        %swap3A_507 = arith.constant 352 : index
        %swap3A_508 = tpu.vector_load %arg8[%swap3A_506, %swap3A_507] {strides = array<i32>} : memref<32x1024xf32, #tpu.memory_space<vmem>>, vector<1x16xf32>,
        %swap3A_509 = vector.shape_cast %swap3A_508 : vector<1x16xf32> to vector<16xf32>
        %swap3A_510 = vector.shape_cast %mul3A_505 : vector<16xf32> to vector<1x16xf32>
        tpu.vector_store %arg8[%swap3A_506, %swap3A_507], %swap3A_510 {strides = array<i32>} : memref<32x1024xf32, #tpu.memory_space<vmem>>, vector<1x16xf32>,
        %get3A_511 = arith.index_cast %scan3A_235 : i32 to index
        %get3A_512 = arith.constant 368 : index
        %get3A_513 = tpu.vector_load %arg8[%get3A_511, %get3A_512] {strides = array<i32>} : memref<32x1024xf32, #tpu.memory_space<vmem>>, vector<1x16xf32>,
        %get3A_514 = vector.shape_cast %get3A_513 : vector<1x16xf32> to vector<16xf32>
        %mul3A_515 = arith.constant 3.200000e+01 : f32
        %mul3A_516 = vector.broadcast %mul3A_515 : f32 to vector<16xf32>
        %mul3A_517 = arith.mulf %get3A_514, %mul3A_516 : vector<16xf32>
        %swap3A_518 = arith.index_cast %scan3A_235 : i32 to index
        %swap3A_519 = arith.constant 368 : index
        %swap3A_520 = tpu.vector_load %arg8[%swap3A_518, %swap3A_519] {strides = array<i32>} : memref<32x1024xf32, #tpu.memory_space<vmem>>, vector<1x16xf32>,
        %swap3A_521 = vector.shape_cast %swap3A_520 : vector<1x16xf32> to vector<16xf32>
        %swap3A_522 = vector.shape_cast %mul3A_517 : vector<16xf32> to vector<1x16xf32>
        tpu.vector_store %arg8[%swap3A_518, %swap3A_519], %swap3A_522 {strides = array<i32>} : memref<32x1024xf32, #tpu.memory_space<vmem>>, vector<1x16xf32>,
        %get3A_523 = arith.index_cast %scan3A_235 : i32 to index
        %get3A_524 = arith.constant 384 : index
        %get3A_525 = tpu.vector_load %arg8[%get3A_523, %get3A_524] {strides = array<i32>} : memref<32x1024xf32, #tpu.memory_space<vmem>>, vector<1x16xf32>,
        %get3A_526 = vector.shape_cast %get3A_525 : vector<1x16xf32> to vector<16xf32>
        %mul3A_527 = arith.constant 3.200000e+01 : f32
        %mul3A_528 = vector.broadcast %mul3A_527 : f32 to vector<16xf32>
        %mul3A_529 = arith.mulf %get3A_526, %mul3A_528 : vector<16xf32>
        %swap3A_530 = arith.index_cast %scan3A_235 : i32 to index
        %swap3A_531 = arith.constant 384 : index
        %swap3A_532 = tpu.vector_load %arg8[%swap3A_530, %swap3A_531] {strides = array<i32>} : memref<32x1024xf32, #tpu.memory_space<vmem>>, vector<1x16xf32>,
        %swap3A_533 = vector.shape_cast %swap3A_532 : vector<1x16xf32> to vector<16xf32>
        %swap3A_534 = vector.shape_cast %mul3A_529 : vector<16xf32> to vector<1x16xf32>
        tpu.vector_store %arg8[%swap3A_530, %swap3A_531], %swap3A_534 {strides = array<i32>} : memref<32x1024xf32, #tpu.memory_space<vmem>>, vector<1x16xf32>,
        %get3A_535 = arith.index_cast %scan3A_235 : i32 to index
        %get3A_536 = arith.constant 400 : index
        %get3A_537 = tpu.vector_load %arg8[%get3A_535, %get3A_536] {strides = array<i32>} : memref<32x1024xf32, #tpu.memory_space<vmem>>, vector<1x16xf32>,
        %get3A_538 = vector.shape_cast %get3A_537 : vector<1x16xf32> to vector<16xf32>
        %mul3A_539 = arith.constant 3.200000e+01 : f32
        %mul3A_540 = vector.broadcast %mul3A_539 : f32 to vector<16xf32>
        %mul3A_541 = arith.mulf %get3A_538, %mul3A_540 : vector<16xf32>
        %swap3A_542 = arith.index_cast %scan3A_235 : i32 to index
        %swap3A_543 = arith.constant 400 : index
        %swap3A_544 = tpu.vector_load %arg8[%swap3A_542, %swap3A_543] {strides = array<i32>} : memref<32x1024xf32, #tpu.memory_space<vmem>>, vector<1x16xf32>,
        %swap3A_545 = vector.shape_cast %swap3A_544 : vector<1x16xf32> to vector<16xf32>
        %swap3A_546 = vector.shape_cast %mul3A_541 : vector<16xf32> to vector<1x16xf32>
        tpu.vector_store %arg8[%swap3A_542, %swap3A_543], %swap3A_546 {strides = array<i32>} : memref<32x1024xf32, #tpu.memory_space<vmem>>, vector<1x16xf32>,
        %get3A_547 = arith.index_cast %scan3A_235 : i32 to index
        %get3A_548 = arith.constant 416 : index
        %get3A_549 = tpu.vector_load %arg8[%get3A_547, %get3A_548] {strides = array<i32>} : memref<32x1024xf32, #tpu.memory_space<vmem>>, vector<1x16xf32>,
        %get3A_550 = vector.shape_cast %get3A_549 : vector<1x16xf32> to vector<16xf32>
        %mul3A_551 = arith.constant 3.200000e+01 : f32
        %mul3A_552 = vector.broadcast %mul3A_551 : f32 to vector<16xf32>
        %mul3A_553 = arith.mulf %get3A_550, %mul3A_552 : vector<16xf32>
        %swap3A_554 = arith.index_cast %scan3A_235 : i32 to index
        %swap3A_555 = arith.constant 416 : index
        %swap3A_556 = tpu.vector_load %arg8[%swap3A_554, %swap3A_555] {strides = array<i32>} : memref<32x1024xf32, #tpu.memory_space<vmem>>, vector<1x16xf32>,
        %swap3A_557 = vector.shape_cast %swap3A_556 : vector<1x16xf32> to vector<16xf32>
        %swap3A_558 = vector.shape_cast %mul3A_553 : vector<16xf32> to vector<1x16xf32>
        tpu.vector_store %arg8[%swap3A_554, %swap3A_555], %swap3A_558 {strides = array<i32>} : memref<32x1024xf32, #tpu.memory_space<vmem>>, vector<1x16xf32>,
        %get3A_559 = arith.index_cast %scan3A_235 : i32 to index
        %get3A_560 = arith.constant 432 : index
        %get3A_561 = tpu.vector_load %arg8[%get3A_559, %get3A_560] {strides = array<i32>} : memref<32x1024xf32, #tpu.memory_space<vmem>>, vector<1x16xf32>,
        %get3A_562 = vector.shape_cast %get3A_561 : vector<1x16xf32> to vector<16xf32>
        %mul3A_563 = arith.constant 3.200000e+01 : f32
        %mul3A_564 = vector.broadcast %mul3A_563 : f32 to vector<16xf32>
        %mul3A_565 = arith.mulf %get3A_562, %mul3A_564 : vector<16xf32>
        %swap3A_566 = arith.index_cast %scan3A_235 : i32 to index
        %swap3A_567 = arith.constant 432 : index
        %swap3A_568 = tpu.vector_load %arg8[%swap3A_566, %swap3A_567] {strides = array<i32>} : memref<32x1024xf32, #tpu.memory_space<vmem>>, vector<1x16xf32>,
        %swap3A_569 = vector.shape_cast %swap3A_568 : vector<1x16xf32> to vector<16xf32>
        %swap3A_570 = vector.shape_cast %mul3A_565 : vector<16xf32> to vector<1x16xf32>
        tpu.vector_store %arg8[%swap3A_566, %swap3A_567], %swap3A_570 {strides = array<i32>} : memref<32x1024xf32, #tpu.memory_space<vmem>>, vector<1x16xf32>,
        %get3A_571 = arith.index_cast %scan3A_235 : i32 to index
        %get3A_572 = arith.constant 448 : index
        %get3A_573 = tpu.vector_load %arg8[%get3A_571, %get3A_572] {strides = array<i32>} : memref<32x1024xf32, #tpu.memory_space<vmem>>, vector<1x16xf32>,
        %get3A_574 = vector.shape_cast %get3A_573 : vector<1x16xf32> to vector<16xf32>
        %mul3A_575 = arith.constant 3.200000e+01 : f32
        %mul3A_576 = vector.broadcast %mul3A_575 : f32 to vector<16xf32>
        %mul3A_577 = arith.mulf %get3A_574, %mul3A_576 : vector<16xf32>
        %swap3A_578 = arith.index_cast %scan3A_235 : i32 to index
        %swap3A_579 = arith.constant 448 : index
        %swap3A_580 = tpu.vector_load %arg8[%swap3A_578, %swap3A_579] {strides = array<i32>} : memref<32x1024xf32, #tpu.memory_space<vmem>>, vector<1x16xf32>,
        %swap3A_581 = vector.shape_cast %swap3A_580 : vector<1x16xf32> to vector<16xf32>
        %swap3A_582 = vector.shape_cast %mul3A_577 : vector<16xf32> to vector<1x16xf32>
        tpu.vector_store %arg8[%swap3A_578, %swap3A_579], %swap3A_582 {strides = array<i32>} : memref<32x1024xf32, #tpu.memory_space<vmem>>, vector<1x16xf32>,
        %get3A_583 = arith.index_cast %scan3A_235 : i32 to index
        %get3A_584 = arith.constant 464 : index
        %get3A_585 = tpu.vector_load %arg8[%get3A_583, %get3A_584] {strides = array<i32>} : memref<32x1024xf32, #tpu.memory_space<vmem>>, vector<1x16xf32>,
        %get3A_586 = vector.shape_cast %get3A_585 : vector<1x16xf32> to vector<16xf32>
        %mul3A_587 = arith.constant 3.200000e+01 : f32
        %mul3A_588 = vector.broadcast %mul3A_587 : f32 to vector<16xf32>
        %mul3A_589 = arith.mulf %get3A_586, %mul3A_588 : vector<16xf32>
        %swap3A_590 = arith.index_cast %scan3A_235 : i32 to index
        %swap3A_591 = arith.constant 464 : index
        %swap3A_592 = tpu.vector_load %arg8[%swap3A_590, %swap3A_591] {strides = array<i32>} : memref<32x1024xf32, #tpu.memory_space<vmem>>, vector<1x16xf32>,
        %swap3A_593 = vector.shape_cast %swap3A_592 : vector<1x16xf32> to vector<16xf32>
        %swap3A_594 = vector.shape_cast %mul3A_589 : vector<16xf32> to vector<1x16xf32>
        tpu.vector_store %arg8[%swap3A_590, %swap3A_591], %swap3A_594 {strides = array<i32>} : memref<32x1024xf32, #tpu.memory_space<vmem>>, vector<1x16xf32>,
        %get3A_595 = arith.index_cast %scan3A_235 : i32 to index
        %get3A_596 = arith.constant 480 : index
        %get3A_597 = tpu.vector_load %arg8[%get3A_595, %get3A_596] {strides = array<i32>} : memref<32x1024xf32, #tpu.memory_space<vmem>>, vector<1x16xf32>,
        %get3A_598 = vector.shape_cast %get3A_597 : vector<1x16xf32> to vector<16xf32>
        %mul3A_599 = arith.constant 3.200000e+01 : f32
        %mul3A_600 = vector.broadcast %mul3A_599 : f32 to vector<16xf32>
        %mul3A_601 = arith.mulf %get3A_598, %mul3A_600 : vector<16xf32>
        %swap3A_602 = arith.index_cast %scan3A_235 : i32 to index
        %swap3A_603 = arith.constant 480 : index
        %swap3A_604 = tpu.vector_load %arg8[%swap3A_602, %swap3A_603] {strides = array<i32>} : memref<32x1024xf32, #tpu.memory_space<vmem>>, vector<1x16xf32>,
        %swap3A_605 = vector.shape_cast %swap3A_604 : vector<1x16xf32> to vector<16xf32>
        %swap3A_606 = vector.shape_cast %mul3A_601 : vector<16xf32> to vector<1x16xf32>
        tpu.vector_store %arg8[%swap3A_602, %swap3A_603], %swap3A_606 {strides = array<i32>} : memref<32x1024xf32, #tpu.memory_space<vmem>>, vector<1x16xf32>,
        %get3A_607 = arith.index_cast %scan3A_235 : i32 to index
        %get3A_608 = arith.constant 496 : index
        %get3A_609 = tpu.vector_load %arg8[%get3A_607, %get3A_608] {strides = array<i32>} : memref<32x1024xf32, #tpu.memory_space<vmem>>, vector<1x16xf32>,
        %get3A_610 = vector.shape_cast %get3A_609 : vector<1x16xf32> to vector<16xf32>
        %mul3A_611 = arith.constant 3.200000e+01 : f32
        %mul3A_612 = vector.broadcast %mul3A_611 : f32 to vector<16xf32>
        %mul3A_613 = arith.mulf %get3A_610, %mul3A_612 : vector<16xf32>
        %swap3A_614 = arith.index_cast %scan3A_235 : i32 to index
        %swap3A_615 = arith.constant 496 : index
        %swap3A_616 = tpu.vector_load %arg8[%swap3A_614, %swap3A_615] {strides = array<i32>} : memref<32x1024xf32, #tpu.memory_space<vmem>>, vector<1x16xf32>,
        %swap3A_617 = vector.shape_cast %swap3A_616 : vector<1x16xf32> to vector<16xf32>
        %swap3A_618 = vector.shape_cast %mul3A_613 : vector<16xf32> to vector<1x16xf32>
        tpu.vector_store %arg8[%swap3A_614, %swap3A_615], %swap3A_618 {strides = array<i32>} : memref<32x1024xf32, #tpu.memory_space<vmem>>, vector<1x16xf32>,
        %get3A_619 = arith.index_cast %scan3A_235 : i32 to index
        %get3A_620 = arith.constant 512 : index
        %get3A_621 = tpu.vector_load %arg8[%get3A_619, %get3A_620] {strides = array<i32>} : memref<32x1024xf32, #tpu.memory_space<vmem>>, vector<1x16xf32>,
        %get3A_622 = vector.shape_cast %get3A_621 : vector<1x16xf32> to vector<16xf32>
        %mul3A_623 = arith.constant 3.200000e+01 : f32
        %mul3A_624 = vector.broadcast %mul3A_623 : f32 to vector<16xf32>
        %mul3A_625 = arith.mulf %get3A_622, %mul3A_624 : vector<16xf32>
        %swap3A_626 = arith.index_cast %scan3A_235 : i32 to index
        %swap3A_627 = arith.constant 512 : index
        %swap3A_628 = tpu.vector_load %arg8[%swap3A_626, %swap3A_627] {strides = array<i32>} : memref<32x1024xf32, #tpu.memory_space<vmem>>, vector<1x16xf32>,
        %swap3A_629 = vector.shape_cast %swap3A_628 : vector<1x16xf32> to vector<16xf32>
        %swap3A_630 = vector.shape_cast %mul3A_625 : vector<16xf32> to vector<1x16xf32>
        tpu.vector_store %arg8[%swap3A_626, %swap3A_627], %swap3A_630 {strides = array<i32>} : memref<32x1024xf32, #tpu.memory_space<vmem>>, vector<1x16xf32>,
        %get3A_631 = arith.index_cast %scan3A_235 : i32 to index
        %get3A_632 = arith.constant 528 : index
        %get3A_633 = tpu.vector_load %arg8[%get3A_631, %get3A_632] {strides = array<i32>} : memref<32x1024xf32, #tpu.memory_space<vmem>>, vector<1x16xf32>,
        %get3A_634 = vector.shape_cast %get3A_633 : vector<1x16xf32> to vector<16xf32>
        %mul3A_635 = arith.constant 3.200000e+01 : f32
        %mul3A_636 = vector.broadcast %mul3A_635 : f32 to vector<16xf32>
        %mul3A_637 = arith.mulf %get3A_634, %mul3A_636 : vector<16xf32>
        %swap3A_638 = arith.index_cast %scan3A_235 : i32 to index
        %swap3A_639 = arith.constant 528 : index
        %swap3A_640 = tpu.vector_load %arg8[%swap3A_638, %swap3A_639] {strides = array<i32>} : memref<32x1024xf32, #tpu.memory_space<vmem>>, vector<1x16xf32>,
        %swap3A_641 = vector.shape_cast %swap3A_640 : vector<1x16xf32> to vector<16xf32>
        %swap3A_642 = vector.shape_cast %mul3A_637 : vector<16xf32> to vector<1x16xf32>
        tpu.vector_store %arg8[%swap3A_638, %swap3A_639], %swap3A_642 {strides = array<i32>} : memref<32x1024xf32, #tpu.memory_space<vmem>>, vector<1x16xf32>,
        %get3A_643 = arith.index_cast %scan3A_235 : i32 to index
        %get3A_644 = arith.constant 544 : index
        %get3A_645 = tpu.vector_load %arg8[%get3A_643, %get3A_644] {strides = array<i32>} : memref<32x1024xf32, #tpu.memory_space<vmem>>, vector<1x16xf32>,
        %get3A_646 = vector.shape_cast %get3A_645 : vector<1x16xf32> to vector<16xf32>
        %mul3A_647 = arith.constant 3.200000e+01 : f32
        %mul3A_648 = vector.broadcast %mul3A_647 : f32 to vector<16xf32>
        %mul3A_649 = arith.mulf %get3A_646, %mul3A_648 : vector<16xf32>
        %swap3A_650 = arith.index_cast %scan3A_235 : i32 to index
        %swap3A_651 = arith.constant 544 : index
        %swap3A_652 = tpu.vector_load %arg8[%swap3A_650, %swap3A_651] {strides = array<i32>} : memref<32x1024xf32, #tpu.memory_space<vmem>>, vector<1x16xf32>,
        %swap3A_653 = vector.shape_cast %swap3A_652 : vector<1x16xf32> to vector<16xf32>
        %swap3A_654 = vector.shape_cast %mul3A_649 : vector<16xf32> to vector<1x16xf32>
        tpu.vector_store %arg8[%swap3A_650, %swap3A_651], %swap3A_654 {strides = array<i32>} : memref<32x1024xf32, #tpu.memory_space<vmem>>, vector<1x16xf32>,
        %get3A_655 = arith.index_cast %scan3A_235 : i32 to index
        %get3A_656 = arith.constant 560 : index
        %get3A_657 = tpu.vector_load %arg8[%get3A_655, %get3A_656] {strides = array<i32>} : memref<32x1024xf32, #tpu.memory_space<vmem>>, vector<1x16xf32>,
        %get3A_658 = vector.shape_cast %get3A_657 : vector<1x16xf32> to vector<16xf32>
        %mul3A_659 = arith.constant 3.200000e+01 : f32
        %mul3A_660 = vector.broadcast %mul3A_659 : f32 to vector<16xf32>
        %mul3A_661 = arith.mulf %get3A_658, %mul3A_660 : vector<16xf32>
        %swap3A_662 = arith.index_cast %scan3A_235 : i32 to index
        %swap3A_663 = arith.constant 560 : index
        %swap3A_664 = tpu.vector_load %arg8[%swap3A_662, %swap3A_663] {strides = array<i32>} : memref<32x1024xf32, #tpu.memory_space<vmem>>, vector<1x16xf32>,
        %swap3A_665 = vector.shape_cast %swap3A_664 : vector<1x16xf32> to vector<16xf32>
        %swap3A_666 = vector.shape_cast %mul3A_661 : vector<16xf32> to vector<1x16xf32>
        tpu.vector_store %arg8[%swap3A_662, %swap3A_663], %swap3A_666 {strides = array<i32>} : memref<32x1024xf32, #tpu.memory_space<vmem>>, vector<1x16xf32>,
        %get3A_667 = arith.index_cast %scan3A_235 : i32 to index
        %get3A_668 = arith.constant 576 : index
        %get3A_669 = tpu.vector_load %arg8[%get3A_667, %get3A_668] {strides = array<i32>} : memref<32x1024xf32, #tpu.memory_space<vmem>>, vector<1x16xf32>,
        %get3A_670 = vector.shape_cast %get3A_669 : vector<1x16xf32> to vector<16xf32>
        %mul3A_671 = arith.constant 3.200000e+01 : f32
        %mul3A_672 = vector.broadcast %mul3A_671 : f32 to vector<16xf32>
        %mul3A_673 = arith.mulf %get3A_670, %mul3A_672 : vector<16xf32>
        %swap3A_674 = arith.index_cast %scan3A_235 : i32 to index
        %swap3A_675 = arith.constant 576 : index
        %swap3A_676 = tpu.vector_load %arg8[%swap3A_674, %swap3A_675] {strides = array<i32>} : memref<32x1024xf32, #tpu.memory_space<vmem>>, vector<1x16xf32>,
        %swap3A_677 = vector.shape_cast %swap3A_676 : vector<1x16xf32> to vector<16xf32>
        %swap3A_678 = vector.shape_cast %mul3A_673 : vector<16xf32> to vector<1x16xf32>
        tpu.vector_store %arg8[%swap3A_674, %swap3A_675], %swap3A_678 {strides = array<i32>} : memref<32x1024xf32, #tpu.memory_space<vmem>>, vector<1x16xf32>,
        %get3A_679 = arith.index_cast %scan3A_235 : i32 to index
        %get3A_680 = arith.constant 592 : index
        %get3A_681 = tpu.vector_load %arg8[%get3A_679, %get3A_680] {strides = array<i32>} : memref<32x1024xf32, #tpu.memory_space<vmem>>, vector<1x16xf32>,
        %get3A_682 = vector.shape_cast %get3A_681 : vector<1x16xf32> to vector<16xf32>
        %mul3A_683 = arith.constant 3.200000e+01 : f32
        %mul3A_684 = vector.broadcast %mul3A_683 : f32 to vector<16xf32>
        %mul3A_685 = arith.mulf %get3A_682, %mul3A_684 : vector<16xf32>
        %swap3A_686 = arith.index_cast %scan3A_235 : i32 to index
        %swap3A_687 = arith.constant 592 : index
        %swap3A_688 = tpu.vector_load %arg8[%swap3A_686, %swap3A_687] {strides = array<i32>} : memref<32x1024xf32, #tpu.memory_space<vmem>>, vector<1x16xf32>,
        %swap3A_689 = vector.shape_cast %swap3A_688 : vector<1x16xf32> to vector<16xf32>
        %swap3A_690 = vector.shape_cast %mul3A_685 : vector<16xf32> to vector<1x16xf32>
        tpu.vector_store %arg8[%swap3A_686, %swap3A_687], %swap3A_690 {strides = array<i32>} : memref<32x1024xf32, #tpu.memory_space<vmem>>, vector<1x16xf32>,
        %get3A_691 = arith.index_cast %scan3A_235 : i32 to index
        %get3A_692 = arith.constant 608 : index
        %get3A_693 = tpu.vector_load %arg8[%get3A_691, %get3A_692] {strides = array<i32>} : memref<32x1024xf32, #tpu.memory_space<vmem>>, vector<1x16xf32>,
        %get3A_694 = vector.shape_cast %get3A_693 : vector<1x16xf32> to vector<16xf32>
        %mul3A_695 = arith.constant 3.200000e+01 : f32
        %mul3A_696 = vector.broadcast %mul3A_695 : f32 to vector<16xf32>
        %mul3A_697 = arith.mulf %get3A_694, %mul3A_696 : vector<16xf32>
        %swap3A_698 = arith.index_cast %scan3A_235 : i32 to index
        %swap3A_699 = arith.constant 608 : index
        %swap3A_700 = tpu.vector_load %arg8[%swap3A_698, %swap3A_699] {strides = array<i32>} : memref<32x1024xf32, #tpu.memory_space<vmem>>, vector<1x16xf32>,
        %swap3A_701 = vector.shape_cast %swap3A_700 : vector<1x16xf32> to vector<16xf32>
        %swap3A_702 = vector.shape_cast %mul3A_697 : vector<16xf32> to vector<1x16xf32>
        tpu.vector_store %arg8[%swap3A_698, %swap3A_699], %swap3A_702 {strides = array<i32>} : memref<32x1024xf32, #tpu.memory_space<vmem>>, vector<1x16xf32>,
        %get3A_703 = arith.index_cast %scan3A_235 : i32 to index
        %get3A_704 = arith.constant 624 : index
        %get3A_705 = tpu.vector_load %arg8[%get3A_703, %get3A_704] {strides = array<i32>} : memref<32x1024xf32, #tpu.memory_space<vmem>>, vector<1x16xf32>,
        %get3A_706 = vector.shape_cast %get3A_705 : vector<1x16xf32> to vector<16xf32>
        %mul3A_707 = arith.constant 3.200000e+01 : f32
        %mul3A_708 = vector.broadcast %mul3A_707 : f32 to vector<16xf32>
        %mul3A_709 = arith.mulf %get3A_706, %mul3A_708 : vector<16xf32>
        %swap3A_710 = arith.index_cast %scan3A_235 : i32 to index
        %swap3A_711 = arith.constant 624 : index
        %swap3A_712 = tpu.vector_load %arg8[%swap3A_710, %swap3A_711] {strides = array<i32>} : memref<32x1024xf32, #tpu.memory_space<vmem>>, vector<1x16xf32>,
        %swap3A_713 = vector.shape_cast %swap3A_712 : vector<1x16xf32> to vector<16xf32>
        %swap3A_714 = vector.shape_cast %mul3A_709 : vector<16xf32> to vector<1x16xf32>
        tpu.vector_store %arg8[%swap3A_710, %swap3A_711], %swap3A_714 {strides = array<i32>} : memref<32x1024xf32, #tpu.memory_space<vmem>>, vector<1x16xf32>,
        %get3A_715 = arith.index_cast %scan3A_235 : i32 to index
        %get3A_716 = arith.constant 640 : index
        %get3A_717 = tpu.vector_load %arg8[%get3A_715, %get3A_716] {strides = array<i32>} : memref<32x1024xf32, #tpu.memory_space<vmem>>, vector<1x16xf32>,
        %get3A_718 = vector.shape_cast %get3A_717 : vector<1x16xf32> to vector<16xf32>
        %mul3A_719 = arith.constant 3.200000e+01 : f32
        %mul3A_720 = vector.broadcast %mul3A_719 : f32 to vector<16xf32>
        %mul3A_721 = arith.mulf %get3A_718, %mul3A_720 : vector<16xf32>
        %swap3A_722 = arith.index_cast %scan3A_235 : i32 to index
        %swap3A_723 = arith.constant 640 : index
        %swap3A_724 = tpu.vector_load %arg8[%swap3A_722, %swap3A_723] {strides = array<i32>} : memref<32x1024xf32, #tpu.memory_space<vmem>>, vector<1x16xf32>,
        %swap3A_725 = vector.shape_cast %swap3A_724 : vector<1x16xf32> to vector<16xf32>
        %swap3A_726 = vector.shape_cast %mul3A_721 : vector<16xf32> to vector<1x16xf32>
        tpu.vector_store %arg8[%swap3A_722, %swap3A_723], %swap3A_726 {strides = array<i32>} : memref<32x1024xf32, #tpu.memory_space<vmem>>, vector<1x16xf32>,
        %get3A_727 = arith.index_cast %scan3A_235 : i32 to index
        %get3A_728 = arith.constant 656 : index
        %get3A_729 = tpu.vector_load %arg8[%get3A_727, %get3A_728] {strides = array<i32>} : memref<32x1024xf32, #tpu.memory_space<vmem>>, vector<1x16xf32>,
        %get3A_730 = vector.shape_cast %get3A_729 : vector<1x16xf32> to vector<16xf32>
        %mul3A_731 = arith.constant 3.200000e+01 : f32
        %mul3A_732 = vector.broadcast %mul3A_731 : f32 to vector<16xf32>
        %mul3A_733 = arith.mulf %get3A_730, %mul3A_732 : vector<16xf32>
        %swap3A_734 = arith.index_cast %scan3A_235 : i32 to index
        %swap3A_735 = arith.constant 656 : index
        %swap3A_736 = tpu.vector_load %arg8[%swap3A_734, %swap3A_735] {strides = array<i32>} : memref<32x1024xf32, #tpu.memory_space<vmem>>, vector<1x16xf32>,
        %swap3A_737 = vector.shape_cast %swap3A_736 : vector<1x16xf32> to vector<16xf32>
        %swap3A_738 = vector.shape_cast %mul3A_733 : vector<16xf32> to vector<1x16xf32>
        tpu.vector_store %arg8[%swap3A_734, %swap3A_735], %swap3A_738 {strides = array<i32>} : memref<32x1024xf32, #tpu.memory_space<vmem>>, vector<1x16xf32>,
        %get3A_739 = arith.index_cast %scan3A_235 : i32 to index
        %get3A_740 = arith.constant 672 : index
        %get3A_741 = tpu.vector_load %arg8[%get3A_739, %get3A_740] {strides = array<i32>} : memref<32x1024xf32, #tpu.memory_space<vmem>>, vector<1x16xf32>,
        %get3A_742 = vector.shape_cast %get3A_741 : vector<1x16xf32> to vector<16xf32>
        %mul3A_743 = arith.constant 3.200000e+01 : f32
        %mul3A_744 = vector.broadcast %mul3A_743 : f32 to vector<16xf32>
        %mul3A_745 = arith.mulf %get3A_742, %mul3A_744 : vector<16xf32>
        %swap3A_746 = arith.index_cast %scan3A_235 : i32 to index
        %swap3A_747 = arith.constant 672 : index
        %swap3A_748 = tpu.vector_load %arg8[%swap3A_746, %swap3A_747] {strides = array<i32>} : memref<32x1024xf32, #tpu.memory_space<vmem>>, vector<1x16xf32>,
        %swap3A_749 = vector.shape_cast %swap3A_748 : vector<1x16xf32> to vector<16xf32>
        %swap3A_750 = vector.shape_cast %mul3A_745 : vector<16xf32> to vector<1x16xf32>
        tpu.vector_store %arg8[%swap3A_746, %swap3A_747], %swap3A_750 {strides = array<i32>} : memref<32x1024xf32, #tpu.memory_space<vmem>>, vector<1x16xf32>,
        %get3A_751 = arith.index_cast %scan3A_235 : i32 to index
        %get3A_752 = arith.constant 688 : index
        %get3A_753 = tpu.vector_load %arg8[%get3A_751, %get3A_752] {strides = array<i32>} : memref<32x1024xf32, #tpu.memory_space<vmem>>, vector<1x16xf32>,
        %get3A_754 = vector.shape_cast %get3A_753 : vector<1x16xf32> to vector<16xf32>
        %mul3A_755 = arith.constant 3.200000e+01 : f32
        %mul3A_756 = vector.broadcast %mul3A_755 : f32 to vector<16xf32>
        %mul3A_757 = arith.mulf %get3A_754, %mul3A_756 : vector<16xf32>
        %swap3A_758 = arith.index_cast %scan3A_235 : i32 to index
        %swap3A_759 = arith.constant 688 : index
        %swap3A_760 = tpu.vector_load %arg8[%swap3A_758, %swap3A_759] {strides = array<i32>} : memref<32x1024xf32, #tpu.memory_space<vmem>>, vector<1x16xf32>,
        %swap3A_761 = vector.shape_cast %swap3A_760 : vector<1x16xf32> to vector<16xf32>
        %swap3A_762 = vector.shape_cast %mul3A_757 : vector<16xf32> to vector<1x16xf32>
        tpu.vector_store %arg8[%swap3A_758, %swap3A_759], %swap3A_762 {strides = array<i32>} : memref<32x1024xf32, #tpu.memory_space<vmem>>, vector<1x16xf32>,
        %get3A_763 = arith.index_cast %scan3A_235 : i32 to index
        %get3A_764 = arith.constant 704 : index
        %get3A_765 = tpu.vector_load %arg8[%get3A_763, %get3A_764] {strides = array<i32>} : memref<32x1024xf32, #tpu.memory_space<vmem>>, vector<1x16xf32>,
        %get3A_766 = vector.shape_cast %get3A_765 : vector<1x16xf32> to vector<16xf32>
        %mul3A_767 = arith.constant 3.200000e+01 : f32
        %mul3A_768 = vector.broadcast %mul3A_767 : f32 to vector<16xf32>
        %mul3A_769 = arith.mulf %get3A_766, %mul3A_768 : vector<16xf32>
        %swap3A_770 = arith.index_cast %scan3A_235 : i32 to index
        %swap3A_771 = arith.constant 704 : index
        %swap3A_772 = tpu.vector_load %arg8[%swap3A_770, %swap3A_771] {strides = array<i32>} : memref<32x1024xf32, #tpu.memory_space<vmem>>, vector<1x16xf32>,
        %swap3A_773 = vector.shape_cast %swap3A_772 : vector<1x16xf32> to vector<16xf32>
        %swap3A_774 = vector.shape_cast %mul3A_769 : vector<16xf32> to vector<1x16xf32>
        tpu.vector_store %arg8[%swap3A_770, %swap3A_771], %swap3A_774 {strides = array<i32>} : memref<32x1024xf32, #tpu.memory_space<vmem>>, vector<1x16xf32>,
        %get3A_775 = arith.index_cast %scan3A_235 : i32 to index
        %get3A_776 = arith.constant 720 : index
        %get3A_777 = tpu.vector_load %arg8[%get3A_775, %get3A_776] {strides = array<i32>} : memref<32x1024xf32, #tpu.memory_space<vmem>>, vector<1x16xf32>,
        %get3A_778 = vector.shape_cast %get3A_777 : vector<1x16xf32> to vector<16xf32>
        %mul3A_779 = arith.constant 3.200000e+01 : f32
        %mul3A_780 = vector.broadcast %mul3A_779 : f32 to vector<16xf32>
        %mul3A_781 = arith.mulf %get3A_778, %mul3A_780 : vector<16xf32>
        %swap3A_782 = arith.index_cast %scan3A_235 : i32 to index
        %swap3A_783 = arith.constant 720 : index
        %swap3A_784 = tpu.vector_load %arg8[%swap3A_782, %swap3A_783] {strides = array<i32>} : memref<32x1024xf32, #tpu.memory_space<vmem>>, vector<1x16xf32>,
        %swap3A_785 = vector.shape_cast %swap3A_784 : vector<1x16xf32> to vector<16xf32>
        %swap3A_786 = vector.shape_cast %mul3A_781 : vector<16xf32> to vector<1x16xf32>
        tpu.vector_store %arg8[%swap3A_782, %swap3A_783], %swap3A_786 {strides = array<i32>} : memref<32x1024xf32, #tpu.memory_space<vmem>>, vector<1x16xf32>,
        %get3A_787 = arith.index_cast %scan3A_235 : i32 to index
        %get3A_788 = arith.constant 736 : index
        %get3A_789 = tpu.vector_load %arg8[%get3A_787, %get3A_788] {strides = array<i32>} : memref<32x1024xf32, #tpu.memory_space<vmem>>, vector<1x16xf32>,
        %get3A_790 = vector.shape_cast %get3A_789 : vector<1x16xf32> to vector<16xf32>
        %mul3A_791 = arith.constant 3.200000e+01 : f32
        %mul3A_792 = vector.broadcast %mul3A_791 : f32 to vector<16xf32>
        %mul3A_793 = arith.mulf %get3A_790, %mul3A_792 : vector<16xf32>
        %swap3A_794 = arith.index_cast %scan3A_235 : i32 to index
        %swap3A_795 = arith.constant 736 : index
        %swap3A_796 = tpu.vector_load %arg8[%swap3A_794, %swap3A_795] {strides = array<i32>} : memref<32x1024xf32, #tpu.memory_space<vmem>>, vector<1x16xf32>,
        %swap3A_797 = vector.shape_cast %swap3A_796 : vector<1x16xf32> to vector<16xf32>
        %swap3A_798 = vector.shape_cast %mul3A_793 : vector<16xf32> to vector<1x16xf32>
        tpu.vector_store %arg8[%swap3A_794, %swap3A_795], %swap3A_798 {strides = array<i32>} : memref<32x1024xf32, #tpu.memory_space<vmem>>, vector<1x16xf32>,
        %get3A_799 = arith.index_cast %scan3A_235 : i32 to index
        %get3A_800 = arith.constant 752 : index
        %get3A_801 = tpu.vector_load %arg8[%get3A_799, %get3A_800] {strides = array<i32>} : memref<32x1024xf32, #tpu.memory_space<vmem>>, vector<1x16xf32>,
        %get3A_802 = vector.shape_cast %get3A_801 : vector<1x16xf32> to vector<16xf32>
        %mul3A_803 = arith.constant 3.200000e+01 : f32
        %mul3A_804 = vector.broadcast %mul3A_803 : f32 to vector<16xf32>
        %mul3A_805 = arith.mulf %get3A_802, %mul3A_804 : vector<16xf32>
        %swap3A_806 = arith.index_cast %scan3A_235 : i32 to index
        %swap3A_807 = arith.constant 752 : index
        %swap3A_808 = tpu.vector_load %arg8[%swap3A_806, %swap3A_807] {strides = array<i32>} : memref<32x1024xf32, #tpu.memory_space<vmem>>, vector<1x16xf32>,
        %swap3A_809 = vector.shape_cast %swap3A_808 : vector<1x16xf32> to vector<16xf32>
        %swap3A_810 = vector.shape_cast %mul3A_805 : vector<16xf32> to vector<1x16xf32>
        tpu.vector_store %arg8[%swap3A_806, %swap3A_807], %swap3A_810 {strides = array<i32>} : memref<32x1024xf32, #tpu.memory_space<vmem>>, vector<1x16xf32>,
        %get3A_811 = arith.index_cast %scan3A_235 : i32 to index
        %get3A_812 = arith.constant 768 : index
        %get3A_813 = tpu.vector_load %arg8[%get3A_811, %get3A_812] {strides = array<i32>} : memref<32x1024xf32, #tpu.memory_space<vmem>>, vector<1x16xf32>,
        %get3A_814 = vector.shape_cast %get3A_813 : vector<1x16xf32> to vector<16xf32>
        %mul3A_815 = arith.constant 3.200000e+01 : f32
        %mul3A_816 = vector.broadcast %mul3A_815 : f32 to vector<16xf32>
        %mul3A_817 = arith.mulf %get3A_814, %mul3A_816 : vector<16xf32>
        %swap3A_818 = arith.index_cast %scan3A_235 : i32 to index
        %swap3A_819 = arith.constant 768 : index
        %swap3A_820 = tpu.vector_load %arg8[%swap3A_818, %swap3A_819] {strides = array<i32>} : memref<32x1024xf32, #tpu.memory_space<vmem>>, vector<1x16xf32>,
        %swap3A_821 = vector.shape_cast %swap3A_820 : vector<1x16xf32> to vector<16xf32>
        %swap3A_822 = vector.shape_cast %mul3A_817 : vector<16xf32> to vector<1x16xf32>
        tpu.vector_store %arg8[%swap3A_818, %swap3A_819], %swap3A_822 {strides = array<i32>} : memref<32x1024xf32, #tpu.memory_space<vmem>>, vector<1x16xf32>,
        %get3A_823 = arith.index_cast %scan3A_235 : i32 to index
        %get3A_824 = arith.constant 784 : index
        %get3A_825 = tpu.vector_load %arg8[%get3A_823, %get3A_824] {strides = array<i32>} : memref<32x1024xf32, #tpu.memory_space<vmem>>, vector<1x16xf32>,
        %get3A_826 = vector.shape_cast %get3A_825 : vector<1x16xf32> to vector<16xf32>
        %mul3A_827 = arith.constant 3.200000e+01 : f32
        %mul3A_828 = vector.broadcast %mul3A_827 : f32 to vector<16xf32>
        %mul3A_829 = arith.mulf %get3A_826, %mul3A_828 : vector<16xf32>
        %swap3A_830 = arith.index_cast %scan3A_235 : i32 to index
        %swap3A_831 = arith.constant 784 : index
        %swap3A_832 = tpu.vector_load %arg8[%swap3A_830, %swap3A_831] {strides = array<i32>} : memref<32x1024xf32, #tpu.memory_space<vmem>>, vector<1x16xf32>,
        %swap3A_833 = vector.shape_cast %swap3A_832 : vector<1x16xf32> to vector<16xf32>
        %swap3A_834 = vector.shape_cast %mul3A_829 : vector<16xf32> to vector<1x16xf32>
        tpu.vector_store %arg8[%swap3A_830, %swap3A_831], %swap3A_834 {strides = array<i32>} : memref<32x1024xf32, #tpu.memory_space<vmem>>, vector<1x16xf32>,
        %get3A_835 = arith.index_cast %scan3A_235 : i32 to index
        %get3A_836 = arith.constant 800 : index
        %get3A_837 = tpu.vector_load %arg8[%get3A_835, %get3A_836] {strides = array<i32>} : memref<32x1024xf32, #tpu.memory_space<vmem>>, vector<1x16xf32>,
        %get3A_838 = vector.shape_cast %get3A_837 : vector<1x16xf32> to vector<16xf32>
        %mul3A_839 = arith.constant 3.200000e+01 : f32
        %mul3A_840 = vector.broadcast %mul3A_839 : f32 to vector<16xf32>
        %mul3A_841 = arith.mulf %get3A_838, %mul3A_840 : vector<16xf32>
        %swap3A_842 = arith.index_cast %scan3A_235 : i32 to index
        %swap3A_843 = arith.constant 800 : index
        %swap3A_844 = tpu.vector_load %arg8[%swap3A_842, %swap3A_843] {strides = array<i32>} : memref<32x1024xf32, #tpu.memory_space<vmem>>, vector<1x16xf32>,
        %swap3A_845 = vector.shape_cast %swap3A_844 : vector<1x16xf32> to vector<16xf32>
        %swap3A_846 = vector.shape_cast %mul3A_841 : vector<16xf32> to vector<1x16xf32>
        tpu.vector_store %arg8[%swap3A_842, %swap3A_843], %swap3A_846 {strides = array<i32>} : memref<32x1024xf32, #tpu.memory_space<vmem>>, vector<1x16xf32>,
        %get3A_847 = arith.index_cast %scan3A_235 : i32 to index
        %get3A_848 = arith.constant 816 : index
        %get3A_849 = tpu.vector_load %arg8[%get3A_847, %get3A_848] {strides = array<i32>} : memref<32x1024xf32, #tpu.memory_space<vmem>>, vector<1x16xf32>,
        %get3A_850 = vector.shape_cast %get3A_849 : vector<1x16xf32> to vector<16xf32>
        %mul3A_851 = arith.constant 3.200000e+01 : f32
        %mul3A_852 = vector.broadcast %mul3A_851 : f32 to vector<16xf32>
        %mul3A_853 = arith.mulf %get3A_850, %mul3A_852 : vector<16xf32>
        %swap3A_854 = arith.index_cast %scan3A_235 : i32 to index
        %swap3A_855 = arith.constant 816 : index
        %swap3A_856 = tpu.vector_load %arg8[%swap3A_854, %swap3A_855] {strides = array<i32>} : memref<32x1024xf32, #tpu.memory_space<vmem>>, vector<1x16xf32>,
        %swap3A_857 = vector.shape_cast %swap3A_856 : vector<1x16xf32> to vector<16xf32>
        %swap3A_858 = vector.shape_cast %mul3A_853 : vector<16xf32> to vector<1x16xf32>
        tpu.vector_store %arg8[%swap3A_854, %swap3A_855], %swap3A_858 {strides = array<i32>} : memref<32x1024xf32, #tpu.memory_space<vmem>>, vector<1x16xf32>,
        %get3A_859 = arith.index_cast %scan3A_235 : i32 to index
        %get3A_860 = arith.constant 832 : index
        %get3A_861 = tpu.vector_load %arg8[%get3A_859, %get3A_860] {strides = array<i32>} : memref<32x1024xf32, #tpu.memory_space<vmem>>, vector<1x16xf32>,
        %get3A_862 = vector.shape_cast %get3A_861 : vector<1x16xf32> to vector<16xf32>
        %mul3A_863 = arith.constant 3.200000e+01 : f32
        %mul3A_864 = vector.broadcast %mul3A_863 : f32 to vector<16xf32>
        %mul3A_865 = arith.mulf %get3A_862, %mul3A_864 : vector<16xf32>
        %swap3A_866 = arith.index_cast %scan3A_235 : i32 to index
        %swap3A_867 = arith.constant 832 : index
        %swap3A_868 = tpu.vector_load %arg8[%swap3A_866, %swap3A_867] {strides = array<i32>} : memref<32x1024xf32, #tpu.memory_space<vmem>>, vector<1x16xf32>,
        %swap3A_869 = vector.shape_cast %swap3A_868 : vector<1x16xf32> to vector<16xf32>
        %swap3A_870 = vector.shape_cast %mul3A_865 : vector<16xf32> to vector<1x16xf32>
        tpu.vector_store %arg8[%swap3A_866, %swap3A_867], %swap3A_870 {strides = array<i32>} : memref<32x1024xf32, #tpu.memory_space<vmem>>, vector<1x16xf32>,
        %get3A_871 = arith.index_cast %scan3A_235 : i32 to index
        %get3A_872 = arith.constant 848 : index
        %get3A_873 = tpu.vector_load %arg8[%get3A_871, %get3A_872] {strides = array<i32>} : memref<32x1024xf32, #tpu.memory_space<vmem>>, vector<1x16xf32>,
        %get3A_874 = vector.shape_cast %get3A_873 : vector<1x16xf32> to vector<16xf32>
        %mul3A_875 = arith.constant 3.200000e+01 : f32
        %mul3A_876 = vector.broadcast %mul3A_875 : f32 to vector<16xf32>
        %mul3A_877 = arith.mulf %get3A_874, %mul3A_876 : vector<16xf32>
        %swap3A_878 = arith.index_cast %scan3A_235 : i32 to index
        %swap3A_879 = arith.constant 848 : index
        %swap3A_880 = tpu.vector_load %arg8[%swap3A_878, %swap3A_879] {strides = array<i32>} : memref<32x1024xf32, #tpu.memory_space<vmem>>, vector<1x16xf32>,
        %swap3A_881 = vector.shape_cast %swap3A_880 : vector<1x16xf32> to vector<16xf32>
        %swap3A_882 = vector.shape_cast %mul3A_877 : vector<16xf32> to vector<1x16xf32>
        tpu.vector_store %arg8[%swap3A_878, %swap3A_879], %swap3A_882 {strides = array<i32>} : memref<32x1024xf32, #tpu.memory_space<vmem>>, vector<1x16xf32>,
        %get3A_883 = arith.index_cast %scan3A_235 : i32 to index
        %get3A_884 = arith.constant 864 : index
        %get3A_885 = tpu.vector_load %arg8[%get3A_883, %get3A_884] {strides = array<i32>} : memref<32x1024xf32, #tpu.memory_space<vmem>>, vector<1x16xf32>,
        %get3A_886 = vector.shape_cast %get3A_885 : vector<1x16xf32> to vector<16xf32>
        %mul3A_887 = arith.constant 3.200000e+01 : f32
        %mul3A_888 = vector.broadcast %mul3A_887 : f32 to vector<16xf32>
        %mul3A_889 = arith.mulf %get3A_886, %mul3A_888 : vector<16xf32>
        %swap3A_890 = arith.index_cast %scan3A_235 : i32 to index
        %swap3A_891 = arith.constant 864 : index
        %swap3A_892 = tpu.vector_load %arg8[%swap3A_890, %swap3A_891] {strides = array<i32>} : memref<32x1024xf32, #tpu.memory_space<vmem>>, vector<1x16xf32>,
        %swap3A_893 = vector.shape_cast %swap3A_892 : vector<1x16xf32> to vector<16xf32>
        %swap3A_894 = vector.shape_cast %mul3A_889 : vector<16xf32> to vector<1x16xf32>
        tpu.vector_store %arg8[%swap3A_890, %swap3A_891], %swap3A_894 {strides = array<i32>} : memref<32x1024xf32, #tpu.memory_space<vmem>>, vector<1x16xf32>,
        %get3A_895 = arith.index_cast %scan3A_235 : i32 to index
        %get3A_896 = arith.constant 880 : index
        %get3A_897 = tpu.vector_load %arg8[%get3A_895, %get3A_896] {strides = array<i32>} : memref<32x1024xf32, #tpu.memory_space<vmem>>, vector<1x16xf32>,
        %get3A_898 = vector.shape_cast %get3A_897 : vector<1x16xf32> to vector<16xf32>
        %mul3A_899 = arith.constant 3.200000e+01 : f32
        %mul3A_900 = vector.broadcast %mul3A_899 : f32 to vector<16xf32>
        %mul3A_901 = arith.mulf %get3A_898, %mul3A_900 : vector<16xf32>
        %swap3A_902 = arith.index_cast %scan3A_235 : i32 to index
        %swap3A_903 = arith.constant 880 : index
        %swap3A_904 = tpu.vector_load %arg8[%swap3A_902, %swap3A_903] {strides = array<i32>} : memref<32x1024xf32, #tpu.memory_space<vmem>>, vector<1x16xf32>,
        %swap3A_905 = vector.shape_cast %swap3A_904 : vector<1x16xf32> to vector<16xf32>
        %swap3A_906 = vector.shape_cast %mul3A_901 : vector<16xf32> to vector<1x16xf32>
        tpu.vector_store %arg8[%swap3A_902, %swap3A_903], %swap3A_906 {strides = array<i32>} : memref<32x1024xf32, #tpu.memory_space<vmem>>, vector<1x16xf32>,
        %get3A_907 = arith.index_cast %scan3A_235 : i32 to index
        %get3A_908 = arith.constant 896 : index
        %get3A_909 = tpu.vector_load %arg8[%get3A_907, %get3A_908] {strides = array<i32>} : memref<32x1024xf32, #tpu.memory_space<vmem>>, vector<1x16xf32>,
        %get3A_910 = vector.shape_cast %get3A_909 : vector<1x16xf32> to vector<16xf32>
        %mul3A_911 = arith.constant 3.200000e+01 : f32
        %mul3A_912 = vector.broadcast %mul3A_911 : f32 to vector<16xf32>
        %mul3A_913 = arith.mulf %get3A_910, %mul3A_912 : vector<16xf32>
        %swap3A_914 = arith.index_cast %scan3A_235 : i32 to index
        %swap3A_915 = arith.constant 896 : index
        %swap3A_916 = tpu.vector_load %arg8[%swap3A_914, %swap3A_915] {strides = array<i32>} : memref<32x1024xf32, #tpu.memory_space<vmem>>, vector<1x16xf32>,
        %swap3A_917 = vector.shape_cast %swap3A_916 : vector<1x16xf32> to vector<16xf32>
        %swap3A_918 = vector.shape_cast %mul3A_913 : vector<16xf32> to vector<1x16xf32>
        tpu.vector_store %arg8[%swap3A_914, %swap3A_915], %swap3A_918 {strides = array<i32>} : memref<32x1024xf32, #tpu.memory_space<vmem>>, vector<1x16xf32>,
        %get3A_919 = arith.index_cast %scan3A_235 : i32 to index
        %get3A_920 = arith.constant 912 : index
        %get3A_921 = tpu.vector_load %arg8[%get3A_919, %get3A_920] {strides = array<i32>} : memref<32x1024xf32, #tpu.memory_space<vmem>>, vector<1x16xf32>,
        %get3A_922 = vector.shape_cast %get3A_921 : vector<1x16xf32> to vector<16xf32>
        %mul3A_923 = arith.constant 3.200000e+01 : f32
        %mul3A_924 = vector.broadcast %mul3A_923 : f32 to vector<16xf32>
        %mul3A_925 = arith.mulf %get3A_922, %mul3A_924 : vector<16xf32>
        %swap3A_926 = arith.index_cast %scan3A_235 : i32 to index
        %swap3A_927 = arith.constant 912 : index
        %swap3A_928 = tpu.vector_load %arg8[%swap3A_926, %swap3A_927] {strides = array<i32>} : memref<32x1024xf32, #tpu.memory_space<vmem>>, vector<1x16xf32>,
        %swap3A_929 = vector.shape_cast %swap3A_928 : vector<1x16xf32> to vector<16xf32>
        %swap3A_930 = vector.shape_cast %mul3A_925 : vector<16xf32> to vector<1x16xf32>
        tpu.vector_store %arg8[%swap3A_926, %swap3A_927], %swap3A_930 {strides = array<i32>} : memref<32x1024xf32, #tpu.memory_space<vmem>>, vector<1x16xf32>,
        %get3A_931 = arith.index_cast %scan3A_235 : i32 to index
        %get3A_932 = arith.constant 928 : index
        %get3A_933 = tpu.vector_load %arg8[%get3A_931, %get3A_932] {strides = array<i32>} : memref<32x1024xf32, #tpu.memory_space<vmem>>, vector<1x16xf32>,
        %get3A_934 = vector.shape_cast %get3A_933 : vector<1x16xf32> to vector<16xf32>
        %mul3A_935 = arith.constant 3.200000e+01 : f32
        %mul3A_936 = vector.broadcast %mul3A_935 : f32 to vector<16xf32>
        %mul3A_937 = arith.mulf %get3A_934, %mul3A_936 : vector<16xf32>
        %swap3A_938 = arith.index_cast %scan3A_235 : i32 to index
        %swap3A_939 = arith.constant 928 : index
        %swap3A_940 = tpu.vector_load %arg8[%swap3A_938, %swap3A_939] {strides = array<i32>} : memref<32x1024xf32, #tpu.memory_space<vmem>>, vector<1x16xf32>,
        %swap3A_941 = vector.shape_cast %swap3A_940 : vector<1x16xf32> to vector<16xf32>
        %swap3A_942 = vector.shape_cast %mul3A_937 : vector<16xf32> to vector<1x16xf32>
        tpu.vector_store %arg8[%swap3A_938, %swap3A_939], %swap3A_942 {strides = array<i32>} : memref<32x1024xf32, #tpu.memory_space<vmem>>, vector<1x16xf32>,
        %get3A_943 = arith.index_cast %scan3A_235 : i32 to index
        %get3A_944 = arith.constant 944 : index
        %get3A_945 = tpu.vector_load %arg8[%get3A_943, %get3A_944] {strides = array<i32>} : memref<32x1024xf32, #tpu.memory_space<vmem>>, vector<1x16xf32>,
        %get3A_946 = vector.shape_cast %get3A_945 : vector<1x16xf32> to vector<16xf32>
        %mul3A_947 = arith.constant 3.200000e+01 : f32
        %mul3A_948 = vector.broadcast %mul3A_947 : f32 to vector<16xf32>
        %mul3A_949 = arith.mulf %get3A_946, %mul3A_948 : vector<16xf32>
        %swap3A_950 = arith.index_cast %scan3A_235 : i32 to index
        %swap3A_951 = arith.constant 944 : index
        %swap3A_952 = tpu.vector_load %arg8[%swap3A_950, %swap3A_951] {strides = array<i32>} : memref<32x1024xf32, #tpu.memory_space<vmem>>, vector<1x16xf32>,
        %swap3A_953 = vector.shape_cast %swap3A_952 : vector<1x16xf32> to vector<16xf32>
        %swap3A_954 = vector.shape_cast %mul3A_949 : vector<16xf32> to vector<1x16xf32>
        tpu.vector_store %arg8[%swap3A_950, %swap3A_951], %swap3A_954 {strides = array<i32>} : memref<32x1024xf32, #tpu.memory_space<vmem>>, vector<1x16xf32>,
        %get3A_955 = arith.index_cast %scan3A_235 : i32 to index
        %get3A_956 = arith.constant 960 : index
        %get3A_957 = tpu.vector_load %arg8[%get3A_955, %get3A_956] {strides = array<i32>} : memref<32x1024xf32, #tpu.memory_space<vmem>>, vector<1x16xf32>,
        %get3A_958 = vector.shape_cast %get3A_957 : vector<1x16xf32> to vector<16xf32>
        %mul3A_959 = arith.constant 3.200000e+01 : f32
        %mul3A_960 = vector.broadcast %mul3A_959 : f32 to vector<16xf32>
        %mul3A_961 = arith.mulf %get3A_958, %mul3A_960 : vector<16xf32>
        %swap3A_962 = arith.index_cast %scan3A_235 : i32 to index
        %swap3A_963 = arith.constant 960 : index
        %swap3A_964 = tpu.vector_load %arg8[%swap3A_962, %swap3A_963] {strides = array<i32>} : memref<32x1024xf32, #tpu.memory_space<vmem>>, vector<1x16xf32>,
        %swap3A_965 = vector.shape_cast %swap3A_964 : vector<1x16xf32> to vector<16xf32>
        %swap3A_966 = vector.shape_cast %mul3A_961 : vector<16xf32> to vector<1x16xf32>
        tpu.vector_store %arg8[%swap3A_962, %swap3A_963], %swap3A_966 {strides = array<i32>} : memref<32x1024xf32, #tpu.memory_space<vmem>>, vector<1x16xf32>,
        %get3A_967 = arith.index_cast %scan3A_235 : i32 to index
        %get3A_968 = arith.constant 976 : index
        %get3A_969 = tpu.vector_load %arg8[%get3A_967, %get3A_968] {strides = array<i32>} : memref<32x1024xf32, #tpu.memory_space<vmem>>, vector<1x16xf32>,
        %get3A_970 = vector.shape_cast %get3A_969 : vector<1x16xf32> to vector<16xf32>
        %mul3A_971 = arith.constant 3.200000e+01 : f32
        %mul3A_972 = vector.broadcast %mul3A_971 : f32 to vector<16xf32>
        %mul3A_973 = arith.mulf %get3A_970, %mul3A_972 : vector<16xf32>
        %swap3A_974 = arith.index_cast %scan3A_235 : i32 to index
        %swap3A_975 = arith.constant 976 : index
        %swap3A_976 = tpu.vector_load %arg8[%swap3A_974, %swap3A_975] {strides = array<i32>} : memref<32x1024xf32, #tpu.memory_space<vmem>>, vector<1x16xf32>,
        %swap3A_977 = vector.shape_cast %swap3A_976 : vector<1x16xf32> to vector<16xf32>
        %swap3A_978 = vector.shape_cast %mul3A_973 : vector<16xf32> to vector<1x16xf32>
        tpu.vector_store %arg8[%swap3A_974, %swap3A_975], %swap3A_978 {strides = array<i32>} : memref<32x1024xf32, #tpu.memory_space<vmem>>, vector<1x16xf32>,
        %get3A_979 = arith.index_cast %scan3A_235 : i32 to index
        %get3A_980 = arith.constant 992 : index
        %get3A_981 = tpu.vector_load %arg8[%get3A_979, %get3A_980] {strides = array<i32>} : memref<32x1024xf32, #tpu.memory_space<vmem>>, vector<1x16xf32>,
        %get3A_982 = vector.shape_cast %get3A_981 : vector<1x16xf32> to vector<16xf32>
        %mul3A_983 = arith.constant 3.200000e+01 : f32
        %mul3A_984 = vector.broadcast %mul3A_983 : f32 to vector<16xf32>
        %mul3A_985 = arith.mulf %get3A_982, %mul3A_984 : vector<16xf32>
        %swap3A_986 = arith.index_cast %scan3A_235 : i32 to index
        %swap3A_987 = arith.constant 992 : index
        %swap3A_988 = tpu.vector_load %arg8[%swap3A_986, %swap3A_987] {strides = array<i32>} : memref<32x1024xf32, #tpu.memory_space<vmem>>, vector<1x16xf32>,
        %swap3A_989 = vector.shape_cast %swap3A_988 : vector<1x16xf32> to vector<16xf32>
        %swap3A_990 = vector.shape_cast %mul3A_985 : vector<16xf32> to vector<1x16xf32>
        tpu.vector_store %arg8[%swap3A_986, %swap3A_987], %swap3A_990 {strides = array<i32>} : memref<32x1024xf32, #tpu.memory_space<vmem>>, vector<1x16xf32>,
        %get3A_991 = arith.index_cast %scan3A_235 : i32 to index
        %get3A_992 = arith.constant 1008 : index
        %get3A_993 = tpu.vector_load %arg8[%get3A_991, %get3A_992] {strides = array<i32>} : memref<32x1024xf32, #tpu.memory_space<vmem>>, vector<1x16xf32>,
        %get3A_994 = vector.shape_cast %get3A_993 : vector<1x16xf32> to vector<16xf32>
        %mul3A_995 = arith.constant 3.200000e+01 : f32
        %mul3A_996 = vector.broadcast %mul3A_995 : f32 to vector<16xf32>
        %mul3A_997 = arith.mulf %get3A_994, %mul3A_996 : vector<16xf32>
        %swap3A_998 = arith.index_cast %scan3A_235 : i32 to index
        %swap3A_999 = arith.constant 1008 : index
        %swap3A_1000 = tpu.vector_load %arg8[%swap3A_998, %swap3A_999] {strides = array<i32>} : memref<32x1024xf32, #tpu.memory_space<vmem>>, vector<1x16xf32>,
        %swap3A_1001 = vector.shape_cast %swap3A_1000 : vector<1x16xf32> to vector<16xf32>
        %swap3A_1002 = vector.shape_cast %mul3A_997 : vector<16xf32> to vector<1x16xf32>
        tpu.vector_store %arg8[%swap3A_998, %swap3A_999], %swap3A_1002 {strides = array<i32>} : memref<32x1024xf32, #tpu.memory_space<vmem>>, vector<1x16xf32>,
        %scan3A_1003 = arith.constant 0 : i32
        scf.yield %scan3A_1003 : i32
      }
      %scan3A_202 = arith.constant 32 : i32
      %mul3A_203 = arith.constant 32 : i32
      %mul3A_204 = arith.muli %add3A_189, %mul3A_203 : i32
      %add3A_205 = arith.addi %mul3A_32, %mul3A_204 : i32
      %dma_start3A_206 = arith.constant 0 : i32
      %dma_start3A_207 = tpu.memref_slice %arg4[%select_n3A, %add3A_205, %dma_start3A_206] : memref<4x4096x1024xf32, #tpu.memory_space<hbm>> -> memref<1x32x1024xf32, #tpu.memory_space<hbm>>
      %dma_start3A_208 = tpu.memref_squeeze %dma_start3A_207 : memref<1x32x1024xf32, #tpu.memory_space<hbm>> -> memref<32x1024xf32, #tpu.memory_space<hbm>>
      %dma_start3A_209 = arith.constant 0 : i32
      %dma_start3A_210 = tpu.memref_slice %arg4[%select_n3A, %add3A_205, %dma_start3A_209] : memref<4x4096x1024xf32, #tpu.memory_space<hbm>> -> memref<1x32x1024xf32, #tpu.memory_space<hbm>>
      %dma_start3A_211 = tpu.memref_squeeze %dma_start3A_210 : memref<1x32x1024xf32, #tpu.memory_space<hbm>> -> memref<32x1024xf32, #tpu.memory_space<hbm>>
      tpu.enqueue_dma source(%arg8 : memref<32x1024xf32, #tpu.memory_space<vmem>>) target(%dma_start3A_211 : memref<32x1024xf32, #tpu.memory_space<hbm>>) target_semaphore(%arg14 : memref<!tpu.dma_semaphore, #tpu.memory_space<semaphore_mem>>)
      %eq3A_212 = arith.constant 0 : i32
      %eq3A_213 = arith.cmpi eq, %add3A_189, %eq3A_212 : i32
      %convert_element_type3A_214 = arith.extui %eq3A_213 : i1 to i32
      %cond3A_215 = arith.constant 0 : i32
      %cond3A_216 = arith.cmpi ne, %convert_element_type3A_214, %cond3A_215 : i32
      scf.if %cond3A_216 {
        %add3A_235 = arith.constant 2 : i32
        %add3A_236 = arith.addi %add3A_189, %add3A_235 : i32
        %mul3A_237 = arith.constant 32 : i32
        %mul3A_238 = arith.muli %add3A_236, %mul3A_237 : i32
        %dma_start3A_239 = tpu.memref_slice %arg5[%mul3A_238] : memref<512xi32, #tpu.memory_space<vmem>> -> memref<32xi32, #tpu.memory_space<vmem>>
        %dma_start3A_240 = arith.constant 0 : i32
        %dma_start3A_241 = arith.constant 0 : i32
        %dma_start3A_242 = tpu.memref_slice %arg3[%dma_start3A_240, %dma_start3A_241] : memref<100000x1024xf32, #tpu.memory_space<hbm>> -> memref<100000x1024xf32, #tpu.memory_space<hbm>>
        tpu.enqueue_indirect_dma source(%dma_start3A_242 : memref<100000x1024xf32, #tpu.memory_space<hbm>>) target(%arg7 : memref<32x1024xf32, #tpu.memory_space<vmem>>) offsets(%dma_start3A_239 : memref<32xi32, #tpu.memory_space<vmem>>) semaphore(%arg10 : memref<!tpu.dma_semaphore, #tpu.memory_space<semaphore_mem>>)
      } else {
      }
      %ge3A_217 = arith.constant 1 : i32
      %ge3A_218 = arith.cmpi sge, %add3A_189, %ge3A_217 : i32
      %add3A_219 = arith.constant 2 : i32
      %add3A_220 = arith.addi %add3A_189, %add3A_219 : i32
      %lt3A_221 = arith.constant 15 : i32
      %lt3A_222 = arith.cmpi slt, %add3A_220, %lt3A_221 : i32
      %and3A_223 = arith.andi %ge3A_218, %lt3A_222 : i1
      %convert_element_type3A_224 = arith.extui %and3A_223 : i1 to i32
      %cond3A_225 = arith.constant 0 : i32
      %cond3A_226 = arith.cmpi ne, %convert_element_type3A_224, %cond3A_225 : i32
      scf.if %cond3A_226 {
        %sub3A_235 = arith.constant 1 : i32
        %sub3A_236 = arith.subi %add3A_189, %sub3A_235 : i32
        %mul3A_237 = arith.constant 32 : i32
        %mul3A_238 = arith.muli %sub3A_236, %mul3A_237 : i32
        %add3A_239 = arith.addi %mul3A_32, %mul3A_238 : i32
        %dma_wait3A_240 = arith.constant 0 : i32
        %dma_wait3A_241 = tpu.memref_slice %arg4[%select_n3A, %add3A_239, %dma_wait3A_240] : memref<4x4096x1024xf32, #tpu.memory_space<hbm>> -> memref<1x32x1024xf32, #tpu.memory_space<hbm>>
        %dma_wait3A_242 = tpu.memref_squeeze %dma_wait3A_241 : memref<1x32x1024xf32, #tpu.memory_space<hbm>> -> memref<32x1024xf32, #tpu.memory_space<hbm>>
        %dma_wait3A_243 = arith.constant 0 : i32
        %dma_wait3A_244 = tpu.memref_slice %arg4[%select_n3A, %add3A_239, %dma_wait3A_243] : memref<4x4096x1024xf32, #tpu.memory_space<hbm>> -> memref<1x32x1024xf32, #tpu.memory_space<hbm>>
        %dma_wait3A_245 = tpu.memref_squeeze %dma_wait3A_244 : memref<1x32x1024xf32, #tpu.memory_space<hbm>> -> memref<32x1024xf32, #tpu.memory_space<hbm>>
        tpu.wait_dma2 semaphore(%arg13 : memref<!tpu.dma_semaphore, #tpu.memory_space<semaphore_mem>>) src(%arg7 : memref<32x1024xf32, #tpu.memory_space<vmem>>) dst(%dma_wait3A_245 : memref<32x1024xf32, #tpu.memory_space<hbm>>)
        %add3A_246 = arith.constant 2 : i32
        %add3A_247 = arith.addi %add3A_189, %add3A_246 : i32
        %mul3A_248 = arith.constant 32 : i32
        %mul3A_249 = arith.muli %add3A_247, %mul3A_248 : i32
        %dma_start3A_250 = tpu.memref_slice %arg5[%mul3A_249] : memref<512xi32, #tpu.memory_space<vmem>> -> memref<32xi32, #tpu.memory_space<vmem>>
        %dma_start3A_251 = arith.constant 0 : i32
        %dma_start3A_252 = arith.constant 0 : i32
        %dma_start3A_253 = tpu.memref_slice %arg3[%dma_start3A_251, %dma_start3A_252] : memref<100000x1024xf32, #tpu.memory_space<hbm>> -> memref<100000x1024xf32, #tpu.memory_space<hbm>>
        tpu.enqueue_indirect_dma source(%dma_start3A_253 : memref<100000x1024xf32, #tpu.memory_space<hbm>>) target(%arg7 : memref<32x1024xf32, #tpu.memory_space<vmem>>) offsets(%dma_start3A_250 : memref<32xi32, #tpu.memory_space<vmem>>) semaphore(%arg10 : memref<!tpu.dma_semaphore, #tpu.memory_space<semaphore_mem>>)
      } else {
      }
      %add3A_227 = arith.constant 2 : i32
      %add3A_228 = arith.addi %add3A_189, %add3A_227 : i32
      %eq3A_229 = arith.constant 15 : i32
      %eq3A_230 = arith.cmpi eq, %add3A_228, %eq3A_229 : i32
      %convert_element_type3A_231 = arith.extui %eq3A_230 : i1 to i32
      %cond3A_232 = arith.constant 0 : i32
      %cond3A_233 = arith.cmpi ne, %convert_element_type3A_231, %cond3A_232 : i32
      scf.if %cond3A_233 {
        %sub3A_235 = arith.constant 1 : i32
        %sub3A_236 = arith.subi %add3A_189, %sub3A_235 : i32
        %mul3A_237 = arith.constant 32 : i32
        %mul3A_238 = arith.muli %sub3A_236, %mul3A_237 : i32
        %add3A_239 = arith.addi %mul3A_32, %mul3A_238 : i32
        %dma_wait3A_240 = arith.constant 0 : i32
        %dma_wait3A_241 = tpu.memref_slice %arg4[%select_n3A, %add3A_239, %dma_wait3A_240] : memref<4x4096x1024xf32, #tpu.memory_space<hbm>> -> memref<1x32x1024xf32, #tpu.memory_space<hbm>>
        %dma_wait3A_242 = tpu.memref_squeeze %dma_wait3A_241 : memref<1x32x1024xf32, #tpu.memory_space<hbm>> -> memref<32x1024xf32, #tpu.memory_space<hbm>>
        %dma_wait3A_243 = arith.constant 0 : i32
        %dma_wait3A_244 = tpu.memref_slice %arg4[%select_n3A, %add3A_239, %dma_wait3A_243] : memref<4x4096x1024xf32, #tpu.memory_space<hbm>> -> memref<1x32x1024xf32, #tpu.memory_space<hbm>>
        %dma_wait3A_245 = tpu.memref_squeeze %dma_wait3A_244 : memref<1x32x1024xf32, #tpu.memory_space<hbm>> -> memref<32x1024xf32, #tpu.memory_space<hbm>>
        tpu.wait_dma2 semaphore(%arg13 : memref<!tpu.dma_semaphore, #tpu.memory_space<semaphore_mem>>) src(%arg7 : memref<32x1024xf32, #tpu.memory_space<vmem>>) dst(%dma_wait3A_245 : memref<32x1024xf32, #tpu.memory_space<hbm>>)
        %add3A_246 = arith.constant 2 : i32
        %add3A_247 = arith.addi %add3A_189, %add3A_246 : i32
        %mul3A_248 = arith.constant 32 : i32
        %mul3A_249 = arith.muli %add3A_247, %mul3A_248 : i32
        %dma_start3A_250 = tpu.memref_slice %arg5[%mul3A_249] : memref<512xi32, #tpu.memory_space<vmem>> -> memref<32xi32, #tpu.memory_space<vmem>>
        %dma_start3A_251 = arith.constant 0 : i32
        %dma_start3A_252 = arith.constant 0 : i32
        %dma_start3A_253 = tpu.memref_slice %arg3[%dma_start3A_251, %dma_start3A_252] : memref<100000x1024xf32, #tpu.memory_space<hbm>> -> memref<100000x1024xf32, #tpu.memory_space<hbm>>
        tpu.enqueue_indirect_dma source(%dma_start3A_253 : memref<100000x1024xf32, #tpu.memory_space<hbm>>) target(%arg7 : memref<32x1024xf32, #tpu.memory_space<vmem>>) offsets(%dma_start3A_250 : memref<32xi32, #tpu.memory_space<vmem>>) semaphore(%arg10 : memref<!tpu.dma_semaphore, #tpu.memory_space<semaphore_mem>>)
      } else {
      }
      %scan3A_234 = arith.constant 0 : i32
      scf.yield %scan3A_234 : i32
    }
    %scan3A_47 = arith.constant 5 : i32
    %dma_wait3A = arith.constant 480 : i32
    %dma_wait3A_48 = tpu.memref_slice %arg5[%dma_wait3A] : memref<512xi32, #tpu.memory_space<vmem>> -> memref<32xi32, #tpu.memory_space<vmem>>
    %dma_wait3A_49 = arith.constant 0 : i32
    %dma_wait3A_50 = arith.constant 0 : i32
    %dma_wait3A_51 = tpu.memref_slice %arg3[%dma_wait3A_49, %dma_wait3A_50] : memref<100000x1024xf32, #tpu.memory_space<hbm>> -> memref<100000x1024xf32, #tpu.memory_space<hbm>>
    tpu.wait_indirect_dma semaphore(%arg9 : memref<!tpu.dma_semaphore, #tpu.memory_space<semaphore_mem>>) src(%dma_wait3A_51 : memref<100000x1024xf32, #tpu.memory_space<hbm>>) dst(%arg6 : memref<32x1024xf32, #tpu.memory_space<vmem>>)
    %scan3A_52 = arith.constant 0 : i32
    %scan3A_53 = arith.constant 0 : i32
    %scan3A_54 = arith.constant 32 : i32
    %scan3A_55 = arith.addi %scan3A_53, %scan3A_54 : i32
    %scan3A_56 = arith.constant 1 : i32
    %scan3A_57 = scf.for %scan3A_91 = %scan3A_53 to %scan3A_55 step %scan3A_56 iter_args(%scan3A_92 = %scan3A_52) -> (i32)  : i32 {
      %get3A = arith.index_cast %scan3A_91 : i32 to index
      %get3A_93 = arith.constant 0 : index
      %get3A_94 = tpu.vector_load %arg6[%get3A, %get3A_93] {strides = array<i32>} : memref<32x1024xf32, #tpu.memory_space<vmem>>, vector<1x16xf32>,
      %get3A_95 = vector.shape_cast %get3A_94 : vector<1x16xf32> to vector<16xf32>
      %mul3A_96 = arith.constant 3.200000e+01 : f32
      %mul3A_97 = vector.broadcast %mul3A_96 : f32 to vector<16xf32>
      %mul3A_98 = arith.mulf %get3A_95, %mul3A_97 : vector<16xf32>
      %swap3A = arith.index_cast %scan3A_91 : i32 to index
      %swap3A_99 = arith.constant 0 : index
      %swap3A_100 = tpu.vector_load %arg6[%swap3A, %swap3A_99] {strides = array<i32>} : memref<32x1024xf32, #tpu.memory_space<vmem>>, vector<1x16xf32>,
      %swap3A_101 = vector.shape_cast %swap3A_100 : vector<1x16xf32> to vector<16xf32>
      %swap3A_102 = vector.shape_cast %mul3A_98 : vector<16xf32> to vector<1x16xf32>
      tpu.vector_store %arg6[%swap3A, %swap3A_99], %swap3A_102 {strides = array<i32>} : memref<32x1024xf32, #tpu.memory_space<vmem>>, vector<1x16xf32>,
      %get3A_103 = arith.index_cast %scan3A_91 : i32 to index
      %get3A_104 = arith.constant 16 : index
      %get3A_105 = tpu.vector_load %arg6[%get3A_103, %get3A_104] {strides = array<i32>} : memref<32x1024xf32, #tpu.memory_space<vmem>>, vector<1x16xf32>,
      %get3A_106 = vector.shape_cast %get3A_105 : vector<1x16xf32> to vector<16xf32>
      %mul3A_107 = arith.constant 3.200000e+01 : f32
      %mul3A_108 = vector.broadcast %mul3A_107 : f32 to vector<16xf32>
      %mul3A_109 = arith.mulf %get3A_106, %mul3A_108 : vector<16xf32>
      %swap3A_110 = arith.index_cast %scan3A_91 : i32 to index
      %swap3A_111 = arith.constant 16 : index
      %swap3A_112 = tpu.vector_load %arg6[%swap3A_110, %swap3A_111] {strides = array<i32>} : memref<32x1024xf32, #tpu.memory_space<vmem>>, vector<1x16xf32>,
      %swap3A_113 = vector.shape_cast %swap3A_112 : vector<1x16xf32> to vector<16xf32>
      %swap3A_114 = vector.shape_cast %mul3A_109 : vector<16xf32> to vector<1x16xf32>
      tpu.vector_store %arg6[%swap3A_110, %swap3A_111], %swap3A_114 {strides = array<i32>} : memref<32x1024xf32, #tpu.memory_space<vmem>>, vector<1x16xf32>,
      %get3A_115 = arith.index_cast %scan3A_91 : i32 to index
      %get3A_116 = arith.constant 32 : index
      %get3A_117 = tpu.vector_load %arg6[%get3A_115, %get3A_116] {strides = array<i32>} : memref<32x1024xf32, #tpu.memory_space<vmem>>, vector<1x16xf32>,
      %get3A_118 = vector.shape_cast %get3A_117 : vector<1x16xf32> to vector<16xf32>
      %mul3A_119 = arith.constant 3.200000e+01 : f32
      %mul3A_120 = vector.broadcast %mul3A_119 : f32 to vector<16xf32>
      %mul3A_121 = arith.mulf %get3A_118, %mul3A_120 : vector<16xf32>
      %swap3A_122 = arith.index_cast %scan3A_91 : i32 to index
      %swap3A_123 = arith.constant 32 : index
      %swap3A_124 = tpu.vector_load %arg6[%swap3A_122, %swap3A_123] {strides = array<i32>} : memref<32x1024xf32, #tpu.memory_space<vmem>>, vector<1x16xf32>,
      %swap3A_125 = vector.shape_cast %swap3A_124 : vector<1x16xf32> to vector<16xf32>
      %swap3A_126 = vector.shape_cast %mul3A_121 : vector<16xf32> to vector<1x16xf32>
      tpu.vector_store %arg6[%swap3A_122, %swap3A_123], %swap3A_126 {strides = array<i32>} : memref<32x1024xf32, #tpu.memory_space<vmem>>, vector<1x16xf32>,
      %get3A_127 = arith.index_cast %scan3A_91 : i32 to index
      %get3A_128 = arith.constant 48 : index
      %get3A_129 = tpu.vector_load %arg6[%get3A_127, %get3A_128] {strides = array<i32>} : memref<32x1024xf32, #tpu.memory_space<vmem>>, vector<1x16xf32>,
      %get3A_130 = vector.shape_cast %get3A_129 : vector<1x16xf32> to vector<16xf32>
      %mul3A_131 = arith.constant 3.200000e+01 : f32
      %mul3A_132 = vector.broadcast %mul3A_131 : f32 to vector<16xf32>
      %mul3A_133 = arith.mulf %get3A_130, %mul3A_132 : vector<16xf32>
      %swap3A_134 = arith.index_cast %scan3A_91 : i32 to index
      %swap3A_135 = arith.constant 48 : index
      %swap3A_136 = tpu.vector_load %arg6[%swap3A_134, %swap3A_135] {strides = array<i32>} : memref<32x1024xf32, #tpu.memory_space<vmem>>, vector<1x16xf32>,
      %swap3A_137 = vector.shape_cast %swap3A_136 : vector<1x16xf32> to vector<16xf32>
      %swap3A_138 = vector.shape_cast %mul3A_133 : vector<16xf32> to vector<1x16xf32>
      tpu.vector_store %arg6[%swap3A_134, %swap3A_135], %swap3A_138 {strides = array<i32>} : memref<32x1024xf32, #tpu.memory_space<vmem>>, vector<1x16xf32>,
      %get3A_139 = arith.index_cast %scan3A_91 : i32 to index
      %get3A_140 = arith.constant 64 : index
      %get3A_141 = tpu.vector_load %arg6[%get3A_139, %get3A_140] {strides = array<i32>} : memref<32x1024xf32, #tpu.memory_space<vmem>>, vector<1x16xf32>,
      %get3A_142 = vector.shape_cast %get3A_141 : vector<1x16xf32> to vector<16xf32>
      %mul3A_143 = arith.constant 3.200000e+01 : f32
      %mul3A_144 = vector.broadcast %mul3A_143 : f32 to vector<16xf32>
      %mul3A_145 = arith.mulf %get3A_142, %mul3A_144 : vector<16xf32>
      %swap3A_146 = arith.index_cast %scan3A_91 : i32 to index
      %swap3A_147 = arith.constant 64 : index
      %swap3A_148 = tpu.vector_load %arg6[%swap3A_146, %swap3A_147] {strides = array<i32>} : memref<32x1024xf32, #tpu.memory_space<vmem>>, vector<1x16xf32>,
      %swap3A_149 = vector.shape_cast %swap3A_148 : vector<1x16xf32> to vector<16xf32>
      %swap3A_150 = vector.shape_cast %mul3A_145 : vector<16xf32> to vector<1x16xf32>
      tpu.vector_store %arg6[%swap3A_146, %swap3A_147], %swap3A_150 {strides = array<i32>} : memref<32x1024xf32, #tpu.memory_space<vmem>>, vector<1x16xf32>,
      %get3A_151 = arith.index_cast %scan3A_91 : i32 to index
      %get3A_152 = arith.constant 80 : index
      %get3A_153 = tpu.vector_load %arg6[%get3A_151, %get3A_152] {strides = array<i32>} : memref<32x1024xf32, #tpu.memory_space<vmem>>, vector<1x16xf32>,
      %get3A_154 = vector.shape_cast %get3A_153 : vector<1x16xf32> to vector<16xf32>
      %mul3A_155 = arith.constant 3.200000e+01 : f32
      %mul3A_156 = vector.broadcast %mul3A_155 : f32 to vector<16xf32>
      %mul3A_157 = arith.mulf %get3A_154, %mul3A_156 : vector<16xf32>
      %swap3A_158 = arith.index_cast %scan3A_91 : i32 to index
      %swap3A_159 = arith.constant 80 : index
      %swap3A_160 = tpu.vector_load %arg6[%swap3A_158, %swap3A_159] {strides = array<i32>} : memref<32x1024xf32, #tpu.memory_space<vmem>>, vector<1x16xf32>,
      %swap3A_161 = vector.shape_cast %swap3A_160 : vector<1x16xf32> to vector<16xf32>
      %swap3A_162 = vector.shape_cast %mul3A_157 : vector<16xf32> to vector<1x16xf32>
      tpu.vector_store %arg6[%swap3A_158, %swap3A_159], %swap3A_162 {strides = array<i32>} : memref<32x1024xf32, #tpu.memory_space<vmem>>, vector<1x16xf32>,
      %get3A_163 = arith.index_cast %scan3A_91 : i32 to index
      %get3A_164 = arith.constant 96 : index
      %get3A_165 = tpu.vector_load %arg6[%get3A_163, %get3A_164] {strides = array<i32>} : memref<32x1024xf32, #tpu.memory_space<vmem>>, vector<1x16xf32>,
      %get3A_166 = vector.shape_cast %get3A_165 : vector<1x16xf32> to vector<16xf32>
      %mul3A_167 = arith.constant 3.200000e+01 : f32
      %mul3A_168 = vector.broadcast %mul3A_167 : f32 to vector<16xf32>
      %mul3A_169 = arith.mulf %get3A_166, %mul3A_168 : vector<16xf32>
      %swap3A_170 = arith.index_cast %scan3A_91 : i32 to index
      %swap3A_171 = arith.constant 96 : index
      %swap3A_172 = tpu.vector_load %arg6[%swap3A_170, %swap3A_171] {strides = array<i32>} : memref<32x1024xf32, #tpu.memory_space<vmem>>, vector<1x16xf32>,
      %swap3A_173 = vector.shape_cast %swap3A_172 : vector<1x16xf32> to vector<16xf32>
      %swap3A_174 = vector.shape_cast %mul3A_169 : vector<16xf32> to vector<1x16xf32>
      tpu.vector_store %arg6[%swap3A_170, %swap3A_171], %swap3A_174 {strides = array<i32>} : memref<32x1024xf32, #tpu.memory_space<vmem>>, vector<1x16xf32>,
      %get3A_175 = arith.index_cast %scan3A_91 : i32 to index
      %get3A_176 = arith.constant 112 : index
      %get3A_177 = tpu.vector_load %arg6[%get3A_175, %get3A_176] {strides = array<i32>} : memref<32x1024xf32, #tpu.memory_space<vmem>>, vector<1x16xf32>,
      %get3A_178 = vector.shape_cast %get3A_177 : vector<1x16xf32> to vector<16xf32>
      %mul3A_179 = arith.constant 3.200000e+01 : f32
      %mul3A_180 = vector.broadcast %mul3A_179 : f32 to vector<16xf32>
      %mul3A_181 = arith.mulf %get3A_178, %mul3A_180 : vector<16xf32>
      %swap3A_182 = arith.index_cast %scan3A_91 : i32 to index
      %swap3A_183 = arith.constant 112 : index
      %swap3A_184 = tpu.vector_load %arg6[%swap3A_182, %swap3A_183] {strides = array<i32>} : memref<32x1024xf32, #tpu.memory_space<vmem>>, vector<1x16xf32>,
      %swap3A_185 = vector.shape_cast %swap3A_184 : vector<1x16xf32> to vector<16xf32>
      %swap3A_186 = vector.shape_cast %mul3A_181 : vector<16xf32> to vector<1x16xf32>
      tpu.vector_store %arg6[%swap3A_182, %swap3A_183], %swap3A_186 {strides = array<i32>} : memref<32x1024xf32, #tpu.memory_space<vmem>>, vector<1x16xf32>,
      %get3A_187 = arith.index_cast %scan3A_91 : i32 to index
      %get3A_188 = arith.constant 128 : index
      %get3A_189 = tpu.vector_load %arg6[%get3A_187, %get3A_188] {strides = array<i32>} : memref<32x1024xf32, #tpu.memory_space<vmem>>, vector<1x16xf32>,
      %get3A_190 = vector.shape_cast %get3A_189 : vector<1x16xf32> to vector<16xf32>
      %mul3A_191 = arith.constant 3.200000e+01 : f32
      %mul3A_192 = vector.broadcast %mul3A_191 : f32 to vector<16xf32>
      %mul3A_193 = arith.mulf %get3A_190, %mul3A_192 : vector<16xf32>
      %swap3A_194 = arith.index_cast %scan3A_91 : i32 to index
      %swap3A_195 = arith.constant 128 : index
      %swap3A_196 = tpu.vector_load %arg6[%swap3A_194, %swap3A_195] {strides = array<i32>} : memref<32x1024xf32, #tpu.memory_space<vmem>>, vector<1x16xf32>,
      %swap3A_197 = vector.shape_cast %swap3A_196 : vector<1x16xf32> to vector<16xf32>
      %swap3A_198 = vector.shape_cast %mul3A_193 : vector<16xf32> to vector<1x16xf32>
      tpu.vector_store %arg6[%swap3A_194, %swap3A_195], %swap3A_198 {strides = array<i32>} : memref<32x1024xf32, #tpu.memory_space<vmem>>, vector<1x16xf32>,
      %get3A_199 = arith.index_cast %scan3A_91 : i32 to index
      %get3A_200 = arith.constant 144 : index
      %get3A_201 = tpu.vector_load %arg6[%get3A_199, %get3A_200] {strides = array<i32>} : memref<32x1024xf32, #tpu.memory_space<vmem>>, vector<1x16xf32>,
      %get3A_202 = vector.shape_cast %get3A_201 : vector<1x16xf32> to vector<16xf32>
      %mul3A_203 = arith.constant 3.200000e+01 : f32
      %mul3A_204 = vector.broadcast %mul3A_203 : f32 to vector<16xf32>
      %mul3A_205 = arith.mulf %get3A_202, %mul3A_204 : vector<16xf32>
      %swap3A_206 = arith.index_cast %scan3A_91 : i32 to index
      %swap3A_207 = arith.constant 144 : index
      %swap3A_208 = tpu.vector_load %arg6[%swap3A_206, %swap3A_207] {strides = array<i32>} : memref<32x1024xf32, #tpu.memory_space<vmem>>, vector<1x16xf32>,
      %swap3A_209 = vector.shape_cast %swap3A_208 : vector<1x16xf32> to vector<16xf32>
      %swap3A_210 = vector.shape_cast %mul3A_205 : vector<16xf32> to vector<1x16xf32>
      tpu.vector_store %arg6[%swap3A_206, %swap3A_207], %swap3A_210 {strides = array<i32>} : memref<32x1024xf32, #tpu.memory_space<vmem>>, vector<1x16xf32>,
      %get3A_211 = arith.index_cast %scan3A_91 : i32 to index
      %get3A_212 = arith.constant 160 : index
      %get3A_213 = tpu.vector_load %arg6[%get3A_211, %get3A_212] {strides = array<i32>} : memref<32x1024xf32, #tpu.memory_space<vmem>>, vector<1x16xf32>,
      %get3A_214 = vector.shape_cast %get3A_213 : vector<1x16xf32> to vector<16xf32>
      %mul3A_215 = arith.constant 3.200000e+01 : f32
      %mul3A_216 = vector.broadcast %mul3A_215 : f32 to vector<16xf32>
      %mul3A_217 = arith.mulf %get3A_214, %mul3A_216 : vector<16xf32>
      %swap3A_218 = arith.index_cast %scan3A_91 : i32 to index
      %swap3A_219 = arith.constant 160 : index
      %swap3A_220 = tpu.vector_load %arg6[%swap3A_218, %swap3A_219] {strides = array<i32>} : memref<32x1024xf32, #tpu.memory_space<vmem>>, vector<1x16xf32>,
      %swap3A_221 = vector.shape_cast %swap3A_220 : vector<1x16xf32> to vector<16xf32>
      %swap3A_222 = vector.shape_cast %mul3A_217 : vector<16xf32> to vector<1x16xf32>
      tpu.vector_store %arg6[%swap3A_218, %swap3A_219], %swap3A_222 {strides = array<i32>} : memref<32x1024xf32, #tpu.memory_space<vmem>>, vector<1x16xf32>,
      %get3A_223 = arith.index_cast %scan3A_91 : i32 to index
      %get3A_224 = arith.constant 176 : index
      %get3A_225 = tpu.vector_load %arg6[%get3A_223, %get3A_224] {strides = array<i32>} : memref<32x1024xf32, #tpu.memory_space<vmem>>, vector<1x16xf32>,
      %get3A_226 = vector.shape_cast %get3A_225 : vector<1x16xf32> to vector<16xf32>
      %mul3A_227 = arith.constant 3.200000e+01 : f32
      %mul3A_228 = vector.broadcast %mul3A_227 : f32 to vector<16xf32>
      %mul3A_229 = arith.mulf %get3A_226, %mul3A_228 : vector<16xf32>
      %swap3A_230 = arith.index_cast %scan3A_91 : i32 to index
      %swap3A_231 = arith.constant 176 : index
      %swap3A_232 = tpu.vector_load %arg6[%swap3A_230, %swap3A_231] {strides = array<i32>} : memref<32x1024xf32, #tpu.memory_space<vmem>>, vector<1x16xf32>,
      %swap3A_233 = vector.shape_cast %swap3A_232 : vector<1x16xf32> to vector<16xf32>
      %swap3A_234 = vector.shape_cast %mul3A_229 : vector<16xf32> to vector<1x16xf32>
      tpu.vector_store %arg6[%swap3A_230, %swap3A_231], %swap3A_234 {strides = array<i32>} : memref<32x1024xf32, #tpu.memory_space<vmem>>, vector<1x16xf32>,
      %get3A_235 = arith.index_cast %scan3A_91 : i32 to index
      %get3A_236 = arith.constant 192 : index
      %get3A_237 = tpu.vector_load %arg6[%get3A_235, %get3A_236] {strides = array<i32>} : memref<32x1024xf32, #tpu.memory_space<vmem>>, vector<1x16xf32>,
      %get3A_238 = vector.shape_cast %get3A_237 : vector<1x16xf32> to vector<16xf32>
      %mul3A_239 = arith.constant 3.200000e+01 : f32
      %mul3A_240 = vector.broadcast %mul3A_239 : f32 to vector<16xf32>
      %mul3A_241 = arith.mulf %get3A_238, %mul3A_240 : vector<16xf32>
      %swap3A_242 = arith.index_cast %scan3A_91 : i32 to index
      %swap3A_243 = arith.constant 192 : index
      %swap3A_244 = tpu.vector_load %arg6[%swap3A_242, %swap3A_243] {strides = array<i32>} : memref<32x1024xf32, #tpu.memory_space<vmem>>, vector<1x16xf32>,
      %swap3A_245 = vector.shape_cast %swap3A_244 : vector<1x16xf32> to vector<16xf32>
      %swap3A_246 = vector.shape_cast %mul3A_241 : vector<16xf32> to vector<1x16xf32>
      tpu.vector_store %arg6[%swap3A_242, %swap3A_243], %swap3A_246 {strides = array<i32>} : memref<32x1024xf32, #tpu.memory_space<vmem>>, vector<1x16xf32>,
      %get3A_247 = arith.index_cast %scan3A_91 : i32 to index
      %get3A_248 = arith.constant 208 : index
      %get3A_249 = tpu.vector_load %arg6[%get3A_247, %get3A_248] {strides = array<i32>} : memref<32x1024xf32, #tpu.memory_space<vmem>>, vector<1x16xf32>,
      %get3A_250 = vector.shape_cast %get3A_249 : vector<1x16xf32> to vector<16xf32>
      %mul3A_251 = arith.constant 3.200000e+01 : f32
      %mul3A_252 = vector.broadcast %mul3A_251 : f32 to vector<16xf32>
      %mul3A_253 = arith.mulf %get3A_250, %mul3A_252 : vector<16xf32>
      %swap3A_254 = arith.index_cast %scan3A_91 : i32 to index
      %swap3A_255 = arith.constant 208 : index
      %swap3A_256 = tpu.vector_load %arg6[%swap3A_254, %swap3A_255] {strides = array<i32>} : memref<32x1024xf32, #tpu.memory_space<vmem>>, vector<1x16xf32>,
      %swap3A_257 = vector.shape_cast %swap3A_256 : vector<1x16xf32> to vector<16xf32>
      %swap3A_258 = vector.shape_cast %mul3A_253 : vector<16xf32> to vector<1x16xf32>
      tpu.vector_store %arg6[%swap3A_254, %swap3A_255], %swap3A_258 {strides = array<i32>} : memref<32x1024xf32, #tpu.memory_space<vmem>>, vector<1x16xf32>,
      %get3A_259 = arith.index_cast %scan3A_91 : i32 to index
      %get3A_260 = arith.constant 224 : index
      %get3A_261 = tpu.vector_load %arg6[%get3A_259, %get3A_260] {strides = array<i32>} : memref<32x1024xf32, #tpu.memory_space<vmem>>, vector<1x16xf32>,
      %get3A_262 = vector.shape_cast %get3A_261 : vector<1x16xf32> to vector<16xf32>
      %mul3A_263 = arith.constant 3.200000e+01 : f32
      %mul3A_264 = vector.broadcast %mul3A_263 : f32 to vector<16xf32>
      %mul3A_265 = arith.mulf %get3A_262, %mul3A_264 : vector<16xf32>
      %swap3A_266 = arith.index_cast %scan3A_91 : i32 to index
      %swap3A_267 = arith.constant 224 : index
      %swap3A_268 = tpu.vector_load %arg6[%swap3A_266, %swap3A_267] {strides = array<i32>} : memref<32x1024xf32, #tpu.memory_space<vmem>>, vector<1x16xf32>,
      %swap3A_269 = vector.shape_cast %swap3A_268 : vector<1x16xf32> to vector<16xf32>
      %swap3A_270 = vector.shape_cast %mul3A_265 : vector<16xf32> to vector<1x16xf32>
      tpu.vector_store %arg6[%swap3A_266, %swap3A_267], %swap3A_270 {strides = array<i32>} : memref<32x1024xf32, #tpu.memory_space<vmem>>, vector<1x16xf32>,
      %get3A_271 = arith.index_cast %scan3A_91 : i32 to index
      %get3A_272 = arith.constant 240 : index
      %get3A_273 = tpu.vector_load %arg6[%get3A_271, %get3A_272] {strides = array<i32>} : memref<32x1024xf32, #tpu.memory_space<vmem>>, vector<1x16xf32>,
      %get3A_274 = vector.shape_cast %get3A_273 : vector<1x16xf32> to vector<16xf32>
      %mul3A_275 = arith.constant 3.200000e+01 : f32
      %mul3A_276 = vector.broadcast %mul3A_275 : f32 to vector<16xf32>
      %mul3A_277 = arith.mulf %get3A_274, %mul3A_276 : vector<16xf32>
      %swap3A_278 = arith.index_cast %scan3A_91 : i32 to index
      %swap3A_279 = arith.constant 240 : index
      %swap3A_280 = tpu.vector_load %arg6[%swap3A_278, %swap3A_279] {strides = array<i32>} : memref<32x1024xf32, #tpu.memory_space<vmem>>, vector<1x16xf32>,
      %swap3A_281 = vector.shape_cast %swap3A_280 : vector<1x16xf32> to vector<16xf32>
      %swap3A_282 = vector.shape_cast %mul3A_277 : vector<16xf32> to vector<1x16xf32>
      tpu.vector_store %arg6[%swap3A_278, %swap3A_279], %swap3A_282 {strides = array<i32>} : memref<32x1024xf32, #tpu.memory_space<vmem>>, vector<1x16xf32>,
      %get3A_283 = arith.index_cast %scan3A_91 : i32 to index
      %get3A_284 = arith.constant 256 : index
      %get3A_285 = tpu.vector_load %arg6[%get3A_283, %get3A_284] {strides = array<i32>} : memref<32x1024xf32, #tpu.memory_space<vmem>>, vector<1x16xf32>,
      %get3A_286 = vector.shape_cast %get3A_285 : vector<1x16xf32> to vector<16xf32>
      %mul3A_287 = arith.constant 3.200000e+01 : f32
      %mul3A_288 = vector.broadcast %mul3A_287 : f32 to vector<16xf32>
      %mul3A_289 = arith.mulf %get3A_286, %mul3A_288 : vector<16xf32>
      %swap3A_290 = arith.index_cast %scan3A_91 : i32 to index
      %swap3A_291 = arith.constant 256 : index
      %swap3A_292 = tpu.vector_load %arg6[%swap3A_290, %swap3A_291] {strides = array<i32>} : memref<32x1024xf32, #tpu.memory_space<vmem>>, vector<1x16xf32>,
      %swap3A_293 = vector.shape_cast %swap3A_292 : vector<1x16xf32> to vector<16xf32>
      %swap3A_294 = vector.shape_cast %mul3A_289 : vector<16xf32> to vector<1x16xf32>
      tpu.vector_store %arg6[%swap3A_290, %swap3A_291], %swap3A_294 {strides = array<i32>} : memref<32x1024xf32, #tpu.memory_space<vmem>>, vector<1x16xf32>,
      %get3A_295 = arith.index_cast %scan3A_91 : i32 to index
      %get3A_296 = arith.constant 272 : index
      %get3A_297 = tpu.vector_load %arg6[%get3A_295, %get3A_296] {strides = array<i32>} : memref<32x1024xf32, #tpu.memory_space<vmem>>, vector<1x16xf32>,
      %get3A_298 = vector.shape_cast %get3A_297 : vector<1x16xf32> to vector<16xf32>
      %mul3A_299 = arith.constant 3.200000e+01 : f32
      %mul3A_300 = vector.broadcast %mul3A_299 : f32 to vector<16xf32>
      %mul3A_301 = arith.mulf %get3A_298, %mul3A_300 : vector<16xf32>
      %swap3A_302 = arith.index_cast %scan3A_91 : i32 to index
      %swap3A_303 = arith.constant 272 : index
      %swap3A_304 = tpu.vector_load %arg6[%swap3A_302, %swap3A_303] {strides = array<i32>} : memref<32x1024xf32, #tpu.memory_space<vmem>>, vector<1x16xf32>,
      %swap3A_305 = vector.shape_cast %swap3A_304 : vector<1x16xf32> to vector<16xf32>
      %swap3A_306 = vector.shape_cast %mul3A_301 : vector<16xf32> to vector<1x16xf32>
      tpu.vector_store %arg6[%swap3A_302, %swap3A_303], %swap3A_306 {strides = array<i32>} : memref<32x1024xf32, #tpu.memory_space<vmem>>, vector<1x16xf32>,
      %get3A_307 = arith.index_cast %scan3A_91 : i32 to index
      %get3A_308 = arith.constant 288 : index
      %get3A_309 = tpu.vector_load %arg6[%get3A_307, %get3A_308] {strides = array<i32>} : memref<32x1024xf32, #tpu.memory_space<vmem>>, vector<1x16xf32>,
      %get3A_310 = vector.shape_cast %get3A_309 : vector<1x16xf32> to vector<16xf32>
      %mul3A_311 = arith.constant 3.200000e+01 : f32
      %mul3A_312 = vector.broadcast %mul3A_311 : f32 to vector<16xf32>
      %mul3A_313 = arith.mulf %get3A_310, %mul3A_312 : vector<16xf32>
      %swap3A_314 = arith.index_cast %scan3A_91 : i32 to index
      %swap3A_315 = arith.constant 288 : index
      %swap3A_316 = tpu.vector_load %arg6[%swap3A_314, %swap3A_315] {strides = array<i32>} : memref<32x1024xf32, #tpu.memory_space<vmem>>, vector<1x16xf32>,
      %swap3A_317 = vector.shape_cast %swap3A_316 : vector<1x16xf32> to vector<16xf32>
      %swap3A_318 = vector.shape_cast %mul3A_313 : vector<16xf32> to vector<1x16xf32>
      tpu.vector_store %arg6[%swap3A_314, %swap3A_315], %swap3A_318 {strides = array<i32>} : memref<32x1024xf32, #tpu.memory_space<vmem>>, vector<1x16xf32>,
      %get3A_319 = arith.index_cast %scan3A_91 : i32 to index
      %get3A_320 = arith.constant 304 : index
      %get3A_321 = tpu.vector_load %arg6[%get3A_319, %get3A_320] {strides = array<i32>} : memref<32x1024xf32, #tpu.memory_space<vmem>>, vector<1x16xf32>,
      %get3A_322 = vector.shape_cast %get3A_321 : vector<1x16xf32> to vector<16xf32>
      %mul3A_323 = arith.constant 3.200000e+01 : f32
      %mul3A_324 = vector.broadcast %mul3A_323 : f32 to vector<16xf32>
      %mul3A_325 = arith.mulf %get3A_322, %mul3A_324 : vector<16xf32>
      %swap3A_326 = arith.index_cast %scan3A_91 : i32 to index
      %swap3A_327 = arith.constant 304 : index
      %swap3A_328 = tpu.vector_load %arg6[%swap3A_326, %swap3A_327] {strides = array<i32>} : memref<32x1024xf32, #tpu.memory_space<vmem>>, vector<1x16xf32>,
      %swap3A_329 = vector.shape_cast %swap3A_328 : vector<1x16xf32> to vector<16xf32>
      %swap3A_330 = vector.shape_cast %mul3A_325 : vector<16xf32> to vector<1x16xf32>
      tpu.vector_store %arg6[%swap3A_326, %swap3A_327], %swap3A_330 {strides = array<i32>} : memref<32x1024xf32, #tpu.memory_space<vmem>>, vector<1x16xf32>,
      %get3A_331 = arith.index_cast %scan3A_91 : i32 to index
      %get3A_332 = arith.constant 320 : index
      %get3A_333 = tpu.vector_load %arg6[%get3A_331, %get3A_332] {strides = array<i32>} : memref<32x1024xf32, #tpu.memory_space<vmem>>, vector<1x16xf32>,
      %get3A_334 = vector.shape_cast %get3A_333 : vector<1x16xf32> to vector<16xf32>
      %mul3A_335 = arith.constant 3.200000e+01 : f32
      %mul3A_336 = vector.broadcast %mul3A_335 : f32 to vector<16xf32>
      %mul3A_337 = arith.mulf %get3A_334, %mul3A_336 : vector<16xf32>
      %swap3A_338 = arith.index_cast %scan3A_91 : i32 to index
      %swap3A_339 = arith.constant 320 : index
      %swap3A_340 = tpu.vector_load %arg6[%swap3A_338, %swap3A_339] {strides = array<i32>} : memref<32x1024xf32, #tpu.memory_space<vmem>>, vector<1x16xf32>,
      %swap3A_341 = vector.shape_cast %swap3A_340 : vector<1x16xf32> to vector<16xf32>
      %swap3A_342 = vector.shape_cast %mul3A_337 : vector<16xf32> to vector<1x16xf32>
      tpu.vector_store %arg6[%swap3A_338, %swap3A_339], %swap3A_342 {strides = array<i32>} : memref<32x1024xf32, #tpu.memory_space<vmem>>, vector<1x16xf32>,
      %get3A_343 = arith.index_cast %scan3A_91 : i32 to index
      %get3A_344 = arith.constant 336 : index
      %get3A_345 = tpu.vector_load %arg6[%get3A_343, %get3A_344] {strides = array<i32>} : memref<32x1024xf32, #tpu.memory_space<vmem>>, vector<1x16xf32>,
      %get3A_346 = vector.shape_cast %get3A_345 : vector<1x16xf32> to vector<16xf32>
      %mul3A_347 = arith.constant 3.200000e+01 : f32
      %mul3A_348 = vector.broadcast %mul3A_347 : f32 to vector<16xf32>
      %mul3A_349 = arith.mulf %get3A_346, %mul3A_348 : vector<16xf32>
      %swap3A_350 = arith.index_cast %scan3A_91 : i32 to index
      %swap3A_351 = arith.constant 336 : index
      %swap3A_352 = tpu.vector_load %arg6[%swap3A_350, %swap3A_351] {strides = array<i32>} : memref<32x1024xf32, #tpu.memory_space<vmem>>, vector<1x16xf32>,
      %swap3A_353 = vector.shape_cast %swap3A_352 : vector<1x16xf32> to vector<16xf32>
      %swap3A_354 = vector.shape_cast %mul3A_349 : vector<16xf32> to vector<1x16xf32>
      tpu.vector_store %arg6[%swap3A_350, %swap3A_351], %swap3A_354 {strides = array<i32>} : memref<32x1024xf32, #tpu.memory_space<vmem>>, vector<1x16xf32>,
      %get3A_355 = arith.index_cast %scan3A_91 : i32 to index
      %get3A_356 = arith.constant 352 : index
      %get3A_357 = tpu.vector_load %arg6[%get3A_355, %get3A_356] {strides = array<i32>} : memref<32x1024xf32, #tpu.memory_space<vmem>>, vector<1x16xf32>,
      %get3A_358 = vector.shape_cast %get3A_357 : vector<1x16xf32> to vector<16xf32>
      %mul3A_359 = arith.constant 3.200000e+01 : f32
      %mul3A_360 = vector.broadcast %mul3A_359 : f32 to vector<16xf32>
      %mul3A_361 = arith.mulf %get3A_358, %mul3A_360 : vector<16xf32>
      %swap3A_362 = arith.index_cast %scan3A_91 : i32 to index
      %swap3A_363 = arith.constant 352 : index
      %swap3A_364 = tpu.vector_load %arg6[%swap3A_362, %swap3A_363] {strides = array<i32>} : memref<32x1024xf32, #tpu.memory_space<vmem>>, vector<1x16xf32>,
      %swap3A_365 = vector.shape_cast %swap3A_364 : vector<1x16xf32> to vector<16xf32>
      %swap3A_366 = vector.shape_cast %mul3A_361 : vector<16xf32> to vector<1x16xf32>
      tpu.vector_store %arg6[%swap3A_362, %swap3A_363], %swap3A_366 {strides = array<i32>} : memref<32x1024xf32, #tpu.memory_space<vmem>>, vector<1x16xf32>,
      %get3A_367 = arith.index_cast %scan3A_91 : i32 to index
      %get3A_368 = arith.constant 368 : index
      %get3A_369 = tpu.vector_load %arg6[%get3A_367, %get3A_368] {strides = array<i32>} : memref<32x1024xf32, #tpu.memory_space<vmem>>, vector<1x16xf32>,
      %get3A_370 = vector.shape_cast %get3A_369 : vector<1x16xf32> to vector<16xf32>
      %mul3A_371 = arith.constant 3.200000e+01 : f32
      %mul3A_372 = vector.broadcast %mul3A_371 : f32 to vector<16xf32>
      %mul3A_373 = arith.mulf %get3A_370, %mul3A_372 : vector<16xf32>
      %swap3A_374 = arith.index_cast %scan3A_91 : i32 to index
      %swap3A_375 = arith.constant 368 : index
      %swap3A_376 = tpu.vector_load %arg6[%swap3A_374, %swap3A_375] {strides = array<i32>} : memref<32x1024xf32, #tpu.memory_space<vmem>>, vector<1x16xf32>,
      %swap3A_377 = vector.shape_cast %swap3A_376 : vector<1x16xf32> to vector<16xf32>
      %swap3A_378 = vector.shape_cast %mul3A_373 : vector<16xf32> to vector<1x16xf32>
      tpu.vector_store %arg6[%swap3A_374, %swap3A_375], %swap3A_378 {strides = array<i32>} : memref<32x1024xf32, #tpu.memory_space<vmem>>, vector<1x16xf32>,
      %get3A_379 = arith.index_cast %scan3A_91 : i32 to index
      %get3A_380 = arith.constant 384 : index
      %get3A_381 = tpu.vector_load %arg6[%get3A_379, %get3A_380] {strides = array<i32>} : memref<32x1024xf32, #tpu.memory_space<vmem>>, vector<1x16xf32>,
      %get3A_382 = vector.shape_cast %get3A_381 : vector<1x16xf32> to vector<16xf32>
      %mul3A_383 = arith.constant 3.200000e+01 : f32
      %mul3A_384 = vector.broadcast %mul3A_383 : f32 to vector<16xf32>
      %mul3A_385 = arith.mulf %get3A_382, %mul3A_384 : vector<16xf32>
      %swap3A_386 = arith.index_cast %scan3A_91 : i32 to index
      %swap3A_387 = arith.constant 384 : index
      %swap3A_388 = tpu.vector_load %arg6[%swap3A_386, %swap3A_387] {strides = array<i32>} : memref<32x1024xf32, #tpu.memory_space<vmem>>, vector<1x16xf32>,
      %swap3A_389 = vector.shape_cast %swap3A_388 : vector<1x16xf32> to vector<16xf32>
      %swap3A_390 = vector.shape_cast %mul3A_385 : vector<16xf32> to vector<1x16xf32>
      tpu.vector_store %arg6[%swap3A_386, %swap3A_387], %swap3A_390 {strides = array<i32>} : memref<32x1024xf32, #tpu.memory_space<vmem>>, vector<1x16xf32>,
      %get3A_391 = arith.index_cast %scan3A_91 : i32 to index
      %get3A_392 = arith.constant 400 : index
      %get3A_393 = tpu.vector_load %arg6[%get3A_391, %get3A_392] {strides = array<i32>} : memref<32x1024xf32, #tpu.memory_space<vmem>>, vector<1x16xf32>,
      %get3A_394 = vector.shape_cast %get3A_393 : vector<1x16xf32> to vector<16xf32>
      %mul3A_395 = arith.constant 3.200000e+01 : f32
      %mul3A_396 = vector.broadcast %mul3A_395 : f32 to vector<16xf32>
      %mul3A_397 = arith.mulf %get3A_394, %mul3A_396 : vector<16xf32>
      %swap3A_398 = arith.index_cast %scan3A_91 : i32 to index
      %swap3A_399 = arith.constant 400 : index
      %swap3A_400 = tpu.vector_load %arg6[%swap3A_398, %swap3A_399] {strides = array<i32>} : memref<32x1024xf32, #tpu.memory_space<vmem>>, vector<1x16xf32>,
      %swap3A_401 = vector.shape_cast %swap3A_400 : vector<1x16xf32> to vector<16xf32>
      %swap3A_402 = vector.shape_cast %mul3A_397 : vector<16xf32> to vector<1x16xf32>
      tpu.vector_store %arg6[%swap3A_398, %swap3A_399], %swap3A_402 {strides = array<i32>} : memref<32x1024xf32, #tpu.memory_space<vmem>>, vector<1x16xf32>,
      %get3A_403 = arith.index_cast %scan3A_91 : i32 to index
      %get3A_404 = arith.constant 416 : index
      %get3A_405 = tpu.vector_load %arg6[%get3A_403, %get3A_404] {strides = array<i32>} : memref<32x1024xf32, #tpu.memory_space<vmem>>, vector<1x16xf32>,
      %get3A_406 = vector.shape_cast %get3A_405 : vector<1x16xf32> to vector<16xf32>
      %mul3A_407 = arith.constant 3.200000e+01 : f32
      %mul3A_408 = vector.broadcast %mul3A_407 : f32 to vector<16xf32>
      %mul3A_409 = arith.mulf %get3A_406, %mul3A_408 : vector<16xf32>
      %swap3A_410 = arith.index_cast %scan3A_91 : i32 to index
      %swap3A_411 = arith.constant 416 : index
      %swap3A_412 = tpu.vector_load %arg6[%swap3A_410, %swap3A_411] {strides = array<i32>} : memref<32x1024xf32, #tpu.memory_space<vmem>>, vector<1x16xf32>,
      %swap3A_413 = vector.shape_cast %swap3A_412 : vector<1x16xf32> to vector<16xf32>
      %swap3A_414 = vector.shape_cast %mul3A_409 : vector<16xf32> to vector<1x16xf32>
      tpu.vector_store %arg6[%swap3A_410, %swap3A_411], %swap3A_414 {strides = array<i32>} : memref<32x1024xf32, #tpu.memory_space<vmem>>, vector<1x16xf32>,
      %get3A_415 = arith.index_cast %scan3A_91 : i32 to index
      %get3A_416 = arith.constant 432 : index
      %get3A_417 = tpu.vector_load %arg6[%get3A_415, %get3A_416] {strides = array<i32>} : memref<32x1024xf32, #tpu.memory_space<vmem>>, vector<1x16xf32>,
      %get3A_418 = vector.shape_cast %get3A_417 : vector<1x16xf32> to vector<16xf32>
      %mul3A_419 = arith.constant 3.200000e+01 : f32
      %mul3A_420 = vector.broadcast %mul3A_419 : f32 to vector<16xf32>
      %mul3A_421 = arith.mulf %get3A_418, %mul3A_420 : vector<16xf32>
      %swap3A_422 = arith.index_cast %scan3A_91 : i32 to index
      %swap3A_423 = arith.constant 432 : index
      %swap3A_424 = tpu.vector_load %arg6[%swap3A_422, %swap3A_423] {strides = array<i32>} : memref<32x1024xf32, #tpu.memory_space<vmem>>, vector<1x16xf32>,
      %swap3A_425 = vector.shape_cast %swap3A_424 : vector<1x16xf32> to vector<16xf32>
      %swap3A_426 = vector.shape_cast %mul3A_421 : vector<16xf32> to vector<1x16xf32>
      tpu.vector_store %arg6[%swap3A_422, %swap3A_423], %swap3A_426 {strides = array<i32>} : memref<32x1024xf32, #tpu.memory_space<vmem>>, vector<1x16xf32>,
      %get3A_427 = arith.index_cast %scan3A_91 : i32 to index
      %get3A_428 = arith.constant 448 : index
      %get3A_429 = tpu.vector_load %arg6[%get3A_427, %get3A_428] {strides = array<i32>} : memref<32x1024xf32, #tpu.memory_space<vmem>>, vector<1x16xf32>,
      %get3A_430 = vector.shape_cast %get3A_429 : vector<1x16xf32> to vector<16xf32>
      %mul3A_431 = arith.constant 3.200000e+01 : f32
      %mul3A_432 = vector.broadcast %mul3A_431 : f32 to vector<16xf32>
      %mul3A_433 = arith.mulf %get3A_430, %mul3A_432 : vector<16xf32>
      %swap3A_434 = arith.index_cast %scan3A_91 : i32 to index
      %swap3A_435 = arith.constant 448 : index
      %swap3A_436 = tpu.vector_load %arg6[%swap3A_434, %swap3A_435] {strides = array<i32>} : memref<32x1024xf32, #tpu.memory_space<vmem>>, vector<1x16xf32>,
      %swap3A_437 = vector.shape_cast %swap3A_436 : vector<1x16xf32> to vector<16xf32>
      %swap3A_438 = vector.shape_cast %mul3A_433 : vector<16xf32> to vector<1x16xf32>
      tpu.vector_store %arg6[%swap3A_434, %swap3A_435], %swap3A_438 {strides = array<i32>} : memref<32x1024xf32, #tpu.memory_space<vmem>>, vector<1x16xf32>,
      %get3A_439 = arith.index_cast %scan3A_91 : i32 to index
      %get3A_440 = arith.constant 464 : index
      %get3A_441 = tpu.vector_load %arg6[%get3A_439, %get3A_440] {strides = array<i32>} : memref<32x1024xf32, #tpu.memory_space<vmem>>, vector<1x16xf32>,
      %get3A_442 = vector.shape_cast %get3A_441 : vector<1x16xf32> to vector<16xf32>
      %mul3A_443 = arith.constant 3.200000e+01 : f32
      %mul3A_444 = vector.broadcast %mul3A_443 : f32 to vector<16xf32>
      %mul3A_445 = arith.mulf %get3A_442, %mul3A_444 : vector<16xf32>
      %swap3A_446 = arith.index_cast %scan3A_91 : i32 to index
      %swap3A_447 = arith.constant 464 : index
      %swap3A_448 = tpu.vector_load %arg6[%swap3A_446, %swap3A_447] {strides = array<i32>} : memref<32x1024xf32, #tpu.memory_space<vmem>>, vector<1x16xf32>,
      %swap3A_449 = vector.shape_cast %swap3A_448 : vector<1x16xf32> to vector<16xf32>
      %swap3A_450 = vector.shape_cast %mul3A_445 : vector<16xf32> to vector<1x16xf32>
      tpu.vector_store %arg6[%swap3A_446, %swap3A_447], %swap3A_450 {strides = array<i32>} : memref<32x1024xf32, #tpu.memory_space<vmem>>, vector<1x16xf32>,
      %get3A_451 = arith.index_cast %scan3A_91 : i32 to index
      %get3A_452 = arith.constant 480 : index
      %get3A_453 = tpu.vector_load %arg6[%get3A_451, %get3A_452] {strides = array<i32>} : memref<32x1024xf32, #tpu.memory_space<vmem>>, vector<1x16xf32>,
      %get3A_454 = vector.shape_cast %get3A_453 : vector<1x16xf32> to vector<16xf32>
      %mul3A_455 = arith.constant 3.200000e+01 : f32
      %mul3A_456 = vector.broadcast %mul3A_455 : f32 to vector<16xf32>
      %mul3A_457 = arith.mulf %get3A_454, %mul3A_456 : vector<16xf32>
      %swap3A_458 = arith.index_cast %scan3A_91 : i32 to index
      %swap3A_459 = arith.constant 480 : index
      %swap3A_460 = tpu.vector_load %arg6[%swap3A_458, %swap3A_459] {strides = array<i32>} : memref<32x1024xf32, #tpu.memory_space<vmem>>, vector<1x16xf32>,
      %swap3A_461 = vector.shape_cast %swap3A_460 : vector<1x16xf32> to vector<16xf32>
      %swap3A_462 = vector.shape_cast %mul3A_457 : vector<16xf32> to vector<1x16xf32>
      tpu.vector_store %arg6[%swap3A_458, %swap3A_459], %swap3A_462 {strides = array<i32>} : memref<32x1024xf32, #tpu.memory_space<vmem>>, vector<1x16xf32>,
      %get3A_463 = arith.index_cast %scan3A_91 : i32 to index
      %get3A_464 = arith.constant 496 : index
      %get3A_465 = tpu.vector_load %arg6[%get3A_463, %get3A_464] {strides = array<i32>} : memref<32x1024xf32, #tpu.memory_space<vmem>>, vector<1x16xf32>,
      %get3A_466 = vector.shape_cast %get3A_465 : vector<1x16xf32> to vector<16xf32>
      %mul3A_467 = arith.constant 3.200000e+01 : f32
      %mul3A_468 = vector.broadcast %mul3A_467 : f32 to vector<16xf32>
      %mul3A_469 = arith.mulf %get3A_466, %mul3A_468 : vector<16xf32>
      %swap3A_470 = arith.index_cast %scan3A_91 : i32 to index
      %swap3A_471 = arith.constant 496 : index
      %swap3A_472 = tpu.vector_load %arg6[%swap3A_470, %swap3A_471] {strides = array<i32>} : memref<32x1024xf32, #tpu.memory_space<vmem>>, vector<1x16xf32>,
      %swap3A_473 = vector.shape_cast %swap3A_472 : vector<1x16xf32> to vector<16xf32>
      %swap3A_474 = vector.shape_cast %mul3A_469 : vector<16xf32> to vector<1x16xf32>
      tpu.vector_store %arg6[%swap3A_470, %swap3A_471], %swap3A_474 {strides = array<i32>} : memref<32x1024xf32, #tpu.memory_space<vmem>>, vector<1x16xf32>,
      %get3A_475 = arith.index_cast %scan3A_91 : i32 to index
      %get3A_476 = arith.constant 512 : index
      %get3A_477 = tpu.vector_load %arg6[%get3A_475, %get3A_476] {strides = array<i32>} : memref<32x1024xf32, #tpu.memory_space<vmem>>, vector<1x16xf32>,
      %get3A_478 = vector.shape_cast %get3A_477 : vector<1x16xf32> to vector<16xf32>
      %mul3A_479 = arith.constant 3.200000e+01 : f32
      %mul3A_480 = vector.broadcast %mul3A_479 : f32 to vector<16xf32>
      %mul3A_481 = arith.mulf %get3A_478, %mul3A_480 : vector<16xf32>
      %swap3A_482 = arith.index_cast %scan3A_91 : i32 to index
      %swap3A_483 = arith.constant 512 : index
      %swap3A_484 = tpu.vector_load %arg6[%swap3A_482, %swap3A_483] {strides = array<i32>} : memref<32x1024xf32, #tpu.memory_space<vmem>>, vector<1x16xf32>,
      %swap3A_485 = vector.shape_cast %swap3A_484 : vector<1x16xf32> to vector<16xf32>
      %swap3A_486 = vector.shape_cast %mul3A_481 : vector<16xf32> to vector<1x16xf32>
      tpu.vector_store %arg6[%swap3A_482, %swap3A_483], %swap3A_486 {strides = array<i32>} : memref<32x1024xf32, #tpu.memory_space<vmem>>, vector<1x16xf32>,
      %get3A_487 = arith.index_cast %scan3A_91 : i32 to index
      %get3A_488 = arith.constant 528 : index
      %get3A_489 = tpu.vector_load %arg6[%get3A_487, %get3A_488] {strides = array<i32>} : memref<32x1024xf32, #tpu.memory_space<vmem>>, vector<1x16xf32>,
      %get3A_490 = vector.shape_cast %get3A_489 : vector<1x16xf32> to vector<16xf32>
      %mul3A_491 = arith.constant 3.200000e+01 : f32
      %mul3A_492 = vector.broadcast %mul3A_491 : f32 to vector<16xf32>
      %mul3A_493 = arith.mulf %get3A_490, %mul3A_492 : vector<16xf32>
      %swap3A_494 = arith.index_cast %scan3A_91 : i32 to index
      %swap3A_495 = arith.constant 528 : index
      %swap3A_496 = tpu.vector_load %arg6[%swap3A_494, %swap3A_495] {strides = array<i32>} : memref<32x1024xf32, #tpu.memory_space<vmem>>, vector<1x16xf32>,
      %swap3A_497 = vector.shape_cast %swap3A_496 : vector<1x16xf32> to vector<16xf32>
      %swap3A_498 = vector.shape_cast %mul3A_493 : vector<16xf32> to vector<1x16xf32>
      tpu.vector_store %arg6[%swap3A_494, %swap3A_495], %swap3A_498 {strides = array<i32>} : memref<32x1024xf32, #tpu.memory_space<vmem>>, vector<1x16xf32>,
      %get3A_499 = arith.index_cast %scan3A_91 : i32 to index
      %get3A_500 = arith.constant 544 : index
      %get3A_501 = tpu.vector_load %arg6[%get3A_499, %get3A_500] {strides = array<i32>} : memref<32x1024xf32, #tpu.memory_space<vmem>>, vector<1x16xf32>,
      %get3A_502 = vector.shape_cast %get3A_501 : vector<1x16xf32> to vector<16xf32>
      %mul3A_503 = arith.constant 3.200000e+01 : f32
      %mul3A_504 = vector.broadcast %mul3A_503 : f32 to vector<16xf32>
      %mul3A_505 = arith.mulf %get3A_502, %mul3A_504 : vector<16xf32>
      %swap3A_506 = arith.index_cast %scan3A_91 : i32 to index
      %swap3A_507 = arith.constant 544 : index
      %swap3A_508 = tpu.vector_load %arg6[%swap3A_506, %swap3A_507] {strides = array<i32>} : memref<32x1024xf32, #tpu.memory_space<vmem>>, vector<1x16xf32>,
      %swap3A_509 = vector.shape_cast %swap3A_508 : vector<1x16xf32> to vector<16xf32>
      %swap3A_510 = vector.shape_cast %mul3A_505 : vector<16xf32> to vector<1x16xf32>
      tpu.vector_store %arg6[%swap3A_506, %swap3A_507], %swap3A_510 {strides = array<i32>} : memref<32x1024xf32, #tpu.memory_space<vmem>>, vector<1x16xf32>,
      %get3A_511 = arith.index_cast %scan3A_91 : i32 to index
      %get3A_512 = arith.constant 560 : index
      %get3A_513 = tpu.vector_load %arg6[%get3A_511, %get3A_512] {strides = array<i32>} : memref<32x1024xf32, #tpu.memory_space<vmem>>, vector<1x16xf32>,
      %get3A_514 = vector.shape_cast %get3A_513 : vector<1x16xf32> to vector<16xf32>
      %mul3A_515 = arith.constant 3.200000e+01 : f32
      %mul3A_516 = vector.broadcast %mul3A_515 : f32 to vector<16xf32>
      %mul3A_517 = arith.mulf %get3A_514, %mul3A_516 : vector<16xf32>
      %swap3A_518 = arith.index_cast %scan3A_91 : i32 to index
      %swap3A_519 = arith.constant 560 : index
      %swap3A_520 = tpu.vector_load %arg6[%swap3A_518, %swap3A_519] {strides = array<i32>} : memref<32x1024xf32, #tpu.memory_space<vmem>>, vector<1x16xf32>,
      %swap3A_521 = vector.shape_cast %swap3A_520 : vector<1x16xf32> to vector<16xf32>
      %swap3A_522 = vector.shape_cast %mul3A_517 : vector<16xf32> to vector<1x16xf32>
      tpu.vector_store %arg6[%swap3A_518, %swap3A_519], %swap3A_522 {strides = array<i32>} : memref<32x1024xf32, #tpu.memory_space<vmem>>, vector<1x16xf32>,
      %get3A_523 = arith.index_cast %scan3A_91 : i32 to index
      %get3A_524 = arith.constant 576 : index
      %get3A_525 = tpu.vector_load %arg6[%get3A_523, %get3A_524] {strides = array<i32>} : memref<32x1024xf32, #tpu.memory_space<vmem>>, vector<1x16xf32>,
      %get3A_526 = vector.shape_cast %get3A_525 : vector<1x16xf32> to vector<16xf32>
      %mul3A_527 = arith.constant 3.200000e+01 : f32
      %mul3A_528 = vector.broadcast %mul3A_527 : f32 to vector<16xf32>
      %mul3A_529 = arith.mulf %get3A_526, %mul3A_528 : vector<16xf32>
      %swap3A_530 = arith.index_cast %scan3A_91 : i32 to index
      %swap3A_531 = arith.constant 576 : index
      %swap3A_532 = tpu.vector_load %arg6[%swap3A_530, %swap3A_531] {strides = array<i32>} : memref<32x1024xf32, #tpu.memory_space<vmem>>, vector<1x16xf32>,
      %swap3A_533 = vector.shape_cast %swap3A_532 : vector<1x16xf32> to vector<16xf32>
      %swap3A_534 = vector.shape_cast %mul3A_529 : vector<16xf32> to vector<1x16xf32>
      tpu.vector_store %arg6[%swap3A_530, %swap3A_531], %swap3A_534 {strides = array<i32>} : memref<32x1024xf32, #tpu.memory_space<vmem>>, vector<1x16xf32>,
      %get3A_535 = arith.index_cast %scan3A_91 : i32 to index
      %get3A_536 = arith.constant 592 : index
      %get3A_537 = tpu.vector_load %arg6[%get3A_535, %get3A_536] {strides = array<i32>} : memref<32x1024xf32, #tpu.memory_space<vmem>>, vector<1x16xf32>,
      %get3A_538 = vector.shape_cast %get3A_537 : vector<1x16xf32> to vector<16xf32>
      %mul3A_539 = arith.constant 3.200000e+01 : f32
      %mul3A_540 = vector.broadcast %mul3A_539 : f32 to vector<16xf32>
      %mul3A_541 = arith.mulf %get3A_538, %mul3A_540 : vector<16xf32>
      %swap3A_542 = arith.index_cast %scan3A_91 : i32 to index
      %swap3A_543 = arith.constant 592 : index
      %swap3A_544 = tpu.vector_load %arg6[%swap3A_542, %swap3A_543] {strides = array<i32>} : memref<32x1024xf32, #tpu.memory_space<vmem>>, vector<1x16xf32>,
      %swap3A_545 = vector.shape_cast %swap3A_544 : vector<1x16xf32> to vector<16xf32>
      %swap3A_546 = vector.shape_cast %mul3A_541 : vector<16xf32> to vector<1x16xf32>
      tpu.vector_store %arg6[%swap3A_542, %swap3A_543], %swap3A_546 {strides = array<i32>} : memref<32x1024xf32, #tpu.memory_space<vmem>>, vector<1x16xf32>,
      %get3A_547 = arith.index_cast %scan3A_91 : i32 to index
      %get3A_548 = arith.constant 608 : index
      %get3A_549 = tpu.vector_load %arg6[%get3A_547, %get3A_548] {strides = array<i32>} : memref<32x1024xf32, #tpu.memory_space<vmem>>, vector<1x16xf32>,
      %get3A_550 = vector.shape_cast %get3A_549 : vector<1x16xf32> to vector<16xf32>
      %mul3A_551 = arith.constant 3.200000e+01 : f32
      %mul3A_552 = vector.broadcast %mul3A_551 : f32 to vector<16xf32>
      %mul3A_553 = arith.mulf %get3A_550, %mul3A_552 : vector<16xf32>
      %swap3A_554 = arith.index_cast %scan3A_91 : i32 to index
      %swap3A_555 = arith.constant 608 : index
      %swap3A_556 = tpu.vector_load %arg6[%swap3A_554, %swap3A_555] {strides = array<i32>} : memref<32x1024xf32, #tpu.memory_space<vmem>>, vector<1x16xf32>,
      %swap3A_557 = vector.shape_cast %swap3A_556 : vector<1x16xf32> to vector<16xf32>
      %swap3A_558 = vector.shape_cast %mul3A_553 : vector<16xf32> to vector<1x16xf32>
      tpu.vector_store %arg6[%swap3A_554, %swap3A_555], %swap3A_558 {strides = array<i32>} : memref<32x1024xf32, #tpu.memory_space<vmem>>, vector<1x16xf32>,
      %get3A_559 = arith.index_cast %scan3A_91 : i32 to index
      %get3A_560 = arith.constant 624 : index
      %get3A_561 = tpu.vector_load %arg6[%get3A_559, %get3A_560] {strides = array<i32>} : memref<32x1024xf32, #tpu.memory_space<vmem>>, vector<1x16xf32>,
      %get3A_562 = vector.shape_cast %get3A_561 : vector<1x16xf32> to vector<16xf32>
      %mul3A_563 = arith.constant 3.200000e+01 : f32
      %mul3A_564 = vector.broadcast %mul3A_563 : f32 to vector<16xf32>
      %mul3A_565 = arith.mulf %get3A_562, %mul3A_564 : vector<16xf32>
      %swap3A_566 = arith.index_cast %scan3A_91 : i32 to index
      %swap3A_567 = arith.constant 624 : index
      %swap3A_568 = tpu.vector_load %arg6[%swap3A_566, %swap3A_567] {strides = array<i32>} : memref<32x1024xf32, #tpu.memory_space<vmem>>, vector<1x16xf32>,
      %swap3A_569 = vector.shape_cast %swap3A_568 : vector<1x16xf32> to vector<16xf32>
      %swap3A_570 = vector.shape_cast %mul3A_565 : vector<16xf32> to vector<1x16xf32>
      tpu.vector_store %arg6[%swap3A_566, %swap3A_567], %swap3A_570 {strides = array<i32>} : memref<32x1024xf32, #tpu.memory_space<vmem>>, vector<1x16xf32>,
      %get3A_571 = arith.index_cast %scan3A_91 : i32 to index
      %get3A_572 = arith.constant 640 : index
      %get3A_573 = tpu.vector_load %arg6[%get3A_571, %get3A_572] {strides = array<i32>} : memref<32x1024xf32, #tpu.memory_space<vmem>>, vector<1x16xf32>,
      %get3A_574 = vector.shape_cast %get3A_573 : vector<1x16xf32> to vector<16xf32>
      %mul3A_575 = arith.constant 3.200000e+01 : f32
      %mul3A_576 = vector.broadcast %mul3A_575 : f32 to vector<16xf32>
      %mul3A_577 = arith.mulf %get3A_574, %mul3A_576 : vector<16xf32>
      %swap3A_578 = arith.index_cast %scan3A_91 : i32 to index
      %swap3A_579 = arith.constant 640 : index
      %swap3A_580 = tpu.vector_load %arg6[%swap3A_578, %swap3A_579] {strides = array<i32>} : memref<32x1024xf32, #tpu.memory_space<vmem>>, vector<1x16xf32>,
      %swap3A_581 = vector.shape_cast %swap3A_580 : vector<1x16xf32> to vector<16xf32>
      %swap3A_582 = vector.shape_cast %mul3A_577 : vector<16xf32> to vector<1x16xf32>
      tpu.vector_store %arg6[%swap3A_578, %swap3A_579], %swap3A_582 {strides = array<i32>} : memref<32x1024xf32, #tpu.memory_space<vmem>>, vector<1x16xf32>,
      %get3A_583 = arith.index_cast %scan3A_91 : i32 to index
      %get3A_584 = arith.constant 656 : index
      %get3A_585 = tpu.vector_load %arg6[%get3A_583, %get3A_584] {strides = array<i32>} : memref<32x1024xf32, #tpu.memory_space<vmem>>, vector<1x16xf32>,
      %get3A_586 = vector.shape_cast %get3A_585 : vector<1x16xf32> to vector<16xf32>
      %mul3A_587 = arith.constant 3.200000e+01 : f32
      %mul3A_588 = vector.broadcast %mul3A_587 : f32 to vector<16xf32>
      %mul3A_589 = arith.mulf %get3A_586, %mul3A_588 : vector<16xf32>
      %swap3A_590 = arith.index_cast %scan3A_91 : i32 to index
      %swap3A_591 = arith.constant 656 : index
      %swap3A_592 = tpu.vector_load %arg6[%swap3A_590, %swap3A_591] {strides = array<i32>} : memref<32x1024xf32, #tpu.memory_space<vmem>>, vector<1x16xf32>,
      %swap3A_593 = vector.shape_cast %swap3A_592 : vector<1x16xf32> to vector<16xf32>
      %swap3A_594 = vector.shape_cast %mul3A_589 : vector<16xf32> to vector<1x16xf32>
      tpu.vector_store %arg6[%swap3A_590, %swap3A_591], %swap3A_594 {strides = array<i32>} : memref<32x1024xf32, #tpu.memory_space<vmem>>, vector<1x16xf32>,
      %get3A_595 = arith.index_cast %scan3A_91 : i32 to index
      %get3A_596 = arith.constant 672 : index
      %get3A_597 = tpu.vector_load %arg6[%get3A_595, %get3A_596] {strides = array<i32>} : memref<32x1024xf32, #tpu.memory_space<vmem>>, vector<1x16xf32>,
      %get3A_598 = vector.shape_cast %get3A_597 : vector<1x16xf32> to vector<16xf32>
      %mul3A_599 = arith.constant 3.200000e+01 : f32
      %mul3A_600 = vector.broadcast %mul3A_599 : f32 to vector<16xf32>
      %mul3A_601 = arith.mulf %get3A_598, %mul3A_600 : vector<16xf32>
      %swap3A_602 = arith.index_cast %scan3A_91 : i32 to index
      %swap3A_603 = arith.constant 672 : index
      %swap3A_604 = tpu.vector_load %arg6[%swap3A_602, %swap3A_603] {strides = array<i32>} : memref<32x1024xf32, #tpu.memory_space<vmem>>, vector<1x16xf32>,
      %swap3A_605 = vector.shape_cast %swap3A_604 : vector<1x16xf32> to vector<16xf32>
      %swap3A_606 = vector.shape_cast %mul3A_601 : vector<16xf32> to vector<1x16xf32>
      tpu.vector_store %arg6[%swap3A_602, %swap3A_603], %swap3A_606 {strides = array<i32>} : memref<32x1024xf32, #tpu.memory_space<vmem>>, vector<1x16xf32>,
      %get3A_607 = arith.index_cast %scan3A_91 : i32 to index
      %get3A_608 = arith.constant 688 : index
      %get3A_609 = tpu.vector_load %arg6[%get3A_607, %get3A_608] {strides = array<i32>} : memref<32x1024xf32, #tpu.memory_space<vmem>>, vector<1x16xf32>,
      %get3A_610 = vector.shape_cast %get3A_609 : vector<1x16xf32> to vector<16xf32>
      %mul3A_611 = arith.constant 3.200000e+01 : f32
      %mul3A_612 = vector.broadcast %mul3A_611 : f32 to vector<16xf32>
      %mul3A_613 = arith.mulf %get3A_610, %mul3A_612 : vector<16xf32>
      %swap3A_614 = arith.index_cast %scan3A_91 : i32 to index
      %swap3A_615 = arith.constant 688 : index
      %swap3A_616 = tpu.vector_load %arg6[%swap3A_614, %swap3A_615] {strides = array<i32>} : memref<32x1024xf32, #tpu.memory_space<vmem>>, vector<1x16xf32>,
      %swap3A_617 = vector.shape_cast %swap3A_616 : vector<1x16xf32> to vector<16xf32>
      %swap3A_618 = vector.shape_cast %mul3A_613 : vector<16xf32> to vector<1x16xf32>
      tpu.vector_store %arg6[%swap3A_614, %swap3A_615], %swap3A_618 {strides = array<i32>} : memref<32x1024xf32, #tpu.memory_space<vmem>>, vector<1x16xf32>,
      %get3A_619 = arith.index_cast %scan3A_91 : i32 to index
      %get3A_620 = arith.constant 704 : index
      %get3A_621 = tpu.vector_load %arg6[%get3A_619, %get3A_620] {strides = array<i32>} : memref<32x1024xf32, #tpu.memory_space<vmem>>, vector<1x16xf32>,
      %get3A_622 = vector.shape_cast %get3A_621 : vector<1x16xf32> to vector<16xf32>
      %mul3A_623 = arith.constant 3.200000e+01 : f32
      %mul3A_624 = vector.broadcast %mul3A_623 : f32 to vector<16xf32>
      %mul3A_625 = arith.mulf %get3A_622, %mul3A_624 : vector<16xf32>
      %swap3A_626 = arith.index_cast %scan3A_91 : i32 to index
      %swap3A_627 = arith.constant 704 : index
      %swap3A_628 = tpu.vector_load %arg6[%swap3A_626, %swap3A_627] {strides = array<i32>} : memref<32x1024xf32, #tpu.memory_space<vmem>>, vector<1x16xf32>,
      %swap3A_629 = vector.shape_cast %swap3A_628 : vector<1x16xf32> to vector<16xf32>
      %swap3A_630 = vector.shape_cast %mul3A_625 : vector<16xf32> to vector<1x16xf32>
      tpu.vector_store %arg6[%swap3A_626, %swap3A_627], %swap3A_630 {strides = array<i32>} : memref<32x1024xf32, #tpu.memory_space<vmem>>, vector<1x16xf32>,
      %get3A_631 = arith.index_cast %scan3A_91 : i32 to index
      %get3A_632 = arith.constant 720 : index
      %get3A_633 = tpu.vector_load %arg6[%get3A_631, %get3A_632] {strides = array<i32>} : memref<32x1024xf32, #tpu.memory_space<vmem>>, vector<1x16xf32>,
      %get3A_634 = vector.shape_cast %get3A_633 : vector<1x16xf32> to vector<16xf32>
      %mul3A_635 = arith.constant 3.200000e+01 : f32
      %mul3A_636 = vector.broadcast %mul3A_635 : f32 to vector<16xf32>
      %mul3A_637 = arith.mulf %get3A_634, %mul3A_636 : vector<16xf32>
      %swap3A_638 = arith.index_cast %scan3A_91 : i32 to index
      %swap3A_639 = arith.constant 720 : index
      %swap3A_640 = tpu.vector_load %arg6[%swap3A_638, %swap3A_639] {strides = array<i32>} : memref<32x1024xf32, #tpu.memory_space<vmem>>, vector<1x16xf32>,
      %swap3A_641 = vector.shape_cast %swap3A_640 : vector<1x16xf32> to vector<16xf32>
      %swap3A_642 = vector.shape_cast %mul3A_637 : vector<16xf32> to vector<1x16xf32>
      tpu.vector_store %arg6[%swap3A_638, %swap3A_639], %swap3A_642 {strides = array<i32>} : memref<32x1024xf32, #tpu.memory_space<vmem>>, vector<1x16xf32>,
      %get3A_643 = arith.index_cast %scan3A_91 : i32 to index
      %get3A_644 = arith.constant 736 : index
      %get3A_645 = tpu.vector_load %arg6[%get3A_643, %get3A_644] {strides = array<i32>} : memref<32x1024xf32, #tpu.memory_space<vmem>>, vector<1x16xf32>,
      %get3A_646 = vector.shape_cast %get3A_645 : vector<1x16xf32> to vector<16xf32>
      %mul3A_647 = arith.constant 3.200000e+01 : f32
      %mul3A_648 = vector.broadcast %mul3A_647 : f32 to vector<16xf32>
      %mul3A_649 = arith.mulf %get3A_646, %mul3A_648 : vector<16xf32>
      %swap3A_650 = arith.index_cast %scan3A_91 : i32 to index
      %swap3A_651 = arith.constant 736 : index
      %swap3A_652 = tpu.vector_load %arg6[%swap3A_650, %swap3A_651] {strides = array<i32>} : memref<32x1024xf32, #tpu.memory_space<vmem>>, vector<1x16xf32>,
      %swap3A_653 = vector.shape_cast %swap3A_652 : vector<1x16xf32> to vector<16xf32>
      %swap3A_654 = vector.shape_cast %mul3A_649 : vector<16xf32> to vector<1x16xf32>
      tpu.vector_store %arg6[%swap3A_650, %swap3A_651], %swap3A_654 {strides = array<i32>} : memref<32x1024xf32, #tpu.memory_space<vmem>>, vector<1x16xf32>,
      %get3A_655 = arith.index_cast %scan3A_91 : i32 to index
      %get3A_656 = arith.constant 752 : index
      %get3A_657 = tpu.vector_load %arg6[%get3A_655, %get3A_656] {strides = array<i32>} : memref<32x1024xf32, #tpu.memory_space<vmem>>, vector<1x16xf32>,
      %get3A_658 = vector.shape_cast %get3A_657 : vector<1x16xf32> to vector<16xf32>
      %mul3A_659 = arith.constant 3.200000e+01 : f32
      %mul3A_660 = vector.broadcast %mul3A_659 : f32 to vector<16xf32>
      %mul3A_661 = arith.mulf %get3A_658, %mul3A_660 : vector<16xf32>
      %swap3A_662 = arith.index_cast %scan3A_91 : i32 to index
      %swap3A_663 = arith.constant 752 : index
      %swap3A_664 = tpu.vector_load %arg6[%swap3A_662, %swap3A_663] {strides = array<i32>} : memref<32x1024xf32, #tpu.memory_space<vmem>>, vector<1x16xf32>,
      %swap3A_665 = vector.shape_cast %swap3A_664 : vector<1x16xf32> to vector<16xf32>
      %swap3A_666 = vector.shape_cast %mul3A_661 : vector<16xf32> to vector<1x16xf32>
      tpu.vector_store %arg6[%swap3A_662, %swap3A_663], %swap3A_666 {strides = array<i32>} : memref<32x1024xf32, #tpu.memory_space<vmem>>, vector<1x16xf32>,
      %get3A_667 = arith.index_cast %scan3A_91 : i32 to index
      %get3A_668 = arith.constant 768 : index
      %get3A_669 = tpu.vector_load %arg6[%get3A_667, %get3A_668] {strides = array<i32>} : memref<32x1024xf32, #tpu.memory_space<vmem>>, vector<1x16xf32>,
      %get3A_670 = vector.shape_cast %get3A_669 : vector<1x16xf32> to vector<16xf32>
      %mul3A_671 = arith.constant 3.200000e+01 : f32
      %mul3A_672 = vector.broadcast %mul3A_671 : f32 to vector<16xf32>
      %mul3A_673 = arith.mulf %get3A_670, %mul3A_672 : vector<16xf32>
      %swap3A_674 = arith.index_cast %scan3A_91 : i32 to index
      %swap3A_675 = arith.constant 768 : index
      %swap3A_676 = tpu.vector_load %arg6[%swap3A_674, %swap3A_675] {strides = array<i32>} : memref<32x1024xf32, #tpu.memory_space<vmem>>, vector<1x16xf32>,
      %swap3A_677 = vector.shape_cast %swap3A_676 : vector<1x16xf32> to vector<16xf32>
      %swap3A_678 = vector.shape_cast %mul3A_673 : vector<16xf32> to vector<1x16xf32>
      tpu.vector_store %arg6[%swap3A_674, %swap3A_675], %swap3A_678 {strides = array<i32>} : memref<32x1024xf32, #tpu.memory_space<vmem>>, vector<1x16xf32>,
      %get3A_679 = arith.index_cast %scan3A_91 : i32 to index
      %get3A_680 = arith.constant 784 : index
      %get3A_681 = tpu.vector_load %arg6[%get3A_679, %get3A_680] {strides = array<i32>} : memref<32x1024xf32, #tpu.memory_space<vmem>>, vector<1x16xf32>,
      %get3A_682 = vector.shape_cast %get3A_681 : vector<1x16xf32> to vector<16xf32>
      %mul3A_683 = arith.constant 3.200000e+01 : f32
      %mul3A_684 = vector.broadcast %mul3A_683 : f32 to vector<16xf32>
      %mul3A_685 = arith.mulf %get3A_682, %mul3A_684 : vector<16xf32>
      %swap3A_686 = arith.index_cast %scan3A_91 : i32 to index
      %swap3A_687 = arith.constant 784 : index
      %swap3A_688 = tpu.vector_load %arg6[%swap3A_686, %swap3A_687] {strides = array<i32>} : memref<32x1024xf32, #tpu.memory_space<vmem>>, vector<1x16xf32>,
      %swap3A_689 = vector.shape_cast %swap3A_688 : vector<1x16xf32> to vector<16xf32>
      %swap3A_690 = vector.shape_cast %mul3A_685 : vector<16xf32> to vector<1x16xf32>
      tpu.vector_store %arg6[%swap3A_686, %swap3A_687], %swap3A_690 {strides = array<i32>} : memref<32x1024xf32, #tpu.memory_space<vmem>>, vector<1x16xf32>,
      %get3A_691 = arith.index_cast %scan3A_91 : i32 to index
      %get3A_692 = arith.constant 800 : index
      %get3A_693 = tpu.vector_load %arg6[%get3A_691, %get3A_692] {strides = array<i32>} : memref<32x1024xf32, #tpu.memory_space<vmem>>, vector<1x16xf32>,
      %get3A_694 = vector.shape_cast %get3A_693 : vector<1x16xf32> to vector<16xf32>
      %mul3A_695 = arith.constant 3.200000e+01 : f32
      %mul3A_696 = vector.broadcast %mul3A_695 : f32 to vector<16xf32>
      %mul3A_697 = arith.mulf %get3A_694, %mul3A_696 : vector<16xf32>
      %swap3A_698 = arith.index_cast %scan3A_91 : i32 to index
      %swap3A_699 = arith.constant 800 : index
      %swap3A_700 = tpu.vector_load %arg6[%swap3A_698, %swap3A_699] {strides = array<i32>} : memref<32x1024xf32, #tpu.memory_space<vmem>>, vector<1x16xf32>,
      %swap3A_701 = vector.shape_cast %swap3A_700 : vector<1x16xf32> to vector<16xf32>
      %swap3A_702 = vector.shape_cast %mul3A_697 : vector<16xf32> to vector<1x16xf32>
      tpu.vector_store %arg6[%swap3A_698, %swap3A_699], %swap3A_702 {strides = array<i32>} : memref<32x1024xf32, #tpu.memory_space<vmem>>, vector<1x16xf32>,
      %get3A_703 = arith.index_cast %scan3A_91 : i32 to index
      %get3A_704 = arith.constant 816 : index
      %get3A_705 = tpu.vector_load %arg6[%get3A_703, %get3A_704] {strides = array<i32>} : memref<32x1024xf32, #tpu.memory_space<vmem>>, vector<1x16xf32>,
      %get3A_706 = vector.shape_cast %get3A_705 : vector<1x16xf32> to vector<16xf32>
      %mul3A_707 = arith.constant 3.200000e+01 : f32
      %mul3A_708 = vector.broadcast %mul3A_707 : f32 to vector<16xf32>
      %mul3A_709 = arith.mulf %get3A_706, %mul3A_708 : vector<16xf32>
      %swap3A_710 = arith.index_cast %scan3A_91 : i32 to index
      %swap3A_711 = arith.constant 816 : index
      %swap3A_712 = tpu.vector_load %arg6[%swap3A_710, %swap3A_711] {strides = array<i32>} : memref<32x1024xf32, #tpu.memory_space<vmem>>, vector<1x16xf32>,
      %swap3A_713 = vector.shape_cast %swap3A_712 : vector<1x16xf32> to vector<16xf32>
      %swap3A_714 = vector.shape_cast %mul3A_709 : vector<16xf32> to vector<1x16xf32>
      tpu.vector_store %arg6[%swap3A_710, %swap3A_711], %swap3A_714 {strides = array<i32>} : memref<32x1024xf32, #tpu.memory_space<vmem>>, vector<1x16xf32>,
      %get3A_715 = arith.index_cast %scan3A_91 : i32 to index
      %get3A_716 = arith.constant 832 : index
      %get3A_717 = tpu.vector_load %arg6[%get3A_715, %get3A_716] {strides = array<i32>} : memref<32x1024xf32, #tpu.memory_space<vmem>>, vector<1x16xf32>,
      %get3A_718 = vector.shape_cast %get3A_717 : vector<1x16xf32> to vector<16xf32>
      %mul3A_719 = arith.constant 3.200000e+01 : f32
      %mul3A_720 = vector.broadcast %mul3A_719 : f32 to vector<16xf32>
      %mul3A_721 = arith.mulf %get3A_718, %mul3A_720 : vector<16xf32>
      %swap3A_722 = arith.index_cast %scan3A_91 : i32 to index
      %swap3A_723 = arith.constant 832 : index
      %swap3A_724 = tpu.vector_load %arg6[%swap3A_722, %swap3A_723] {strides = array<i32>} : memref<32x1024xf32, #tpu.memory_space<vmem>>, vector<1x16xf32>,
      %swap3A_725 = vector.shape_cast %swap3A_724 : vector<1x16xf32> to vector<16xf32>
      %swap3A_726 = vector.shape_cast %mul3A_721 : vector<16xf32> to vector<1x16xf32>
      tpu.vector_store %arg6[%swap3A_722, %swap3A_723], %swap3A_726 {strides = array<i32>} : memref<32x1024xf32, #tpu.memory_space<vmem>>, vector<1x16xf32>,
      %get3A_727 = arith.index_cast %scan3A_91 : i32 to index
      %get3A_728 = arith.constant 848 : index
      %get3A_729 = tpu.vector_load %arg6[%get3A_727, %get3A_728] {strides = array<i32>} : memref<32x1024xf32, #tpu.memory_space<vmem>>, vector<1x16xf32>,
      %get3A_730 = vector.shape_cast %get3A_729 : vector<1x16xf32> to vector<16xf32>
      %mul3A_731 = arith.constant 3.200000e+01 : f32
      %mul3A_732 = vector.broadcast %mul3A_731 : f32 to vector<16xf32>
      %mul3A_733 = arith.mulf %get3A_730, %mul3A_732 : vector<16xf32>
      %swap3A_734 = arith.index_cast %scan3A_91 : i32 to index
      %swap3A_735 = arith.constant 848 : index
      %swap3A_736 = tpu.vector_load %arg6[%swap3A_734, %swap3A_735] {strides = array<i32>} : memref<32x1024xf32, #tpu.memory_space<vmem>>, vector<1x16xf32>,
      %swap3A_737 = vector.shape_cast %swap3A_736 : vector<1x16xf32> to vector<16xf32>
      %swap3A_738 = vector.shape_cast %mul3A_733 : vector<16xf32> to vector<1x16xf32>
      tpu.vector_store %arg6[%swap3A_734, %swap3A_735], %swap3A_738 {strides = array<i32>} : memref<32x1024xf32, #tpu.memory_space<vmem>>, vector<1x16xf32>,
      %get3A_739 = arith.index_cast %scan3A_91 : i32 to index
      %get3A_740 = arith.constant 864 : index
      %get3A_741 = tpu.vector_load %arg6[%get3A_739, %get3A_740] {strides = array<i32>} : memref<32x1024xf32, #tpu.memory_space<vmem>>, vector<1x16xf32>,
      %get3A_742 = vector.shape_cast %get3A_741 : vector<1x16xf32> to vector<16xf32>
      %mul3A_743 = arith.constant 3.200000e+01 : f32
      %mul3A_744 = vector.broadcast %mul3A_743 : f32 to vector<16xf32>
      %mul3A_745 = arith.mulf %get3A_742, %mul3A_744 : vector<16xf32>
      %swap3A_746 = arith.index_cast %scan3A_91 : i32 to index
      %swap3A_747 = arith.constant 864 : index
      %swap3A_748 = tpu.vector_load %arg6[%swap3A_746, %swap3A_747] {strides = array<i32>} : memref<32x1024xf32, #tpu.memory_space<vmem>>, vector<1x16xf32>,
      %swap3A_749 = vector.shape_cast %swap3A_748 : vector<1x16xf32> to vector<16xf32>
      %swap3A_750 = vector.shape_cast %mul3A_745 : vector<16xf32> to vector<1x16xf32>
      tpu.vector_store %arg6[%swap3A_746, %swap3A_747], %swap3A_750 {strides = array<i32>} : memref<32x1024xf32, #tpu.memory_space<vmem>>, vector<1x16xf32>,
      %get3A_751 = arith.index_cast %scan3A_91 : i32 to index
      %get3A_752 = arith.constant 880 : index
      %get3A_753 = tpu.vector_load %arg6[%get3A_751, %get3A_752] {strides = array<i32>} : memref<32x1024xf32, #tpu.memory_space<vmem>>, vector<1x16xf32>,
      %get3A_754 = vector.shape_cast %get3A_753 : vector<1x16xf32> to vector<16xf32>
      %mul3A_755 = arith.constant 3.200000e+01 : f32
      %mul3A_756 = vector.broadcast %mul3A_755 : f32 to vector<16xf32>
      %mul3A_757 = arith.mulf %get3A_754, %mul3A_756 : vector<16xf32>
      %swap3A_758 = arith.index_cast %scan3A_91 : i32 to index
      %swap3A_759 = arith.constant 880 : index
      %swap3A_760 = tpu.vector_load %arg6[%swap3A_758, %swap3A_759] {strides = array<i32>} : memref<32x1024xf32, #tpu.memory_space<vmem>>, vector<1x16xf32>,
      %swap3A_761 = vector.shape_cast %swap3A_760 : vector<1x16xf32> to vector<16xf32>
      %swap3A_762 = vector.shape_cast %mul3A_757 : vector<16xf32> to vector<1x16xf32>
      tpu.vector_store %arg6[%swap3A_758, %swap3A_759], %swap3A_762 {strides = array<i32>} : memref<32x1024xf32, #tpu.memory_space<vmem>>, vector<1x16xf32>,
      %get3A_763 = arith.index_cast %scan3A_91 : i32 to index
      %get3A_764 = arith.constant 896 : index
      %get3A_765 = tpu.vector_load %arg6[%get3A_763, %get3A_764] {strides = array<i32>} : memref<32x1024xf32, #tpu.memory_space<vmem>>, vector<1x16xf32>,
      %get3A_766 = vector.shape_cast %get3A_765 : vector<1x16xf32> to vector<16xf32>
      %mul3A_767 = arith.constant 3.200000e+01 : f32
      %mul3A_768 = vector.broadcast %mul3A_767 : f32 to vector<16xf32>
      %mul3A_769 = arith.mulf %get3A_766, %mul3A_768 : vector<16xf32>
      %swap3A_770 = arith.index_cast %scan3A_91 : i32 to index
      %swap3A_771 = arith.constant 896 : index
      %swap3A_772 = tpu.vector_load %arg6[%swap3A_770, %swap3A_771] {strides = array<i32>} : memref<32x1024xf32, #tpu.memory_space<vmem>>, vector<1x16xf32>,
      %swap3A_773 = vector.shape_cast %swap3A_772 : vector<1x16xf32> to vector<16xf32>
      %swap3A_774 = vector.shape_cast %mul3A_769 : vector<16xf32> to vector<1x16xf32>
      tpu.vector_store %arg6[%swap3A_770, %swap3A_771], %swap3A_774 {strides = array<i32>} : memref<32x1024xf32, #tpu.memory_space<vmem>>, vector<1x16xf32>,
      %get3A_775 = arith.index_cast %scan3A_91 : i32 to index
      %get3A_776 = arith.constant 912 : index
      %get3A_777 = tpu.vector_load %arg6[%get3A_775, %get3A_776] {strides = array<i32>} : memref<32x1024xf32, #tpu.memory_space<vmem>>, vector<1x16xf32>,
      %get3A_778 = vector.shape_cast %get3A_777 : vector<1x16xf32> to vector<16xf32>
      %mul3A_779 = arith.constant 3.200000e+01 : f32
      %mul3A_780 = vector.broadcast %mul3A_779 : f32 to vector<16xf32>
      %mul3A_781 = arith.mulf %get3A_778, %mul3A_780 : vector<16xf32>
      %swap3A_782 = arith.index_cast %scan3A_91 : i32 to index
      %swap3A_783 = arith.constant 912 : index
      %swap3A_784 = tpu.vector_load %arg6[%swap3A_782, %swap3A_783] {strides = array<i32>} : memref<32x1024xf32, #tpu.memory_space<vmem>>, vector<1x16xf32>,
      %swap3A_785 = vector.shape_cast %swap3A_784 : vector<1x16xf32> to vector<16xf32>
      %swap3A_786 = vector.shape_cast %mul3A_781 : vector<16xf32> to vector<1x16xf32>
      tpu.vector_store %arg6[%swap3A_782, %swap3A_783], %swap3A_786 {strides = array<i32>} : memref<32x1024xf32, #tpu.memory_space<vmem>>, vector<1x16xf32>,
      %get3A_787 = arith.index_cast %scan3A_91 : i32 to index
      %get3A_788 = arith.constant 928 : index
      %get3A_789 = tpu.vector_load %arg6[%get3A_787, %get3A_788] {strides = array<i32>} : memref<32x1024xf32, #tpu.memory_space<vmem>>, vector<1x16xf32>,
      %get3A_790 = vector.shape_cast %get3A_789 : vector<1x16xf32> to vector<16xf32>
      %mul3A_791 = arith.constant 3.200000e+01 : f32
      %mul3A_792 = vector.broadcast %mul3A_791 : f32 to vector<16xf32>
      %mul3A_793 = arith.mulf %get3A_790, %mul3A_792 : vector<16xf32>
      %swap3A_794 = arith.index_cast %scan3A_91 : i32 to index
      %swap3A_795 = arith.constant 928 : index
      %swap3A_796 = tpu.vector_load %arg6[%swap3A_794, %swap3A_795] {strides = array<i32>} : memref<32x1024xf32, #tpu.memory_space<vmem>>, vector<1x16xf32>,
      %swap3A_797 = vector.shape_cast %swap3A_796 : vector<1x16xf32> to vector<16xf32>
      %swap3A_798 = vector.shape_cast %mul3A_793 : vector<16xf32> to vector<1x16xf32>
      tpu.vector_store %arg6[%swap3A_794, %swap3A_795], %swap3A_798 {strides = array<i32>} : memref<32x1024xf32, #tpu.memory_space<vmem>>, vector<1x16xf32>,
      %get3A_799 = arith.index_cast %scan3A_91 : i32 to index
      %get3A_800 = arith.constant 944 : index
      %get3A_801 = tpu.vector_load %arg6[%get3A_799, %get3A_800] {strides = array<i32>} : memref<32x1024xf32, #tpu.memory_space<vmem>>, vector<1x16xf32>,
      %get3A_802 = vector.shape_cast %get3A_801 : vector<1x16xf32> to vector<16xf32>
      %mul3A_803 = arith.constant 3.200000e+01 : f32
      %mul3A_804 = vector.broadcast %mul3A_803 : f32 to vector<16xf32>
      %mul3A_805 = arith.mulf %get3A_802, %mul3A_804 : vector<16xf32>
      %swap3A_806 = arith.index_cast %scan3A_91 : i32 to index
      %swap3A_807 = arith.constant 944 : index
      %swap3A_808 = tpu.vector_load %arg6[%swap3A_806, %swap3A_807] {strides = array<i32>} : memref<32x1024xf32, #tpu.memory_space<vmem>>, vector<1x16xf32>,
      %swap3A_809 = vector.shape_cast %swap3A_808 : vector<1x16xf32> to vector<16xf32>
      %swap3A_810 = vector.shape_cast %mul3A_805 : vector<16xf32> to vector<1x16xf32>
      tpu.vector_store %arg6[%swap3A_806, %swap3A_807], %swap3A_810 {strides = array<i32>} : memref<32x1024xf32, #tpu.memory_space<vmem>>, vector<1x16xf32>,
      %get3A_811 = arith.index_cast %scan3A_91 : i32 to index
      %get3A_812 = arith.constant 960 : index
      %get3A_813 = tpu.vector_load %arg6[%get3A_811, %get3A_812] {strides = array<i32>} : memref<32x1024xf32, #tpu.memory_space<vmem>>, vector<1x16xf32>,
      %get3A_814 = vector.shape_cast %get3A_813 : vector<1x16xf32> to vector<16xf32>
      %mul3A_815 = arith.constant 3.200000e+01 : f32
      %mul3A_816 = vector.broadcast %mul3A_815 : f32 to vector<16xf32>
      %mul3A_817 = arith.mulf %get3A_814, %mul3A_816 : vector<16xf32>
      %swap3A_818 = arith.index_cast %scan3A_91 : i32 to index
      %swap3A_819 = arith.constant 960 : index
      %swap3A_820 = tpu.vector_load %arg6[%swap3A_818, %swap3A_819] {strides = array<i32>} : memref<32x1024xf32, #tpu.memory_space<vmem>>, vector<1x16xf32>,
      %swap3A_821 = vector.shape_cast %swap3A_820 : vector<1x16xf32> to vector<16xf32>
      %swap3A_822 = vector.shape_cast %mul3A_817 : vector<16xf32> to vector<1x16xf32>
      tpu.vector_store %arg6[%swap3A_818, %swap3A_819], %swap3A_822 {strides = array<i32>} : memref<32x1024xf32, #tpu.memory_space<vmem>>, vector<1x16xf32>,
      %get3A_823 = arith.index_cast %scan3A_91 : i32 to index
      %get3A_824 = arith.constant 976 : index
      %get3A_825 = tpu.vector_load %arg6[%get3A_823, %get3A_824] {strides = array<i32>} : memref<32x1024xf32, #tpu.memory_space<vmem>>, vector<1x16xf32>,
      %get3A_826 = vector.shape_cast %get3A_825 : vector<1x16xf32> to vector<16xf32>
      %mul3A_827 = arith.constant 3.200000e+01 : f32
      %mul3A_828 = vector.broadcast %mul3A_827 : f32 to vector<16xf32>
      %mul3A_829 = arith.mulf %get3A_826, %mul3A_828 : vector<16xf32>
      %swap3A_830 = arith.index_cast %scan3A_91 : i32 to index
      %swap3A_831 = arith.constant 976 : index
      %swap3A_832 = tpu.vector_load %arg6[%swap3A_830, %swap3A_831] {strides = array<i32>} : memref<32x1024xf32, #tpu.memory_space<vmem>>, vector<1x16xf32>,
      %swap3A_833 = vector.shape_cast %swap3A_832 : vector<1x16xf32> to vector<16xf32>
      %swap3A_834 = vector.shape_cast %mul3A_829 : vector<16xf32> to vector<1x16xf32>
      tpu.vector_store %arg6[%swap3A_830, %swap3A_831], %swap3A_834 {strides = array<i32>} : memref<32x1024xf32, #tpu.memory_space<vmem>>, vector<1x16xf32>,
      %get3A_835 = arith.index_cast %scan3A_91 : i32 to index
      %get3A_836 = arith.constant 992 : index
      %get3A_837 = tpu.vector_load %arg6[%get3A_835, %get3A_836] {strides = array<i32>} : memref<32x1024xf32, #tpu.memory_space<vmem>>, vector<1x16xf32>,
      %get3A_838 = vector.shape_cast %get3A_837 : vector<1x16xf32> to vector<16xf32>
      %mul3A_839 = arith.constant 3.200000e+01 : f32
      %mul3A_840 = vector.broadcast %mul3A_839 : f32 to vector<16xf32>
      %mul3A_841 = arith.mulf %get3A_838, %mul3A_840 : vector<16xf32>
      %swap3A_842 = arith.index_cast %scan3A_91 : i32 to index
      %swap3A_843 = arith.constant 992 : index
      %swap3A_844 = tpu.vector_load %arg6[%swap3A_842, %swap3A_843] {strides = array<i32>} : memref<32x1024xf32, #tpu.memory_space<vmem>>, vector<1x16xf32>,
      %swap3A_845 = vector.shape_cast %swap3A_844 : vector<1x16xf32> to vector<16xf32>
      %swap3A_846 = vector.shape_cast %mul3A_841 : vector<16xf32> to vector<1x16xf32>
      tpu.vector_store %arg6[%swap3A_842, %swap3A_843], %swap3A_846 {strides = array<i32>} : memref<32x1024xf32, #tpu.memory_space<vmem>>, vector<1x16xf32>,
      %get3A_847 = arith.index_cast %scan3A_91 : i32 to index
      %get3A_848 = arith.constant 1008 : index
      %get3A_849 = tpu.vector_load %arg6[%get3A_847, %get3A_848] {strides = array<i32>} : memref<32x1024xf32, #tpu.memory_space<vmem>>, vector<1x16xf32>,
      %get3A_850 = vector.shape_cast %get3A_849 : vector<1x16xf32> to vector<16xf32>
      %mul3A_851 = arith.constant 3.200000e+01 : f32
      %mul3A_852 = vector.broadcast %mul3A_851 : f32 to vector<16xf32>
      %mul3A_853 = arith.mulf %get3A_850, %mul3A_852 : vector<16xf32>
      %swap3A_854 = arith.index_cast %scan3A_91 : i32 to index
      %swap3A_855 = arith.constant 1008 : index
      %swap3A_856 = tpu.vector_load %arg6[%swap3A_854, %swap3A_855] {strides = array<i32>} : memref<32x1024xf32, #tpu.memory_space<vmem>>, vector<1x16xf32>,
      %swap3A_857 = vector.shape_cast %swap3A_856 : vector<1x16xf32> to vector<16xf32>
      %swap3A_858 = vector.shape_cast %mul3A_853 : vector<16xf32> to vector<1x16xf32>
      tpu.vector_store %arg6[%swap3A_854, %swap3A_855], %swap3A_858 {strides = array<i32>} : memref<32x1024xf32, #tpu.memory_space<vmem>>, vector<1x16xf32>,
      %scan3A_859 = arith.constant 0 : i32
      scf.yield %scan3A_859 : i32
    }
    %scan3A_58 = arith.constant 32 : i32
    %add3A_59 = arith.constant 480 : i32
    %add3A_60 = arith.addi %mul3A_32, %add3A_59 : i32
    %dma_start3A_61 = arith.constant 0 : i32
    %dma_start3A_62 = tpu.memref_slice %arg4[%select_n3A, %add3A_60, %dma_start3A_61] : memref<4x4096x1024xf32, #tpu.memory_space<hbm>> -> memref<1x32x1024xf32, #tpu.memory_space<hbm>>
    %dma_start3A_63 = tpu.memref_squeeze %dma_start3A_62 : memref<1x32x1024xf32, #tpu.memory_space<hbm>> -> memref<32x1024xf32, #tpu.memory_space<hbm>>
    %dma_start3A_64 = arith.constant 0 : i32
    %dma_start3A_65 = tpu.memref_slice %arg4[%select_n3A, %add3A_60, %dma_start3A_64] : memref<4x4096x1024xf32, #tpu.memory_space<hbm>> -> memref<1x32x1024xf32, #tpu.memory_space<hbm>>
    %dma_start3A_66 = tpu.memref_squeeze %dma_start3A_65 : memref<1x32x1024xf32, #tpu.memory_space<hbm>> -> memref<32x1024xf32, #tpu.memory_space<hbm>>
    tpu.enqueue_dma source(%arg6 : memref<32x1024xf32, #tpu.memory_space<vmem>>) target(%dma_start3A_66 : memref<32x1024xf32, #tpu.memory_space<hbm>>) target_semaphore(%arg12 : memref<!tpu.dma_semaphore, #tpu.memory_space<semaphore_mem>>)
    %add3A_67 = arith.constant 416 : i32
    %add3A_68 = arith.addi %mul3A_32, %add3A_67 : i32
    %dma_wait3A_69 = arith.constant 0 : i32
    %dma_wait3A_70 = tpu.memref_slice %arg4[%select_n3A, %add3A_68, %dma_wait3A_69] : memref<4x4096x1024xf32, #tpu.memory_space<hbm>> -> memref<1x32x1024xf32, #tpu.memory_space<hbm>>
    %dma_wait3A_71 = tpu.memref_squeeze %dma_wait3A_70 : memref<1x32x1024xf32, #tpu.memory_space<hbm>> -> memref<32x1024xf32, #tpu.memory_space<hbm>>
    %dma_wait3A_72 = arith.constant 0 : i32
    %dma_wait3A_73 = tpu.memref_slice %arg4[%select_n3A, %add3A_68, %dma_wait3A_72] : memref<4x4096x1024xf32, #tpu.memory_space<hbm>> -> memref<1x32x1024xf32, #tpu.memory_space<hbm>>
    %dma_wait3A_74 = tpu.memref_squeeze %dma_wait3A_73 : memref<1x32x1024xf32, #tpu.memory_space<hbm>> -> memref<32x1024xf32, #tpu.memory_space<hbm>>
    tpu.wait_dma2 semaphore(%arg13 : memref<!tpu.dma_semaphore, #tpu.memory_space<semaphore_mem>>) src(%arg7 : memref<32x1024xf32, #tpu.memory_space<vmem>>) dst(%dma_wait3A_74 : memref<32x1024xf32, #tpu.memory_space<hbm>>)
    %add3A_75 = arith.constant 448 : i32
    %add3A_76 = arith.addi %mul3A_32, %add3A_75 : i32
    %dma_wait3A_77 = arith.constant 0 : i32
    %dma_wait3A_78 = tpu.memref_slice %arg4[%select_n3A, %add3A_76, %dma_wait3A_77] : memref<4x4096x1024xf32, #tpu.memory_space<hbm>> -> memref<1x32x1024xf32, #tpu.memory_space<hbm>>
    %dma_wait3A_79 = tpu.memref_squeeze %dma_wait3A_78 : memref<1x32x1024xf32, #tpu.memory_space<hbm>> -> memref<32x1024xf32, #tpu.memory_space<hbm>>
    %dma_wait3A_80 = arith.constant 0 : i32
    %dma_wait3A_81 = tpu.memref_slice %arg4[%select_n3A, %add3A_76, %dma_wait3A_80] : memref<4x4096x1024xf32, #tpu.memory_space<hbm>> -> memref<1x32x1024xf32, #tpu.memory_space<hbm>>
    %dma_wait3A_82 = tpu.memref_squeeze %dma_wait3A_81 : memref<1x32x1024xf32, #tpu.memory_space<hbm>> -> memref<32x1024xf32, #tpu.memory_space<hbm>>
    tpu.wait_dma2 semaphore(%arg14 : memref<!tpu.dma_semaphore, #tpu.memory_space<semaphore_mem>>) src(%arg8 : memref<32x1024xf32, #tpu.memory_space<vmem>>) dst(%dma_wait3A_82 : memref<32x1024xf32, #tpu.memory_space<hbm>>)
    %add3A_83 = arith.constant 480 : i32
    %add3A_84 = arith.addi %mul3A_32, %add3A_83 : i32
    %dma_wait3A_85 = arith.constant 0 : i32
    %dma_wait3A_86 = tpu.memref_slice %arg4[%select_n3A, %add3A_84, %dma_wait3A_85] : memref<4x4096x1024xf32, #tpu.memory_space<hbm>> -> memref<1x32x1024xf32, #tpu.memory_space<hbm>>
    %dma_wait3A_87 = tpu.memref_squeeze %dma_wait3A_86 : memref<1x32x1024xf32, #tpu.memory_space<hbm>> -> memref<32x1024xf32, #tpu.memory_space<hbm>>
    %dma_wait3A_88 = arith.constant 0 : i32
    %dma_wait3A_89 = tpu.memref_slice %arg4[%select_n3A, %add3A_84, %dma_wait3A_88] : memref<4x4096x1024xf32, #tpu.memory_space<hbm>> -> memref<1x32x1024xf32, #tpu.memory_space<hbm>>
    %dma_wait3A_90 = tpu.memref_squeeze %dma_wait3A_89 : memref<1x32x1024xf32, #tpu.memory_space<hbm>> -> memref<32x1024xf32, #tpu.memory_space<hbm>>
    tpu.wait_dma2 semaphore(%arg12 : memref<!tpu.dma_semaphore, #tpu.memory_space<semaphore_mem>>) src(%arg6 : memref<32x1024xf32, #tpu.memory_space<vmem>>) dst(%dma_wait3A_90 : memref<32x1024xf32, #tpu.memory_space<hbm>>)
    return
  }
}

</mosaic_0001>

<sc_bundles>
// kernel: kernel.3.cloned.1.call-start
scs
__scs_entry_jumppad:
0x0: {  	(pc) =	sbr.rel $0x88, $3  }
0x1: {  	(tag) =	ssettag $0x0;
	lr =	simm.s32 $0x1  }
0x2: {  	[smem:$0x3F9F] =	sst lr;
	_ =	strace $0xD0000000  }
0x3: {  	_ = 	snop  }
0x4: {  	_ = 	snop  }
0x5: {  	_ = 	snop  }
0x6: {  	_ = 	snop  }
0x7: {  	_ = 	snop  }
__scs_overlays_trampoline_lowered:
0x8: {  	[smem:$0x3FAE] =	sst s0  }
0x9: {  	[smem:$0x3FAF] =	sst s1  }
0xa: {  	[smem:$0x3FB0] =	sst s2  }
0xb: {  	[smem:$0x3FB1] =	sst s3  }
0xc: {  	[smem:$0x3FB2] =	sst s4  }
0xd: {  	[smem:$0x3FB3] =	sst s5  }
0xe: {  	[smem:$0x3FB4] =	sst s6  }
0xf: {  	[smem:$0x3FB5] =	sst s7  }
0x10: {  	[smem:$0x3FB6] =	sst s8  }
0x11: {  	[smem:$0x3FB7] =	sst s9;
	s0 =	simm.s32 @!p0 $0x0  }
0x12: {  	s1 =	sld [smem:$0x3F9D];
	s0 =	simm.s32 @p0 $0x1  }
0x13: {  	[smem:$0x3FB8] =	sst s0;
	s0 =	simm.s32 @!p1 $0x0  }
0x14: {  	s2 =	sld [smem:$0x3F9C];
	s0 =	simm.s32 @p1 $0x1  }
0x15: {  	[smem:$0x3FB9] =	sst s0;
	s0 =	simm.s32 @!p2 $0x0  }
0x16: {  	s3 =	sld [smem:$0x3FDB];
	s0 =	simm.s32 @p2 $0x1  }
0x17: {  	s4 =	simm.s32 $0x1BF5;
	[smem:$0x3FBB] =	sst s0  }
0x18: {  	s0 =	sld [smem:$0x3F9E];
	_ =	swait.ge [sflag:s4], $0x0  }
0x19: {  	s7 =	sld [smem:$0x3F9F]  }
0x1a: {  	s8 =	sadd.s32 $0xFFFFE003, lr  }
0x1b: {  	s9 =	sadd.s32 $0xFFFFFEF7, lr;
	s5 =	simm.s32 $0xFFFFFFFF;
	p2 =	slt.u32 s8, $0xFFFFF086  }
0x1c: {  	p1 =	slt.u32 s9, $0xF7A;
	s5 =	simm.s32 @!p2 $0x0  }
0x1d: {  	s5 =	simm.s32 @p1 $0x1;
	p0 =	seq.s32 s7, s2  }
0x1e: {  	s7 =	smul.u32 @!p0 $0xF7A, s2;
	p2 =	seq.s32 @!p0 s5, $0x0  }
0x1f: {  	s9 =	smul.u32 $0xF7A, s1;
	s8 =	simm.s32 @!p0 $0x1BF5;
	p2 =	por !p2, p0  }
0x20: {  	[sflag:s8] =	ssyncset.s32 @!p0 $0xFFFFF086;
	s6 =	sadd.s32 @!p0 s3, s7;
	s7 =	simm.s32 @!p0 $0x108  }
0x21: {  	s3 =	sadd.s32 s3, s9;
	s6 =	sadd.s32 @!p0 $0x88, s6;
	s7 =	simm.s32 @p2 $0x1082  }
0x22: {  	[simem:s7], [sflag:s8] =	dma.local @!p0 [hbm:s6], $0xF7A  }
0x23: {  	s9 =	sor.u32 $0xD0000000, s2;
	s6 =	simm.s32 $0x108;
	_ =	swait.ge @!p0 [sflag:s8], $0x0  }
0x24: {  	s3 =	sadd.s32 $0x88, s3;
	s6 =	simm.s32 @!p1 $0x1082;
	[sflag:s4] =	ssyncset.s32 $0xFFFFF086  }
0x25: {  	[simem:s6], [sflag:s4] =	dma.local [hbm:s3], $0xF7A  }
0x26: {  	[smem:$0x3F9F] =	sst s1;
	(tag) =	ssettag s2;
	_ =	strace s9  }
0x27: {  	s1 =	sld [smem:$0x3FAF]  }
0x28: {  	s2 =	sld [smem:$0x3FB0]  }
0x29: {  	s4 =	sld [smem:$0x3FB2]  }
0x2a: {  	p0 =	seq.s32 s5, $0x0;
	s5 =	sld [smem:$0x3FB3]  }
0x2b: {  	s6 =	sld [smem:$0x3FB4]  }
0x2c: {  	s7 =	sld [smem:$0x3FB5]  }
0x2d: {  	s3 =	simm.s32 $0x108;
	s8 =	sld [smem:$0x3FB6]  }
0x2e: {  	s3 =	simm.s32 @!p0 $0x1082;
	s9 =	sld [smem:$0x3FB7]  }
0x2f: {  	lr =	sadd.s32 s0, s3;
	s0 =	sld [smem:$0x3FAE]  }
0x30: {  	s3 =	sld [smem:$0x3FB1]  }
0x31: {  	[smem:$0x3FBA] =	sst s10  }
0x32: {  	s10 =	sld [smem:$0x3FB8];
	_ =	sdelay $0x3  }
0x33: {  	p0 =	seq.s32 s10, $0x1;
	s10 =	sld [smem:$0x3FBA];
	_ =	sdelay $0x3  }
0x34: {  	[smem:$0x3FBA] =	sst s10  }
0x35: {  	s10 =	sld [smem:$0x3FB9];
	_ =	sdelay $0x3  }
0x36: {  	p1 =	seq.s32 s10, $0x1;
	s10 =	sld [smem:$0x3FBA];
	_ =	sdelay $0x3  }
0x37: {  	[smem:$0x3FBA] =	sst s10  }
0x38: {  	s10 =	sld [smem:$0x3FBB]  }
0x39: {  	_ = 	snop;
	(pc) =	sbr.ind lr, $3  }
0x3a: {  	_ = 	snop  }
0x3b: {  	_ = 	snop  }
0x3c: {  	p2 =	seq.s32 s10, $0x1;
	s10 =	sld [smem:$0x3FBA]  }
0x3d: {  	_ =	shalt  }
0x3e: {  	_ =	shalt  }
0x3f: {  	_ =	shalt  }
0x40: {  	_ =	shalt  }
0x41: {  	_ =	shalt  }
0x42: {  	_ =	shalt  }
0x43: {  	_ =	shalt  }
0x44: {  	_ =	shalt  }
0x45: {  	_ =	shalt  }
0x46: {  	_ =	shalt  }
0x47: {  	_ =	shalt  }
0x48: {  	_ =	shalt  }
0x49: {  	_ =	shalt  }
0x4a: {  	_ =	shalt  }
0x4b: {  	_ =	shalt  }
0x4c: {  	_ =	shalt  }
0x4d: {  	_ =	shalt  }
0x4e: {  	_ =	shalt  }
0x4f: {  	_ =	shalt  }
0x50: {  	_ =	shalt  }
0x51: {  	_ =	shalt  }
0x52: {  	_ =	shalt  }
0x53: {  	_ =	shalt  }
0x54: {  	_ =	shalt  }
0x55: {  	_ =	shalt  }
0x56: {  	_ =	shalt  }
0x57: {  	_ =	shalt  }
0x58: {  	_ =	shalt  }
0x59: {  	_ =	shalt  }
0x5a: {  	_ =	shalt  }
0x5b: {  	_ =	shalt  }
0x5c: {  	_ =	shalt  }
0x5d: {  	_ =	shalt  }
0x5e: {  	_ =	shalt  }
0x5f: {  	_ =	shalt  }
0x60: {  	_ =	shalt  }
0x61: {  	_ =	shalt  }
0x62: {  	_ =	shalt  }
0x63: {  	_ =	shalt  }
0x64: {  	_ =	shalt  }
0x65: {  	_ =	shalt  }
0x66: {  	_ =	shalt  }
0x67: {  	_ =	shalt  }
0x68: {  	_ =	shalt  }
0x69: {  	_ =	shalt  }
0x6a: {  	_ =	shalt  }
0x6b: {  	_ =	shalt  }
0x6c: {  	_ =	shalt  }
0x6d: {  	_ =	shalt  }
0x6e: {  	_ =	shalt  }
0x6f: {  	_ =	shalt  }
0x70: {  	_ =	shalt  }
0x71: {  	_ =	shalt  }
0x72: {  	_ =	shalt  }
0x73: {  	_ =	shalt  }
0x74: {  	_ =	shalt  }
0x75: {  	_ =	shalt  }
0x76: {  	_ =	shalt  }
0x77: {  	_ =	shalt  }
0x78: {  	_ =	shalt  }
0x79: {  	_ =	shalt  }
0x7a: {  	_ =	shalt  }
0x7b: {  	_ =	shalt  }
0x7c: {  	_ =	shalt  }
0x7d: {  	_ =	shalt  }
0x7e: {  	_ =	shalt  }
0x7f: {  	_ =	shalt  }
0x80: {  	_ =	shalt  }
0x81: {  	_ =	shalt  }
0x82: {  	_ =	shalt  }
0x83: {  	_ =	shalt  }
0x84: {  	_ =	shalt  }
0x85: {  	_ =	shalt  }
0x86: {  	_ =	shalt  }
0x87: {  	_ =	shalt  }
.Lfunc_end0:
.L_simem_size_0:
called_computation_lowered:
.L_overlay_start_0:
0x88: {  	s2 =	sld [smem:$0x3FD9]  }
0x89: {  	s3 =	sld [smem:$0x3FFE];
	_ =	sdelay $0x1  }
0x8a: {  	s1 =	srdreg.scid  }
0x8b: {  	s0 =	sand.u32 $0x1, s1  }
0x8c: {  	s18 =	sshll.u32 s0, $0xA;
	s2 =	sadd.s32 s3, s2  }
0x8d: {  	s2 =	sadd.s32 s2, s18  }
0x8e: {  	[smem:$0x3FC6] =	sst s2  }
0x8f: {  	_ = 	snop  }
0x90: {  	s2 =	sld [smem:$0x3FC9]  }
0x91: {  	s19 =	sld [smem:$0x3FC8]  }
0x92: {  	s4 =	sld [smem:$0x3FD0];
	(tm) =	ssettm $0x1  }
0x93: {  	s5 =	sld [smem:$0x3FFB];
	_ =	sdelay $0x3  }
0x94: {  	_ =	strace s5  }
0x95: {  	s5 =	sld [smem:$0x3FFC];
	_ =	sdelay $0x3  }
0x96: {  	_ =	strace s5  }
0x97: {  	s5 =	sld [smem:$0x3FFD];
	_ =	sdelay $0x3  }
0x98: {  	_ =	strace s5  }
0x99: {  	_ =	strace $0x8FFFFFFF  }
0x9a: {  	s20 =	sld [smem:$0x3FDB];
	_ =	sdelay $0x1  }
0x9b: {  	s6 =	simm.s32 $_scs_section_size  }
0x9c: {  	s7 =	simm.s32 $_size__tile_overlayer_lowered;
	s8 =	simm.s32 $_tile_overlayer_lowered  }
0x9d: {  	s23 =	simm.s32 $0x1BFF;
	s22 =	sshll.u32 s8, $0x1;
	s5 =	sadd.s32 s6, s20  }
0x9e: {  	s9 =	simm.s32 $0x0;
	s21 =	sshll.u32 s7, $0x1;
	s7 =	sadd.s32 s22, s5  }
0x9f: {  	[timem:s9], [sflag:s23] =	dma.local [hbm:s7], s21  }
0xa0: {  	_ =	swait.ge [sflag:s23], s21  }
0xa1: {  	s6 =	ssub.s32 $0x0, s21;
	[sflag:s23] =	ssyncset.done $0x0  }
0xa2: {  	[sflag:s23] =	ssyncadd.s32 s6;
	_ =	sdelay $0x1  }
0xa3: {  	s24 =	simm.s32 $0x1B8B  }
0xa4: {  	_ =	swait.ge [sflag:s24], $0x1  }
0xa5: {  	[sflag:s24] =	ssyncset.done $0x0  }
0xa6: {  	s25 =	simm.s32 $0x1B8E;
	[sflag:s24] =	ssyncadd.s32 $0xFFFFFFFF  }
0xa7: {  	s26 =	simm.s32 $execute0_lowered;
	[smem:$0x3FD2] =	sst s25  }
0xa8: {  	s6 =	sshll.u32 s26, $0x1;
	_ =	strace $0x80000046;
	[dreg:$0x1] =	wrdreg $0xFFFFFFFF  }
0xa9: {  	s28 =	simm.s32 $_size_execute0_lowered;
	s5 =	sadd.s32 s5, s6;
	[dreg:$0x0] =	wrdreg $0x0  }
0xaa: {  	s6 =	sshll.u32 s28, $0x1;
	[dreg:$0x2] =	wrdreg s5  }
0xab: {  	[dreg:$0x3] =	wrdreg s6  }
0xac: {  	[dreg:$0x4] =	wrdreg $0xC0  }
0xad: {  	_ =	task [dreg:s9], $0x5FFFF  }
0xae: {  	[dreg:$0x1] =	wrdreg $0xFFFFFFFF  }
0xaf: {  	[dreg:$0x0] =	wrdreg $0x60  }
0xb0: {  	[dreg:$0x2] =	wrdreg s2  }
0xb1: {  	[dreg:$0x3] =	wrdreg s19  }
0xb2: {  	[dreg:$0x4] =	wrdreg s4  }
0xb3: {  	[dreg:$0x5] =	wrdreg $0x9  }
0xb4: {  	_ =	task.clear_ibuf [dreg:s9], $0x6FFFF;
	_ =	strace $0x90000046  }
0xb5: {  	s29 =	simm.s32 $0x9;
	_ =	strace $0x80000048  }
0xb6: {  	_ =	swait.ge [sflag:s29], $0x1  }
0xb7: {  	[sflag:s29] =	ssyncadd.s32 $0xFFFFFFFF  }
0xb8: {  	_ =	strace $0x90000048  }
0xb9: {  	_ =	sfence  }
0xba: {  	s30 =	sld [smem:$0x0];
	_ =	sdelay $0x2  }
0xbb: {  	s31 =	sshll.u32 s1, $0xD;
	s1 =	sshrl.u32 s1, $0x2  }
0xbc: {  	s3 =	sand.u32 $0x4000, s31;
	s1 =	sadd.s32 s1, s30  }
0xbd: {  	s0 =	sor.u32 s3, s0;
	s1 =	sshll.u32 s1, $0x11  }
0xbe: {  	s0 =	sor.u32 s1, s0  }
0xbf: {  	s0 =	sadd.s32 $0x8F2B, s0  }
0xc0: {  	[sflag:s0] =	ssyncadd.remote.s32 $0x1  }
0xc1: {  	_ =	sfence.sel $0xFFFF  }
0xc2: {  	[dreg:$0x0] =	wrdreg $0xFFFFFFFF;
	(pc) =	sbr.abs _section_cstart, $3  }
0xc3: {  	[dreg:$0x1] =	wrdreg $0xFFFFFFFF  }
0xc4: {  	_ =	task.clear_ibuf [dreg:s9], $0x2FFFF;
	_ =	strace $0x9FFFFFFF  }
0xc5: {  	(tm) =	ssettm $0x7FFFFFFF  }
tec
execute0_lowered:
.L_overlay_start_1:
0x0: {  	(tag) =	ssettag $0x1  }
0x1: {  	s0 =	rddreg [dreg:$0x0]  }
0x2: {  	s1 =	rddreg [dreg:$0x1]  }
0x3: {  	s3 =	rddreg [dreg:$0x2];
	s4 =	simm.s32 $0x0  }
0x4: {  	s6 =	stileid.u32;
	s2 =	srdreg.scid;
	s14 =	simm.s32 $0x200  }
0x5: {  	s30 =	simm.s32 $0x1;
	s31 =	simm.s32 $0x10200;
	s28 =	simm.s32 $0x17200  }
0x6: {  	s29 =	simm.s32 $0x17A00;
	s11 =	simm.s32 $0x3;
	s15 =	simm.s32 $0x6  }
0x7: {  	s13 =	simm.s32 $0x0;
	[smem:$0x7FF] =	sst s4;
	s5 =	sshll.u32 s6, $0x1  }
0x8: {  	s2 =	sand.u32 $0x1, s2;
	s8 =	sshrl.u32 s6, $0x2;
	s6 =	sadd.s32 $0x100, s1  }
0x9: {  	_ =	strace $0x80000047;
	s5 =	sand.u32 $0x6, s5;
	s20 =	ssub.s32 $0x2, s2  }
0xa: {  	s21 =	sshll.u32 s8, $0x4;
	s23 =	sshll.u32 s8, $0x16;
	s8 =	sshll.u32 s8, $0x13  }
0xb: {  	s2 =	sor.u32 s2, s5;
	s7 =	sshrl.u32 s20, $0x1;
	s0 =	sadd.s32 s0, s21  }
0xc: {  	s10 =	sadd.s32 s8, s3;
	s8 =	sadd.s32 $0x300, s1;
	s5 =	simm.s32 $0x2  }
0xd: {  	s9 =	sshll.u32 s2, $0x8;
	s22 =	ssub.s32 s20, s7;
	s7 =	sadd.s32 $0x200, s1  }
0xe: {  	s24 =	sshll.u32 s2, $0x13;
	s2 =	sshll.u32 s2, $0x10;
	s0 =	sadd.s32 s9, s0  }
0xf: {  	s9 =	sor.u32 s23, s24;
	s25 =	sadd.s32 s2, s10;
	s26 =	smax.u32 s22, $0x1  }
0x10: {  	v2 =	vlaneseq.u32;
	s24 =	simm.s32 $0x15A00;
	[dreg:$0x4] =	wrdreg s0;
	s10 =	sor.u32 $0x8000, s9  }
0x11: {  	vm0 =	vmmov $0xffff;
	v1 =	vshrl.u32 v2, $0x3;
	s0 =	sadd.s32 $0xF000, s25;
	[dreg:$0x6] =	wrdreg s26;
	s25 =	simm.s32 $0x16200  }
0x12: {  	v0 =	vand.u32 $0x7, v2;
	v2 =	vor.u32 $0x8, v2;
	v1 =	vmul.u32 $0x8, v1;
	s26 =	simm.s32 $0x16A00;
	[dreg:$0x5] =	wrdreg s0;
	s0 =	simm.s32 $0x8200  }
.LBB2_1:
0x13: {  	[dreg:$0x7] =	wrdreg s13  }
0x14: {  	s2 =	rddreg [dreg:$0x4];
	s12 =	simm.s32 $0x80;
	s23 =	simm.s32 $0x7  }
0x15: {  	[tilespmem:s4], [sflag:$0x7] =	stream.strided.gather [hbm4b:s2+s12], $0x200, s14, s12, $0x38;
	[tilespmem:$0x18200] =	vst v63  }
0x16: {  	_ =	swait.ge [sflag:s23], $0x200  }
0x17: {  	[sflag:s23] =	ssyncset.done $0x0  }
0x18: {  	[sflag:s23] =	ssyncadd.s32 $0xFFFFFE00  }
0x19: {  	v3 =	vld [tilespmem:$0x0];
	_ =	sdelay $0x4  }
0x1a: {  	v4 =	vshll.u32 v3, $0x3  }
0x1b: {  	v3 =	vand.u32 $0x7, v3;
	v4 =	vand.u32 $0xFFFFFFC0, v4  }
0x1c: {  	v3 =	vor.u32 v3, v4  }
0x1d: {  	v4 =	vperm.xlane v3, v0;
	_ =	sdelay $0x1  }
0x1e: {  	v4 =	vadd.s32 v1, v4;
	_ =	sdelay $0x4  }
0x1f: {  	[tilespmem:s14], [sflag:$0x1] =	stream.indirect_vreg.gather [hbm4b:s1+s4], $0x80, v4, vm0, $0xb8;
	[tilespmem:$0x18200] =	vst v63  }
0x20: {  	s12 =	simm.s32 $0xA00;
	v3 =	vperm.xlane v3, v2  }
0x21: {  	[tilespmem:s12], [sflag:$0x1] =	stream.indirect_vreg.gather [hbm4b:s6+s4], $0x80, v4, vm0, $0xb8;
	[tilespmem:$0x18200] =	vst v63  }
0x22: {  	s13 =	simm.s32 $0x1200;
	v3 =	vadd.s32 v1, v3  }
0x23: {  	[tilespmem:s13], [sflag:$0x1] =	stream.indirect_vreg.gather [hbm4b:s7+s4], $0x80, v4, vm0, $0xb8;
	[tilespmem:$0x18200] =	vst v63  }
0x24: {  	s16 =	simm.s32 $0x1A00  }
0x25: {  	[tilespmem:s16], [sflag:$0x1] =	stream.indirect_vreg.gather [hbm4b:s8+s4], $0x80, v4, vm0, $0xb8;
	[tilespmem:$0x18200] =	vst v63  }
0x26: {  	s17 =	simm.s32 $0x2200  }
0x27: {  	[tilespmem:s17], [sflag:$0x1] =	stream.indirect_vreg.gather [hbm4b:s1+s4], $0x80, v3, vm0, $0xb8;
	[tilespmem:$0x18200] =	vst v63  }
0x28: {  	s18 =	simm.s32 $0x2A00  }
0x29: {  	[tilespmem:s18], [sflag:$0x1] =	stream.indirect_vreg.gather [hbm4b:s6+s4], $0x80, v3, vm0, $0xb8;
	[tilespmem:$0x18200] =	vst v63  }
0x2a: {  	s19 =	simm.s32 $0x3200  }
0x2b: {  	[tilespmem:s19], [sflag:$0x1] =	stream.indirect_vreg.gather [hbm4b:s7+s4], $0x80, v3, vm0, $0xb8;
	[tilespmem:$0x18200] =	vst v63  }
0x2c: {  	s20 =	simm.s32 $0x3A00  }
0x2d: {  	[tilespmem:s20], [sflag:$0x1] =	stream.indirect_vreg.gather [hbm4b:s8+s4], $0x80, v3, vm0, $0xb8;
	[tilespmem:$0x18200] =	vst v63  }
0x2e: {  	v3 =	vld [tilespmem:$0x10];
	_ =	sdelay $0x4  }
0x2f: {  	v61 =	vshll.u32 v3, $0x3  }
0x30: {  	v3 =	vand.u32 $0x7, v3;
	v4 =	vand.u32 $0xFFFFFFC0, v61  }
0x31: {  	v3 =	vor.u32 v3, v4  }
0x32: {  	v4 =	vperm.xlane v3, v0;
	_ =	sdelay $0x1  }
0x33: {  	v4 =	vadd.s32 v1, v4;
	_ =	sdelay $0x3  }
0x34: {  	s21 =	simm.s32 $0x4200  }
0x35: {  	[tilespmem:s21], [sflag:$0x1] =	stream.indirect_vreg.gather [hbm4b:s1+s4], $0x80, v4, vm0, $0xb8;
	[tilespmem:$0x18200] =	vst v63  }
0x36: {  	s22 =	simm.s32 $0x4A00;
	v3 =	vperm.xlane v3, v2  }
0x37: {  	[tilespmem:s22], [sflag:$0x1] =	stream.indirect_vreg.gather [hbm4b:s6+s4], $0x80, v4, vm0, $0xb8;
	[tilespmem:$0x18200] =	vst v63  }
0x38: {  	s23 =	simm.s32 $0x5200;
	v3 =	vadd.s32 v1, v3  }
0x39: {  	[tilespmem:s23], [sflag:$0x1] =	stream.indirect_vreg.gather [hbm4b:s7+s4], $0x80, v4, vm0, $0xb8;
	[tilespmem:$0x18200] =	vst v63  }
0x3a: {  	s12 =	simm.s32 $0x5A00  }
0x3b: {  	[tilespmem:s12], [sflag:$0x1] =	stream.indirect_vreg.gather [hbm4b:s8+s4], $0x80, v4, vm0, $0xb8;
	[tilespmem:$0x18200] =	vst v63  }
0x3c: {  	s13 =	simm.s32 $0x6200  }
0x3d: {  	[tilespmem:s13], [sflag:$0x1] =	stream.indirect_vreg.gather [hbm4b:s1+s4], $0x80, v3, vm0, $0xb8;
	[tilespmem:$0x18200] =	vst v63  }
0x3e: {  	s16 =	simm.s32 $0x6A00  }
0x3f: {  	[tilespmem:s16], [sflag:$0x1] =	stream.indirect_vreg.gather [hbm4b:s6+s4], $0x80, v3, vm0, $0xb8;
	[tilespmem:$0x18200] =	vst v63  }
0x40: {  	s17 =	simm.s32 $0x7200  }
0x41: {  	[tilespmem:s17], [sflag:$0x1] =	stream.indirect_vreg.gather [hbm4b:s7+s4], $0x80, v3, vm0, $0xb8;
	[tilespmem:$0x18200] =	vst v63  }
0x42: {  	s18 =	simm.s32 $0x7A00  }
0x43: {  	[tilespmem:s18], [sflag:$0x1] =	stream.indirect_vreg.gather [hbm4b:s8+s4], $0x80, v3, vm0, $0xb8;
	[tilespmem:$0x18200] =	vst v63  }
0x44: {  	v3 =	vld [tilespmem:$0x20];
	_ =	sdelay $0x4  }
0x45: {  	v62 =	vshll.u32 v3, $0x3  }
0x46: {  	v3 =	vand.u32 $0x7, v3;
	v4 =	vand.u32 $0xFFFFFFC0, v62  }
0x47: {  	v3 =	vor.u32 v3, v4  }
0x48: {  	v4 =	vperm.xlane v3, v0;
	_ =	sdelay $0x1  }
0x49: {  	v4 =	vadd.s32 v1, v4;
	_ =	sdelay $0x4  }
0x4a: {  	[tilespmem:s0], [sflag:$0x2] =	stream.indirect_vreg.gather [hbm4b:s1+s4], $0x80, v4, vm0, $0xb8;
	[tilespmem:$0x18200] =	vst v63  }
0x4b: {  	s19 =	simm.s32 $0x8A00;
	v3 =	vperm.xlane v3, v2  }
0x4c: {  	[tilespmem:s19], [sflag:$0x2] =	stream.indirect_vreg.gather [hbm4b:s6+s4], $0x80, v4, vm0, $0xb8;
	[tilespmem:$0x18200] =	vst v63  }
0x4d: {  	s20 =	simm.s32 $0x9200;
	v3 =	vadd.s32 v1, v3  }
0x4e: {  	[tilespmem:s20], [sflag:$0x2] =	stream.indirect_vreg.gather [hbm4b:s7+s4], $0x80, v4, vm0, $0xb8;
	[tilespmem:$0x18200] =	vst v63  }
0x4f: {  	s21 =	simm.s32 $0x9A00  }
0x50: {  	[tilespmem:s21], [sflag:$0x2] =	stream.indirect_vreg.gather [hbm4b:s8+s4], $0x80, v4, vm0, $0xb8;
	[tilespmem:$0x18200] =	vst v63  }
0x51: {  	s22 =	simm.s32 $0xA200  }
0x52: {  	[tilespmem:s22], [sflag:$0x2] =	stream.indirect_vreg.gather [hbm4b:s1+s4], $0x80, v3, vm0, $0xb8;
	[tilespmem:$0x18200] =	vst v63  }
0x53: {  	s23 =	simm.s32 $0xAA00  }
0x54: {  	[tilespmem:s23], [sflag:$0x2] =	stream.indirect_vreg.gather [hbm4b:s6+s4], $0x80, v3, vm0, $0xb8;
	[tilespmem:$0x18200] =	vst v63  }
0x55: {  	s12 =	simm.s32 $0xB200  }
0x56: {  	[tilespmem:s12], [sflag:$0x2] =	stream.indirect_vreg.gather [hbm4b:s7+s4], $0x80, v3, vm0, $0xb8;
	[tilespmem:$0x18200] =	vst v63  }
0x57: {  	s13 =	simm.s32 $0xBA00  }
0x58: {  	[tilespmem:s13], [sflag:$0x2] =	stream.indirect_vreg.gather [hbm4b:s8+s4], $0x80, v3, vm0, $0xb8;
	[tilespmem:$0x18200] =	vst v63  }
0x59: {  	v3 =	vld [tilespmem:$0x30];
	_ =	sdelay $0x4  }
0x5a: {  	v63 =	vshll.u32 v3, $0x3  }
0x5b: {  	v3 =	vand.u32 $0x7, v3;
	v4 =	vand.u32 $0xFFFFFFC0, v63  }
0x5c: {  	v3 =	vor.u32 v3, v4  }
0x5d: {  	v4 =	vperm.xlane v3, v0;
	_ =	sdelay $0x1  }
0x5e: {  	v4 =	vadd.s32 v1, v4;
	_ =	sdelay $0x3  }
0x5f: {  	s16 =	simm.s32 $0xC200  }
0x60: {  	[tilespmem:s16], [sflag:$0x2] =	stream.indirect_vreg.gather [hbm4b:s1+s4], $0x80, v4, vm0, $0xb8;
	[tilespmem:$0x18200] =	vst v63  }
0x61: {  	s17 =	simm.s32 $0xCA00;
	v3 =	vperm.xlane v3, v2  }
0x62: {  	[tilespmem:s17], [sflag:$0x2] =	stream.indirect_vreg.gather [hbm4b:s6+s4], $0x80, v4, vm0, $0xb8;
	[tilespmem:$0x18200] =	vst v63  }
0x63: {  	s18 =	simm.s32 $0xD200;
	v3 =	vadd.s32 v1, v3  }
0x64: {  	[tilespmem:s18], [sflag:$0x2] =	stream.indirect_vreg.gather [hbm4b:s7+s4], $0x80, v4, vm0, $0xb8;
	[tilespmem:$0x18200] =	vst v63  }
0x65: {  	s19 =	simm.s32 $0xDA00  }
0x66: {  	[tilespmem:s19], [sflag:$0x2] =	stream.indirect_vreg.gather [hbm4b:s8+s4], $0x80, v4, vm0, $0xb8;
	[tilespmem:$0x18200] =	vst v63  }
0x67: {  	s20 =	simm.s32 $0xE200  }
0x68: {  	[tilespmem:s20], [sflag:$0x2] =	stream.indirect_vreg.gather [hbm4b:s1+s4], $0x80, v3, vm0, $0xb8;
	[tilespmem:$0x18200] =	vst v63  }
0x69: {  	s21 =	simm.s32 $0xEA00  }
0x6a: {  	[tilespmem:s21], [sflag:$0x2] =	stream.indirect_vreg.gather [hbm4b:s6+s4], $0x80, v3, vm0, $0xb8;
	[tilespmem:$0x18200] =	vst v63  }
0x6b: {  	s22 =	simm.s32 $0xF200  }
0x6c: {  	[tilespmem:s22], [sflag:$0x2] =	stream.indirect_vreg.gather [hbm4b:s7+s4], $0x80, v3, vm0, $0xb8;
	[tilespmem:$0x18200] =	vst v63  }
0x6d: {  	s23 =	simm.s32 $0xFA00;
	s12 =	simm.s32 $0x0  }
0x6e: {  	[tilespmem:s23], [sflag:$0x2] =	stream.indirect_vreg.gather [hbm4b:s8+s4], $0x80, v3, vm0, $0xb8;
	[tilespmem:$0x18200] =	vst v63  }
.LBB2_2:
0x6f: {  	_ =	swait.ge [sflag:s30], $0x8000  }
0x70: {  	s2 =	simm.s32 $0x0;
	s13 =	simm.s32 $0xFFFF8000;
	[sflag:s30] =	ssyncset.done $0x0  }
0x71: {  	s16 =	simm.s32 $0x0;
	s17 =	simm.s32 $0x0;
	[sflag:s30] =	ssyncadd.s32 $0xFFFF8000  }
.LBB2_3:
0x72: {  	s18 =	sadd.s32 $0x8000, s13  }
0x73: {  	s19 =	sand.u32 $0x380, s17;
	s18 =	sand.u32 $0x6000, s18  }
0x74: {  	s18 =	sor.u32 s19, s18  }
0x75: {  	v3 =	vld [tilespmem:s18+$0x200]  }
0x76: {  	v4 =	vld [tilespmem:s18+$0x210]  }
0x77: {  	v6 =	vld [tilespmem:s18+$0x230]  }
0x78: {  	v8 =	vld [tilespmem:s18+$0x260]  }
0x79: {  	v5 =	vld [tilespmem:s18+$0x220]  }
0x7a: {  	v43 =	vld [tilespmem:s18+$0x600];
	v3 =	vmul.f32 $3.200000000e+01, v3  }
0x7b: {  	v7 =	vld [tilespmem:s18+$0x250];
	v4 =	vmul.f32 $3.200000000e+01, v4  }
0x7c: {  	v46 =	vld [tilespmem:s18+$0x620];
	v44 =	vmul.f32 $3.200000000e+01, v6;
	[tilespmem:s18+$0x200] =	vst v3  }
0x7d: {  	v9 =	vld [tilespmem:s18+$0x270];
	v47 =	vmul.f32 $3.200000000e+01, v8;
	[tilespmem:s18+$0x210] =	vst v4  }
0x7e: {  	v49 =	vld [tilespmem:s18+$0x650];
	v3 =	vmul.f32 $3.200000000e+01, v5;
	[tilespmem:s18+$0x230] =	vst v44  }
0x7f: {  	v45 =	vld [tilespmem:s18+$0x610];
	v50 =	vmul.f32 $3.200000000e+01, v43;
	[tilespmem:s18+$0x260] =	vst v47  }
0x80: {  	v52 =	vld [tilespmem:s18+$0x670];
	[tilespmem:s18+$0x220] =	vst v3;
	v3 =	vmul.f32 $3.200000000e+01, v7  }
0x81: {  	v48 =	vld [tilespmem:s18+$0x630];
	v53 =	vmul.f32 $3.200000000e+01, v46;
	[tilespmem:s18+$0x600] =	vst v50  }
0x82: {  	v55 =	vld [tilespmem:s18+$0xA10];
	[tilespmem:s18+$0x250] =	vst v3;
	v3 =	vmul.f32 $3.200000000e+01, v9  }
0x83: {  	v51 =	vld [tilespmem:s18+$0x660];
	v56 =	vmul.f32 $3.200000000e+01, v49;
	[tilespmem:s18+$0x620] =	vst v53  }
0x84: {  	v58 =	vld [tilespmem:s18+$0xA30];
	[tilespmem:s18+$0x270] =	vst v3;
	v3 =	vmul.f32 $3.200000000e+01, v45  }
0x85: {  	v54 =	vld [tilespmem:s18+$0xA00];
	v59 =	vmul.f32 $3.200000000e+01, v52;
	[tilespmem:s18+$0x650] =	vst v56  }
0x86: {  	v61 =	vld [tilespmem:s18+$0xA60];
	[tilespmem:s18+$0x610] =	vst v3;
	v3 =	vmul.f32 $3.200000000e+01, v48  }
0x87: {  	v57 =	vld [tilespmem:s18+$0xA20];
	v62 =	vmul.f32 $3.200000000e+01, v55;
	[tilespmem:s18+$0x670] =	vst v59  }
0x88: {  	v12 =	vld [tilespmem:s18+$0xE00];
	[tilespmem:s18+$0x630] =	vst v3;
	v3 =	vmul.f32 $3.200000000e+01, v51  }
0x89: {  	v60 =	vld [tilespmem:s18+$0xA50];
	v13 =	vmul.f32 $3.200000000e+01, v58;
	[tilespmem:s18+$0xA10] =	vst v62  }
0x8a: {  	v15 =	vld [tilespmem:s18+$0xE20];
	[tilespmem:s18+$0x660] =	vst v3;
	v3 =	vmul.f32 $3.200000000e+01, v54  }
0x8b: {  	v63 =	vld [tilespmem:s18+$0xA70];
	v16 =	vmul.f32 $3.200000000e+01, v61;
	[tilespmem:s18+$0xA30] =	vst v13  }
0x8c: {  	v18 =	vld [tilespmem:s18+$0xE50];
	[tilespmem:s18+$0xA00] =	vst v3;
	v3 =	vmul.f32 $3.200000000e+01, v57  }
0x8d: {  	v14 =	vld [tilespmem:s18+$0xE10];
	v19 =	vmul.f32 $3.200000000e+01, v12;
	[tilespmem:s18+$0xA60] =	vst v16  }
0x8e: {  	v21 =	vld [tilespmem:s18+$0xE70];
	[tilespmem:s18+$0xA20] =	vst v3;
	v3 =	vmul.f32 $3.200000000e+01, v60  }
0x8f: {  	v17 =	vld [tilespmem:s18+$0xE30];
	v22 =	vmul.f32 $3.200000000e+01, v15;
	[tilespmem:s18+$0xE00] =	vst v19  }
0x90: {  	v24 =	vld [tilespmem:s18+$0x1210];
	[tilespmem:s18+$0xA50] =	vst v3;
	v3 =	vmul.f32 $3.200000000e+01, v63  }
0x91: {  	v20 =	vld [tilespmem:s18+$0xE60];
	v25 =	vmul.f32 $3.200000000e+01, v18;
	[tilespmem:s18+$0xE20] =	vst v22  }
0x92: {  	v27 =	vld [tilespmem:s18+$0x1230];
	[tilespmem:s18+$0xA70] =	vst v3;
	v3 =	vmul.f32 $3.200000000e+01, v14  }
0x93: {  	v23 =	vld [tilespmem:s18+$0x1200];
	v28 =	vmul.f32 $3.200000000e+01, v21;
	[tilespmem:s18+$0xE50] =	vst v25  }
0x94: {  	v30 =	vld [tilespmem:s18+$0x1260];
	[tilespmem:s18+$0xE10] =	vst v3;
	v3 =	vmul.f32 $3.200000000e+01, v17  }
0x95: {  	v26 =	vld [tilespmem:s18+$0x1220];
	v31 =	vmul.f32 $3.200000000e+01, v24;
	[tilespmem:s18+$0xE70] =	vst v28  }
0x96: {  	v33 =	vld [tilespmem:s18+$0x1600];
	[tilespmem:s18+$0xE30] =	vst v3;
	v3 =	vmul.f32 $3.200000000e+01, v20  }
0x97: {  	v29 =	vld [tilespmem:s18+$0x1250];
	v34 =	vmul.f32 $3.200000000e+01, v27;
	[tilespmem:s18+$0x1210] =	vst v31  }
0x98: {  	v36 =	vld [tilespmem:s18+$0x1620];
	[tilespmem:s18+$0xE60] =	vst v3;
	v3 =	vmul.f32 $3.200000000e+01, v23  }
0x99: {  	v32 =	vld [tilespmem:s18+$0x1270];
	v37 =	vmul.f32 $3.200000000e+01, v30;
	[tilespmem:s18+$0x1230] =	vst v34  }
0x9a: {  	v39 =	vld [tilespmem:s18+$0x1650];
	[tilespmem:s18+$0x1200] =	vst v3;
	v3 =	vmul.f32 $3.200000000e+01, v26  }
0x9b: {  	v35 =	vld [tilespmem:s18+$0x1610];
	v40 =	vmul.f32 $3.200000000e+01, v33;
	[tilespmem:s18+$0x1260] =	vst v37  }
0x9c: {  	v42 =	vld [tilespmem:s18+$0x1670];
	[tilespmem:s18+$0x1220] =	vst v3;
	v3 =	vmul.f32 $3.200000000e+01, v29  }
0x9d: {  	v38 =	vld [tilespmem:s18+$0x1630];
	v43 =	vmul.f32 $3.200000000e+01, v36;
	[tilespmem:s18+$0x1600] =	vst v40  }
0x9e: {  	v47 =	vld [tilespmem:s18+$0x1A20];
	[tilespmem:s18+$0x1250] =	vst v3;
	v3 =	vmul.f32 $3.200000000e+01, v32  }
0x9f: {  	v41 =	vld [tilespmem:s18+$0x1660];
	v46 =	vmul.f32 $3.200000000e+01, v39;
	[tilespmem:s18+$0x1620] =	vst v43  }
0xa0: {  	v50 =	vld [tilespmem:s18+$0x1A50];
	[tilespmem:s18+$0x1270] =	vst v3;
	v3 =	vmul.f32 $3.200000000e+01, v35  }
0xa1: {  	v49 =	vmul.f32 $3.200000000e+01, v42;
	v44 =	vld [tilespmem:s18+$0x1A00];
	[tilespmem:s18+$0x1650] =	vst v46  }
0xa2: {  	v53 =	vld [tilespmem:s18+$0x1A70];
	[tilespmem:s18+$0x1610] =	vst v3;
	v3 =	vmul.f32 $3.200000000e+01, v38  }
0xa3: {  	[tilespmem:s18+$0x1670] =	vst v49;
	v7 =	vmul.f32 $3.200000000e+01, v47;
	v45 =	vld [tilespmem:s18+$0x1A10]  }
0xa4: {  	v48 =	vld [tilespmem:s18+$0x1A30];
	[tilespmem:s18+$0x1630] =	vst v3;
	v3 =	vmul.f32 $3.200000000e+01, v41  }
0xa5: {  	v9 =	vmul.f32 $3.200000000e+01, v50;
	[tilespmem:s18+$0x1A20] =	vst v7;
	v51 =	vld [tilespmem:s18+$0x1A60]  }
0xa6: {  	[tilespmem:s18+$0x1660] =	vst v3;
	v3 =	vmul.f32 $3.200000000e+01, v44  }
0xa7: {  	v58 =	vld [tilespmem:s18+$0x1640];
	v6 =	vmul.f32 $3.200000000e+01, v53;
	[tilespmem:s18+$0x1A50] =	vst v9  }
0xa8: {  	v52 =	vmul.f32 $3.200000000e+01, v45;
	[tilespmem:s18+$0x1A00] =	vst v3;
	v3 =	vld [tilespmem:s18+$0x240]  }
0xa9: {  	s20 =	sand.u32 $0x7, s2;
	v56 =	vld [tilespmem:s18+$0xE40];
	[tilespmem:s18+$0x1A70] =	vst v6;
	v8 =	vmul.f32 $3.200000000e+01, v48  }
0xaa: {  	s19 =	sshll.u32 s20, $0x7;
	v55 =	vld [tilespmem:s18+$0xA40];
	[tilespmem:s18+$0x1A10] =	vst v52;
	v5 =	vmul.f32 $3.200000000e+01, v51  }
0xab: {  	s19 =	sadd.s32 s19, s16;
	v54 =	vld [tilespmem:s18+$0x640];
	[tilespmem:s18+$0x1A30] =	vst v8  }
0xac: {  	s20 =	sor.u32 $0x1C00, s19;
	v62 =	vmul.f32 $3.200000000e+01, v58;
	v57 =	vld [tilespmem:s18+$0x1240];
	[tilespmem:s18+$0x1A60] =	vst v5  }
0xad: {  	v60 =	vld [tilespmem:s20+$0x200];
	v3 =	vmul.f32 $3.200000000e+01, v3  }
0xae: {  	v59 =	vld [tilespmem:s18+$0x1A40];
	v61 =	vmul.f32 $3.200000000e+01, v56;
	[tilespmem:s18+$0x1640] =	vst v62  }
0xaf: {  	[tilespmem:s18+$0x240] =	vst v3;
	v3 =	vmul.f32 $3.200000000e+01, v55  }
0xb0: {  	[tilespmem:s18+$0xE40] =	vst v61;
	v4 =	vmul.f32 $3.200000000e+01, v54  }
0xb1: {  	[tilespmem:s18+$0xA40] =	vst v3;
	v3 =	vmul.f32 $3.200000000e+01, v57  }
0xb2: {  	[tilespmem:s18+$0x640] =	vst v4;
	v63 =	vmul.f32 $3.200000000e+01, v60  }
0xb3: {  	[tilespmem:s18+$0x1240] =	vst v3;
	v3 =	vmul.f32 $3.200000000e+01, v59  }
0xb4: {  	[tilespmem:s20+$0x200] =	vst v63  }
0xb5: {  	s21 =	sor.u32 $0x1C10, s19;
	[tilespmem:s18+$0x1A40] =	vst v3  }
0xb6: {  	v3 =	vld [tilespmem:s21+$0x200];
	_ =	sdelay $0x4  }
0xb7: {  	v3 =	vmul.f32 $3.200000000e+01, v3;
	_ =	sdelay $0x1  }
0xb8: {  	s22 =	sor.u32 $0x1C20, s19;
	[tilespmem:s21+$0x200] =	vst v3  }
0xb9: {  	v3 =	vld [tilespmem:s22+$0x200];
	_ =	sdelay $0x4  }
0xba: {  	v3 =	vmul.f32 $3.200000000e+01, v3;
	_ =	sdelay $0x1  }
0xbb: {  	s23 =	sor.u32 $0x1C30, s19;
	[tilespmem:s22+$0x200] =	vst v3  }
0xbc: {  	v3 =	vld [tilespmem:s23+$0x200];
	_ =	sdelay $0x4  }
0xbd: {  	v3 =	vmul.f32 $3.200000000e+01, v3;
	_ =	sdelay $0x1  }
0xbe: {  	s20 =	sor.u32 $0x1C40, s19;
	[tilespmem:s23+$0x200] =	vst v3  }
0xbf: {  	v3 =	vld [tilespmem:s20+$0x200];
	_ =	sdelay $0x4  }
0xc0: {  	v3 =	vmul.f32 $3.200000000e+01, v3;
	_ =	sdelay $0x1  }
0xc1: {  	s21 =	sor.u32 $0x1C50, s19;
	[tilespmem:s20+$0x200] =	vst v3  }
0xc2: {  	v3 =	vld [tilespmem:s21+$0x200];
	_ =	sdelay $0x4  }
0xc3: {  	v3 =	vmul.f32 $3.200000000e+01, v3;
	_ =	sdelay $0x1  }
0xc4: {  	s22 =	sor.u32 $0x1C60, s19;
	[tilespmem:s21+$0x200] =	vst v3  }
0xc5: {  	v3 =	vld [tilespmem:s22+$0x200];
	_ =	sdelay $0x4  }
0xc6: {  	v3 =	vmul.f32 $3.200000000e+01, v3;
	_ =	sdelay $0x1  }
0xc7: {  	s23 =	sor.u32 $0x1C70, s19;
	[tilespmem:s22+$0x200] =	vst v3  }
0xc8: {  	v3 =	vld [tilespmem:s23+$0x200];
	_ =	sdelay $0x1  }
0xc9: {  	p0 =	sne.s32 s17, $0xF80  }
.Ltmp0:
0xca: {  	_ = 	snop;
	(pc) =	sbr.rel @p0 .LBB2_3-.Ltmp0, $4  }
0xcb: {  	_ = 	snop  }
0xcc: {  	v3 =	vmul.f32 $3.200000000e+01, v3  }
0xcd: {  	s2 =	sadd.s32 $0x1, s2  }
0xce: {  	s13 =	sadd.s32 $0x400, s13;
	s17 =	sadd.s32 $0x80, s17;
	s16 =	sadd.s32 $0x400, s16;
	[tilespmem:s23+$0x200] =	vst v3  }
0xcf: {  	s16 =	smul.u32 $0x18000, s12  }
0xd0: {  	p0 =	sne.s32 s12, $0x0  }
.Ltmp1:
0xd1: {  	s2 =	sadd.s32 s16, s9;
	(pc) =	sbr.rel @!p0 .LBB2_5-.Ltmp1, $4  }
0xd2: {  	s2 =	sshrl.u32 s2, $0x3  }
0xd3: {  	s2 =	sadd.s32 s3, s2  }
0xd4: {  	[hbm4b:s2+s4] =	stream.linear.scatter [tilespmem:s14], [sflag:$0x4], $0x8000, $0x38;
	[tilespmem:$0x18200] =	vst v63  }
0xd5: {  	s2 =	smul.u32 $0x3, s12  }
0xd6: {  	_ = 	snop  }
0xd7: {  	_ =	swait.ge [sflag:s15], $0x8000;
	s13 =	sadd.s32 $0x2, s2  }
0xd8: {  	[sflag:s15] =	ssyncset.done $0x0;
	s17 =	sshll.u32 s13, $0x5  }
0xd9: {  	[sflag:s15] =	ssyncadd.s32 $0xFFFF8000;
	s17 =	sand.u32 $0x3FFFFFE0, s17  }
0xda: {  	v3 =	vld [tilespmem:s17+$0x0];
	_ =	sdelay $0x4  }
0xdb: {  	v4 =	vshll.u32 v3, $0x3  }
0xdc: {  	v3 =	vand.u32 $0x7, v3;
	v4 =	vand.u32 $0xFFFFFFC0, v4  }
0xdd: {  	v3 =	vor.u32 v3, v4  }
0xde: {  	v4 =	vperm.xlane v3, v0;
	_ =	sdelay $0x1  }
0xdf: {  	v4 =	vadd.s32 v1, v4;
	_ =	sdelay $0x4  }
0xe0: {  	[tilespmem:s31], [sflag:$0x3] =	stream.indirect_vreg.gather [hbm4b:s1+s4], $0x80, v4, vm0, $0xb8;
	[tilespmem:$0x18200] =	vst v63  }
0xe1: {  	s18 =	simm.s32 $0x10A00;
	v3 =	vperm.xlane v3, v2  }
0xe2: {  	[tilespmem:s18], [sflag:$0x3] =	stream.indirect_vreg.gather [hbm4b:s6+s4], $0x80, v4, vm0, $0xb8;
	[tilespmem:$0x18200] =	vst v63  }
0xe3: {  	s20 =	simm.s32 $0x11200;
	v3 =	vadd.s32 v1, v3  }
0xe4: {  	[tilespmem:s20], [sflag:$0x3] =	stream.indirect_vreg.gather [hbm4b:s7+s4], $0x80, v4, vm0, $0xb8;
	[tilespmem:$0x18200] =	vst v63  }
0xe5: {  	s21 =	simm.s32 $0x11A00  }
0xe6: {  	[tilespmem:s21], [sflag:$0x3] =	stream.indirect_vreg.gather [hbm4b:s8+s4], $0x80, v4, vm0, $0xb8;
	[tilespmem:$0x18200] =	vst v63  }
0xe7: {  	s22 =	simm.s32 $0x12200  }
0xe8: {  	[tilespmem:s22], [sflag:$0x3] =	stream.indirect_vreg.gather [hbm4b:s1+s4], $0x80, v3, vm0, $0xb8;
	[tilespmem:$0x18200] =	vst v63  }
0xe9: {  	s23 =	simm.s32 $0x12A00  }
0xea: {  	[tilespmem:s23], [sflag:$0x3] =	stream.indirect_vreg.gather [hbm4b:s6+s4], $0x80, v3, vm0, $0xb8;
	[tilespmem:$0x18200] =	vst v63  }
0xeb: {  	s19 =	simm.s32 $0x13200  }
0xec: {  	[tilespmem:s19], [sflag:$0x3] =	stream.indirect_vreg.gather [hbm4b:s7+s4], $0x80, v3, vm0, $0xb8;
	[tilespmem:$0x18200] =	vst v63  }
0xed: {  	s20 =	simm.s32 $0x13A00  }
0xee: {  	[tilespmem:s20], [sflag:$0x3] =	stream.indirect_vreg.gather [hbm4b:s8+s4], $0x80, v3, vm0, $0xb8;
	[tilespmem:$0x18200] =	vst v63  }
0xef: {  	v3 =	vld [tilespmem:s17+$0x10];
	_ =	sdelay $0x4  }
0xf0: {  	v63 =	vshll.u32 v3, $0x3  }
0xf1: {  	v3 =	vand.u32 $0x7, v3;
	v4 =	vand.u32 $0xFFFFFFC0, v63  }
0xf2: {  	v3 =	vor.u32 v3, v4  }
0xf3: {  	v4 =	vperm.xlane v3, v0;
	_ =	sdelay $0x1  }
0xf4: {  	v4 =	vadd.s32 v1, v4;
	_ =	sdelay $0x3  }
0xf5: {  	s21 =	simm.s32 $0x14200  }
0xf6: {  	[tilespmem:s21], [sflag:$0x3] =	stream.indirect_vreg.gather [hbm4b:s1+s4], $0x80, v4, vm0, $0xb8;
	[tilespmem:$0x18200] =	vst v63  }
0xf7: {  	s22 =	simm.s32 $0x14A00;
	v3 =	vperm.xlane v3, v2  }
0xf8: {  	[tilespmem:s22], [sflag:$0x3] =	stream.indirect_vreg.gather [hbm4b:s6+s4], $0x80, v4, vm0, $0xb8;
	[tilespmem:$0x18200] =	vst v63  }
0xf9: {  	s23 =	simm.s32 $0x15200;
	v3 =	vadd.s32 v1, v3  }
0xfa: {  	[tilespmem:s23], [sflag:$0x3] =	stream.indirect_vreg.gather [hbm4b:s7+s4], $0x80, v4, vm0, $0xb8;
	[tilespmem:$0x18200] =	vst v63  }
0xfb: {  	_ = 	snop  }
0xfc: {  	[tilespmem:s24], [sflag:$0x3] =	stream.indirect_vreg.gather [hbm4b:s8+s4], $0x80, v4, vm0, $0xb8;
	[tilespmem:$0x18200] =	vst v63  }
0xfd: {  	_ = 	snop  }
0xfe: {  	[tilespmem:s25], [sflag:$0x3] =	stream.indirect_vreg.gather [hbm4b:s1+s4], $0x80, v3, vm0, $0xb8;
	[tilespmem:$0x18200] =	vst v63  }
0xff: {  	_ = 	snop  }
0x100: {  	[tilespmem:s26], [sflag:$0x3] =	stream.indirect_vreg.gather [hbm4b:s6+s4], $0x80, v3, vm0, $0xb8;
	[tilespmem:$0x18200] =	vst v63  }
.Ltmp2:
0x101: {  	_ = 	snop;
	(pc) =	sbr.rel .LBB2_7-.Ltmp2, $4  }
0x102: {  	_ = 	snop  }
0x103: {  	[tilespmem:s28], [sflag:$0x3] =	stream.indirect_vreg.gather [hbm4b:s7+s4], $0x80, v3, vm0, $0xb8;
	[tilespmem:$0x18200] =	vst v63  }
0x104: {  	s13 =	sshll.u32 s13, $0xF  }
0x105: {  	[tilespmem:s29], [sflag:$0x3] =	stream.indirect_vreg.gather [hbm4b:s8+s4], $0x80, v3, vm0, $0xb8;
	[tilespmem:$0x18200] =	vst v63  }
.LBB2_5:
0x106: {  	v3 =	vld [tilespmem:$0x40];
	_ =	sdelay $0x4  }
0x107: {  	v4 =	vshll.u32 v3, $0x3  }
0x108: {  	v3 =	vand.u32 $0x7, v3;
	v4 =	vand.u32 $0xFFFFFFC0, v4  }
0x109: {  	v3 =	vor.u32 v3, v4  }
0x10a: {  	v4 =	vperm.xlane v3, v0;
	_ =	sdelay $0x1  }
0x10b: {  	v4 =	vadd.s32 v1, v4;
	_ =	sdelay $0x4  }
0x10c: {  	[tilespmem:s31], [sflag:$0x3] =	stream.indirect_vreg.gather [hbm4b:s1+s4], $0x80, v4, vm0, $0xb8;
	[tilespmem:$0x18200] =	vst v63  }
0x10d: {  	s13 =	simm.s32 $0x10A00;
	v3 =	vperm.xlane v3, v2  }
0x10e: {  	[tilespmem:s13], [sflag:$0x3] =	stream.indirect_vreg.gather [hbm4b:s6+s4], $0x80, v4, vm0, $0xb8;
	[tilespmem:$0x18200] =	vst v63  }
0x10f: {  	s22 =	simm.s32 $0x11200;
	v3 =	vadd.s32 v1, v3  }
0x110: {  	[tilespmem:s22], [sflag:$0x3] =	stream.indirect_vreg.gather [hbm4b:s7+s4], $0x80, v4, vm0, $0xb8;
	[tilespmem:$0x18200] =	vst v63  }
0x111: {  	s23 =	simm.s32 $0x11A00  }
0x112: {  	[tilespmem:s23], [sflag:$0x3] =	stream.indirect_vreg.gather [hbm4b:s8+s4], $0x80, v4, vm0, $0xb8;
	[tilespmem:$0x18200] =	vst v63  }
0x113: {  	s17 =	simm.s32 $0x12200  }
0x114: {  	[tilespmem:s17], [sflag:$0x3] =	stream.indirect_vreg.gather [hbm4b:s1+s4], $0x80, v3, vm0, $0xb8;
	[tilespmem:$0x18200] =	vst v63  }
0x115: {  	s18 =	simm.s32 $0x12A00  }
0x116: {  	[tilespmem:s18], [sflag:$0x3] =	stream.indirect_vreg.gather [hbm4b:s6+s4], $0x80, v3, vm0, $0xb8;
	[tilespmem:$0x18200] =	vst v63  }
0x117: {  	s19 =	simm.s32 $0x13200  }
0x118: {  	[tilespmem:s19], [sflag:$0x3] =	stream.indirect_vreg.gather [hbm4b:s7+s4], $0x80, v3, vm0, $0xb8;
	[tilespmem:$0x18200] =	vst v63  }
0x119: {  	s20 =	simm.s32 $0x13A00  }
0x11a: {  	[tilespmem:s20], [sflag:$0x3] =	stream.indirect_vreg.gather [hbm4b:s8+s4], $0x80, v3, vm0, $0xb8;
	[tilespmem:$0x18200] =	vst v63  }
0x11b: {  	v3 =	vld [tilespmem:$0x50];
	_ =	sdelay $0x4  }
0x11c: {  	v63 =	vshll.u32 v3, $0x3  }
0x11d: {  	v3 =	vand.u32 $0x7, v3;
	v4 =	vand.u32 $0xFFFFFFC0, v63  }
0x11e: {  	v3 =	vor.u32 v3, v4  }
0x11f: {  	v4 =	vperm.xlane v3, v0;
	_ =	sdelay $0x1  }
0x120: {  	v4 =	vadd.s32 v1, v4;
	_ =	sdelay $0x3  }
0x121: {  	s21 =	simm.s32 $0x14200  }
0x122: {  	[tilespmem:s21], [sflag:$0x3] =	stream.indirect_vreg.gather [hbm4b:s1+s4], $0x80, v4, vm0, $0xb8;
	[tilespmem:$0x18200] =	vst v63  }
0x123: {  	s22 =	simm.s32 $0x14A00;
	v3 =	vperm.xlane v3, v2  }
0x124: {  	[tilespmem:s22], [sflag:$0x3] =	stream.indirect_vreg.gather [hbm4b:s6+s4], $0x80, v4, vm0, $0xb8;
	[tilespmem:$0x18200] =	vst v63  }
0x125: {  	s23 =	simm.s32 $0x15200;
	v3 =	vadd.s32 v1, v3  }
0x126: {  	[tilespmem:s23], [sflag:$0x3] =	stream.indirect_vreg.gather [hbm4b:s7+s4], $0x80, v4, vm0, $0xb8;
	[tilespmem:$0x18200] =	vst v63  }
0x127: {  	_ = 	snop  }
0x128: {  	[tilespmem:s24], [sflag:$0x3] =	stream.indirect_vreg.gather [hbm4b:s8+s4], $0x80, v4, vm0, $0xb8;
	[tilespmem:$0x18200] =	vst v63  }
0x129: {  	_ = 	snop  }
0x12a: {  	[tilespmem:s25], [sflag:$0x3] =	stream.indirect_vreg.gather [hbm4b:s1+s4], $0x80, v3, vm0, $0xb8;
	[tilespmem:$0x18200] =	vst v63  }
0x12b: {  	_ = 	snop  }
0x12c: {  	[tilespmem:s26], [sflag:$0x3] =	stream.indirect_vreg.gather [hbm4b:s6+s4], $0x80, v3, vm0, $0xb8;
	[tilespmem:$0x18200] =	vst v63  }
0x12d: {  	_ = 	snop  }
0x12e: {  	[tilespmem:s28], [sflag:$0x3] =	stream.indirect_vreg.gather [hbm4b:s7+s4], $0x80, v3, vm0, $0xb8;
	[tilespmem:$0x18200] =	vst v63  }
0x12f: {  	s13 =	simm.s32 $0x10000  }
0x130: {  	[tilespmem:s29], [sflag:$0x3] =	stream.indirect_vreg.gather [hbm4b:s8+s4], $0x80, v3, vm0, $0xb8;
	[tilespmem:$0x18200] =	vst v63  }
.LBB2_7:
0x131: {  	_ =	swait.ge [sflag:s5], $0x8000  }
0x132: {  	s17 =	simm.s32 $0x0;
	s18 =	simm.s32 $0xFFFF8000;
	[sflag:s5] =	ssyncset.done $0x0  }
0x133: {  	s19 =	simm.s32 $0x0;
	s20 =	simm.s32 $0x0;
	[sflag:s5] =	ssyncadd.s32 $0xFFFF8000  }
.LBB2_8:
0x134: {  	s21 =	sadd.s32 $0x8000, s18  }
0x135: {  	s22 =	sand.u32 $0x380, s20;
	s21 =	sand.u32 $0x6000, s21  }
0x136: {  	s21 =	sor.u32 s22, s21  }
0x137: {  	v3 =	vld [tilespmem:s21+$0x8200]  }
0x138: {  	v4 =	vld [tilespmem:s21+$0x8210]  }
0x139: {  	v6 =	vld [tilespmem:s21+$0x8230]  }
0x13a: {  	v8 =	vld [tilespmem:s21+$0x8260]  }
0x13b: {  	v5 =	vld [tilespmem:s21+$0x8220]  }
0x13c: {  	v43 =	vld [tilespmem:s21+$0x8600];
	v3 =	vmul.f32 $3.200000000e+01, v3  }
0x13d: {  	v7 =	vld [tilespmem:s21+$0x8250];
	v4 =	vmul.f32 $3.200000000e+01, v4  }
0x13e: {  	v46 =	vld [tilespmem:s21+$0x8620];
	v44 =	vmul.f32 $3.200000000e+01, v6;
	[tilespmem:s21+$0x8200] =	vst v3  }
0x13f: {  	v9 =	vld [tilespmem:s21+$0x8270];
	v47 =	vmul.f32 $3.200000000e+01, v8;
	[tilespmem:s21+$0x8210] =	vst v4  }
0x140: {  	v49 =	vld [tilespmem:s21+$0x8650];
	v3 =	vmul.f32 $3.200000000e+01, v5;
	[tilespmem:s21+$0x8230] =	vst v44  }
0x141: {  	v45 =	vld [tilespmem:s21+$0x8610];
	v50 =	vmul.f32 $3.200000000e+01, v43;
	[tilespmem:s21+$0x8260] =	vst v47  }
0x142: {  	v52 =	vld [tilespmem:s21+$0x8670];
	[tilespmem:s21+$0x8220] =	vst v3;
	v3 =	vmul.f32 $3.200000000e+01, v7  }
0x143: {  	v48 =	vld [tilespmem:s21+$0x8630];
	v53 =	vmul.f32 $3.200000000e+01, v46;
	[tilespmem:s21+$0x8600] =	vst v50  }
0x144: {  	v55 =	vld [tilespmem:s21+$0x8A10];
	[tilespmem:s21+$0x8250] =	vst v3;
	v3 =	vmul.f32 $3.200000000e+01, v9  }
0x145: {  	v51 =	vld [tilespmem:s21+$0x8660];
	v56 =	vmul.f32 $3.200000000e+01, v49;
	[tilespmem:s21+$0x8620] =	vst v53  }
0x146: {  	v58 =	vld [tilespmem:s21+$0x8A30];
	[tilespmem:s21+$0x8270] =	vst v3;
	v3 =	vmul.f32 $3.200000000e+01, v45  }
0x147: {  	v54 =	vld [tilespmem:s21+$0x8A00];
	v59 =	vmul.f32 $3.200000000e+01, v52;
	[tilespmem:s21+$0x8650] =	vst v56  }
0x148: {  	v61 =	vld [tilespmem:s21+$0x8A60];
	[tilespmem:s21+$0x8610] =	vst v3;
	v3 =	vmul.f32 $3.200000000e+01, v48  }
0x149: {  	v57 =	vld [tilespmem:s21+$0x8A20];
	v62 =	vmul.f32 $3.200000000e+01, v55;
	[tilespmem:s21+$0x8670] =	vst v59  }
0x14a: {  	v12 =	vld [tilespmem:s21+$0x8E00];
	[tilespmem:s21+$0x8630] =	vst v3;
	v3 =	vmul.f32 $3.200000000e+01, v51  }
0x14b: {  	v60 =	vld [tilespmem:s21+$0x8A50];
	v13 =	vmul.f32 $3.200000000e+01, v58;
	[tilespmem:s21+$0x8A10] =	vst v62  }
0x14c: {  	v15 =	vld [tilespmem:s21+$0x8E20];
	[tilespmem:s21+$0x8660] =	vst v3;
	v3 =	vmul.f32 $3.200000000e+01, v54  }
0x14d: {  	v63 =	vld [tilespmem:s21+$0x8A70];
	v16 =	vmul.f32 $3.200000000e+01, v61;
	[tilespmem:s21+$0x8A30] =	vst v13  }
0x14e: {  	v18 =	vld [tilespmem:s21+$0x8E50];
	[tilespmem:s21+$0x8A00] =	vst v3;
	v3 =	vmul.f32 $3.200000000e+01, v57  }
0x14f: {  	v14 =	vld [tilespmem:s21+$0x8E10];
	v19 =	vmul.f32 $3.200000000e+01, v12;
	[tilespmem:s21+$0x8A60] =	vst v16  }
0x150: {  	v21 =	vld [tilespmem:s21+$0x8E70];
	[tilespmem:s21+$0x8A20] =	vst v3;
	v3 =	vmul.f32 $3.200000000e+01, v60  }
0x151: {  	v17 =	vld [tilespmem:s21+$0x8E30];
	v22 =	vmul.f32 $3.200000000e+01, v15;
	[tilespmem:s21+$0x8E00] =	vst v19  }
0x152: {  	v24 =	vld [tilespmem:s21+$0x9210];
	[tilespmem:s21+$0x8A50] =	vst v3;
	v3 =	vmul.f32 $3.200000000e+01, v63  }
0x153: {  	v20 =	vld [tilespmem:s21+$0x8E60];
	v25 =	vmul.f32 $3.200000000e+01, v18;
	[tilespmem:s21+$0x8E20] =	vst v22  }
0x154: {  	v27 =	vld [tilespmem:s21+$0x9230];
	[tilespmem:s21+$0x8A70] =	vst v3;
	v3 =	vmul.f32 $3.200000000e+01, v14  }
0x155: {  	v23 =	vld [tilespmem:s21+$0x9200];
	v28 =	vmul.f32 $3.200000000e+01, v21;
	[tilespmem:s21+$0x8E50] =	vst v25  }
0x156: {  	v30 =	vld [tilespmem:s21+$0x9260];
	[tilespmem:s21+$0x8E10] =	vst v3;
	v3 =	vmul.f32 $3.200000000e+01, v17  }
0x157: {  	v26 =	vld [tilespmem:s21+$0x9220];
	v31 =	vmul.f32 $3.200000000e+01, v24;
	[tilespmem:s21+$0x8E70] =	vst v28  }
0x158: {  	v33 =	vld [tilespmem:s21+$0x9600];
	[tilespmem:s21+$0x8E30] =	vst v3;
	v3 =	vmul.f32 $3.200000000e+01, v20  }
0x159: {  	v29 =	vld [tilespmem:s21+$0x9250];
	v34 =	vmul.f32 $3.200000000e+01, v27;
	[tilespmem:s21+$0x9210] =	vst v31  }
0x15a: {  	v36 =	vld [tilespmem:s21+$0x9620];
	[tilespmem:s21+$0x8E60] =	vst v3;
	v3 =	vmul.f32 $3.200000000e+01, v23  }
0x15b: {  	v32 =	vld [tilespmem:s21+$0x9270];
	v37 =	vmul.f32 $3.200000000e+01, v30;
	[tilespmem:s21+$0x9230] =	vst v34  }
0x15c: {  	v39 =	vld [tilespmem:s21+$0x9650];
	[tilespmem:s21+$0x9200] =	vst v3;
	v3 =	vmul.f32 $3.200000000e+01, v26  }
0x15d: {  	v35 =	vld [tilespmem:s21+$0x9610];
	v40 =	vmul.f32 $3.200000000e+01, v33;
	[tilespmem:s21+$0x9260] =	vst v37  }
0x15e: {  	v42 =	vld [tilespmem:s21+$0x9670];
	[tilespmem:s21+$0x9220] =	vst v3;
	v3 =	vmul.f32 $3.200000000e+01, v29  }
0x15f: {  	v38 =	vld [tilespmem:s21+$0x9630];
	v43 =	vmul.f32 $3.200000000e+01, v36;
	[tilespmem:s21+$0x9600] =	vst v40  }
0x160: {  	v47 =	vld [tilespmem:s21+$0x9A20];
	[tilespmem:s21+$0x9250] =	vst v3;
	v3 =	vmul.f32 $3.200000000e+01, v32  }
0x161: {  	v41 =	vld [tilespmem:s21+$0x9660];
	v46 =	vmul.f32 $3.200000000e+01, v39;
	[tilespmem:s21+$0x9620] =	vst v43  }
0x162: {  	v50 =	vld [tilespmem:s21+$0x9A50];
	[tilespmem:s21+$0x9270] =	vst v3;
	v3 =	vmul.f32 $3.200000000e+01, v35  }
0x163: {  	v49 =	vmul.f32 $3.200000000e+01, v42;
	v44 =	vld [tilespmem:s21+$0x9A00];
	[tilespmem:s21+$0x9650] =	vst v46  }
0x164: {  	v53 =	vld [tilespmem:s21+$0x9A70];
	[tilespmem:s21+$0x9610] =	vst v3;
	v3 =	vmul.f32 $3.200000000e+01, v38  }
0x165: {  	[tilespmem:s21+$0x9670] =	vst v49;
	v7 =	vmul.f32 $3.200000000e+01, v47;
	v45 =	vld [tilespmem:s21+$0x9A10]  }
0x166: {  	v48 =	vld [tilespmem:s21+$0x9A30];
	[tilespmem:s21+$0x9630] =	vst v3;
	v3 =	vmul.f32 $3.200000000e+01, v41  }
0x167: {  	v9 =	vmul.f32 $3.200000000e+01, v50;
	[tilespmem:s21+$0x9A20] =	vst v7;
	v51 =	vld [tilespmem:s21+$0x9A60]  }
0x168: {  	[tilespmem:s21+$0x9660] =	vst v3;
	v3 =	vmul.f32 $3.200000000e+01, v44  }
0x169: {  	v58 =	vld [tilespmem:s21+$0x9640];
	v6 =	vmul.f32 $3.200000000e+01, v53;
	[tilespmem:s21+$0x9A50] =	vst v9  }
0x16a: {  	v52 =	vmul.f32 $3.200000000e+01, v45;
	[tilespmem:s21+$0x9A00] =	vst v3;
	v3 =	vld [tilespmem:s21+$0x8240]  }
0x16b: {  	s23 =	sand.u32 $0x7, s17;
	v56 =	vld [tilespmem:s21+$0x8E40];
	[tilespmem:s21+$0x9A70] =	vst v6;
	v8 =	vmul.f32 $3.200000000e+01, v48  }
0x16c: {  	s22 =	sshll.u32 s23, $0x7;
	v55 =	vld [tilespmem:s21+$0x8A40];
	[tilespmem:s21+$0x9A10] =	vst v52;
	v5 =	vmul.f32 $3.200000000e+01, v51  }
0x16d: {  	s22 =	sadd.s32 s22, s19;
	v54 =	vld [tilespmem:s21+$0x8640];
	[tilespmem:s21+$0x9A30] =	vst v8  }
0x16e: {  	s23 =	sor.u32 $0x1C00, s22;
	v62 =	vmul.f32 $3.200000000e+01, v58;
	v57 =	vld [tilespmem:s21+$0x9240];
	[tilespmem:s21+$0x9A60] =	vst v5  }
0x16f: {  	v60 =	vld [tilespmem:s23+$0x8200];
	v3 =	vmul.f32 $3.200000000e+01, v3  }
0x170: {  	v59 =	vld [tilespmem:s21+$0x9A40];
	v61 =	vmul.f32 $3.200000000e+01, v56;
	[tilespmem:s21+$0x9640] =	vst v62  }
0x171: {  	[tilespmem:s21+$0x8240] =	vst v3;
	v3 =	vmul.f32 $3.200000000e+01, v55  }
0x172: {  	[tilespmem:s21+$0x8E40] =	vst v61;
	v4 =	vmul.f32 $3.200000000e+01, v54  }
0x173: {  	[tilespmem:s21+$0x8A40] =	vst v3;
	v3 =	vmul.f32 $3.200000000e+01, v57  }
0x174: {  	[tilespmem:s21+$0x8640] =	vst v4;
	v63 =	vmul.f32 $3.200000000e+01, v60  }
0x175: {  	[tilespmem:s21+$0x9240] =	vst v3;
	v3 =	vmul.f32 $3.200000000e+01, v59  }
0x176: {  	[tilespmem:s23+$0x8200] =	vst v63  }
0x177: {  	s23 =	sor.u32 $0x1C10, s22;
	[tilespmem:s21+$0x9A40] =	vst v3  }
0x178: {  	v3 =	vld [tilespmem:s23+$0x8200];
	_ =	sdelay $0x4  }
0x179: {  	v3 =	vmul.f32 $3.200000000e+01, v3;
	_ =	sdelay $0x1  }
0x17a: {  	[tilespmem:s23+$0x8200] =	vst v3;
	s23 =	sor.u32 $0x1C20, s22  }
0x17b: {  	v3 =	vld [tilespmem:s23+$0x8200];
	_ =	sdelay $0x4  }
0x17c: {  	v3 =	vmul.f32 $3.200000000e+01, v3;
	_ =	sdelay $0x1  }
0x17d: {  	[tilespmem:s23+$0x8200] =	vst v3;
	s23 =	sor.u32 $0x1C30, s22  }
0x17e: {  	v3 =	vld [tilespmem:s23+$0x8200];
	_ =	sdelay $0x4  }
0x17f: {  	v3 =	vmul.f32 $3.200000000e+01, v3;
	_ =	sdelay $0x1  }
0x180: {  	[tilespmem:s23+$0x8200] =	vst v3;
	s23 =	sor.u32 $0x1C40, s22  }
0x181: {  	v3 =	vld [tilespmem:s23+$0x8200];
	_ =	sdelay $0x4  }
0x182: {  	v3 =	vmul.f32 $3.200000000e+01, v3;
	_ =	sdelay $0x1  }
0x183: {  	[tilespmem:s23+$0x8200] =	vst v3;
	s23 =	sor.u32 $0x1C50, s22  }
0x184: {  	v3 =	vld [tilespmem:s23+$0x8200];
	_ =	sdelay $0x4  }
0x185: {  	v3 =	vmul.f32 $3.200000000e+01, v3;
	_ =	sdelay $0x1  }
0x186: {  	[tilespmem:s23+$0x8200] =	vst v3;
	s23 =	sor.u32 $0x1C60, s22  }
0x187: {  	v3 =	vld [tilespmem:s23+$0x8200];
	_ =	sdelay $0x4  }
0x188: {  	v3 =	vmul.f32 $3.200000000e+01, v3;
	_ =	sdelay $0x1  }
0x189: {  	[tilespmem:s23+$0x8200] =	vst v3;
	s23 =	sor.u32 $0x1C70, s22  }
0x18a: {  	v3 =	vld [tilespmem:s23+$0x8200];
	_ =	sdelay $0x1  }
0x18b: {  	p0 =	sne.s32 s20, $0xF80  }
.Ltmp3:
0x18c: {  	_ = 	snop;
	(pc) =	sbr.rel @p0 .LBB2_8-.Ltmp3, $4  }
0x18d: {  	_ = 	snop  }
0x18e: {  	v3 =	vmul.f32 $3.200000000e+01, v3  }
0x18f: {  	s17 =	sadd.s32 $0x1, s17  }
0x190: {  	s18 =	sadd.s32 $0x400, s18;
	s20 =	sadd.s32 $0x80, s20;
	s19 =	sadd.s32 $0x400, s19;
	[tilespmem:s23+$0x8200] =	vst v3  }
0x191: {  	s16 =	sadd.s32 s16, s10  }
0x192: {  	p0 =	seq.s32 s12, $0x4;
	s16 =	sshrl.u32 s16, $0x3  }
0x193: {  	s17 =	simm.s32 @!p0 $0x4;
	s16 =	sadd.s32 s3, s16  }
0x194: {  	[hbm4b:s16+s4] =	stream.linear.scatter [tilespmem:s0], [sflag:$0x5], $0x8000, $0x38;
	[tilespmem:$0x18200] =	vst v63  }
0x195: {  	s16 =	sadd.s32 $0x3, s2;
	_ =	swait.ge @!p0 [sflag:s17], $0x8000  }
0x196: {  	s18 =	sshll.u32 @!p0 s16, $0x5;
	[sflag:s17] =	ssyncset.done @!p0 $0x0  }
0x197: {  	[sflag:s17] =	ssyncadd.s32 @!p0 $0xFFFF8000;
	s17 =	sand.u32 @!p0 $0x3FFFFFE0, s18  }
0x198: {  	v3 =	vld @!p0 [tilespmem:s17+$0x0];
	_ =	sdelay $0x4  }
0x199: {  	v4 =	vshll.u32 @!p0 v3, $0x3  }
0x19a: {  	v5 =	vlaneseq.u32 @!p0;
	v3 =	vand.u32 @!p0 $0x7, v3;
	v4 =	vand.u32 @!p0 $0xFFFFFFC0, v4  }
0x19b: {  	v6 =	vshrl.u32 @!p0 v5, $0x3;
	v3 =	vor.u32 @!p0 v3, v4;
	v4 =	vand.u32 @!p0 $0x7, v5  }
0x19c: {  	v6 =	vmul.u32 @!p0 $0x8, v6;
	v7 =	vperm.xlane @!p0 v3, v4;
	_ =	sdelay $0x1  }
0x19d: {  	v7 =	vadd.s32 @!p0 v6, v7;
	_ =	sdelay $0x3  }
0x19e: {  	vm1 =	vmmov @!p0 $0xffff;
	s19 =	simm.s32 @!p0 $0x200;
	s18 =	simm.s32 @!p0 $0x0  }
0x19f: {  	v5 =	vor.u32 @!p0 $0x8, v5;
	[tilespmem:s19], [sflag:$0x1] =	stream.indirect_vreg.gather @!p0 [hbm4b:s1+s18], $0x80, v7, vm1, $0xb8;
	[tilespmem:$0x18200] =	vst v63  }
0x1a0: {  	v3 =	vperm.xlane @!p0 v3, v5;
	s19 =	simm.s32 @!p0 $0xA00  }
0x1a1: {  	[tilespmem:s19], [sflag:$0x1] =	stream.indirect_vreg.gather @!p0 [hbm4b:s6+s18], $0x80, v7, vm1, $0xb8;
	[tilespmem:$0x18200] =	vst v63  }
0x1a2: {  	v3 =	vadd.s32 @!p0 v6, v3;
	s19 =	simm.s32 @!p0 $0x1200  }
0x1a3: {  	[tilespmem:s19], [sflag:$0x1] =	stream.indirect_vreg.gather @!p0 [hbm4b:s7+s18], $0x80, v7, vm1, $0xb8;
	[tilespmem:$0x18200] =	vst v63  }
0x1a4: {  	s19 =	simm.s32 @!p0 $0x1A00  }
0x1a5: {  	[tilespmem:s19], [sflag:$0x1] =	stream.indirect_vreg.gather @!p0 [hbm4b:s8+s18], $0x80, v7, vm1, $0xb8;
	[tilespmem:$0x18200] =	vst v63  }
0x1a6: {  	s19 =	simm.s32 @!p0 $0x2200  }
0x1a7: {  	[tilespmem:s19], [sflag:$0x1] =	stream.indirect_vreg.gather @!p0 [hbm4b:s1+s18], $0x80, v3, vm1, $0xb8;
	[tilespmem:$0x18200] =	vst v63  }
0x1a8: {  	s19 =	simm.s32 @!p0 $0x2A00  }
0x1a9: {  	[tilespmem:s19], [sflag:$0x1] =	stream.indirect_vreg.gather @!p0 [hbm4b:s6+s18], $0x80, v3, vm1, $0xb8;
	[tilespmem:$0x18200] =	vst v63  }
0x1aa: {  	s19 =	simm.s32 @!p0 $0x3200  }
0x1ab: {  	[tilespmem:s19], [sflag:$0x1] =	stream.indirect_vreg.gather @!p0 [hbm4b:s7+s18], $0x80, v3, vm1, $0xb8;
	[tilespmem:$0x18200] =	vst v63  }
0x1ac: {  	s19 =	simm.s32 @!p0 $0x3A00  }
0x1ad: {  	[tilespmem:s19], [sflag:$0x1] =	stream.indirect_vreg.gather @!p0 [hbm4b:s8+s18], $0x80, v3, vm1, $0xb8;
	[tilespmem:$0x18200] =	vst v63  }
0x1ae: {  	v3 =	vld @!p0 [tilespmem:s17+$0x10];
	_ =	sdelay $0x4  }
0x1af: {  	v7 =	vshll.u32 @!p0 v3, $0x3  }
0x1b0: {  	v3 =	vand.u32 @!p0 $0x7, v3;
	v7 =	vand.u32 @!p0 $0xFFFFFFC0, v7  }
0x1b1: {  	v3 =	vor.u32 @!p0 v3, v7  }
0x1b2: {  	v4 =	vperm.xlane @!p0 v3, v4;
	_ =	sdelay $0x1  }
0x1b3: {  	v4 =	vadd.s32 @!p0 v6, v4;
	_ =	sdelay $0x3  }
0x1b4: {  	s17 =	simm.s32 @!p0 $0x4200  }
0x1b5: {  	[tilespmem:s17], [sflag:$0x1] =	stream.indirect_vreg.gather @!p0 [hbm4b:s1+s18], $0x80, v4, vm1, $0xb8;
	[tilespmem:$0x18200] =	vst v63  }
0x1b6: {  	v3 =	vperm.xlane @!p0 v3, v5;
	s17 =	simm.s32 @!p0 $0x4A00  }
0x1b7: {  	[tilespmem:s17], [sflag:$0x1] =	stream.indirect_vreg.gather @!p0 [hbm4b:s6+s18], $0x80, v4, vm1, $0xb8;
	[tilespmem:$0x18200] =	vst v63  }
0x1b8: {  	v3 =	vadd.s32 @!p0 v6, v3;
	s17 =	simm.s32 @!p0 $0x5200  }
0x1b9: {  	[tilespmem:s17], [sflag:$0x1] =	stream.indirect_vreg.gather @!p0 [hbm4b:s7+s18], $0x80, v4, vm1, $0xb8;
	[tilespmem:$0x18200] =	vst v63  }
0x1ba: {  	s17 =	simm.s32 @!p0 $0x5A00  }
0x1bb: {  	[tilespmem:s17], [sflag:$0x1] =	stream.indirect_vreg.gather @!p0 [hbm4b:s8+s18], $0x80, v4, vm1, $0xb8;
	[tilespmem:$0x18200] =	vst v63  }
0x1bc: {  	s17 =	simm.s32 @!p0 $0x6200  }
0x1bd: {  	[tilespmem:s17], [sflag:$0x1] =	stream.indirect_vreg.gather @!p0 [hbm4b:s1+s18], $0x80, v3, vm1, $0xb8;
	[tilespmem:$0x18200] =	vst v63  }
0x1be: {  	s17 =	simm.s32 @!p0 $0x6A00  }
0x1bf: {  	[tilespmem:s17], [sflag:$0x1] =	stream.indirect_vreg.gather @!p0 [hbm4b:s6+s18], $0x80, v3, vm1, $0xb8;
	[tilespmem:$0x18200] =	vst v63  }
0x1c0: {  	p1 =	sne.s32 s16, $0xF;
	s17 =	simm.s32 @!p0 $0x7200  }
0x1c1: {  	[tilespmem:s17], [sflag:$0x1] =	stream.indirect_vreg.gather @!p0 [hbm4b:s7+s18], $0x80, v3, vm1, $0xb8;
	[tilespmem:$0x18200] =	vst v63  }
0x1c2: {  	s16 =	simm.s32 @!p1 $0x4;
	s17 =	simm.s32 @!p0 $0x7A00  }
0x1c3: {  	[tilespmem:s17], [sflag:$0x1] =	stream.indirect_vreg.gather @!p0 [hbm4b:s8+s18], $0x80, v3, vm1, $0xb8;
	[tilespmem:$0x18200] =	vst v63  }
0x1c4: {  	_ =	swait.ge @!p1 [sflag:s16], $0x8000  }
0x1c5: {  	[sflag:s16] =	ssyncset.done @!p1 $0x0  }
0x1c6: {  	[sflag:s16] =	ssyncadd.s32 @!p1 $0xFFFF8000  }
0x1c7: {  	v3 =	vld @!p1 [tilespmem:$0x1E0];
	_ =	sdelay $0x4  }
0x1c8: {  	v4 =	vshll.u32 @!p1 v3, $0x3  }
0x1c9: {  	v5 =	vlaneseq.u32 @!p1;
	v3 =	vand.u32 @!p1 $0x7, v3;
	v4 =	vand.u32 @!p1 $0xFFFFFFC0, v4  }
0x1ca: {  	v6 =	vshrl.u32 @!p1 v5, $0x3;
	v3 =	vor.u32 @!p1 v3, v4;
	v4 =	vand.u32 @!p1 $0x7, v5  }
0x1cb: {  	v6 =	vmul.u32 @!p1 $0x8, v6;
	v7 =	vperm.xlane @!p1 v3, v4;
	_ =	sdelay $0x1  }
0x1cc: {  	v7 =	vadd.s32 @!p1 v6, v7;
	_ =	sdelay $0x3  }
0x1cd: {  	vm2 =	vmmov @!p1 $0xffff;
	s17 =	simm.s32 @!p1 $0x200;
	s16 =	simm.s32 @!p1 $0x0  }
0x1ce: {  	v5 =	vor.u32 @!p1 $0x8, v5;
	[tilespmem:s17], [sflag:$0x1] =	stream.indirect_vreg.gather @!p1 [hbm4b:s1+s16], $0x80, v7, vm2, $0xb8;
	[tilespmem:$0x18200] =	vst v63  }
0x1cf: {  	v3 =	vperm.xlane @!p1 v3, v5;
	s17 =	simm.s32 @!p1 $0xA00  }
0x1d0: {  	[tilespmem:s17], [sflag:$0x1] =	stream.indirect_vreg.gather @!p1 [hbm4b:s6+s16], $0x80, v7, vm2, $0xb8;
	[tilespmem:$0x18200] =	vst v63  }
0x1d1: {  	v3 =	vadd.s32 @!p1 v6, v3;
	s17 =	simm.s32 @!p1 $0x1200  }
0x1d2: {  	[tilespmem:s17], [sflag:$0x1] =	stream.indirect_vreg.gather @!p1 [hbm4b:s7+s16], $0x80, v7, vm2, $0xb8;
	[tilespmem:$0x18200] =	vst v63  }
0x1d3: {  	s17 =	simm.s32 @!p1 $0x1A00  }
0x1d4: {  	[tilespmem:s17], [sflag:$0x1] =	stream.indirect_vreg.gather @!p1 [hbm4b:s8+s16], $0x80, v7, vm2, $0xb8;
	[tilespmem:$0x18200] =	vst v63  }
0x1d5: {  	s17 =	simm.s32 @!p1 $0x2200  }
0x1d6: {  	[tilespmem:s17], [sflag:$0x1] =	stream.indirect_vreg.gather @!p1 [hbm4b:s1+s16], $0x80, v3, vm2, $0xb8;
	[tilespmem:$0x18200] =	vst v63  }
0x1d7: {  	s17 =	simm.s32 @!p1 $0x2A00  }
0x1d8: {  	[tilespmem:s17], [sflag:$0x1] =	stream.indirect_vreg.gather @!p1 [hbm4b:s6+s16], $0x80, v3, vm2, $0xb8;
	[tilespmem:$0x18200] =	vst v63  }
0x1d9: {  	s17 =	simm.s32 @!p1 $0x3200  }
0x1da: {  	[tilespmem:s17], [sflag:$0x1] =	stream.indirect_vreg.gather @!p1 [hbm4b:s7+s16], $0x80, v3, vm2, $0xb8;
	[tilespmem:$0x18200] =	vst v63  }
0x1db: {  	s17 =	simm.s32 @!p1 $0x3A00  }
0x1dc: {  	[tilespmem:s17], [sflag:$0x1] =	stream.indirect_vreg.gather @!p1 [hbm4b:s8+s16], $0x80, v3, vm2, $0xb8;
	[tilespmem:$0x18200] =	vst v63  }
0x1dd: {  	v3 =	vld @!p1 [tilespmem:$0x1F0];
	_ =	sdelay $0x4  }
0x1de: {  	v7 =	vshll.u32 @!p1 v3, $0x3  }
0x1df: {  	v3 =	vand.u32 @!p1 $0x7, v3;
	v7 =	vand.u32 @!p1 $0xFFFFFFC0, v7  }
0x1e0: {  	v3 =	vor.u32 @!p1 v3, v7  }
0x1e1: {  	v4 =	vperm.xlane @!p1 v3, v4;
	_ =	sdelay $0x1  }
0x1e2: {  	v4 =	vadd.s32 @!p1 v6, v4;
	_ =	sdelay $0x3  }
0x1e3: {  	s17 =	simm.s32 @!p1 $0x4200  }
0x1e4: {  	[tilespmem:s17], [sflag:$0x1] =	stream.indirect_vreg.gather @!p1 [hbm4b:s1+s16], $0x80, v4, vm2, $0xb8;
	[tilespmem:$0x18200] =	vst v63  }
0x1e5: {  	v3 =	vperm.xlane @!p1 v3, v5;
	s17 =	simm.s32 @!p1 $0x4A00  }
0x1e6: {  	[tilespmem:s17], [sflag:$0x1] =	stream.indirect_vreg.gather @!p1 [hbm4b:s6+s16], $0x80, v4, vm2, $0xb8;
	[tilespmem:$0x18200] =	vst v63  }
0x1e7: {  	v3 =	vadd.s32 @!p1 v6, v3;
	s17 =	simm.s32 @!p1 $0x5200  }
0x1e8: {  	[tilespmem:s17], [sflag:$0x1] =	stream.indirect_vreg.gather @!p1 [hbm4b:s7+s16], $0x80, v4, vm2, $0xb8;
	[tilespmem:$0x18200] =	vst v63  }
0x1e9: {  	s17 =	simm.s32 @!p1 $0x5A00  }
0x1ea: {  	[tilespmem:s17], [sflag:$0x1] =	stream.indirect_vreg.gather @!p1 [hbm4b:s8+s16], $0x80, v4, vm2, $0xb8;
	[tilespmem:$0x18200] =	vst v63  }
0x1eb: {  	s17 =	simm.s32 @!p1 $0x6200  }
0x1ec: {  	[tilespmem:s17], [sflag:$0x1] =	stream.indirect_vreg.gather @!p1 [hbm4b:s1+s16], $0x80, v3, vm2, $0xb8;
	[tilespmem:$0x18200] =	vst v63  }
0x1ed: {  	s17 =	simm.s32 @!p1 $0x6A00  }
0x1ee: {  	[tilespmem:s17], [sflag:$0x1] =	stream.indirect_vreg.gather @!p1 [hbm4b:s6+s16], $0x80, v3, vm2, $0xb8;
	[tilespmem:$0x18200] =	vst v63  }
0x1ef: {  	s17 =	simm.s32 @!p1 $0x7200  }
0x1f0: {  	[tilespmem:s17], [sflag:$0x1] =	stream.indirect_vreg.gather @!p1 [hbm4b:s7+s16], $0x80, v3, vm2, $0xb8;
	[tilespmem:$0x18200] =	vst v63  }
0x1f1: {  	s17 =	simm.s32 @!p1 $0x7A00  }
0x1f2: {  	[tilespmem:s17], [sflag:$0x1] =	stream.indirect_vreg.gather @!p1 [hbm4b:s8+s16], $0x80, v3, vm2, $0xb8;
	[tilespmem:$0x18200] =	vst v63  }
0x1f3: {  	_ =	swait.ge [sflag:s11], $0x8000  }
0x1f4: {  	s19 =	simm.s32 $0x0;
	s18 =	simm.s32 $0x0;
	[sflag:s11] =	ssyncset.done $0x0  }
0x1f5: {  	s16 =	simm.s32 $0x0;
	s17 =	simm.s32 $0xFFFF8000;
	[sflag:s11] =	ssyncadd.s32 $0xFFFF8000  }
.LBB2_10:
0x1f6: {  	s20 =	sadd.s32 $0x8000, s17  }
0x1f7: {  	s21 =	sand.u32 $0x380, s19;
	s20 =	sand.u32 $0x6000, s20  }
0x1f8: {  	s21 =	sor.u32 s21, s20  }
0x1f9: {  	v3 =	vld [tilespmem:s21+$0x10200];
	_ =	sdelay $0x4  }
0x1fa: {  	v3 =	vmul.f32 $3.200000000e+01, v3;
	_ =	sdelay $0x1  }
0x1fb: {  	s20 =	sadd.s32 $0x10200, s21;
	[tilespmem:s21+$0x10200] =	vst v3  }
0x1fc: {  	v3 =	vld [tilespmem:s20+$0x10]  }
0x1fd: {  	v6 =	vld [tilespmem:s20+$0x50]  }
0x1fe: {  	v5 =	vld [tilespmem:s20+$0x30]  }
0x1ff: {  	v8 =	vld [tilespmem:s20+$0x70]  }
0x200: {  	v7 =	vld [tilespmem:s20+$0x60]  }
0x201: {  	v45 =	vld [tilespmem:s20+$0x410];
	v3 =	vmul.f32 $3.200000000e+01, v3  }
0x202: {  	v9 =	vld [tilespmem:s20+$0x400];
	v46 =	vmul.f32 $3.200000000e+01, v6  }
0x203: {  	v48 =	vld [tilespmem:s20+$0x430];
	[tilespmem:s20+$0x10] =	vst v3;
	v3 =	vmul.f32 $3.200000000e+01, v5  }
0x204: {  	v47 =	vld [tilespmem:s20+$0x420];
	v49 =	vmul.f32 $3.200000000e+01, v8;
	[tilespmem:s20+$0x50] =	vst v46  }
0x205: {  	v51 =	vld [tilespmem:s20+$0x460];
	[tilespmem:s20+$0x30] =	vst v3;
	v3 =	vmul.f32 $3.200000000e+01, v7  }
0x206: {  	v50 =	vld [tilespmem:s20+$0x450];
	v52 =	vmul.f32 $3.200000000e+01, v45;
	[tilespmem:s20+$0x70] =	vst v49  }
0x207: {  	v54 =	vld [tilespmem:s20+$0x800];
	[tilespmem:s20+$0x60] =	vst v3;
	v3 =	vmul.f32 $3.200000000e+01, v9  }
0x208: {  	v53 =	vld [tilespmem:s20+$0x470];
	v55 =	vmul.f32 $3.200000000e+01, v48;
	[tilespmem:s20+$0x410] =	vst v52  }
0x209: {  	v57 =	vld [tilespmem:s20+$0x820];
	[tilespmem:s20+$0x400] =	vst v3;
	v3 =	vmul.f32 $3.200000000e+01, v47  }
0x20a: {  	v56 =	vld [tilespmem:s20+$0x810];
	v58 =	vmul.f32 $3.200000000e+01, v51;
	[tilespmem:s20+$0x430] =	vst v55  }
0x20b: {  	v60 =	vld [tilespmem:s20+$0x850];
	[tilespmem:s20+$0x420] =	vst v3;
	v3 =	vmul.f32 $3.200000000e+01, v50  }
0x20c: {  	v59 =	vld [tilespmem:s20+$0x830];
	v61 =	vmul.f32 $3.200000000e+01, v54;
	[tilespmem:s20+$0x460] =	vst v58  }
0x20d: {  	v63 =	vld [tilespmem:s20+$0x870];
	[tilespmem:s20+$0x450] =	vst v3;
	v3 =	vmul.f32 $3.200000000e+01, v53  }
0x20e: {  	v62 =	vld [tilespmem:s20+$0x860];
	v12 =	vmul.f32 $3.200000000e+01, v57;
	[tilespmem:s20+$0x800] =	vst v61  }
0x20f: {  	v14 =	vld [tilespmem:s20+$0xC10];
	[tilespmem:s20+$0x470] =	vst v3;
	v3 =	vmul.f32 $3.200000000e+01, v56  }
0x210: {  	v13 =	vld [tilespmem:s20+$0xC00];
	v15 =	vmul.f32 $3.200000000e+01, v60;
	[tilespmem:s20+$0x820] =	vst v12  }
0x211: {  	v17 =	vld [tilespmem:s20+$0xC30];
	[tilespmem:s20+$0x810] =	vst v3;
	v3 =	vmul.f32 $3.200000000e+01, v59  }
0x212: {  	v16 =	vld [tilespmem:s20+$0xC20];
	v18 =	vmul.f32 $3.200000000e+01, v63;
	[tilespmem:s20+$0x850] =	vst v15  }
0x213: {  	v20 =	vld [tilespmem:s20+$0xC60];
	[tilespmem:s20+$0x830] =	vst v3;
	v3 =	vmul.f32 $3.200000000e+01, v62  }
0x214: {  	v19 =	vld [tilespmem:s20+$0xC50];
	v21 =	vmul.f32 $3.200000000e+01, v14;
	[tilespmem:s20+$0x870] =	vst v18  }
0x215: {  	v23 =	vld [tilespmem:s20+$0x1000];
	[tilespmem:s20+$0x860] =	vst v3;
	v3 =	vmul.f32 $3.200000000e+01, v13  }
0x216: {  	v22 =	vld [tilespmem:s20+$0xC70];
	v24 =	vmul.f32 $3.200000000e+01, v17;
	[tilespmem:s20+$0xC10] =	vst v21  }
0x217: {  	v26 =	vld [tilespmem:s20+$0x1020];
	[tilespmem:s20+$0xC00] =	vst v3;
	v3 =	vmul.f32 $3.200000000e+01, v16  }
0x218: {  	v25 =	vld [tilespmem:s20+$0x1010];
	v27 =	vmul.f32 $3.200000000e+01, v20;
	[tilespmem:s20+$0xC30] =	vst v24  }
0x219: {  	v29 =	vld [tilespmem:s20+$0x1050];
	[tilespmem:s20+$0xC20] =	vst v3;
	v3 =	vmul.f32 $3.200000000e+01, v19  }
0x21a: {  	v28 =	vld [tilespmem:s20+$0x1030];
	v30 =	vmul.f32 $3.200000000e+01, v23;
	[tilespmem:s20+$0xC60] =	vst v27  }
0x21b: {  	v32 =	vld [tilespmem:s20+$0x1070];
	[tilespmem:s20+$0xC50] =	vst v3;
	v3 =	vmul.f32 $3.200000000e+01, v22  }
0x21c: {  	v31 =	vld [tilespmem:s20+$0x1060];
	v33 =	vmul.f32 $3.200000000e+01, v26;
	[tilespmem:s20+$0x1000] =	vst v30  }
0x21d: {  	v35 =	vld [tilespmem:s20+$0x1410];
	[tilespmem:s20+$0xC70] =	vst v3;
	v3 =	vmul.f32 $3.200000000e+01, v25  }
0x21e: {  	v34 =	vld [tilespmem:s20+$0x1400];
	v36 =	vmul.f32 $3.200000000e+01, v29;
	[tilespmem:s20+$0x1020] =	vst v33  }
0x21f: {  	v38 =	vld [tilespmem:s20+$0x1430];
	[tilespmem:s20+$0x1010] =	vst v3;
	v3 =	vmul.f32 $3.200000000e+01, v28  }
0x220: {  	v37 =	vld [tilespmem:s20+$0x1420];
	v39 =	vmul.f32 $3.200000000e+01, v32;
	[tilespmem:s20+$0x1050] =	vst v36  }
0x221: {  	v41 =	vld [tilespmem:s20+$0x1460];
	[tilespmem:s20+$0x1030] =	vst v3;
	v3 =	vmul.f32 $3.200000000e+01, v31  }
0x222: {  	v40 =	vld [tilespmem:s20+$0x1450];
	v42 =	vmul.f32 $3.200000000e+01, v35;
	[tilespmem:s20+$0x1070] =	vst v39  }
0x223: {  	v44 =	vld [tilespmem:s20+$0x1800];
	[tilespmem:s20+$0x1060] =	vst v3;
	v3 =	vmul.f32 $3.200000000e+01, v34  }
0x224: {  	v43 =	vld [tilespmem:s20+$0x1470];
	v45 =	vmul.f32 $3.200000000e+01, v38;
	[tilespmem:s20+$0x1410] =	vst v42  }
0x225: {  	v4 =	vld [tilespmem:s20+$0x20];
	[tilespmem:s20+$0x1400] =	vst v3;
	v3 =	vmul.f32 $3.200000000e+01, v37  }
0x226: {  	v48 =	vmul.f32 $3.200000000e+01, v41;
	v46 =	vld [tilespmem:s20+$0x1810];
	[tilespmem:s20+$0x1430] =	vst v45  }
0x227: {  	v49 =	vld [tilespmem:s20+$0x1830];
	[tilespmem:s20+$0x1420] =	vst v3;
	v3 =	vmul.f32 $3.200000000e+01, v40  }
0x228: {  	v51 =	vmul.f32 $3.200000000e+01, v44;
	[tilespmem:s20+$0x1460] =	vst v48;
	v52 =	vld [tilespmem:s20+$0x1860]  }
0x229: {  	v47 =	vld [tilespmem:s20+$0x1820];
	[tilespmem:s20+$0x1450] =	vst v3;
	v3 =	vmul.f32 $3.200000000e+01, v43  }
0x22a: {  	[tilespmem:s20+$0x1800] =	vst v51;
	v4 =	vmul.f32 $3.200000000e+01, v4;
	v50 =	vld [tilespmem:s20+$0x1850]  }
0x22b: {  	v53 =	vld [tilespmem:s20+$0x1870];
	[tilespmem:s20+$0x1470] =	vst v3;
	v3 =	vmul.f32 $3.200000000e+01, v46  }
0x22c: {  	v55 =	vld [tilespmem:s20+$0x840];
	[tilespmem:s20+$0x20] =	vst v4;
	v7 =	vmul.f32 $3.200000000e+01, v49  }
0x22d: {  	v9 =	vmul.f32 $3.200000000e+01, v52;
	[tilespmem:s20+$0x1810] =	vst v3;
	v3 =	vld [tilespmem:s20+$0x440]  }
0x22e: {  	v54 =	vld [tilespmem:s20+$0x40];
	[tilespmem:s20+$0x1830] =	vst v7;
	v6 =	vmul.f32 $3.200000000e+01, v47  }
0x22f: {  	s22 =	sand.u32 $0x7, s16;
	[tilespmem:s20+$0x1860] =	vst v9;
	v56 =	vld [tilespmem:s20+$0xC40];
	v8 =	vmul.f32 $3.200000000e+01, v50  }
0x230: {  	v57 =	vld [tilespmem:s20+$0x1040];
	s21 =	sshll.u32 s22, $0x7;
	[tilespmem:s20+$0x1820] =	vst v6;
	v5 =	vmul.f32 $3.200000000e+01, v53  }
0x231: {  	s21 =	sadd.s32 s21, s18;
	v58 =	vld [tilespmem:s20+$0x1440];
	v60 =	vmul.f32 $3.200000000e+01, v55;
	[tilespmem:s20+$0x1850] =	vst v8  }
0x232: {  	s22 =	sor.u32 $0x1C00, s21;
	v59 =	vld [tilespmem:s20+$0x1840];
	[tilespmem:s20+$0x1870] =	vst v5;
	v3 =	vmul.f32 $3.200000000e+01, v3  }
0x233: {  	v4 =	vmul.f32 $3.200000000e+01, v54;
	[tilespmem:s20+$0x840] =	vst v60;
	v61 =	vld [tilespmem:s22+$0x10200]  }
0x234: {  	[tilespmem:s20+$0x440] =	vst v3;
	v3 =	vmul.f32 $3.200000000e+01, v56  }
0x235: {  	[tilespmem:s20+$0x40] =	vst v4;
	v62 =	vmul.f32 $3.200000000e+01, v57  }
0x236: {  	[tilespmem:s20+$0xC40] =	vst v3;
	v3 =	vmul.f32 $3.200000000e+01, v58  }
0x237: {  	[tilespmem:s20+$0x1040] =	vst v62;
	v63 =	vmul.f32 $3.200000000e+01, v59  }
0x238: {  	[tilespmem:s20+$0x1440] =	vst v3;
	v3 =	vmul.f32 $3.200000000e+01, v61  }
0x239: {  	[tilespmem:s20+$0x1840] =	vst v63  }
0x23a: {  	s23 =	sor.u32 $0x1C10, s21;
	[tilespmem:s22+$0x10200] =	vst v3  }
0x23b: {  	v3 =	vld [tilespmem:s23+$0x10200];
	_ =	sdelay $0x4  }
0x23c: {  	v3 =	vmul.f32 $3.200000000e+01, v3;
	_ =	sdelay $0x1  }
0x23d: {  	s22 =	sor.u32 $0x1C20, s21;
	[tilespmem:s23+$0x10200] =	vst v3  }
0x23e: {  	v3 =	vld [tilespmem:s22+$0x10200];
	_ =	sdelay $0x4  }
0x23f: {  	v3 =	vmul.f32 $3.200000000e+01, v3;
	_ =	sdelay $0x1  }
0x240: {  	s23 =	sor.u32 $0x1C30, s21;
	[tilespmem:s22+$0x10200] =	vst v3  }
0x241: {  	v3 =	vld [tilespmem:s23+$0x10200];
	_ =	sdelay $0x4  }
0x242: {  	v3 =	vmul.f32 $3.200000000e+01, v3;
	_ =	sdelay $0x1  }
0x243: {  	s22 =	sor.u32 $0x1C40, s21;
	[tilespmem:s23+$0x10200] =	vst v3  }
0x244: {  	v3 =	vld [tilespmem:s22+$0x10200];
	_ =	sdelay $0x4  }
0x245: {  	v3 =	vmul.f32 $3.200000000e+01, v3;
	_ =	sdelay $0x1  }
0x246: {  	s23 =	sor.u32 $0x1C50, s21;
	[tilespmem:s22+$0x10200] =	vst v3  }
0x247: {  	v3 =	vld [tilespmem:s23+$0x10200];
	_ =	sdelay $0x4  }
0x248: {  	v3 =	vmul.f32 $3.200000000e+01, v3;
	_ =	sdelay $0x1  }
0x249: {  	s22 =	sor.u32 $0x1C60, s21;
	[tilespmem:s23+$0x10200] =	vst v3  }
0x24a: {  	v3 =	vld [tilespmem:s22+$0x10200];
	_ =	sdelay $0x4  }
0x24b: {  	v3 =	vmul.f32 $3.200000000e+01, v3;
	_ =	sdelay $0x1  }
0x24c: {  	s23 =	sor.u32 $0x1C70, s21;
	[tilespmem:s22+$0x10200] =	vst v3  }
0x24d: {  	v3 =	vld [tilespmem:s23+$0x10200];
	_ =	sdelay $0x1  }
0x24e: {  	p1 =	sne.s32 s19, $0xF80  }
.Ltmp4:
0x24f: {  	_ = 	snop;
	(pc) =	sbr.rel @p1 .LBB2_10-.Ltmp4, $4  }
0x250: {  	_ = 	snop  }
0x251: {  	v3 =	vmul.f32 $3.200000000e+01, v3  }
0x252: {  	s16 =	sadd.s32 $0x1, s16  }
0x253: {  	s17 =	sadd.s32 $0x400, s17;
	s19 =	sadd.s32 $0x80, s19;
	s18 =	sadd.s32 $0x400, s18;
	[tilespmem:s23+$0x10200] =	vst v3  }
0x254: {  	s13 =	sadd.s32 s13, s9  }
0x255: {  	s13 =	sshrl.u32 s13, $0x3  }
0x256: {  	s13 =	sadd.s32 s3, s13  }
0x257: {  	[hbm4b:s13+s4] =	stream.linear.scatter [tilespmem:s31], [sflag:$0x6], $0x8000, $0x38;
	[tilespmem:$0x18200] =	vst v63  }
0x258: {  	s13 =	simm.s32 @!p0 $0x5  }
0x259: {  	s2 =	sadd.s32 $0x4, s2;
	_ =	swait.ge @!p0 [sflag:s13], $0x8000  }
0x25a: {  	s16 =	sshll.u32 @!p0 s2, $0x5;
	[sflag:s13] =	ssyncset.done @!p0 $0x0  }
0x25b: {  	[sflag:s13] =	ssyncadd.s32 @!p0 $0xFFFF8000;
	s13 =	sand.u32 @!p0 $0x3FFFFFE0, s16  }
0x25c: {  	v3 =	vld @!p0 [tilespmem:s13+$0x0];
	_ =	sdelay $0x4  }
0x25d: {  	v4 =	vshll.u32 @!p0 v3, $0x3  }
0x25e: {  	v5 =	vlaneseq.u32 @!p0;
	v3 =	vand.u32 @!p0 $0x7, v3;
	v4 =	vand.u32 @!p0 $0xFFFFFFC0, v4  }
0x25f: {  	v6 =	vshrl.u32 @!p0 v5, $0x3;
	v3 =	vor.u32 @!p0 v3, v4;
	v4 =	vand.u32 @!p0 $0x7, v5  }
0x260: {  	v6 =	vmul.u32 @!p0 $0x8, v6;
	v7 =	vperm.xlane @!p0 v3, v4;
	_ =	sdelay $0x1  }
0x261: {  	v7 =	vadd.s32 @!p0 v6, v7;
	_ =	sdelay $0x3  }
0x262: {  	s17 =	simm.s32 @!p0 $0x8200;
	s16 =	simm.s32 @!p0 $0x0  }
0x263: {  	v5 =	vor.u32 @!p0 $0x8, v5;
	[tilespmem:s17], [sflag:$0x2] =	stream.indirect_vreg.gather @!p0 [hbm4b:s1+s16], $0x80, v7, vm1, $0xb8;
	[tilespmem:$0x18200] =	vst v63  }
0x264: {  	v3 =	vperm.xlane @!p0 v3, v5;
	s17 =	simm.s32 @!p0 $0x8A00  }
0x265: {  	[tilespmem:s17], [sflag:$0x2] =	stream.indirect_vreg.gather @!p0 [hbm4b:s6+s16], $0x80, v7, vm1, $0xb8;
	[tilespmem:$0x18200] =	vst v63  }
0x266: {  	v3 =	vadd.s32 @!p0 v6, v3;
	s17 =	simm.s32 @!p0 $0x9200  }
0x267: {  	[tilespmem:s17], [sflag:$0x2] =	stream.indirect_vreg.gather @!p0 [hbm4b:s7+s16], $0x80, v7, vm1, $0xb8;
	[tilespmem:$0x18200] =	vst v63  }
0x268: {  	s17 =	simm.s32 @!p0 $0x9A00  }
0x269: {  	[tilespmem:s17], [sflag:$0x2] =	stream.indirect_vreg.gather @!p0 [hbm4b:s8+s16], $0x80, v7, vm1, $0xb8;
	[tilespmem:$0x18200] =	vst v63  }
0x26a: {  	s17 =	simm.s32 @!p0 $0xA200  }
0x26b: {  	[tilespmem:s17], [sflag:$0x2] =	stream.indirect_vreg.gather @!p0 [hbm4b:s1+s16], $0x80, v3, vm1, $0xb8;
	[tilespmem:$0x18200] =	vst v63  }
0x26c: {  	s17 =	simm.s32 @!p0 $0xAA00  }
0x26d: {  	[tilespmem:s17], [sflag:$0x2] =	stream.indirect_vreg.gather @!p0 [hbm4b:s6+s16], $0x80, v3, vm1, $0xb8;
	[tilespmem:$0x18200] =	vst v63  }
0x26e: {  	s17 =	simm.s32 @!p0 $0xB200  }
0x26f: {  	[tilespmem:s17], [sflag:$0x2] =	stream.indirect_vreg.gather @!p0 [hbm4b:s7+s16], $0x80, v3, vm1, $0xb8;
	[tilespmem:$0x18200] =	vst v63  }
0x270: {  	s17 =	simm.s32 @!p0 $0xBA00  }
0x271: {  	[tilespmem:s17], [sflag:$0x2] =	stream.indirect_vreg.gather @!p0 [hbm4b:s8+s16], $0x80, v3, vm1, $0xb8;
	[tilespmem:$0x18200] =	vst v63  }
0x272: {  	v3 =	vld @!p0 [tilespmem:s13+$0x10];
	_ =	sdelay $0x4  }
0x273: {  	v7 =	vshll.u32 @!p0 v3, $0x3  }
0x274: {  	v3 =	vand.u32 @!p0 $0x7, v3;
	v7 =	vand.u32 @!p0 $0xFFFFFFC0, v7  }
0x275: {  	v3 =	vor.u32 @!p0 v3, v7  }
0x276: {  	v4 =	vperm.xlane @!p0 v3, v4;
	_ =	sdelay $0x1  }
0x277: {  	v4 =	vadd.s32 @!p0 v6, v4;
	_ =	sdelay $0x3  }
0x278: {  	s13 =	simm.s32 @!p0 $0xC200  }
0x279: {  	[tilespmem:s13], [sflag:$0x2] =	stream.indirect_vreg.gather @!p0 [hbm4b:s1+s16], $0x80, v4, vm1, $0xb8;
	[tilespmem:$0x18200] =	vst v63  }
0x27a: {  	v3 =	vperm.xlane @!p0 v3, v5;
	s13 =	simm.s32 @!p0 $0xCA00  }
0x27b: {  	[tilespmem:s13], [sflag:$0x2] =	stream.indirect_vreg.gather @!p0 [hbm4b:s6+s16], $0x80, v4, vm1, $0xb8;
	[tilespmem:$0x18200] =	vst v63  }
0x27c: {  	v3 =	vadd.s32 @!p0 v6, v3;
	s13 =	simm.s32 @!p0 $0xD200  }
0x27d: {  	[tilespmem:s13], [sflag:$0x2] =	stream.indirect_vreg.gather @!p0 [hbm4b:s7+s16], $0x80, v4, vm1, $0xb8;
	[tilespmem:$0x18200] =	vst v63  }
0x27e: {  	s13 =	simm.s32 @!p0 $0xDA00  }
0x27f: {  	[tilespmem:s13], [sflag:$0x2] =	stream.indirect_vreg.gather @!p0 [hbm4b:s8+s16], $0x80, v4, vm1, $0xb8;
	[tilespmem:$0x18200] =	vst v63  }
0x280: {  	s13 =	simm.s32 @!p0 $0xE200  }
0x281: {  	[tilespmem:s13], [sflag:$0x2] =	stream.indirect_vreg.gather @!p0 [hbm4b:s1+s16], $0x80, v3, vm1, $0xb8;
	[tilespmem:$0x18200] =	vst v63  }
0x282: {  	s13 =	simm.s32 @!p0 $0xEA00  }
0x283: {  	[tilespmem:s13], [sflag:$0x2] =	stream.indirect_vreg.gather @!p0 [hbm4b:s6+s16], $0x80, v3, vm1, $0xb8;
	[tilespmem:$0x18200] =	vst v63  }
0x284: {  	s13 =	simm.s32 @!p0 $0xF200  }
0x285: {  	[tilespmem:s13], [sflag:$0x2] =	stream.indirect_vreg.gather @!p0 [hbm4b:s7+s16], $0x80, v3, vm1, $0xb8;
	[tilespmem:$0x18200] =	vst v63  }
0x286: {  	s13 =	simm.s32 @!p0 $0xFA00  }
0x287: {  	[tilespmem:s13], [sflag:$0x2] =	stream.indirect_vreg.gather @!p0 [hbm4b:s8+s16], $0x80, v3, vm1, $0xb8;
	[tilespmem:$0x18200] =	vst v63  }
0x288: {  	p0 =	sne.s32 s2, $0xF  }
0x289: {  	s2 =	simm.s32 @!p0 $0x5  }
0x28a: {  	_ =	swait.ge @!p0 [sflag:s2], $0x8000  }
0x28b: {  	[sflag:s2] =	ssyncset.done @!p0 $0x0  }
0x28c: {  	[sflag:s2] =	ssyncadd.s32 @!p0 $0xFFFF8000  }
0x28d: {  	v3 =	vld @!p0 [tilespmem:$0x1E0];
	_ =	sdelay $0x4  }
0x28e: {  	v4 =	vshll.u32 @!p0 v3, $0x3  }
0x28f: {  	v5 =	vlaneseq.u32 @!p0;
	v3 =	vand.u32 @!p0 $0x7, v3;
	v4 =	vand.u32 @!p0 $0xFFFFFFC0, v4  }
0x290: {  	v6 =	vshrl.u32 @!p0 v5, $0x3;
	v3 =	vor.u32 @!p0 v3, v4;
	v4 =	vand.u32 @!p0 $0x7, v5  }
0x291: {  	v6 =	vmul.u32 @!p0 $0x8, v6;
	v7 =	vperm.xlane @!p0 v3, v4;
	_ =	sdelay $0x1  }
0x292: {  	v7 =	vadd.s32 @!p0 v6, v7;
	_ =	sdelay $0x3  }
0x293: {  	vm1 =	vmmov @!p0 $0xffff;
	s13 =	simm.s32 @!p0 $0x8200;
	s2 =	simm.s32 @!p0 $0x0  }
0x294: {  	v5 =	vor.u32 @!p0 $0x8, v5;
	[tilespmem:s13], [sflag:$0x2] =	stream.indirect_vreg.gather @!p0 [hbm4b:s1+s2], $0x80, v7, vm1, $0xb8;
	[tilespmem:$0x18200] =	vst v63  }
0x295: {  	v3 =	vperm.xlane @!p0 v3, v5;
	s13 =	simm.s32 @!p0 $0x8A00  }
0x296: {  	[tilespmem:s13], [sflag:$0x2] =	stream.indirect_vreg.gather @!p0 [hbm4b:s6+s2], $0x80, v7, vm1, $0xb8;
	[tilespmem:$0x18200] =	vst v63  }
0x297: {  	v3 =	vadd.s32 @!p0 v6, v3;
	s13 =	simm.s32 @!p0 $0x9200  }
0x298: {  	[tilespmem:s13], [sflag:$0x2] =	stream.indirect_vreg.gather @!p0 [hbm4b:s7+s2], $0x80, v7, vm1, $0xb8;
	[tilespmem:$0x18200] =	vst v63  }
0x299: {  	s13 =	simm.s32 @!p0 $0x9A00  }
0x29a: {  	[tilespmem:s13], [sflag:$0x2] =	stream.indirect_vreg.gather @!p0 [hbm4b:s8+s2], $0x80, v7, vm1, $0xb8;
	[tilespmem:$0x18200] =	vst v63  }
0x29b: {  	s13 =	simm.s32 @!p0 $0xA200  }
0x29c: {  	[tilespmem:s13], [sflag:$0x2] =	stream.indirect_vreg.gather @!p0 [hbm4b:s1+s2], $0x80, v3, vm1, $0xb8;
	[tilespmem:$0x18200] =	vst v63  }
0x29d: {  	s13 =	simm.s32 @!p0 $0xAA00  }
0x29e: {  	[tilespmem:s13], [sflag:$0x2] =	stream.indirect_vreg.gather @!p0 [hbm4b:s6+s2], $0x80, v3, vm1, $0xb8;
	[tilespmem:$0x18200] =	vst v63  }
0x29f: {  	s13 =	simm.s32 @!p0 $0xB200  }
0x2a0: {  	[tilespmem:s13], [sflag:$0x2] =	stream.indirect_vreg.gather @!p0 [hbm4b:s7+s2], $0x80, v3, vm1, $0xb8;
	[tilespmem:$0x18200] =	vst v63  }
0x2a1: {  	s13 =	simm.s32 @!p0 $0xBA00  }
0x2a2: {  	[tilespmem:s13], [sflag:$0x2] =	stream.indirect_vreg.gather @!p0 [hbm4b:s8+s2], $0x80, v3, vm1, $0xb8;
	[tilespmem:$0x18200] =	vst v63  }
0x2a3: {  	v3 =	vld @!p0 [tilespmem:$0x1F0];
	_ =	sdelay $0x4  }
0x2a4: {  	v7 =	vshll.u32 @!p0 v3, $0x3  }
0x2a5: {  	v3 =	vand.u32 @!p0 $0x7, v3;
	v7 =	vand.u32 @!p0 $0xFFFFFFC0, v7  }
0x2a6: {  	v3 =	vor.u32 @!p0 v3, v7  }
0x2a7: {  	v4 =	vperm.xlane @!p0 v3, v4;
	_ =	sdelay $0x1  }
0x2a8: {  	v4 =	vadd.s32 @!p0 v6, v4;
	_ =	sdelay $0x3  }
0x2a9: {  	s13 =	simm.s32 @!p0 $0xC200  }
0x2aa: {  	[tilespmem:s13], [sflag:$0x2] =	stream.indirect_vreg.gather @!p0 [hbm4b:s1+s2], $0x80, v4, vm1, $0xb8;
	[tilespmem:$0x18200] =	vst v63  }
0x2ab: {  	v3 =	vperm.xlane @!p0 v3, v5;
	s13 =	simm.s32 @!p0 $0xCA00  }
0x2ac: {  	[tilespmem:s13], [sflag:$0x2] =	stream.indirect_vreg.gather @!p0 [hbm4b:s6+s2], $0x80, v4, vm1, $0xb8;
	[tilespmem:$0x18200] =	vst v63  }
0x2ad: {  	v3 =	vadd.s32 @!p0 v6, v3;
	s13 =	simm.s32 @!p0 $0xD200  }
0x2ae: {  	[tilespmem:s13], [sflag:$0x2] =	stream.indirect_vreg.gather @!p0 [hbm4b:s7+s2], $0x80, v4, vm1, $0xb8;
	[tilespmem:$0x18200] =	vst v63  }
0x2af: {  	s13 =	simm.s32 @!p0 $0xDA00  }
0x2b0: {  	[tilespmem:s13], [sflag:$0x2] =	stream.indirect_vreg.gather @!p0 [hbm4b:s8+s2], $0x80, v4, vm1, $0xb8;
	[tilespmem:$0x18200] =	vst v63  }
0x2b1: {  	s13 =	simm.s32 @!p0 $0xE200  }
0x2b2: {  	[tilespmem:s13], [sflag:$0x2] =	stream.indirect_vreg.gather @!p0 [hbm4b:s1+s2], $0x80, v3, vm1, $0xb8;
	[tilespmem:$0x18200] =	vst v63  }
0x2b3: {  	s13 =	simm.s32 @!p0 $0xEA00  }
0x2b4: {  	[tilespmem:s13], [sflag:$0x2] =	stream.indirect_vreg.gather @!p0 [hbm4b:s6+s2], $0x80, v3, vm1, $0xb8;
	[tilespmem:$0x18200] =	vst v63  }
0x2b5: {  	s13 =	simm.s32 @!p0 $0xF200  }
0x2b6: {  	[tilespmem:s13], [sflag:$0x2] =	stream.indirect_vreg.gather @!p0 [hbm4b:s7+s2], $0x80, v3, vm1, $0xb8;
	[tilespmem:$0x18200] =	vst v63  }
0x2b7: {  	s12 =	sadd.s32 $0x1, s12;
	s13 =	simm.s32 @!p0 $0xFA00  }
0x2b8: {  	[tilespmem:s13], [sflag:$0x2] =	stream.indirect_vreg.gather @!p0 [hbm4b:s8+s2], $0x80, v3, vm1, $0xb8;
	[tilespmem:$0x18200] =	vst v63  }
0x2b9: {  	p0 =	sne.s32 s12, $0x5  }
.Ltmp5:
0x2ba: {  	_ = 	snop;
	(pc) =	sbr.rel @p0 .LBB2_2-.Ltmp5, $1  }
0x2bb: {  	_ =	sdelay $0x3  }
0x2bc: {  	_ =	swait.ge [sflag:s30], $0x8000  }
0x2bd: {  	s2 =	simm.s32 $0x0;
	s12 =	simm.s32 $0xFFFF8000;
	[sflag:s30] =	ssyncset.done $0x0  }
0x2be: {  	s13 =	simm.s32 $0x0;
	s16 =	simm.s32 $0x0;
	[sflag:s30] =	ssyncadd.s32 $0xFFFF8000  }
.LBB2_13:
0x2bf: {  	s17 =	sadd.s32 $0x8000, s12  }
0x2c0: {  	s18 =	sand.u32 $0x380, s16;
	s17 =	sand.u32 $0x6000, s17  }
0x2c1: {  	s17 =	sor.u32 s18, s17  }
0x2c2: {  	v3 =	vld [tilespmem:s17+$0x200]  }
0x2c3: {  	v4 =	vld [tilespmem:s17+$0x210]  }
0x2c4: {  	v6 =	vld [tilespmem:s17+$0x230]  }
0x2c5: {  	v8 =	vld [tilespmem:s17+$0x260]  }
0x2c6: {  	v5 =	vld [tilespmem:s17+$0x220]  }
0x2c7: {  	v43 =	vld [tilespmem:s17+$0x600];
	v3 =	vmul.f32 $3.200000000e+01, v3  }
0x2c8: {  	v7 =	vld [tilespmem:s17+$0x250];
	v4 =	vmul.f32 $3.200000000e+01, v4  }
0x2c9: {  	v46 =	vld [tilespmem:s17+$0x620];
	v44 =	vmul.f32 $3.200000000e+01, v6;
	[tilespmem:s17+$0x200] =	vst v3  }
0x2ca: {  	v9 =	vld [tilespmem:s17+$0x270];
	v47 =	vmul.f32 $3.200000000e+01, v8;
	[tilespmem:s17+$0x210] =	vst v4  }
0x2cb: {  	v49 =	vld [tilespmem:s17+$0x650];
	v3 =	vmul.f32 $3.200000000e+01, v5;
	[tilespmem:s17+$0x230] =	vst v44  }
0x2cc: {  	v45 =	vld [tilespmem:s17+$0x610];
	v50 =	vmul.f32 $3.200000000e+01, v43;
	[tilespmem:s17+$0x260] =	vst v47  }
0x2cd: {  	v52 =	vld [tilespmem:s17+$0x670];
	[tilespmem:s17+$0x220] =	vst v3;
	v3 =	vmul.f32 $3.200000000e+01, v7  }
0x2ce: {  	v48 =	vld [tilespmem:s17+$0x630];
	v53 =	vmul.f32 $3.200000000e+01, v46;
	[tilespmem:s17+$0x600] =	vst v50  }
0x2cf: {  	v55 =	vld [tilespmem:s17+$0xA10];
	[tilespmem:s17+$0x250] =	vst v3;
	v3 =	vmul.f32 $3.200000000e+01, v9  }
0x2d0: {  	v51 =	vld [tilespmem:s17+$0x660];
	v56 =	vmul.f32 $3.200000000e+01, v49;
	[tilespmem:s17+$0x620] =	vst v53  }
0x2d1: {  	v58 =	vld [tilespmem:s17+$0xA30];
	[tilespmem:s17+$0x270] =	vst v3;
	v3 =	vmul.f32 $3.200000000e+01, v45  }
0x2d2: {  	v54 =	vld [tilespmem:s17+$0xA00];
	v59 =	vmul.f32 $3.200000000e+01, v52;
	[tilespmem:s17+$0x650] =	vst v56  }
0x2d3: {  	v61 =	vld [tilespmem:s17+$0xA60];
	[tilespmem:s17+$0x610] =	vst v3;
	v3 =	vmul.f32 $3.200000000e+01, v48  }
0x2d4: {  	v57 =	vld [tilespmem:s17+$0xA20];
	v62 =	vmul.f32 $3.200000000e+01, v55;
	[tilespmem:s17+$0x670] =	vst v59  }
0x2d5: {  	v12 =	vld [tilespmem:s17+$0xE00];
	[tilespmem:s17+$0x630] =	vst v3;
	v3 =	vmul.f32 $3.200000000e+01, v51  }
0x2d6: {  	v60 =	vld [tilespmem:s17+$0xA50];
	v13 =	vmul.f32 $3.200000000e+01, v58;
	[tilespmem:s17+$0xA10] =	vst v62  }
0x2d7: {  	v15 =	vld [tilespmem:s17+$0xE20];
	[tilespmem:s17+$0x660] =	vst v3;
	v3 =	vmul.f32 $3.200000000e+01, v54  }
0x2d8: {  	v63 =	vld [tilespmem:s17+$0xA70];
	v16 =	vmul.f32 $3.200000000e+01, v61;
	[tilespmem:s17+$0xA30] =	vst v13  }
0x2d9: {  	v18 =	vld [tilespmem:s17+$0xE50];
	[tilespmem:s17+$0xA00] =	vst v3;
	v3 =	vmul.f32 $3.200000000e+01, v57  }
0x2da: {  	v14 =	vld [tilespmem:s17+$0xE10];
	v19 =	vmul.f32 $3.200000000e+01, v12;
	[tilespmem:s17+$0xA60] =	vst v16  }
0x2db: {  	v21 =	vld [tilespmem:s17+$0xE70];
	[tilespmem:s17+$0xA20] =	vst v3;
	v3 =	vmul.f32 $3.200000000e+01, v60  }
0x2dc: {  	v17 =	vld [tilespmem:s17+$0xE30];
	v22 =	vmul.f32 $3.200000000e+01, v15;
	[tilespmem:s17+$0xE00] =	vst v19  }
0x2dd: {  	v24 =	vld [tilespmem:s17+$0x1210];
	[tilespmem:s17+$0xA50] =	vst v3;
	v3 =	vmul.f32 $3.200000000e+01, v63  }
0x2de: {  	v20 =	vld [tilespmem:s17+$0xE60];
	v25 =	vmul.f32 $3.200000000e+01, v18;
	[tilespmem:s17+$0xE20] =	vst v22  }
0x2df: {  	v27 =	vld [tilespmem:s17+$0x1230];
	[tilespmem:s17+$0xA70] =	vst v3;
	v3 =	vmul.f32 $3.200000000e+01, v14  }
0x2e0: {  	v23 =	vld [tilespmem:s17+$0x1200];
	v28 =	vmul.f32 $3.200000000e+01, v21;
	[tilespmem:s17+$0xE50] =	vst v25  }
0x2e1: {  	v30 =	vld [tilespmem:s17+$0x1260];
	[tilespmem:s17+$0xE10] =	vst v3;
	v3 =	vmul.f32 $3.200000000e+01, v17  }
0x2e2: {  	v26 =	vld [tilespmem:s17+$0x1220];
	v31 =	vmul.f32 $3.200000000e+01, v24;
	[tilespmem:s17+$0xE70] =	vst v28  }
0x2e3: {  	v33 =	vld [tilespmem:s17+$0x1600];
	[tilespmem:s17+$0xE30] =	vst v3;
	v3 =	vmul.f32 $3.200000000e+01, v20  }
0x2e4: {  	v29 =	vld [tilespmem:s17+$0x1250];
	v34 =	vmul.f32 $3.200000000e+01, v27;
	[tilespmem:s17+$0x1210] =	vst v31  }
0x2e5: {  	v36 =	vld [tilespmem:s17+$0x1620];
	[tilespmem:s17+$0xE60] =	vst v3;
	v3 =	vmul.f32 $3.200000000e+01, v23  }
0x2e6: {  	v32 =	vld [tilespmem:s17+$0x1270];
	v37 =	vmul.f32 $3.200000000e+01, v30;
	[tilespmem:s17+$0x1230] =	vst v34  }
0x2e7: {  	v39 =	vld [tilespmem:s17+$0x1650];
	[tilespmem:s17+$0x1200] =	vst v3;
	v3 =	vmul.f32 $3.200000000e+01, v26  }
0x2e8: {  	v35 =	vld [tilespmem:s17+$0x1610];
	v40 =	vmul.f32 $3.200000000e+01, v33;
	[tilespmem:s17+$0x1260] =	vst v37  }
0x2e9: {  	v42 =	vld [tilespmem:s17+$0x1670];
	[tilespmem:s17+$0x1220] =	vst v3;
	v3 =	vmul.f32 $3.200000000e+01, v29  }
0x2ea: {  	v38 =	vld [tilespmem:s17+$0x1630];
	v43 =	vmul.f32 $3.200000000e+01, v36;
	[tilespmem:s17+$0x1600] =	vst v40  }
0x2eb: {  	v47 =	vld [tilespmem:s17+$0x1A20];
	[tilespmem:s17+$0x1250] =	vst v3;
	v3 =	vmul.f32 $3.200000000e+01, v32  }
0x2ec: {  	v41 =	vld [tilespmem:s17+$0x1660];
	v46 =	vmul.f32 $3.200000000e+01, v39;
	[tilespmem:s17+$0x1620] =	vst v43  }
0x2ed: {  	v50 =	vld [tilespmem:s17+$0x1A50];
	[tilespmem:s17+$0x1270] =	vst v3;
	v3 =	vmul.f32 $3.200000000e+01, v35  }
0x2ee: {  	v49 =	vmul.f32 $3.200000000e+01, v42;
	v44 =	vld [tilespmem:s17+$0x1A00];
	[tilespmem:s17+$0x1650] =	vst v46  }
0x2ef: {  	v53 =	vld [tilespmem:s17+$0x1A70];
	[tilespmem:s17+$0x1610] =	vst v3;
	v3 =	vmul.f32 $3.200000000e+01, v38  }
0x2f0: {  	[tilespmem:s17+$0x1670] =	vst v49;
	v7 =	vmul.f32 $3.200000000e+01, v47;
	v45 =	vld [tilespmem:s17+$0x1A10]  }
0x2f1: {  	v48 =	vld [tilespmem:s17+$0x1A30];
	[tilespmem:s17+$0x1630] =	vst v3;
	v3 =	vmul.f32 $3.200000000e+01, v41  }
0x2f2: {  	v9 =	vmul.f32 $3.200000000e+01, v50;
	[tilespmem:s17+$0x1A20] =	vst v7;
	v51 =	vld [tilespmem:s17+$0x1A60]  }
0x2f3: {  	[tilespmem:s17+$0x1660] =	vst v3;
	v3 =	vmul.f32 $3.200000000e+01, v44  }
0x2f4: {  	v58 =	vld [tilespmem:s17+$0x1640];
	v6 =	vmul.f32 $3.200000000e+01, v53;
	[tilespmem:s17+$0x1A50] =	vst v9  }
0x2f5: {  	v52 =	vmul.f32 $3.200000000e+01, v45;
	[tilespmem:s17+$0x1A00] =	vst v3;
	v3 =	vld [tilespmem:s17+$0x240]  }
0x2f6: {  	s21 =	sand.u32 $0x7, s2;
	v56 =	vld [tilespmem:s17+$0xE40];
	[tilespmem:s17+$0x1A70] =	vst v6;
	v8 =	vmul.f32 $3.200000000e+01, v48  }
0x2f7: {  	s18 =	sshll.u32 s21, $0x7;
	v55 =	vld [tilespmem:s17+$0xA40];
	[tilespmem:s17+$0x1A10] =	vst v52;
	v5 =	vmul.f32 $3.200000000e+01, v51  }
0x2f8: {  	s18 =	sadd.s32 s18, s13;
	v54 =	vld [tilespmem:s17+$0x640];
	[tilespmem:s17+$0x1A30] =	vst v8  }
0x2f9: {  	s19 =	sor.u32 $0x1C00, s18;
	v62 =	vmul.f32 $3.200000000e+01, v58;
	v57 =	vld [tilespmem:s17+$0x1240];
	[tilespmem:s17+$0x1A60] =	vst v5  }
0x2fa: {  	v60 =	vld [tilespmem:s19+$0x200];
	v3 =	vmul.f32 $3.200000000e+01, v3  }
0x2fb: {  	v59 =	vld [tilespmem:s17+$0x1A40];
	v61 =	vmul.f32 $3.200000000e+01, v56;
	[tilespmem:s17+$0x1640] =	vst v62  }
0x2fc: {  	[tilespmem:s17+$0x240] =	vst v3;
	v3 =	vmul.f32 $3.200000000e+01, v55  }
0x2fd: {  	[tilespmem:s17+$0xE40] =	vst v61;
	v4 =	vmul.f32 $3.200000000e+01, v54  }
0x2fe: {  	[tilespmem:s17+$0xA40] =	vst v3;
	v3 =	vmul.f32 $3.200000000e+01, v57  }
0x2ff: {  	[tilespmem:s17+$0x640] =	vst v4;
	v63 =	vmul.f32 $3.200000000e+01, v60  }
0x300: {  	[tilespmem:s17+$0x1240] =	vst v3;
	v3 =	vmul.f32 $3.200000000e+01, v59  }
0x301: {  	[tilespmem:s19+$0x200] =	vst v63  }
0x302: {  	s22 =	sor.u32 $0x1C10, s18;
	[tilespmem:s17+$0x1A40] =	vst v3  }
0x303: {  	v3 =	vld [tilespmem:s22+$0x200];
	_ =	sdelay $0x4  }
0x304: {  	v3 =	vmul.f32 $3.200000000e+01, v3;
	_ =	sdelay $0x1  }
0x305: {  	s23 =	sor.u32 $0x1C20, s18;
	[tilespmem:s22+$0x200] =	vst v3  }
0x306: {  	v3 =	vld [tilespmem:s23+$0x200];
	_ =	sdelay $0x4  }
0x307: {  	v3 =	vmul.f32 $3.200000000e+01, v3;
	_ =	sdelay $0x1  }
0x308: {  	s19 =	sor.u32 $0x1C30, s18;
	[tilespmem:s23+$0x200] =	vst v3  }
0x309: {  	v3 =	vld [tilespmem:s19+$0x200];
	_ =	sdelay $0x4  }
0x30a: {  	v3 =	vmul.f32 $3.200000000e+01, v3;
	_ =	sdelay $0x1  }
0x30b: {  	s20 =	sor.u32 $0x1C40, s18;
	[tilespmem:s19+$0x200] =	vst v3  }
0x30c: {  	v3 =	vld [tilespmem:s20+$0x200];
	_ =	sdelay $0x4  }
0x30d: {  	v3 =	vmul.f32 $3.200000000e+01, v3;
	_ =	sdelay $0x1  }
0x30e: {  	s21 =	sor.u32 $0x1C50, s18;
	[tilespmem:s20+$0x200] =	vst v3  }
0x30f: {  	v3 =	vld [tilespmem:s21+$0x200];
	_ =	sdelay $0x4  }
0x310: {  	v3 =	vmul.f32 $3.200000000e+01, v3;
	_ =	sdelay $0x1  }
0x311: {  	s22 =	sor.u32 $0x1C60, s18;
	[tilespmem:s21+$0x200] =	vst v3  }
0x312: {  	v3 =	vld [tilespmem:s22+$0x200];
	_ =	sdelay $0x4  }
0x313: {  	v3 =	vmul.f32 $3.200000000e+01, v3;
	_ =	sdelay $0x1  }
0x314: {  	s23 =	sor.u32 $0x1C70, s18;
	[tilespmem:s22+$0x200] =	vst v3  }
0x315: {  	v3 =	vld [tilespmem:s23+$0x200];
	_ =	sdelay $0x1  }
0x316: {  	p0 =	sne.s32 s16, $0xF80  }
.Ltmp6:
0x317: {  	_ = 	snop;
	(pc) =	sbr.rel @p0 .LBB2_13-.Ltmp6, $4  }
0x318: {  	_ = 	snop  }
0x319: {  	v3 =	vmul.f32 $3.200000000e+01, v3  }
0x31a: {  	s2 =	sadd.s32 $0x1, s2  }
0x31b: {  	s12 =	sadd.s32 $0x400, s12;
	s16 =	sadd.s32 $0x80, s16;
	s13 =	sadd.s32 $0x400, s13;
	[tilespmem:s23+$0x200] =	vst v3  }
0x31c: {  	s2 =	rddreg [dreg:$0x5];
	s22 =	simm.s32 $0x5  }
0x31d: {  	[hbm4b:s2+s4] =	stream.linear.scatter [tilespmem:s14], [sflag:$0x4], $0x8000, $0x38;
	[tilespmem:$0x18200] =	vst v63  }
0x31e: {  	_ =	swait.ge [sflag:s22], $0x8000  }
0x31f: {  	[sflag:s22] =	ssyncset.done $0x0  }
0x320: {  	[sflag:s22] =	ssyncadd.s32 $0xFFFF8000  }
0x321: {  	_ =	swait.ge [sflag:s15], $0x8000  }
0x322: {  	[sflag:s15] =	ssyncset.done $0x0  }
0x323: {  	s12 =	simm.s32 $0x4;
	[sflag:s15] =	ssyncadd.s32 $0xFFFF8000  }
0x324: {  	_ =	swait.ge [sflag:s12], $0x8000  }
0x325: {  	s13 =	rddreg [dreg:$0x7]  }
0x326: {  	s23 =	rddreg [dreg:$0x6];
	s13 =	sadd.s32 $0x1, s13  }
0x327: {  	p0 =	sne.s32 s13, s23  }
.Ltmp7:
0x328: {  	_ = 	snop;
	(pc) =	sbr.rel @p0 .LBB2_1-.Ltmp7, $3  }
0x329: {  	_ =	sdelay $0x1  }
0x32a: {  	[sflag:s12] =	ssyncset.done $0x0  }
0x32b: {  	[sflag:s12] =	ssyncadd.s32 $0xFFFF8000  }
0x32c: {  	_ =	sfence.sel $0x180000  }
0x32d: {  	[bflag:$0x0] =	sbarrier.arrive $0xFFFF  }
0x32e: {  	_ =	strace $0x90000047  }
0x32f: {  	s0 =	stileid.u32;
	[bflag:$0x2] =	sbarrier.arrive $0xFFFF  }
0x330: {  	p0 =	sne.s32 s0, $0x0;
	s0 =	rddreg [dreg:$0x3]  }
0x331: {  	s0 =	sadd.s32 @!p0 $0x100000, s0  }
0x332: {  	[sflag:s0] =	ssyncadd.tile.s32 @!p0 $0x1;
	_ =	shalt  }
.Lfunc_end2:
_tile_overlayer_lowered:
.L_overlay_start_2:
0x333: {  	(tag) =	ssettag $0x2  }
0x334: {  	s0 =	rddreg [dreg:$0x0];
	s2 =	stileid.u32  }
0x335: {  	s1 =	rddreg [dreg:$0x1];
	p0 =	sne.s32 s2, $0x0  }
0x336: {  	s3 =	rddreg [dreg:$0x2];
	[bflag:$0x3] =	sbarrier.arrive $0xFFFF;
	s2 =	simm.s32 @!p0 $0x1C07  }
0x337: {  	[timem:s3], [sflag:s2] =	dma.local @!p0 [hbm:s0], s1  }
0x338: {  	s0 =	simm.s32 @!p0 $0x7  }
0x339: {  	_ =	swait.ge @!p0 [sflag:s0], s1  }
0x33a: {  	s1 =	ssub.s32 @!p0 $0x0, s1;
	[sflag:s0] =	ssyncset.done @!p0 $0x0  }
0x33b: {  	[sflag:s0] =	ssyncadd.s32 @!p0 s1  }
0x33c: {  	[bflag:$0x3] =	sbarrier.arrive $0xFFFF  }
0x33d: {  	_ =	shalt  }

</sc_bundles>
